<compile_context>
chip_gen: v7x
topology: tpu7x:2x2x1
jax: 0.10.2.dev20260603
libtpu: 0.0.44.dev20260713+nightly
codegen_flags: <defaults>
</compile_context>

<pallas_src>
import functools

import jax
import jax.numpy as jnp
import numpy as np
from jax import lax
from jax.experimental import pallas as pl
from jax.experimental.pallas import tpu as pltpu
from jax.experimental.pallas import tpu_sc as plsc

VOCAB = 1000000
D_MODEL = 128
B = 4
L = 2048
SCALE = float(np.sqrt(np.float64(D_MODEL)))
LN_1E4 = float(np.log(np.float64(10000.0)))

NUM_WORKERS = 32
POS_PER_W = L // NUM_WORKERS
HALF_POS = POS_PER_W // 2
LANES = 16
HALF = D_MODEL // 2
NCH = HALF // LANES
WID_BITS = 5


def _cmul(s1, c1, s2, c2):
    return s1 * c2 + c1 * s2, c1 * c2 - s1 * s2


def _sc_body(x_hbm, table_hbm, out_hbm, idx_v, g_v,
             sem_ix, sem_g0, sem_g1, sem_st):
    wid = lax.axis_index("s") * 2 + lax.axis_index("c")
    l0 = wid * POS_PER_W

    hi = [pltpu.async_copy(x_hbm.at[bb, pl.ds(l0, POS_PER_W)],
                           idx_v.at[pl.ds(bb * POS_PER_W, POS_PER_W)],
                           sem_ix)
          for bb in range(B)]
    for h in hi:
        h.wait()
    h0, h1 = [], []
    for bb in range(B):
        h0.append(pltpu.async_copy(
            table_hbm.at[idx_v.at[pl.ds(bb * POS_PER_W, HALF_POS)]],
            g_v.at[bb, pl.ds(0, HALF_POS)], sem_g0))
        h1.append(pltpu.async_copy(
            table_hbm.at[idx_v.at[pl.ds(bb * POS_PER_W + HALF_POS, HALF_POS)]],
            g_v.at[bb, pl.ds(HALF_POS, HALF_POS)], sem_g1))

    sr, cr = [], []
    for j in range(NCH):
        d = lax.iota(jnp.int32, LANES).astype(jnp.float32) + float(j * LANES)
        r = jnp.exp(d * (-LN_1E4 / HALF))
        x2 = r * r
        sp = 1.0 + x2 * (-1.0 / 6.0 + x2 * (1.0 / 120.0 + x2 * (
            -1.0 / 5040.0 + x2 * (1.0 / 362880.0))))
        cp = 1.0 + x2 * (-0.5 + x2 * (1.0 / 24.0 + x2 * (
            -1.0 / 720.0 + x2 * (1.0 / 40320.0 + x2 * (-1.0 / 3628800.0)))))
        sr.append(r * sp)
        cr.append(cp)

    p_s, p_c = list(sr), list(cr)
    for _ in range(6):
        for j in range(NCH):
            p_s[j], p_c[j] = _cmul(p_s[j], p_c[j], p_s[j], p_c[j])
    s = [jnp.zeros((LANES,), jnp.float32) for _ in range(NCH)]
    c = [jnp.ones((LANES,), jnp.float32) for _ in range(NCH)]
    for k in range(WID_BITS):
        bit = ((wid >> k) & 1).astype(jnp.float32)
        m = jnp.full((LANES,), 1.0, jnp.float32) * bit
        for j in range(NCH):
            ns, nc = _cmul(s[j], c[j], p_s[j], p_c[j])
            s[j] = s[j] + m * (ns - s[j])
            c[j] = c[j] + m * (nc - c[j])
        if k + 1 < WID_BITS:
            for j in range(NCH):
                p_s[j], p_c[j] = _cmul(p_s[j], p_c[j], p_s[j], p_c[j])

    def one_pos(p, sc):
        for bb in range(B):
            for j in range(NCH):
                sl = pl.ds(j * LANES, LANES)
                g_v[bb, p, sl] = g_v[bb, p, sl] * SCALE + sc[j]
                slh = pl.ds(HALF + j * LANES, LANES)
                g_v[bb, p, slh] = g_v[bb, p, slh] * SCALE + sc[NCH + j]
        out = []
        for j in range(NCH):
            out.append(sc[j] * cr[j] + sc[NCH + j] * sr[j])
        for j in range(NCH):
            out.append(sc[NCH + j] * cr[j] - sc[j] * sr[j])
        return out

    def body(i, carry):
        sc = list(carry)
        sc = one_pos(i * 2, sc)
        sc = one_pos(i * 2 + 1, sc)
        return tuple(sc)

    carry = tuple(s + c)
    for h in h0:
        h.wait()
    carry = lax.fori_loop(0, HALF_POS // 2, body, carry)
    st0 = [pltpu.async_copy(
        g_v.at[bb, pl.ds(0, HALF_POS)],
        out_hbm.at[bb, pl.ds(l0, HALF_POS)], sem_st) for bb in range(B)]
    for h in h1:
        h.wait()
    lax.fori_loop(HALF_POS // 2, POS_PER_W // 2, body, carry)
    st1 = [pltpu.async_copy(
        g_v.at[bb, pl.ds(HALF_POS, HALF_POS)],
        out_hbm.at[bb, pl.ds(l0 + HALF_POS, HALF_POS)], sem_st)
        for bb in range(B)]
    for h in st0 + st1:
        h.wait()


def kernel(x, table):
    sc_call = functools.partial(
        pl.kernel,
        out_type=jax.ShapeDtypeStruct((B, L, D_MODEL), jnp.float32),
        mesh=plsc.VectorSubcoreMesh(core_axis_name="c", subcore_axis_name="s"),
        scratch_types=[
            pltpu.VMEM((B * POS_PER_W,), jnp.int32),
            pltpu.VMEM((B, POS_PER_W, D_MODEL), jnp.float32),
            pltpu.SemaphoreType.DMA,
            pltpu.SemaphoreType.DMA,
            pltpu.SemaphoreType.DMA,
            pltpu.SemaphoreType.DMA,
        ],
    )(_sc_body)

    return sc_call(x, table)

# --- scband reference (transcript-rebuilt; emitter-appended) ---
"""Pipeline reference for scband-positional-embedding-31911607009459 (READ-ONLY COPY).

The authoritative reference and input builder live on the scoring server;
editing this copy changes nothing except your own understanding.
"""

import jax, jax.numpy as jnp
import numpy as np

VOCAB = 1000000
D_MODEL = 128
B = 4
L = 2048
PE_LEN = 2048


def positional_encoding(length, depth):
    depth = depth / 2
    positions = np.arange(length)[:, np.newaxis]
    depths = np.arange(depth)[np.newaxis, :] / depth
    angle_rates = 1 / 10000 ** depths
    angle_rads = positions * angle_rates
    pos_encoding = np.concatenate([np.sin(angle_rads), np.cos(angle_rads)], axis=-1)
    return jnp.asarray(pos_encoding, dtype=jnp.float32)


def setup_inputs(seed: int = 0) -> dict:
    key = jax.random.key(seed)
    k1, k2 = jax.random.split(key)
    x = jax.random.randint(k1, (B, L), 0, VOCAB, dtype=jnp.int32)
    table = jax.random.normal(k2, (VOCAB, D_MODEL), dtype=jnp.float32) * 0.02
    return {"x": x, "table": table}


def reference(x, table):
    length = x.shape[1]
    # embedding lookup (gather) -- SparseCore-friendly
    emb = jnp.take(table, x, axis=0)
    emb = emb * jnp.sqrt(jnp.asarray(D_MODEL, dtype=jnp.float32))
    pe = positional_encoding(PE_LEN, D_MODEL)
    out = emb + pe[jnp.newaxis, :length, :emb.shape[-1]]
    return out

if __name__ == "__main__":
    import jax
    _d = setup_inputs()
    print(jax.jit(kernel)(*tuple(_d.values())))

</pallas_src>

<mosaic_0001>
#map = affine_map<(d0, d1) -> (0, 0)>
#map1 = affine_map<(d0, d1) -> (0, 0, 0)>
module attributes {stable_mosaic.version = 14 : i64} {
  func.func @_sc_body(%arg0: i32, %arg1: i32, %arg2: memref<4x2048xi32, #tpu.memory_space<hbm>>, %arg3: memref<1000000x128xf32, #tpu.memory_space<hbm>>, %arg4: memref<4x2048x128xf32, #tpu.memory_space<hbm>>, %arg5: memref<256xi32, #tpu.memory_space<vmem>>, %arg6: memref<4x64x128xf32, #tpu.memory_space<vmem>>, %arg7: memref<!tpu.dma_semaphore, #tpu.memory_space<semaphore_mem>>, %arg8: memref<!tpu.dma_semaphore, #tpu.memory_space<semaphore_mem>>, %arg9: memref<!tpu.dma_semaphore, #tpu.memory_space<semaphore_mem>>, %arg10: memref<!tpu.dma_semaphore, #tpu.memory_space<semaphore_mem>>) attributes {dimension_semantics = [#tpu.dimension_semantics<core_parallel>, #tpu.dimension_semantics<subcore_parallel>], iteration_bounds = array<i64: 2, 16>, scalar_prefetch = 0 : i64, scratch_operands = 6 : i64, tpu.core_type = #tpu.core_type<sc_vector_subcore>, window_params = [{transform_indices = #map}, {transform_indices = #map}, {transform_indices = #map1}]} {
    %mul3A = arith.constant 2 : i32
    %mul3A_0 = arith.muli %arg1, %mul3A : i32
    %add3A = arith.addi %mul3A_0, %arg0 : i32
    %mul3A_1 = arith.constant 64 : i32
    %mul3A_2 = arith.muli %add3A, %mul3A_1 : i32
    %dma_start3A = arith.constant 0 : i32
    %dma_start3A_3 = arith.constant 0 : i32
    %dma_start3A_4 = tpu.memref_slice %arg5[%dma_start3A_3] : memref<256xi32, #tpu.memory_space<vmem>> -> memref<64xi32, #tpu.memory_space<vmem>>
    %dma_start3A_5 = tpu.memref_slice %arg2[%dma_start3A, %mul3A_2] : memref<4x2048xi32, #tpu.memory_space<hbm>> -> memref<1x64xi32, #tpu.memory_space<hbm>>
    %dma_start3A_6 = tpu.memref_squeeze %dma_start3A_5 : memref<1x64xi32, #tpu.memory_space<hbm>> -> memref<64xi32, #tpu.memory_space<hbm>>
    %dma_start3A_7 = arith.constant 0 : i32
    %dma_start3A_8 = tpu.memref_slice %arg5[%dma_start3A_7] : memref<256xi32, #tpu.memory_space<vmem>> -> memref<64xi32, #tpu.memory_space<vmem>>
    %dma_start3A_9 = tpu.memref_slice %arg2[%dma_start3A, %mul3A_2] : memref<4x2048xi32, #tpu.memory_space<hbm>> -> memref<1x64xi32, #tpu.memory_space<hbm>>
    %dma_start3A_10 = tpu.memref_squeeze %dma_start3A_9 : memref<1x64xi32, #tpu.memory_space<hbm>> -> memref<64xi32, #tpu.memory_space<hbm>>
    tpu.enqueue_dma source(%dma_start3A_10 : memref<64xi32, #tpu.memory_space<hbm>>) target(%dma_start3A_8 : memref<64xi32, #tpu.memory_space<vmem>>) target_semaphore(%arg7 : memref<!tpu.dma_semaphore, #tpu.memory_space<semaphore_mem>>)
    %dma_start3A_11 = arith.constant 1 : i32
    %dma_start3A_12 = arith.constant 64 : i32
    %dma_start3A_13 = tpu.memref_slice %arg5[%dma_start3A_12] : memref<256xi32, #tpu.memory_space<vmem>> -> memref<64xi32, #tpu.memory_space<vmem>>
    %dma_start3A_14 = tpu.memref_slice %arg2[%dma_start3A_11, %mul3A_2] : memref<4x2048xi32, #tpu.memory_space<hbm>> -> memref<1x64xi32, #tpu.memory_space<hbm>>
    %dma_start3A_15 = tpu.memref_squeeze %dma_start3A_14 : memref<1x64xi32, #tpu.memory_space<hbm>> -> memref<64xi32, #tpu.memory_space<hbm>>
    %dma_start3A_16 = arith.constant 64 : i32
    %dma_start3A_17 = tpu.memref_slice %arg5[%dma_start3A_16] : memref<256xi32, #tpu.memory_space<vmem>> -> memref<64xi32, #tpu.memory_space<vmem>>
    %dma_start3A_18 = tpu.memref_slice %arg2[%dma_start3A_11, %mul3A_2] : memref<4x2048xi32, #tpu.memory_space<hbm>> -> memref<1x64xi32, #tpu.memory_space<hbm>>
    %dma_start3A_19 = tpu.memref_squeeze %dma_start3A_18 : memref<1x64xi32, #tpu.memory_space<hbm>> -> memref<64xi32, #tpu.memory_space<hbm>>
    tpu.enqueue_dma source(%dma_start3A_19 : memref<64xi32, #tpu.memory_space<hbm>>) target(%dma_start3A_17 : memref<64xi32, #tpu.memory_space<vmem>>) target_semaphore(%arg7 : memref<!tpu.dma_semaphore, #tpu.memory_space<semaphore_mem>>)
    %dma_start3A_20 = arith.constant 2 : i32
    %dma_start3A_21 = arith.constant 128 : i32
    %dma_start3A_22 = tpu.memref_slice %arg5[%dma_start3A_21] : memref<256xi32, #tpu.memory_space<vmem>> -> memref<64xi32, #tpu.memory_space<vmem>>
    %dma_start3A_23 = tpu.memref_slice %arg2[%dma_start3A_20, %mul3A_2] : memref<4x2048xi32, #tpu.memory_space<hbm>> -> memref<1x64xi32, #tpu.memory_space<hbm>>
    %dma_start3A_24 = tpu.memref_squeeze %dma_start3A_23 : memref<1x64xi32, #tpu.memory_space<hbm>> -> memref<64xi32, #tpu.memory_space<hbm>>
    %dma_start3A_25 = arith.constant 128 : i32
    %dma_start3A_26 = tpu.memref_slice %arg5[%dma_start3A_25] : memref<256xi32, #tpu.memory_space<vmem>> -> memref<64xi32, #tpu.memory_space<vmem>>
    %dma_start3A_27 = tpu.memref_slice %arg2[%dma_start3A_20, %mul3A_2] : memref<4x2048xi32, #tpu.memory_space<hbm>> -> memref<1x64xi32, #tpu.memory_space<hbm>>
    %dma_start3A_28 = tpu.memref_squeeze %dma_start3A_27 : memref<1x64xi32, #tpu.memory_space<hbm>> -> memref<64xi32, #tpu.memory_space<hbm>>
    tpu.enqueue_dma source(%dma_start3A_28 : memref<64xi32, #tpu.memory_space<hbm>>) target(%dma_start3A_26 : memref<64xi32, #tpu.memory_space<vmem>>) target_semaphore(%arg7 : memref<!tpu.dma_semaphore, #tpu.memory_space<semaphore_mem>>)
    %dma_start3A_29 = arith.constant 3 : i32
    %dma_start3A_30 = arith.constant 192 : i32
    %dma_start3A_31 = tpu.memref_slice %arg5[%dma_start3A_30] : memref<256xi32, #tpu.memory_space<vmem>> -> memref<64xi32, #tpu.memory_space<vmem>>
    %dma_start3A_32 = tpu.memref_slice %arg2[%dma_start3A_29, %mul3A_2] : memref<4x2048xi32, #tpu.memory_space<hbm>> -> memref<1x64xi32, #tpu.memory_space<hbm>>
    %dma_start3A_33 = tpu.memref_squeeze %dma_start3A_32 : memref<1x64xi32, #tpu.memory_space<hbm>> -> memref<64xi32, #tpu.memory_space<hbm>>
    %dma_start3A_34 = arith.constant 192 : i32
    %dma_start3A_35 = tpu.memref_slice %arg5[%dma_start3A_34] : memref<256xi32, #tpu.memory_space<vmem>> -> memref<64xi32, #tpu.memory_space<vmem>>
    %dma_start3A_36 = tpu.memref_slice %arg2[%dma_start3A_29, %mul3A_2] : memref<4x2048xi32, #tpu.memory_space<hbm>> -> memref<1x64xi32, #tpu.memory_space<hbm>>
    %dma_start3A_37 = tpu.memref_squeeze %dma_start3A_36 : memref<1x64xi32, #tpu.memory_space<hbm>> -> memref<64xi32, #tpu.memory_space<hbm>>
    tpu.enqueue_dma source(%dma_start3A_37 : memref<64xi32, #tpu.memory_space<hbm>>) target(%dma_start3A_35 : memref<64xi32, #tpu.memory_space<vmem>>) target_semaphore(%arg7 : memref<!tpu.dma_semaphore, #tpu.memory_space<semaphore_mem>>)
    %dma_wait3A = arith.constant 0 : i32
    %dma_wait3A_38 = arith.constant 0 : i32
    %dma_wait3A_39 = tpu.memref_slice %arg5[%dma_wait3A_38] : memref<256xi32, #tpu.memory_space<vmem>> -> memref<64xi32, #tpu.memory_space<vmem>>
    %dma_wait3A_40 = tpu.memref_slice %arg2[%dma_wait3A, %mul3A_2] : memref<4x2048xi32, #tpu.memory_space<hbm>> -> memref<1x64xi32, #tpu.memory_space<hbm>>
    %dma_wait3A_41 = tpu.memref_squeeze %dma_wait3A_40 : memref<1x64xi32, #tpu.memory_space<hbm>> -> memref<64xi32, #tpu.memory_space<hbm>>
    %dma_wait3A_42 = arith.constant 0 : i32
    %dma_wait3A_43 = tpu.memref_slice %arg5[%dma_wait3A_42] : memref<256xi32, #tpu.memory_space<vmem>> -> memref<64xi32, #tpu.memory_space<vmem>>
    %dma_wait3A_44 = tpu.memref_slice %arg2[%dma_wait3A, %mul3A_2] : memref<4x2048xi32, #tpu.memory_space<hbm>> -> memref<1x64xi32, #tpu.memory_space<hbm>>
    %dma_wait3A_45 = tpu.memref_squeeze %dma_wait3A_44 : memref<1x64xi32, #tpu.memory_space<hbm>> -> memref<64xi32, #tpu.memory_space<hbm>>
    tpu.wait_dma2 semaphore(%arg7 : memref<!tpu.dma_semaphore, #tpu.memory_space<semaphore_mem>>) src(%dma_wait3A_45 : memref<64xi32, #tpu.memory_space<hbm>>) dst(%dma_wait3A_43 : memref<64xi32, #tpu.memory_space<vmem>>)
    %dma_wait3A_46 = arith.constant 1 : i32
    %dma_wait3A_47 = arith.constant 64 : i32
    %dma_wait3A_48 = tpu.memref_slice %arg5[%dma_wait3A_47] : memref<256xi32, #tpu.memory_space<vmem>> -> memref<64xi32, #tpu.memory_space<vmem>>
    %dma_wait3A_49 = tpu.memref_slice %arg2[%dma_wait3A_46, %mul3A_2] : memref<4x2048xi32, #tpu.memory_space<hbm>> -> memref<1x64xi32, #tpu.memory_space<hbm>>
    %dma_wait3A_50 = tpu.memref_squeeze %dma_wait3A_49 : memref<1x64xi32, #tpu.memory_space<hbm>> -> memref<64xi32, #tpu.memory_space<hbm>>
    %dma_wait3A_51 = arith.constant 64 : i32
    %dma_wait3A_52 = tpu.memref_slice %arg5[%dma_wait3A_51] : memref<256xi32, #tpu.memory_space<vmem>> -> memref<64xi32, #tpu.memory_space<vmem>>
    %dma_wait3A_53 = tpu.memref_slice %arg2[%dma_wait3A_46, %mul3A_2] : memref<4x2048xi32, #tpu.memory_space<hbm>> -> memref<1x64xi32, #tpu.memory_space<hbm>>
    %dma_wait3A_54 = tpu.memref_squeeze %dma_wait3A_53 : memref<1x64xi32, #tpu.memory_space<hbm>> -> memref<64xi32, #tpu.memory_space<hbm>>
    tpu.wait_dma2 semaphore(%arg7 : memref<!tpu.dma_semaphore, #tpu.memory_space<semaphore_mem>>) src(%dma_wait3A_54 : memref<64xi32, #tpu.memory_space<hbm>>) dst(%dma_wait3A_52 : memref<64xi32, #tpu.memory_space<vmem>>)
    %dma_wait3A_55 = arith.constant 2 : i32
    %dma_wait3A_56 = arith.constant 128 : i32
    %dma_wait3A_57 = tpu.memref_slice %arg5[%dma_wait3A_56] : memref<256xi32, #tpu.memory_space<vmem>> -> memref<64xi32, #tpu.memory_space<vmem>>
    %dma_wait3A_58 = tpu.memref_slice %arg2[%dma_wait3A_55, %mul3A_2] : memref<4x2048xi32, #tpu.memory_space<hbm>> -> memref<1x64xi32, #tpu.memory_space<hbm>>
    %dma_wait3A_59 = tpu.memref_squeeze %dma_wait3A_58 : memref<1x64xi32, #tpu.memory_space<hbm>> -> memref<64xi32, #tpu.memory_space<hbm>>
    %dma_wait3A_60 = arith.constant 128 : i32
    %dma_wait3A_61 = tpu.memref_slice %arg5[%dma_wait3A_60] : memref<256xi32, #tpu.memory_space<vmem>> -> memref<64xi32, #tpu.memory_space<vmem>>
    %dma_wait3A_62 = tpu.memref_slice %arg2[%dma_wait3A_55, %mul3A_2] : memref<4x2048xi32, #tpu.memory_space<hbm>> -> memref<1x64xi32, #tpu.memory_space<hbm>>
    %dma_wait3A_63 = tpu.memref_squeeze %dma_wait3A_62 : memref<1x64xi32, #tpu.memory_space<hbm>> -> memref<64xi32, #tpu.memory_space<hbm>>
    tpu.wait_dma2 semaphore(%arg7 : memref<!tpu.dma_semaphore, #tpu.memory_space<semaphore_mem>>) src(%dma_wait3A_63 : memref<64xi32, #tpu.memory_space<hbm>>) dst(%dma_wait3A_61 : memref<64xi32, #tpu.memory_space<vmem>>)
    %dma_wait3A_64 = arith.constant 3 : i32
    %dma_wait3A_65 = arith.constant 192 : i32
    %dma_wait3A_66 = tpu.memref_slice %arg5[%dma_wait3A_65] : memref<256xi32, #tpu.memory_space<vmem>> -> memref<64xi32, #tpu.memory_space<vmem>>
    %dma_wait3A_67 = tpu.memref_slice %arg2[%dma_wait3A_64, %mul3A_2] : memref<4x2048xi32, #tpu.memory_space<hbm>> -> memref<1x64xi32, #tpu.memory_space<hbm>>
    %dma_wait3A_68 = tpu.memref_squeeze %dma_wait3A_67 : memref<1x64xi32, #tpu.memory_space<hbm>> -> memref<64xi32, #tpu.memory_space<hbm>>
    %dma_wait3A_69 = arith.constant 192 : i32
    %dma_wait3A_70 = tpu.memref_slice %arg5[%dma_wait3A_69] : memref<256xi32, #tpu.memory_space<vmem>> -> memref<64xi32, #tpu.memory_space<vmem>>
    %dma_wait3A_71 = tpu.memref_slice %arg2[%dma_wait3A_64, %mul3A_2] : memref<4x2048xi32, #tpu.memory_space<hbm>> -> memref<1x64xi32, #tpu.memory_space<hbm>>
    %dma_wait3A_72 = tpu.memref_squeeze %dma_wait3A_71 : memref<1x64xi32, #tpu.memory_space<hbm>> -> memref<64xi32, #tpu.memory_space<hbm>>
    tpu.wait_dma2 semaphore(%arg7 : memref<!tpu.dma_semaphore, #tpu.memory_space<semaphore_mem>>) src(%dma_wait3A_72 : memref<64xi32, #tpu.memory_space<hbm>>) dst(%dma_wait3A_70 : memref<64xi32, #tpu.memory_space<vmem>>)
    %dma_start3A_73 = arith.constant 0 : i32
    %dma_start3A_74 = arith.constant 0 : i32
    %dma_start3A_75 = arith.constant 0 : i32
    %dma_start3A_76 = tpu.memref_slice %arg6[%dma_start3A_73, %dma_start3A_74, %dma_start3A_75] : memref<4x64x128xf32, #tpu.memory_space<vmem>> -> memref<1x32x128xf32, #tpu.memory_space<vmem>>
    %dma_start3A_77 = tpu.memref_squeeze %dma_start3A_76 : memref<1x32x128xf32, #tpu.memory_space<vmem>> -> memref<32x128xf32, #tpu.memory_space<vmem>>
    %dma_start3A_78 = arith.constant 0 : i32
    %dma_start3A_79 = tpu.memref_slice %arg5[%dma_start3A_78] : memref<256xi32, #tpu.memory_space<vmem>> -> memref<32xi32, #tpu.memory_space<vmem>>
    %dma_start3A_80 = arith.constant 0 : i32
    %dma_start3A_81 = arith.constant 0 : i32
    %dma_start3A_82 = tpu.memref_slice %arg3[%dma_start3A_80, %dma_start3A_81] : memref<1000000x128xf32, #tpu.memory_space<hbm>> -> memref<1000000x128xf32, #tpu.memory_space<hbm>>
    tpu.enqueue_indirect_dma source(%dma_start3A_82 : memref<1000000x128xf32, #tpu.memory_space<hbm>>) target(%dma_start3A_77 : memref<32x128xf32, #tpu.memory_space<vmem>>) offsets(%dma_start3A_79 : memref<32xi32, #tpu.memory_space<vmem>>) semaphore(%arg8 : memref<!tpu.dma_semaphore, #tpu.memory_space<semaphore_mem>>)
    %dma_start3A_83 = arith.constant 0 : i32
    %dma_start3A_84 = arith.constant 32 : i32
    %dma_start3A_85 = arith.constant 0 : i32
    %dma_start3A_86 = tpu.memref_slice %arg6[%dma_start3A_83, %dma_start3A_84, %dma_start3A_85] : memref<4x64x128xf32, #tpu.memory_space<vmem>> -> memref<1x32x128xf32, #tpu.memory_space<vmem>>
    %dma_start3A_87 = tpu.memref_squeeze %dma_start3A_86 : memref<1x32x128xf32, #tpu.memory_space<vmem>> -> memref<32x128xf32, #tpu.memory_space<vmem>>
    %dma_start3A_88 = arith.constant 32 : i32
    %dma_start3A_89 = tpu.memref_slice %arg5[%dma_start3A_88] : memref<256xi32, #tpu.memory_space<vmem>> -> memref<32xi32, #tpu.memory_space<vmem>>
    %dma_start3A_90 = arith.constant 0 : i32
    %dma_start3A_91 = arith.constant 0 : i32
    %dma_start3A_92 = tpu.memref_slice %arg3[%dma_start3A_90, %dma_start3A_91] : memref<1000000x128xf32, #tpu.memory_space<hbm>> -> memref<1000000x128xf32, #tpu.memory_space<hbm>>
    tpu.enqueue_indirect_dma source(%dma_start3A_92 : memref<1000000x128xf32, #tpu.memory_space<hbm>>) target(%dma_start3A_87 : memref<32x128xf32, #tpu.memory_space<vmem>>) offsets(%dma_start3A_89 : memref<32xi32, #tpu.memory_space<vmem>>) semaphore(%arg9 : memref<!tpu.dma_semaphore, #tpu.memory_space<semaphore_mem>>)
    %dma_start3A_93 = arith.constant 1 : i32
    %dma_start3A_94 = arith.constant 0 : i32
    %dma_start3A_95 = arith.constant 0 : i32
    %dma_start3A_96 = tpu.memref_slice %arg6[%dma_start3A_93, %dma_start3A_94, %dma_start3A_95] : memref<4x64x128xf32, #tpu.memory_space<vmem>> -> memref<1x32x128xf32, #tpu.memory_space<vmem>>
    %dma_start3A_97 = tpu.memref_squeeze %dma_start3A_96 : memref<1x32x128xf32, #tpu.memory_space<vmem>> -> memref<32x128xf32, #tpu.memory_space<vmem>>
    %dma_start3A_98 = arith.constant 64 : i32
    %dma_start3A_99 = tpu.memref_slice %arg5[%dma_start3A_98] : memref<256xi32, #tpu.memory_space<vmem>> -> memref<32xi32, #tpu.memory_space<vmem>>
    %dma_start3A_100 = arith.constant 0 : i32
    %dma_start3A_101 = arith.constant 0 : i32
    %dma_start3A_102 = tpu.memref_slice %arg3[%dma_start3A_100, %dma_start3A_101] : memref<1000000x128xf32, #tpu.memory_space<hbm>> -> memref<1000000x128xf32, #tpu.memory_space<hbm>>
    tpu.enqueue_indirect_dma source(%dma_start3A_102 : memref<1000000x128xf32, #tpu.memory_space<hbm>>) target(%dma_start3A_97 : memref<32x128xf32, #tpu.memory_space<vmem>>) offsets(%dma_start3A_99 : memref<32xi32, #tpu.memory_space<vmem>>) semaphore(%arg8 : memref<!tpu.dma_semaphore, #tpu.memory_space<semaphore_mem>>)
    %dma_start3A_103 = arith.constant 1 : i32
    %dma_start3A_104 = arith.constant 32 : i32
    %dma_start3A_105 = arith.constant 0 : i32
    %dma_start3A_106 = tpu.memref_slice %arg6[%dma_start3A_103, %dma_start3A_104, %dma_start3A_105] : memref<4x64x128xf32, #tpu.memory_space<vmem>> -> memref<1x32x128xf32, #tpu.memory_space<vmem>>
    %dma_start3A_107 = tpu.memref_squeeze %dma_start3A_106 : memref<1x32x128xf32, #tpu.memory_space<vmem>> -> memref<32x128xf32, #tpu.memory_space<vmem>>
    %dma_start3A_108 = arith.constant 96 : i32
    %dma_start3A_109 = tpu.memref_slice %arg5[%dma_start3A_108] : memref<256xi32, #tpu.memory_space<vmem>> -> memref<32xi32, #tpu.memory_space<vmem>>
    %dma_start3A_110 = arith.constant 0 : i32
    %dma_start3A_111 = arith.constant 0 : i32
    %dma_start3A_112 = tpu.memref_slice %arg3[%dma_start3A_110, %dma_start3A_111] : memref<1000000x128xf32, #tpu.memory_space<hbm>> -> memref<1000000x128xf32, #tpu.memory_space<hbm>>
    tpu.enqueue_indirect_dma source(%dma_start3A_112 : memref<1000000x128xf32, #tpu.memory_space<hbm>>) target(%dma_start3A_107 : memref<32x128xf32, #tpu.memory_space<vmem>>) offsets(%dma_start3A_109 : memref<32xi32, #tpu.memory_space<vmem>>) semaphore(%arg9 : memref<!tpu.dma_semaphore, #tpu.memory_space<semaphore_mem>>)
    %dma_start3A_113 = arith.constant 2 : i32
    %dma_start3A_114 = arith.constant 0 : i32
    %dma_start3A_115 = arith.constant 0 : i32
    %dma_start3A_116 = tpu.memref_slice %arg6[%dma_start3A_113, %dma_start3A_114, %dma_start3A_115] : memref<4x64x128xf32, #tpu.memory_space<vmem>> -> memref<1x32x128xf32, #tpu.memory_space<vmem>>
    %dma_start3A_117 = tpu.memref_squeeze %dma_start3A_116 : memref<1x32x128xf32, #tpu.memory_space<vmem>> -> memref<32x128xf32, #tpu.memory_space<vmem>>
    %dma_start3A_118 = arith.constant 128 : i32
    %dma_start3A_119 = tpu.memref_slice %arg5[%dma_start3A_118] : memref<256xi32, #tpu.memory_space<vmem>> -> memref<32xi32, #tpu.memory_space<vmem>>
    %dma_start3A_120 = arith.constant 0 : i32
    %dma_start3A_121 = arith.constant 0 : i32
    %dma_start3A_122 = tpu.memref_slice %arg3[%dma_start3A_120, %dma_start3A_121] : memref<1000000x128xf32, #tpu.memory_space<hbm>> -> memref<1000000x128xf32, #tpu.memory_space<hbm>>
    tpu.enqueue_indirect_dma source(%dma_start3A_122 : memref<1000000x128xf32, #tpu.memory_space<hbm>>) target(%dma_start3A_117 : memref<32x128xf32, #tpu.memory_space<vmem>>) offsets(%dma_start3A_119 : memref<32xi32, #tpu.memory_space<vmem>>) semaphore(%arg8 : memref<!tpu.dma_semaphore, #tpu.memory_space<semaphore_mem>>)
    %dma_start3A_123 = arith.constant 2 : i32
    %dma_start3A_124 = arith.constant 32 : i32
    %dma_start3A_125 = arith.constant 0 : i32
    %dma_start3A_126 = tpu.memref_slice %arg6[%dma_start3A_123, %dma_start3A_124, %dma_start3A_125] : memref<4x64x128xf32, #tpu.memory_space<vmem>> -> memref<1x32x128xf32, #tpu.memory_space<vmem>>
    %dma_start3A_127 = tpu.memref_squeeze %dma_start3A_126 : memref<1x32x128xf32, #tpu.memory_space<vmem>> -> memref<32x128xf32, #tpu.memory_space<vmem>>
    %dma_start3A_128 = arith.constant 160 : i32
    %dma_start3A_129 = tpu.memref_slice %arg5[%dma_start3A_128] : memref<256xi32, #tpu.memory_space<vmem>> -> memref<32xi32, #tpu.memory_space<vmem>>
    %dma_start3A_130 = arith.constant 0 : i32
    %dma_start3A_131 = arith.constant 0 : i32
    %dma_start3A_132 = tpu.memref_slice %arg3[%dma_start3A_130, %dma_start3A_131] : memref<1000000x128xf32, #tpu.memory_space<hbm>> -> memref<1000000x128xf32, #tpu.memory_space<hbm>>
    tpu.enqueue_indirect_dma source(%dma_start3A_132 : memref<1000000x128xf32, #tpu.memory_space<hbm>>) target(%dma_start3A_127 : memref<32x128xf32, #tpu.memory_space<vmem>>) offsets(%dma_start3A_129 : memref<32xi32, #tpu.memory_space<vmem>>) semaphore(%arg9 : memref<!tpu.dma_semaphore, #tpu.memory_space<semaphore_mem>>)
    %dma_start3A_133 = arith.constant 3 : i32
    %dma_start3A_134 = arith.constant 0 : i32
    %dma_start3A_135 = arith.constant 0 : i32
    %dma_start3A_136 = tpu.memref_slice %arg6[%dma_start3A_133, %dma_start3A_134, %dma_start3A_135] : memref<4x64x128xf32, #tpu.memory_space<vmem>> -> memref<1x32x128xf32, #tpu.memory_space<vmem>>
    %dma_start3A_137 = tpu.memref_squeeze %dma_start3A_136 : memref<1x32x128xf32, #tpu.memory_space<vmem>> -> memref<32x128xf32, #tpu.memory_space<vmem>>
    %dma_start3A_138 = arith.constant 192 : i32
    %dma_start3A_139 = tpu.memref_slice %arg5[%dma_start3A_138] : memref<256xi32, #tpu.memory_space<vmem>> -> memref<32xi32, #tpu.memory_space<vmem>>
    %dma_start3A_140 = arith.constant 0 : i32
    %dma_start3A_141 = arith.constant 0 : i32
    %dma_start3A_142 = tpu.memref_slice %arg3[%dma_start3A_140, %dma_start3A_141] : memref<1000000x128xf32, #tpu.memory_space<hbm>> -> memref<1000000x128xf32, #tpu.memory_space<hbm>>
    tpu.enqueue_indirect_dma source(%dma_start3A_142 : memref<1000000x128xf32, #tpu.memory_space<hbm>>) target(%dma_start3A_137 : memref<32x128xf32, #tpu.memory_space<vmem>>) offsets(%dma_start3A_139 : memref<32xi32, #tpu.memory_space<vmem>>) semaphore(%arg8 : memref<!tpu.dma_semaphore, #tpu.memory_space<semaphore_mem>>)
    %dma_start3A_143 = arith.constant 3 : i32
    %dma_start3A_144 = arith.constant 32 : i32
    %dma_start3A_145 = arith.constant 0 : i32
    %dma_start3A_146 = tpu.memref_slice %arg6[%dma_start3A_143, %dma_start3A_144, %dma_start3A_145] : memref<4x64x128xf32, #tpu.memory_space<vmem>> -> memref<1x32x128xf32, #tpu.memory_space<vmem>>
    %dma_start3A_147 = tpu.memref_squeeze %dma_start3A_146 : memref<1x32x128xf32, #tpu.memory_space<vmem>> -> memref<32x128xf32, #tpu.memory_space<vmem>>
    %dma_start3A_148 = arith.constant 224 : i32
    %dma_start3A_149 = tpu.memref_slice %arg5[%dma_start3A_148] : memref<256xi32, #tpu.memory_space<vmem>> -> memref<32xi32, #tpu.memory_space<vmem>>
    %dma_start3A_150 = arith.constant 0 : i32
    %dma_start3A_151 = arith.constant 0 : i32
    %dma_start3A_152 = tpu.memref_slice %arg3[%dma_start3A_150, %dma_start3A_151] : memref<1000000x128xf32, #tpu.memory_space<hbm>> -> memref<1000000x128xf32, #tpu.memory_space<hbm>>
    tpu.enqueue_indirect_dma source(%dma_start3A_152 : memref<1000000x128xf32, #tpu.memory_space<hbm>>) target(%dma_start3A_147 : memref<32x128xf32, #tpu.memory_space<vmem>>) offsets(%dma_start3A_149 : memref<32xi32, #tpu.memory_space<vmem>>) semaphore(%arg9 : memref<!tpu.dma_semaphore, #tpu.memory_space<semaphore_mem>>)
    %iota3A = tpu.iota {dimensions = array<i32: 0>} : vector<16xi32>
    %convert_element_type3A = arith.sitofp %iota3A : vector<16xi32> to vector<16xf32>
    %add3A_153 = arith.constant 0.000000e+00 : f32
    %add3A_154 = vector.broadcast %add3A_153 : f32 to vector<16xf32>
    %add3A_155 = arith.addf %convert_element_type3A, %add3A_154 : vector<16xf32>
    %mul3A_156 = arith.constant -0.14391157 : f32
    %mul3A_157 = vector.broadcast %mul3A_156 : f32 to vector<16xf32>
    %mul3A_158 = arith.mulf %add3A_155, %mul3A_157 : vector<16xf32>
    %exp3A = math.exp %mul3A_158 : vector<16xf32>
    %mul3A_159 = arith.mulf %exp3A, %exp3A : vector<16xf32>
    %mul3A_160 = arith.constant 2.75573188E-6 : f32
    %mul3A_161 = vector.broadcast %mul3A_160 : f32 to vector<16xf32>
    %mul3A_162 = arith.mulf %mul3A_159, %mul3A_161 : vector<16xf32>
    %add3A_163 = arith.constant -1.98412701E-4 : f32
    %add3A_164 = vector.broadcast %add3A_163 : f32 to vector<16xf32>
    %add3A_165 = arith.addf %add3A_164, %mul3A_162 : vector<16xf32>
    %mul3A_166 = arith.mulf %mul3A_159, %add3A_165 : vector<16xf32>
    %add3A_167 = arith.constant 0.00833333377 : f32
    %add3A_168 = vector.broadcast %add3A_167 : f32 to vector<16xf32>
    %add3A_169 = arith.addf %add3A_168, %mul3A_166 : vector<16xf32>
    %mul3A_170 = arith.mulf %mul3A_159, %add3A_169 : vector<16xf32>
    %add3A_171 = arith.constant -0.166666672 : f32
    %add3A_172 = vector.broadcast %add3A_171 : f32 to vector<16xf32>
    %add3A_173 = arith.addf %add3A_172, %mul3A_170 : vector<16xf32>
    %mul3A_174 = arith.mulf %mul3A_159, %add3A_173 : vector<16xf32>
    %add3A_175 = arith.constant 1.000000e+00 : f32
    %add3A_176 = vector.broadcast %add3A_175 : f32 to vector<16xf32>
    %add3A_177 = arith.addf %add3A_176, %mul3A_174 : vector<16xf32>
    %mul3A_178 = arith.constant -2.755732E-7 : f32
    %mul3A_179 = vector.broadcast %mul3A_178 : f32 to vector<16xf32>
    %mul3A_180 = arith.mulf %mul3A_159, %mul3A_179 : vector<16xf32>
    %add3A_181 = arith.constant 2.48015876E-5 : f32
    %add3A_182 = vector.broadcast %add3A_181 : f32 to vector<16xf32>
    %add3A_183 = arith.addf %add3A_182, %mul3A_180 : vector<16xf32>
    %mul3A_184 = arith.mulf %mul3A_159, %add3A_183 : vector<16xf32>
    %add3A_185 = arith.constant -0.00138888892 : f32
    %add3A_186 = vector.broadcast %add3A_185 : f32 to vector<16xf32>
    %add3A_187 = arith.addf %add3A_186, %mul3A_184 : vector<16xf32>
    %mul3A_188 = arith.mulf %mul3A_159, %add3A_187 : vector<16xf32>
    %add3A_189 = arith.constant 0.0416666679 : f32
    %add3A_190 = vector.broadcast %add3A_189 : f32 to vector<16xf32>
    %add3A_191 = arith.addf %add3A_190, %mul3A_188 : vector<16xf32>
    %mul3A_192 = arith.mulf %mul3A_159, %add3A_191 : vector<16xf32>
    %add3A_193 = arith.constant -5.000000e-01 : f32
    %add3A_194 = vector.broadcast %add3A_193 : f32 to vector<16xf32>
    %add3A_195 = arith.addf %add3A_194, %mul3A_192 : vector<16xf32>
    %mul3A_196 = arith.mulf %mul3A_159, %add3A_195 : vector<16xf32>
    %add3A_197 = arith.constant 1.000000e+00 : f32
    %add3A_198 = vector.broadcast %add3A_197 : f32 to vector<16xf32>
    %add3A_199 = arith.addf %add3A_198, %mul3A_196 : vector<16xf32>
    %mul3A_200 = arith.mulf %exp3A, %add3A_177 : vector<16xf32>
    %iota3A_201 = tpu.iota {dimensions = array<i32: 0>} : vector<16xi32>
    %convert_element_type3A_202 = arith.sitofp %iota3A_201 : vector<16xi32> to vector<16xf32>
    %add3A_203 = arith.constant 1.600000e+01 : f32
    %add3A_204 = vector.broadcast %add3A_203 : f32 to vector<16xf32>
    %add3A_205 = arith.addf %convert_element_type3A_202, %add3A_204 : vector<16xf32>
    %mul3A_206 = arith.constant -0.14391157 : f32
    %mul3A_207 = vector.broadcast %mul3A_206 : f32 to vector<16xf32>
    %mul3A_208 = arith.mulf %add3A_205, %mul3A_207 : vector<16xf32>
    %exp3A_209 = math.exp %mul3A_208 : vector<16xf32>
    %mul3A_210 = arith.mulf %exp3A_209, %exp3A_209 : vector<16xf32>
    %mul3A_211 = arith.constant 2.75573188E-6 : f32
    %mul3A_212 = vector.broadcast %mul3A_211 : f32 to vector<16xf32>
    %mul3A_213 = arith.mulf %mul3A_210, %mul3A_212 : vector<16xf32>
    %add3A_214 = arith.constant -1.98412701E-4 : f32
    %add3A_215 = vector.broadcast %add3A_214 : f32 to vector<16xf32>
    %add3A_216 = arith.addf %add3A_215, %mul3A_213 : vector<16xf32>
    %mul3A_217 = arith.mulf %mul3A_210, %add3A_216 : vector<16xf32>
    %add3A_218 = arith.constant 0.00833333377 : f32
    %add3A_219 = vector.broadcast %add3A_218 : f32 to vector<16xf32>
    %add3A_220 = arith.addf %add3A_219, %mul3A_217 : vector<16xf32>
    %mul3A_221 = arith.mulf %mul3A_210, %add3A_220 : vector<16xf32>
    %add3A_222 = arith.constant -0.166666672 : f32
    %add3A_223 = vector.broadcast %add3A_222 : f32 to vector<16xf32>
    %add3A_224 = arith.addf %add3A_223, %mul3A_221 : vector<16xf32>
    %mul3A_225 = arith.mulf %mul3A_210, %add3A_224 : vector<16xf32>
    %add3A_226 = arith.constant 1.000000e+00 : f32
    %add3A_227 = vector.broadcast %add3A_226 : f32 to vector<16xf32>
    %add3A_228 = arith.addf %add3A_227, %mul3A_225 : vector<16xf32>
    %mul3A_229 = arith.constant -2.755732E-7 : f32
    %mul3A_230 = vector.broadcast %mul3A_229 : f32 to vector<16xf32>
    %mul3A_231 = arith.mulf %mul3A_210, %mul3A_230 : vector<16xf32>
    %add3A_232 = arith.constant 2.48015876E-5 : f32
    %add3A_233 = vector.broadcast %add3A_232 : f32 to vector<16xf32>
    %add3A_234 = arith.addf %add3A_233, %mul3A_231 : vector<16xf32>
    %mul3A_235 = arith.mulf %mul3A_210, %add3A_234 : vector<16xf32>
    %add3A_236 = arith.constant -0.00138888892 : f32
    %add3A_237 = vector.broadcast %add3A_236 : f32 to vector<16xf32>
    %add3A_238 = arith.addf %add3A_237, %mul3A_235 : vector<16xf32>
    %mul3A_239 = arith.mulf %mul3A_210, %add3A_238 : vector<16xf32>
    %add3A_240 = arith.constant 0.0416666679 : f32
    %add3A_241 = vector.broadcast %add3A_240 : f32 to vector<16xf32>
    %add3A_242 = arith.addf %add3A_241, %mul3A_239 : vector<16xf32>
    %mul3A_243 = arith.mulf %mul3A_210, %add3A_242 : vector<16xf32>
    %add3A_244 = arith.constant -5.000000e-01 : f32
    %add3A_245 = vector.broadcast %add3A_244 : f32 to vector<16xf32>
    %add3A_246 = arith.addf %add3A_245, %mul3A_243 : vector<16xf32>
    %mul3A_247 = arith.mulf %mul3A_210, %add3A_246 : vector<16xf32>
    %add3A_248 = arith.constant 1.000000e+00 : f32
    %add3A_249 = vector.broadcast %add3A_248 : f32 to vector<16xf32>
    %add3A_250 = arith.addf %add3A_249, %mul3A_247 : vector<16xf32>
    %mul3A_251 = arith.mulf %exp3A_209, %add3A_228 : vector<16xf32>
    %iota3A_252 = tpu.iota {dimensions = array<i32: 0>} : vector<16xi32>
    %convert_element_type3A_253 = arith.sitofp %iota3A_252 : vector<16xi32> to vector<16xf32>
    %add3A_254 = arith.constant 3.200000e+01 : f32
    %add3A_255 = vector.broadcast %add3A_254 : f32 to vector<16xf32>
    %add3A_256 = arith.addf %convert_element_type3A_253, %add3A_255 : vector<16xf32>
    %mul3A_257 = arith.constant -0.14391157 : f32
    %mul3A_258 = vector.broadcast %mul3A_257 : f32 to vector<16xf32>
    %mul3A_259 = arith.mulf %add3A_256, %mul3A_258 : vector<16xf32>
    %exp3A_260 = math.exp %mul3A_259 : vector<16xf32>
    %mul3A_261 = arith.mulf %exp3A_260, %exp3A_260 : vector<16xf32>
    %mul3A_262 = arith.constant 2.75573188E-6 : f32
    %mul3A_263 = vector.broadcast %mul3A_262 : f32 to vector<16xf32>
    %mul3A_264 = arith.mulf %mul3A_261, %mul3A_263 : vector<16xf32>
    %add3A_265 = arith.constant -1.98412701E-4 : f32
    %add3A_266 = vector.broadcast %add3A_265 : f32 to vector<16xf32>
    %add3A_267 = arith.addf %add3A_266, %mul3A_264 : vector<16xf32>
    %mul3A_268 = arith.mulf %mul3A_261, %add3A_267 : vector<16xf32>
    %add3A_269 = arith.constant 0.00833333377 : f32
    %add3A_270 = vector.broadcast %add3A_269 : f32 to vector<16xf32>
    %add3A_271 = arith.addf %add3A_270, %mul3A_268 : vector<16xf32>
    %mul3A_272 = arith.mulf %mul3A_261, %add3A_271 : vector<16xf32>
    %add3A_273 = arith.constant -0.166666672 : f32
    %add3A_274 = vector.broadcast %add3A_273 : f32 to vector<16xf32>
    %add3A_275 = arith.addf %add3A_274, %mul3A_272 : vector<16xf32>
    %mul3A_276 = arith.mulf %mul3A_261, %add3A_275 : vector<16xf32>
    %add3A_277 = arith.constant 1.000000e+00 : f32
    %add3A_278 = vector.broadcast %add3A_277 : f32 to vector<16xf32>
    %add3A_279 = arith.addf %add3A_278, %mul3A_276 : vector<16xf32>
    %mul3A_280 = arith.constant -2.755732E-7 : f32
    %mul3A_281 = vector.broadcast %mul3A_280 : f32 to vector<16xf32>
    %mul3A_282 = arith.mulf %mul3A_261, %mul3A_281 : vector<16xf32>
    %add3A_283 = arith.constant 2.48015876E-5 : f32
    %add3A_284 = vector.broadcast %add3A_283 : f32 to vector<16xf32>
    %add3A_285 = arith.addf %add3A_284, %mul3A_282 : vector<16xf32>
    %mul3A_286 = arith.mulf %mul3A_261, %add3A_285 : vector<16xf32>
    %add3A_287 = arith.constant -0.00138888892 : f32
    %add3A_288 = vector.broadcast %add3A_287 : f32 to vector<16xf32>
    %add3A_289 = arith.addf %add3A_288, %mul3A_286 : vector<16xf32>
    %mul3A_290 = arith.mulf %mul3A_261, %add3A_289 : vector<16xf32>
    %add3A_291 = arith.constant 0.0416666679 : f32
    %add3A_292 = vector.broadcast %add3A_291 : f32 to vector<16xf32>
    %add3A_293 = arith.addf %add3A_292, %mul3A_290 : vector<16xf32>
    %mul3A_294 = arith.mulf %mul3A_261, %add3A_293 : vector<16xf32>
    %add3A_295 = arith.constant -5.000000e-01 : f32
    %add3A_296 = vector.broadcast %add3A_295 : f32 to vector<16xf32>
    %add3A_297 = arith.addf %add3A_296, %mul3A_294 : vector<16xf32>
    %mul3A_298 = arith.mulf %mul3A_261, %add3A_297 : vector<16xf32>
    %add3A_299 = arith.constant 1.000000e+00 : f32
    %add3A_300 = vector.broadcast %add3A_299 : f32 to vector<16xf32>
    %add3A_301 = arith.addf %add3A_300, %mul3A_298 : vector<16xf32>
    %mul3A_302 = arith.mulf %exp3A_260, %add3A_279 : vector<16xf32>
    %iota3A_303 = tpu.iota {dimensions = array<i32: 0>} : vector<16xi32>
    %convert_element_type3A_304 = arith.sitofp %iota3A_303 : vector<16xi32> to vector<16xf32>
    %add3A_305 = arith.constant 4.800000e+01 : f32
    %add3A_306 = vector.broadcast %add3A_305 : f32 to vector<16xf32>
    %add3A_307 = arith.addf %convert_element_type3A_304, %add3A_306 : vector<16xf32>
    %mul3A_308 = arith.constant -0.14391157 : f32
    %mul3A_309 = vector.broadcast %mul3A_308 : f32 to vector<16xf32>
    %mul3A_310 = arith.mulf %add3A_307, %mul3A_309 : vector<16xf32>
    %exp3A_311 = math.exp %mul3A_310 : vector<16xf32>
    %mul3A_312 = arith.mulf %exp3A_311, %exp3A_311 : vector<16xf32>
    %mul3A_313 = arith.constant 2.75573188E-6 : f32
    %mul3A_314 = vector.broadcast %mul3A_313 : f32 to vector<16xf32>
    %mul3A_315 = arith.mulf %mul3A_312, %mul3A_314 : vector<16xf32>
    %add3A_316 = arith.constant -1.98412701E-4 : f32
    %add3A_317 = vector.broadcast %add3A_316 : f32 to vector<16xf32>
    %add3A_318 = arith.addf %add3A_317, %mul3A_315 : vector<16xf32>
    %mul3A_319 = arith.mulf %mul3A_312, %add3A_318 : vector<16xf32>
    %add3A_320 = arith.constant 0.00833333377 : f32
    %add3A_321 = vector.broadcast %add3A_320 : f32 to vector<16xf32>
    %add3A_322 = arith.addf %add3A_321, %mul3A_319 : vector<16xf32>
    %mul3A_323 = arith.mulf %mul3A_312, %add3A_322 : vector<16xf32>
    %add3A_324 = arith.constant -0.166666672 : f32
    %add3A_325 = vector.broadcast %add3A_324 : f32 to vector<16xf32>
    %add3A_326 = arith.addf %add3A_325, %mul3A_323 : vector<16xf32>
    %mul3A_327 = arith.mulf %mul3A_312, %add3A_326 : vector<16xf32>
    %add3A_328 = arith.constant 1.000000e+00 : f32
    %add3A_329 = vector.broadcast %add3A_328 : f32 to vector<16xf32>
    %add3A_330 = arith.addf %add3A_329, %mul3A_327 : vector<16xf32>
    %mul3A_331 = arith.constant -2.755732E-7 : f32
    %mul3A_332 = vector.broadcast %mul3A_331 : f32 to vector<16xf32>
    %mul3A_333 = arith.mulf %mul3A_312, %mul3A_332 : vector<16xf32>
    %add3A_334 = arith.constant 2.48015876E-5 : f32
    %add3A_335 = vector.broadcast %add3A_334 : f32 to vector<16xf32>
    %add3A_336 = arith.addf %add3A_335, %mul3A_333 : vector<16xf32>
    %mul3A_337 = arith.mulf %mul3A_312, %add3A_336 : vector<16xf32>
    %add3A_338 = arith.constant -0.00138888892 : f32
    %add3A_339 = vector.broadcast %add3A_338 : f32 to vector<16xf32>
    %add3A_340 = arith.addf %add3A_339, %mul3A_337 : vector<16xf32>
    %mul3A_341 = arith.mulf %mul3A_312, %add3A_340 : vector<16xf32>
    %add3A_342 = arith.constant 0.0416666679 : f32
    %add3A_343 = vector.broadcast %add3A_342 : f32 to vector<16xf32>
    %add3A_344 = arith.addf %add3A_343, %mul3A_341 : vector<16xf32>
    %mul3A_345 = arith.mulf %mul3A_312, %add3A_344 : vector<16xf32>
    %add3A_346 = arith.constant -5.000000e-01 : f32
    %add3A_347 = vector.broadcast %add3A_346 : f32 to vector<16xf32>
    %add3A_348 = arith.addf %add3A_347, %mul3A_345 : vector<16xf32>
    %mul3A_349 = arith.mulf %mul3A_312, %add3A_348 : vector<16xf32>
    %add3A_350 = arith.constant 1.000000e+00 : f32
    %add3A_351 = vector.broadcast %add3A_350 : f32 to vector<16xf32>
    %add3A_352 = arith.addf %add3A_351, %mul3A_349 : vector<16xf32>
    %mul3A_353 = arith.mulf %exp3A_311, %add3A_330 : vector<16xf32>
    %mul3A_354 = arith.mulf %mul3A_200, %add3A_199 : vector<16xf32>
    %mul3A_355 = arith.mulf %add3A_199, %mul3A_200 : vector<16xf32>
    %add3A_356 = arith.addf %mul3A_354, %mul3A_355 : vector<16xf32>
    %mul3A_357 = arith.mulf %add3A_199, %add3A_199 : vector<16xf32>
    %mul3A_358 = arith.mulf %mul3A_200, %mul3A_200 : vector<16xf32>
    %sub3A = arith.subf %mul3A_357, %mul3A_358 : vector<16xf32>
    %mul3A_359 = arith.mulf %mul3A_251, %add3A_250 : vector<16xf32>
    %mul3A_360 = arith.mulf %add3A_250, %mul3A_251 : vector<16xf32>
    %add3A_361 = arith.addf %mul3A_359, %mul3A_360 : vector<16xf32>
    %mul3A_362 = arith.mulf %add3A_250, %add3A_250 : vector<16xf32>
    %mul3A_363 = arith.mulf %mul3A_251, %mul3A_251 : vector<16xf32>
    %sub3A_364 = arith.subf %mul3A_362, %mul3A_363 : vector<16xf32>
    %mul3A_365 = arith.mulf %mul3A_302, %add3A_301 : vector<16xf32>
    %mul3A_366 = arith.mulf %add3A_301, %mul3A_302 : vector<16xf32>
    %add3A_367 = arith.addf %mul3A_365, %mul3A_366 : vector<16xf32>
    %mul3A_368 = arith.mulf %add3A_301, %add3A_301 : vector<16xf32>
    %mul3A_369 = arith.mulf %mul3A_302, %mul3A_302 : vector<16xf32>
    %sub3A_370 = arith.subf %mul3A_368, %mul3A_369 : vector<16xf32>
    %mul3A_371 = arith.mulf %mul3A_353, %add3A_352 : vector<16xf32>
    %mul3A_372 = arith.mulf %add3A_352, %mul3A_353 : vector<16xf32>
    %add3A_373 = arith.addf %mul3A_371, %mul3A_372 : vector<16xf32>
    %mul3A_374 = arith.mulf %add3A_352, %add3A_352 : vector<16xf32>
    %mul3A_375 = arith.mulf %mul3A_353, %mul3A_353 : vector<16xf32>
    %sub3A_376 = arith.subf %mul3A_374, %mul3A_375 : vector<16xf32>
    %mul3A_377 = arith.mulf %add3A_356, %sub3A : vector<16xf32>
    %mul3A_378 = arith.mulf %sub3A, %add3A_356 : vector<16xf32>
    %add3A_379 = arith.addf %mul3A_377, %mul3A_378 : vector<16xf32>
    %mul3A_380 = arith.mulf %sub3A, %sub3A : vector<16xf32>
    %mul3A_381 = arith.mulf %add3A_356, %add3A_356 : vector<16xf32>
    %sub3A_382 = arith.subf %mul3A_380, %mul3A_381 : vector<16xf32>
    %mul3A_383 = arith.mulf %add3A_361, %sub3A_364 : vector<16xf32>
    %mul3A_384 = arith.mulf %sub3A_364, %add3A_361 : vector<16xf32>
    %add3A_385 = arith.addf %mul3A_383, %mul3A_384 : vector<16xf32>
    %mul3A_386 = arith.mulf %sub3A_364, %sub3A_364 : vector<16xf32>
    %mul3A_387 = arith.mulf %add3A_361, %add3A_361 : vector<16xf32>
    %sub3A_388 = arith.subf %mul3A_386, %mul3A_387 : vector<16xf32>
    %mul3A_389 = arith.mulf %add3A_367, %sub3A_370 : vector<16xf32>
    %mul3A_390 = arith.mulf %sub3A_370, %add3A_367 : vector<16xf32>
    %add3A_391 = arith.addf %mul3A_389, %mul3A_390 : vector<16xf32>
    %mul3A_392 = arith.mulf %sub3A_370, %sub3A_370 : vector<16xf32>
    %mul3A_393 = arith.mulf %add3A_367, %add3A_367 : vector<16xf32>
    %sub3A_394 = arith.subf %mul3A_392, %mul3A_393 : vector<16xf32>
    %mul3A_395 = arith.mulf %add3A_373, %sub3A_376 : vector<16xf32>
    %mul3A_396 = arith.mulf %sub3A_376, %add3A_373 : vector<16xf32>
    %add3A_397 = arith.addf %mul3A_395, %mul3A_396 : vector<16xf32>
    %mul3A_398 = arith.mulf %sub3A_376, %sub3A_376 : vector<16xf32>
    %mul3A_399 = arith.mulf %add3A_373, %add3A_373 : vector<16xf32>
    %sub3A_400 = arith.subf %mul3A_398, %mul3A_399 : vector<16xf32>
    %mul3A_401 = arith.mulf %add3A_379, %sub3A_382 : vector<16xf32>
    %mul3A_402 = arith.mulf %sub3A_382, %add3A_379 : vector<16xf32>
    %add3A_403 = arith.addf %mul3A_401, %mul3A_402 : vector<16xf32>
    %mul3A_404 = arith.mulf %sub3A_382, %sub3A_382 : vector<16xf32>
    %mul3A_405 = arith.mulf %add3A_379, %add3A_379 : vector<16xf32>
    %sub3A_406 = arith.subf %mul3A_404, %mul3A_405 : vector<16xf32>
    %mul3A_407 = arith.mulf %add3A_385, %sub3A_388 : vector<16xf32>
    %mul3A_408 = arith.mulf %sub3A_388, %add3A_385 : vector<16xf32>
    %add3A_409 = arith.addf %mul3A_407, %mul3A_408 : vector<16xf32>
    %mul3A_410 = arith.mulf %sub3A_388, %sub3A_388 : vector<16xf32>
    %mul3A_411 = arith.mulf %add3A_385, %add3A_385 : vector<16xf32>
    %sub3A_412 = arith.subf %mul3A_410, %mul3A_411 : vector<16xf32>
    %mul3A_413 = arith.mulf %add3A_391, %sub3A_394 : vector<16xf32>
    %mul3A_414 = arith.mulf %sub3A_394, %add3A_391 : vector<16xf32>
    %add3A_415 = arith.addf %mul3A_413, %mul3A_414 : vector<16xf32>
    %mul3A_416 = arith.mulf %sub3A_394, %sub3A_394 : vector<16xf32>
    %mul3A_417 = arith.mulf %add3A_391, %add3A_391 : vector<16xf32>
    %sub3A_418 = arith.subf %mul3A_416, %mul3A_417 : vector<16xf32>
    %mul3A_419 = arith.mulf %add3A_397, %sub3A_400 : vector<16xf32>
    %mul3A_420 = arith.mulf %sub3A_400, %add3A_397 : vector<16xf32>
    %add3A_421 = arith.addf %mul3A_419, %mul3A_420 : vector<16xf32>
    %mul3A_422 = arith.mulf %sub3A_400, %sub3A_400 : vector<16xf32>
    %mul3A_423 = arith.mulf %add3A_397, %add3A_397 : vector<16xf32>
    %sub3A_424 = arith.subf %mul3A_422, %mul3A_423 : vector<16xf32>
    %mul3A_425 = arith.mulf %add3A_403, %sub3A_406 : vector<16xf32>
    %mul3A_426 = arith.mulf %sub3A_406, %add3A_403 : vector<16xf32>
    %add3A_427 = arith.addf %mul3A_425, %mul3A_426 : vector<16xf32>
    %mul3A_428 = arith.mulf %sub3A_406, %sub3A_406 : vector<16xf32>
    %mul3A_429 = arith.mulf %add3A_403, %add3A_403 : vector<16xf32>
    %sub3A_430 = arith.subf %mul3A_428, %mul3A_429 : vector<16xf32>
    %mul3A_431 = arith.mulf %add3A_409, %sub3A_412 : vector<16xf32>
    %mul3A_432 = arith.mulf %sub3A_412, %add3A_409 : vector<16xf32>
    %add3A_433 = arith.addf %mul3A_431, %mul3A_432 : vector<16xf32>
    %mul3A_434 = arith.mulf %sub3A_412, %sub3A_412 : vector<16xf32>
    %mul3A_435 = arith.mulf %add3A_409, %add3A_409 : vector<16xf32>
    %sub3A_436 = arith.subf %mul3A_434, %mul3A_435 : vector<16xf32>
    %mul3A_437 = arith.mulf %add3A_415, %sub3A_418 : vector<16xf32>
    %mul3A_438 = arith.mulf %sub3A_418, %add3A_415 : vector<16xf32>
    %add3A_439 = arith.addf %mul3A_437, %mul3A_438 : vector<16xf32>
    %mul3A_440 = arith.mulf %sub3A_418, %sub3A_418 : vector<16xf32>
    %mul3A_441 = arith.mulf %add3A_415, %add3A_415 : vector<16xf32>
    %sub3A_442 = arith.subf %mul3A_440, %mul3A_441 : vector<16xf32>
    %mul3A_443 = arith.mulf %add3A_421, %sub3A_424 : vector<16xf32>
    %mul3A_444 = arith.mulf %sub3A_424, %add3A_421 : vector<16xf32>
    %add3A_445 = arith.addf %mul3A_443, %mul3A_444 : vector<16xf32>
    %mul3A_446 = arith.mulf %sub3A_424, %sub3A_424 : vector<16xf32>
    %mul3A_447 = arith.mulf %add3A_421, %add3A_421 : vector<16xf32>
    %sub3A_448 = arith.subf %mul3A_446, %mul3A_447 : vector<16xf32>
    %mul3A_449 = arith.mulf %add3A_427, %sub3A_430 : vector<16xf32>
    %mul3A_450 = arith.mulf %sub3A_430, %add3A_427 : vector<16xf32>
    %add3A_451 = arith.addf %mul3A_449, %mul3A_450 : vector<16xf32>
    %mul3A_452 = arith.mulf %sub3A_430, %sub3A_430 : vector<16xf32>
    %mul3A_453 = arith.mulf %add3A_427, %add3A_427 : vector<16xf32>
    %sub3A_454 = arith.subf %mul3A_452, %mul3A_453 : vector<16xf32>
    %mul3A_455 = arith.mulf %add3A_433, %sub3A_436 : vector<16xf32>
    %mul3A_456 = arith.mulf %sub3A_436, %add3A_433 : vector<16xf32>
    %add3A_457 = arith.addf %mul3A_455, %mul3A_456 : vector<16xf32>
    %mul3A_458 = arith.mulf %sub3A_436, %sub3A_436 : vector<16xf32>
    %mul3A_459 = arith.mulf %add3A_433, %add3A_433 : vector<16xf32>
    %sub3A_460 = arith.subf %mul3A_458, %mul3A_459 : vector<16xf32>
    %mul3A_461 = arith.mulf %add3A_439, %sub3A_442 : vector<16xf32>
    %mul3A_462 = arith.mulf %sub3A_442, %add3A_439 : vector<16xf32>
    %add3A_463 = arith.addf %mul3A_461, %mul3A_462 : vector<16xf32>
    %mul3A_464 = arith.mulf %sub3A_442, %sub3A_442 : vector<16xf32>
    %mul3A_465 = arith.mulf %add3A_439, %add3A_439 : vector<16xf32>
    %sub3A_466 = arith.subf %mul3A_464, %mul3A_465 : vector<16xf32>
    %mul3A_467 = arith.mulf %add3A_445, %sub3A_448 : vector<16xf32>
    %mul3A_468 = arith.mulf %sub3A_448, %add3A_445 : vector<16xf32>
    %add3A_469 = arith.addf %mul3A_467, %mul3A_468 : vector<16xf32>
    %mul3A_470 = arith.mulf %sub3A_448, %sub3A_448 : vector<16xf32>
    %mul3A_471 = arith.mulf %add3A_445, %add3A_445 : vector<16xf32>
    %sub3A_472 = arith.subf %mul3A_470, %mul3A_471 : vector<16xf32>
    %mul3A_473 = arith.mulf %add3A_451, %sub3A_454 : vector<16xf32>
    %mul3A_474 = arith.mulf %sub3A_454, %add3A_451 : vector<16xf32>
    %add3A_475 = arith.addf %mul3A_473, %mul3A_474 : vector<16xf32>
    %mul3A_476 = arith.mulf %sub3A_454, %sub3A_454 : vector<16xf32>
    %mul3A_477 = arith.mulf %add3A_451, %add3A_451 : vector<16xf32>
    %sub3A_478 = arith.subf %mul3A_476, %mul3A_477 : vector<16xf32>
    %mul3A_479 = arith.mulf %add3A_457, %sub3A_460 : vector<16xf32>
    %mul3A_480 = arith.mulf %sub3A_460, %add3A_457 : vector<16xf32>
    %add3A_481 = arith.addf %mul3A_479, %mul3A_480 : vector<16xf32>
    %mul3A_482 = arith.mulf %sub3A_460, %sub3A_460 : vector<16xf32>
    %mul3A_483 = arith.mulf %add3A_457, %add3A_457 : vector<16xf32>
    %sub3A_484 = arith.subf %mul3A_482, %mul3A_483 : vector<16xf32>
    %mul3A_485 = arith.mulf %add3A_463, %sub3A_466 : vector<16xf32>
    %mul3A_486 = arith.mulf %sub3A_466, %add3A_463 : vector<16xf32>
    %add3A_487 = arith.addf %mul3A_485, %mul3A_486 : vector<16xf32>
    %mul3A_488 = arith.mulf %sub3A_466, %sub3A_466 : vector<16xf32>
    %mul3A_489 = arith.mulf %add3A_463, %add3A_463 : vector<16xf32>
    %sub3A_490 = arith.subf %mul3A_488, %mul3A_489 : vector<16xf32>
    %mul3A_491 = arith.mulf %add3A_469, %sub3A_472 : vector<16xf32>
    %mul3A_492 = arith.mulf %sub3A_472, %add3A_469 : vector<16xf32>
    %add3A_493 = arith.addf %mul3A_491, %mul3A_492 : vector<16xf32>
    %mul3A_494 = arith.mulf %sub3A_472, %sub3A_472 : vector<16xf32>
    %mul3A_495 = arith.mulf %add3A_469, %add3A_469 : vector<16xf32>
    %sub3A_496 = arith.subf %mul3A_494, %mul3A_495 : vector<16xf32>
    %broadcast_in_dim3A = arith.constant 0.000000e+00 : f32
    %broadcast_in_dim3A_497 = vector.broadcast %broadcast_in_dim3A : f32 to vector<16xf32>
    %broadcast_in_dim3A_498 = arith.constant 0.000000e+00 : f32
    %broadcast_in_dim3A_499 = vector.broadcast %broadcast_in_dim3A_498 : f32 to vector<16xf32>
    %broadcast_in_dim3A_500 = arith.constant 0.000000e+00 : f32
    %broadcast_in_dim3A_501 = vector.broadcast %broadcast_in_dim3A_500 : f32 to vector<16xf32>
    %broadcast_in_dim3A_502 = arith.constant 0.000000e+00 : f32
    %broadcast_in_dim3A_503 = vector.broadcast %broadcast_in_dim3A_502 : f32 to vector<16xf32>
    %broadcast_in_dim3A_504 = arith.constant 1.000000e+00 : f32
    %broadcast_in_dim3A_505 = vector.broadcast %broadcast_in_dim3A_504 : f32 to vector<16xf32>
    %broadcast_in_dim3A_506 = arith.constant 1.000000e+00 : f32
    %broadcast_in_dim3A_507 = vector.broadcast %broadcast_in_dim3A_506 : f32 to vector<16xf32>
    %broadcast_in_dim3A_508 = arith.constant 1.000000e+00 : f32
    %broadcast_in_dim3A_509 = vector.broadcast %broadcast_in_dim3A_508 : f32 to vector<16xf32>
    %broadcast_in_dim3A_510 = arith.constant 1.000000e+00 : f32
    %broadcast_in_dim3A_511 = vector.broadcast %broadcast_in_dim3A_510 : f32 to vector<16xf32>
    %shift_right_arithmetic3A = arith.constant 0 : i32
    %shift_right_arithmetic3A_512 = arith.shrsi %add3A, %shift_right_arithmetic3A : i32
    %and3A = arith.constant 1 : i32
    %and3A_513 = arith.andi %shift_right_arithmetic3A_512, %and3A : i32
    %convert_element_type3A_514 = arith.sitofp %and3A_513 : i32 to f32
    %broadcast_in_dim3A_515 = arith.constant 1.000000e+00 : f32
    %broadcast_in_dim3A_516 = vector.broadcast %broadcast_in_dim3A_515 : f32 to vector<16xf32>
    %mul3A_517 = vector.broadcast %convert_element_type3A_514 : f32 to vector<16xf32>
    %mul3A_518 = arith.mulf %broadcast_in_dim3A_516, %mul3A_517 : vector<16xf32>
    %mul3A_519 = arith.mulf %broadcast_in_dim3A_497, %sub3A_478 : vector<16xf32>
    %mul3A_520 = arith.mulf %broadcast_in_dim3A_505, %add3A_475 : vector<16xf32>
    %add3A_521 = arith.addf %mul3A_519, %mul3A_520 : vector<16xf32>
    %mul3A_522 = arith.mulf %broadcast_in_dim3A_505, %sub3A_478 : vector<16xf32>
    %mul3A_523 = arith.mulf %broadcast_in_dim3A_497, %add3A_475 : vector<16xf32>
    %sub3A_524 = arith.subf %mul3A_522, %mul3A_523 : vector<16xf32>
    %sub3A_525 = arith.subf %add3A_521, %broadcast_in_dim3A_497 : vector<16xf32>
    %mul3A_526 = arith.mulf %mul3A_518, %sub3A_525 : vector<16xf32>
    %add3A_527 = arith.addf %broadcast_in_dim3A_497, %mul3A_526 : vector<16xf32>
    %sub3A_528 = arith.subf %sub3A_524, %broadcast_in_dim3A_505 : vector<16xf32>
    %mul3A_529 = arith.mulf %mul3A_518, %sub3A_528 : vector<16xf32>
    %add3A_530 = arith.addf %broadcast_in_dim3A_505, %mul3A_529 : vector<16xf32>
    %mul3A_531 = arith.mulf %broadcast_in_dim3A_499, %sub3A_484 : vector<16xf32>
    %mul3A_532 = arith.mulf %broadcast_in_dim3A_507, %add3A_481 : vector<16xf32>
    %add3A_533 = arith.addf %mul3A_531, %mul3A_532 : vector<16xf32>
    %mul3A_534 = arith.mulf %broadcast_in_dim3A_507, %sub3A_484 : vector<16xf32>
    %mul3A_535 = arith.mulf %broadcast_in_dim3A_499, %add3A_481 : vector<16xf32>
    %sub3A_536 = arith.subf %mul3A_534, %mul3A_535 : vector<16xf32>
    %sub3A_537 = arith.subf %add3A_533, %broadcast_in_dim3A_499 : vector<16xf32>
    %mul3A_538 = arith.mulf %mul3A_518, %sub3A_537 : vector<16xf32>
    %add3A_539 = arith.addf %broadcast_in_dim3A_499, %mul3A_538 : vector<16xf32>
    %sub3A_540 = arith.subf %sub3A_536, %broadcast_in_dim3A_507 : vector<16xf32>
    %mul3A_541 = arith.mulf %mul3A_518, %sub3A_540 : vector<16xf32>
    %add3A_542 = arith.addf %broadcast_in_dim3A_507, %mul3A_541 : vector<16xf32>
    %mul3A_543 = arith.mulf %broadcast_in_dim3A_501, %sub3A_490 : vector<16xf32>
    %mul3A_544 = arith.mulf %broadcast_in_dim3A_509, %add3A_487 : vector<16xf32>
    %add3A_545 = arith.addf %mul3A_543, %mul3A_544 : vector<16xf32>
    %mul3A_546 = arith.mulf %broadcast_in_dim3A_509, %sub3A_490 : vector<16xf32>
    %mul3A_547 = arith.mulf %broadcast_in_dim3A_501, %add3A_487 : vector<16xf32>
    %sub3A_548 = arith.subf %mul3A_546, %mul3A_547 : vector<16xf32>
    %sub3A_549 = arith.subf %add3A_545, %broadcast_in_dim3A_501 : vector<16xf32>
    %mul3A_550 = arith.mulf %mul3A_518, %sub3A_549 : vector<16xf32>
    %add3A_551 = arith.addf %broadcast_in_dim3A_501, %mul3A_550 : vector<16xf32>
    %sub3A_552 = arith.subf %sub3A_548, %broadcast_in_dim3A_509 : vector<16xf32>
    %mul3A_553 = arith.mulf %mul3A_518, %sub3A_552 : vector<16xf32>
    %add3A_554 = arith.addf %broadcast_in_dim3A_509, %mul3A_553 : vector<16xf32>
    %mul3A_555 = arith.mulf %broadcast_in_dim3A_503, %sub3A_496 : vector<16xf32>
    %mul3A_556 = arith.mulf %broadcast_in_dim3A_511, %add3A_493 : vector<16xf32>
    %add3A_557 = arith.addf %mul3A_555, %mul3A_556 : vector<16xf32>
    %mul3A_558 = arith.mulf %broadcast_in_dim3A_511, %sub3A_496 : vector<16xf32>
    %mul3A_559 = arith.mulf %broadcast_in_dim3A_503, %add3A_493 : vector<16xf32>
    %sub3A_560 = arith.subf %mul3A_558, %mul3A_559 : vector<16xf32>
    %sub3A_561 = arith.subf %add3A_557, %broadcast_in_dim3A_503 : vector<16xf32>
    %mul3A_562 = arith.mulf %mul3A_518, %sub3A_561 : vector<16xf32>
    %add3A_563 = arith.addf %broadcast_in_dim3A_503, %mul3A_562 : vector<16xf32>
    %sub3A_564 = arith.subf %sub3A_560, %broadcast_in_dim3A_511 : vector<16xf32>
    %mul3A_565 = arith.mulf %mul3A_518, %sub3A_564 : vector<16xf32>
    %add3A_566 = arith.addf %broadcast_in_dim3A_511, %mul3A_565 : vector<16xf32>
    %mul3A_567 = arith.mulf %add3A_475, %sub3A_478 : vector<16xf32>
    %mul3A_568 = arith.mulf %sub3A_478, %add3A_475 : vector<16xf32>
    %add3A_569 = arith.addf %mul3A_567, %mul3A_568 : vector<16xf32>
    %mul3A_570 = arith.mulf %sub3A_478, %sub3A_478 : vector<16xf32>
    %mul3A_571 = arith.mulf %add3A_475, %add3A_475 : vector<16xf32>
    %sub3A_572 = arith.subf %mul3A_570, %mul3A_571 : vector<16xf32>
    %mul3A_573 = arith.mulf %add3A_481, %sub3A_484 : vector<16xf32>
    %mul3A_574 = arith.mulf %sub3A_484, %add3A_481 : vector<16xf32>
    %add3A_575 = arith.addf %mul3A_573, %mul3A_574 : vector<16xf32>
    %mul3A_576 = arith.mulf %sub3A_484, %sub3A_484 : vector<16xf32>
    %mul3A_577 = arith.mulf %add3A_481, %add3A_481 : vector<16xf32>
    %sub3A_578 = arith.subf %mul3A_576, %mul3A_577 : vector<16xf32>
    %mul3A_579 = arith.mulf %add3A_487, %sub3A_490 : vector<16xf32>
    %mul3A_580 = arith.mulf %sub3A_490, %add3A_487 : vector<16xf32>
    %add3A_581 = arith.addf %mul3A_579, %mul3A_580 : vector<16xf32>
    %mul3A_582 = arith.mulf %sub3A_490, %sub3A_490 : vector<16xf32>
    %mul3A_583 = arith.mulf %add3A_487, %add3A_487 : vector<16xf32>
    %sub3A_584 = arith.subf %mul3A_582, %mul3A_583 : vector<16xf32>
    %mul3A_585 = arith.mulf %add3A_493, %sub3A_496 : vector<16xf32>
    %mul3A_586 = arith.mulf %sub3A_496, %add3A_493 : vector<16xf32>
    %add3A_587 = arith.addf %mul3A_585, %mul3A_586 : vector<16xf32>
    %mul3A_588 = arith.mulf %sub3A_496, %sub3A_496 : vector<16xf32>
    %mul3A_589 = arith.mulf %add3A_493, %add3A_493 : vector<16xf32>
    %sub3A_590 = arith.subf %mul3A_588, %mul3A_589 : vector<16xf32>
    %shift_right_arithmetic3A_591 = arith.constant 1 : i32
    %shift_right_arithmetic3A_592 = arith.shrsi %add3A, %shift_right_arithmetic3A_591 : i32
    %and3A_593 = arith.constant 1 : i32
    %and3A_594 = arith.andi %shift_right_arithmetic3A_592, %and3A_593 : i32
    %convert_element_type3A_595 = arith.sitofp %and3A_594 : i32 to f32
    %broadcast_in_dim3A_596 = arith.constant 1.000000e+00 : f32
    %broadcast_in_dim3A_597 = vector.broadcast %broadcast_in_dim3A_596 : f32 to vector<16xf32>
    %mul3A_598 = vector.broadcast %convert_element_type3A_595 : f32 to vector<16xf32>
    %mul3A_599 = arith.mulf %broadcast_in_dim3A_597, %mul3A_598 : vector<16xf32>
    %mul3A_600 = arith.mulf %add3A_527, %sub3A_572 : vector<16xf32>
    %mul3A_601 = arith.mulf %add3A_530, %add3A_569 : vector<16xf32>
    %add3A_602 = arith.addf %mul3A_600, %mul3A_601 : vector<16xf32>
    %mul3A_603 = arith.mulf %add3A_530, %sub3A_572 : vector<16xf32>
    %mul3A_604 = arith.mulf %add3A_527, %add3A_569 : vector<16xf32>
    %sub3A_605 = arith.subf %mul3A_603, %mul3A_604 : vector<16xf32>
    %sub3A_606 = arith.subf %add3A_602, %add3A_527 : vector<16xf32>
    %mul3A_607 = arith.mulf %mul3A_599, %sub3A_606 : vector<16xf32>
    %add3A_608 = arith.addf %add3A_527, %mul3A_607 : vector<16xf32>
    %sub3A_609 = arith.subf %sub3A_605, %add3A_530 : vector<16xf32>
    %mul3A_610 = arith.mulf %mul3A_599, %sub3A_609 : vector<16xf32>
    %add3A_611 = arith.addf %add3A_530, %mul3A_610 : vector<16xf32>
    %mul3A_612 = arith.mulf %add3A_539, %sub3A_578 : vector<16xf32>
    %mul3A_613 = arith.mulf %add3A_542, %add3A_575 : vector<16xf32>
    %add3A_614 = arith.addf %mul3A_612, %mul3A_613 : vector<16xf32>
    %mul3A_615 = arith.mulf %add3A_542, %sub3A_578 : vector<16xf32>
    %mul3A_616 = arith.mulf %add3A_539, %add3A_575 : vector<16xf32>
    %sub3A_617 = arith.subf %mul3A_615, %mul3A_616 : vector<16xf32>
    %sub3A_618 = arith.subf %add3A_614, %add3A_539 : vector<16xf32>
    %mul3A_619 = arith.mulf %mul3A_599, %sub3A_618 : vector<16xf32>
    %add3A_620 = arith.addf %add3A_539, %mul3A_619 : vector<16xf32>
    %sub3A_621 = arith.subf %sub3A_617, %add3A_542 : vector<16xf32>
    %mul3A_622 = arith.mulf %mul3A_599, %sub3A_621 : vector<16xf32>
    %add3A_623 = arith.addf %add3A_542, %mul3A_622 : vector<16xf32>
    %mul3A_624 = arith.mulf %add3A_551, %sub3A_584 : vector<16xf32>
    %mul3A_625 = arith.mulf %add3A_554, %add3A_581 : vector<16xf32>
    %add3A_626 = arith.addf %mul3A_624, %mul3A_625 : vector<16xf32>
    %mul3A_627 = arith.mulf %add3A_554, %sub3A_584 : vector<16xf32>
    %mul3A_628 = arith.mulf %add3A_551, %add3A_581 : vector<16xf32>
    %sub3A_629 = arith.subf %mul3A_627, %mul3A_628 : vector<16xf32>
    %sub3A_630 = arith.subf %add3A_626, %add3A_551 : vector<16xf32>
    %mul3A_631 = arith.mulf %mul3A_599, %sub3A_630 : vector<16xf32>
    %add3A_632 = arith.addf %add3A_551, %mul3A_631 : vector<16xf32>
    %sub3A_633 = arith.subf %sub3A_629, %add3A_554 : vector<16xf32>
    %mul3A_634 = arith.mulf %mul3A_599, %sub3A_633 : vector<16xf32>
    %add3A_635 = arith.addf %add3A_554, %mul3A_634 : vector<16xf32>
    %mul3A_636 = arith.mulf %add3A_563, %sub3A_590 : vector<16xf32>
    %mul3A_637 = arith.mulf %add3A_566, %add3A_587 : vector<16xf32>
    %add3A_638 = arith.addf %mul3A_636, %mul3A_637 : vector<16xf32>
    %mul3A_639 = arith.mulf %add3A_566, %sub3A_590 : vector<16xf32>
    %mul3A_640 = arith.mulf %add3A_563, %add3A_587 : vector<16xf32>
    %sub3A_641 = arith.subf %mul3A_639, %mul3A_640 : vector<16xf32>
    %sub3A_642 = arith.subf %add3A_638, %add3A_563 : vector<16xf32>
    %mul3A_643 = arith.mulf %mul3A_599, %sub3A_642 : vector<16xf32>
    %add3A_644 = arith.addf %add3A_563, %mul3A_643 : vector<16xf32>
    %sub3A_645 = arith.subf %sub3A_641, %add3A_566 : vector<16xf32>
    %mul3A_646 = arith.mulf %mul3A_599, %sub3A_645 : vector<16xf32>
    %add3A_647 = arith.addf %add3A_566, %mul3A_646 : vector<16xf32>
    %mul3A_648 = arith.mulf %add3A_569, %sub3A_572 : vector<16xf32>
    %mul3A_649 = arith.mulf %sub3A_572, %add3A_569 : vector<16xf32>
    %add3A_650 = arith.addf %mul3A_648, %mul3A_649 : vector<16xf32>
    %mul3A_651 = arith.mulf %sub3A_572, %sub3A_572 : vector<16xf32>
    %mul3A_652 = arith.mulf %add3A_569, %add3A_569 : vector<16xf32>
    %sub3A_653 = arith.subf %mul3A_651, %mul3A_652 : vector<16xf32>
    %mul3A_654 = arith.mulf %add3A_575, %sub3A_578 : vector<16xf32>
    %mul3A_655 = arith.mulf %sub3A_578, %add3A_575 : vector<16xf32>
    %add3A_656 = arith.addf %mul3A_654, %mul3A_655 : vector<16xf32>
    %mul3A_657 = arith.mulf %sub3A_578, %sub3A_578 : vector<16xf32>
    %mul3A_658 = arith.mulf %add3A_575, %add3A_575 : vector<16xf32>
    %sub3A_659 = arith.subf %mul3A_657, %mul3A_658 : vector<16xf32>
    %mul3A_660 = arith.mulf %add3A_581, %sub3A_584 : vector<16xf32>
    %mul3A_661 = arith.mulf %sub3A_584, %add3A_581 : vector<16xf32>
    %add3A_662 = arith.addf %mul3A_660, %mul3A_661 : vector<16xf32>
    %mul3A_663 = arith.mulf %sub3A_584, %sub3A_584 : vector<16xf32>
    %mul3A_664 = arith.mulf %add3A_581, %add3A_581 : vector<16xf32>
    %sub3A_665 = arith.subf %mul3A_663, %mul3A_664 : vector<16xf32>
    %mul3A_666 = arith.mulf %add3A_587, %sub3A_590 : vector<16xf32>
    %mul3A_667 = arith.mulf %sub3A_590, %add3A_587 : vector<16xf32>
    %add3A_668 = arith.addf %mul3A_666, %mul3A_667 : vector<16xf32>
    %mul3A_669 = arith.mulf %sub3A_590, %sub3A_590 : vector<16xf32>
    %mul3A_670 = arith.mulf %add3A_587, %add3A_587 : vector<16xf32>
    %sub3A_671 = arith.subf %mul3A_669, %mul3A_670 : vector<16xf32>
    %shift_right_arithmetic3A_672 = arith.constant 2 : i32
    %shift_right_arithmetic3A_673 = arith.shrsi %add3A, %shift_right_arithmetic3A_672 : i32
    %and3A_674 = arith.constant 1 : i32
    %and3A_675 = arith.andi %shift_right_arithmetic3A_673, %and3A_674 : i32
    %convert_element_type3A_676 = arith.sitofp %and3A_675 : i32 to f32
    %broadcast_in_dim3A_677 = arith.constant 1.000000e+00 : f32
    %broadcast_in_dim3A_678 = vector.broadcast %broadcast_in_dim3A_677 : f32 to vector<16xf32>
    %mul3A_679 = vector.broadcast %convert_element_type3A_676 : f32 to vector<16xf32>
    %mul3A_680 = arith.mulf %broadcast_in_dim3A_678, %mul3A_679 : vector<16xf32>
    %mul3A_681 = arith.mulf %add3A_608, %sub3A_653 : vector<16xf32>
    %mul3A_682 = arith.mulf %add3A_611, %add3A_650 : vector<16xf32>
    %add3A_683 = arith.addf %mul3A_681, %mul3A_682 : vector<16xf32>
    %mul3A_684 = arith.mulf %add3A_611, %sub3A_653 : vector<16xf32>
    %mul3A_685 = arith.mulf %add3A_608, %add3A_650 : vector<16xf32>
    %sub3A_686 = arith.subf %mul3A_684, %mul3A_685 : vector<16xf32>
    %sub3A_687 = arith.subf %add3A_683, %add3A_608 : vector<16xf32>
    %mul3A_688 = arith.mulf %mul3A_680, %sub3A_687 : vector<16xf32>
    %add3A_689 = arith.addf %add3A_608, %mul3A_688 : vector<16xf32>
    %sub3A_690 = arith.subf %sub3A_686, %add3A_611 : vector<16xf32>
    %mul3A_691 = arith.mulf %mul3A_680, %sub3A_690 : vector<16xf32>
    %add3A_692 = arith.addf %add3A_611, %mul3A_691 : vector<16xf32>
    %mul3A_693 = arith.mulf %add3A_620, %sub3A_659 : vector<16xf32>
    %mul3A_694 = arith.mulf %add3A_623, %add3A_656 : vector<16xf32>
    %add3A_695 = arith.addf %mul3A_693, %mul3A_694 : vector<16xf32>
    %mul3A_696 = arith.mulf %add3A_623, %sub3A_659 : vector<16xf32>
    %mul3A_697 = arith.mulf %add3A_620, %add3A_656 : vector<16xf32>
    %sub3A_698 = arith.subf %mul3A_696, %mul3A_697 : vector<16xf32>
    %sub3A_699 = arith.subf %add3A_695, %add3A_620 : vector<16xf32>
    %mul3A_700 = arith.mulf %mul3A_680, %sub3A_699 : vector<16xf32>
    %add3A_701 = arith.addf %add3A_620, %mul3A_700 : vector<16xf32>
    %sub3A_702 = arith.subf %sub3A_698, %add3A_623 : vector<16xf32>
    %mul3A_703 = arith.mulf %mul3A_680, %sub3A_702 : vector<16xf32>
    %add3A_704 = arith.addf %add3A_623, %mul3A_703 : vector<16xf32>
    %mul3A_705 = arith.mulf %add3A_632, %sub3A_665 : vector<16xf32>
    %mul3A_706 = arith.mulf %add3A_635, %add3A_662 : vector<16xf32>
    %add3A_707 = arith.addf %mul3A_705, %mul3A_706 : vector<16xf32>
    %mul3A_708 = arith.mulf %add3A_635, %sub3A_665 : vector<16xf32>
    %mul3A_709 = arith.mulf %add3A_632, %add3A_662 : vector<16xf32>
    %sub3A_710 = arith.subf %mul3A_708, %mul3A_709 : vector<16xf32>
    %sub3A_711 = arith.subf %add3A_707, %add3A_632 : vector<16xf32>
    %mul3A_712 = arith.mulf %mul3A_680, %sub3A_711 : vector<16xf32>
    %add3A_713 = arith.addf %add3A_632, %mul3A_712 : vector<16xf32>
    %sub3A_714 = arith.subf %sub3A_710, %add3A_635 : vector<16xf32>
    %mul3A_715 = arith.mulf %mul3A_680, %sub3A_714 : vector<16xf32>
    %add3A_716 = arith.addf %add3A_635, %mul3A_715 : vector<16xf32>
    %mul3A_717 = arith.mulf %add3A_644, %sub3A_671 : vector<16xf32>
    %mul3A_718 = arith.mulf %add3A_647, %add3A_668 : vector<16xf32>
    %add3A_719 = arith.addf %mul3A_717, %mul3A_718 : vector<16xf32>
    %mul3A_720 = arith.mulf %add3A_647, %sub3A_671 : vector<16xf32>
    %mul3A_721 = arith.mulf %add3A_644, %add3A_668 : vector<16xf32>
    %sub3A_722 = arith.subf %mul3A_720, %mul3A_721 : vector<16xf32>
    %sub3A_723 = arith.subf %add3A_719, %add3A_644 : vector<16xf32>
    %mul3A_724 = arith.mulf %mul3A_680, %sub3A_723 : vector<16xf32>
    %add3A_725 = arith.addf %add3A_644, %mul3A_724 : vector<16xf32>
    %sub3A_726 = arith.subf %sub3A_722, %add3A_647 : vector<16xf32>
    %mul3A_727 = arith.mulf %mul3A_680, %sub3A_726 : vector<16xf32>
    %add3A_728 = arith.addf %add3A_647, %mul3A_727 : vector<16xf32>
    %mul3A_729 = arith.mulf %add3A_650, %sub3A_653 : vector<16xf32>
    %mul3A_730 = arith.mulf %sub3A_653, %add3A_650 : vector<16xf32>
    %add3A_731 = arith.addf %mul3A_729, %mul3A_730 : vector<16xf32>
    %mul3A_732 = arith.mulf %sub3A_653, %sub3A_653 : vector<16xf32>
    %mul3A_733 = arith.mulf %add3A_650, %add3A_650 : vector<16xf32>
    %sub3A_734 = arith.subf %mul3A_732, %mul3A_733 : vector<16xf32>
    %mul3A_735 = arith.mulf %add3A_656, %sub3A_659 : vector<16xf32>
    %mul3A_736 = arith.mulf %sub3A_659, %add3A_656 : vector<16xf32>
    %add3A_737 = arith.addf %mul3A_735, %mul3A_736 : vector<16xf32>
    %mul3A_738 = arith.mulf %sub3A_659, %sub3A_659 : vector<16xf32>
    %mul3A_739 = arith.mulf %add3A_656, %add3A_656 : vector<16xf32>
    %sub3A_740 = arith.subf %mul3A_738, %mul3A_739 : vector<16xf32>
    %mul3A_741 = arith.mulf %add3A_662, %sub3A_665 : vector<16xf32>
    %mul3A_742 = arith.mulf %sub3A_665, %add3A_662 : vector<16xf32>
    %add3A_743 = arith.addf %mul3A_741, %mul3A_742 : vector<16xf32>
    %mul3A_744 = arith.mulf %sub3A_665, %sub3A_665 : vector<16xf32>
    %mul3A_745 = arith.mulf %add3A_662, %add3A_662 : vector<16xf32>
    %sub3A_746 = arith.subf %mul3A_744, %mul3A_745 : vector<16xf32>
    %mul3A_747 = arith.mulf %add3A_668, %sub3A_671 : vector<16xf32>
    %mul3A_748 = arith.mulf %sub3A_671, %add3A_668 : vector<16xf32>
    %add3A_749 = arith.addf %mul3A_747, %mul3A_748 : vector<16xf32>
    %mul3A_750 = arith.mulf %sub3A_671, %sub3A_671 : vector<16xf32>
    %mul3A_751 = arith.mulf %add3A_668, %add3A_668 : vector<16xf32>
    %sub3A_752 = arith.subf %mul3A_750, %mul3A_751 : vector<16xf32>
    %shift_right_arithmetic3A_753 = arith.constant 3 : i32
    %shift_right_arithmetic3A_754 = arith.shrsi %add3A, %shift_right_arithmetic3A_753 : i32
    %and3A_755 = arith.constant 1 : i32
    %and3A_756 = arith.andi %shift_right_arithmetic3A_754, %and3A_755 : i32
    %convert_element_type3A_757 = arith.sitofp %and3A_756 : i32 to f32
    %broadcast_in_dim3A_758 = arith.constant 1.000000e+00 : f32
    %broadcast_in_dim3A_759 = vector.broadcast %broadcast_in_dim3A_758 : f32 to vector<16xf32>
    %mul3A_760 = vector.broadcast %convert_element_type3A_757 : f32 to vector<16xf32>
    %mul3A_761 = arith.mulf %broadcast_in_dim3A_759, %mul3A_760 : vector<16xf32>
    %mul3A_762 = arith.mulf %add3A_689, %sub3A_734 : vector<16xf32>
    %mul3A_763 = arith.mulf %add3A_692, %add3A_731 : vector<16xf32>
    %add3A_764 = arith.addf %mul3A_762, %mul3A_763 : vector<16xf32>
    %mul3A_765 = arith.mulf %add3A_692, %sub3A_734 : vector<16xf32>
    %mul3A_766 = arith.mulf %add3A_689, %add3A_731 : vector<16xf32>
    %sub3A_767 = arith.subf %mul3A_765, %mul3A_766 : vector<16xf32>
    %sub3A_768 = arith.subf %add3A_764, %add3A_689 : vector<16xf32>
    %mul3A_769 = arith.mulf %mul3A_761, %sub3A_768 : vector<16xf32>
    %add3A_770 = arith.addf %add3A_689, %mul3A_769 : vector<16xf32>
    %sub3A_771 = arith.subf %sub3A_767, %add3A_692 : vector<16xf32>
    %mul3A_772 = arith.mulf %mul3A_761, %sub3A_771 : vector<16xf32>
    %add3A_773 = arith.addf %add3A_692, %mul3A_772 : vector<16xf32>
    %mul3A_774 = arith.mulf %add3A_701, %sub3A_740 : vector<16xf32>
    %mul3A_775 = arith.mulf %add3A_704, %add3A_737 : vector<16xf32>
    %add3A_776 = arith.addf %mul3A_774, %mul3A_775 : vector<16xf32>
    %mul3A_777 = arith.mulf %add3A_704, %sub3A_740 : vector<16xf32>
    %mul3A_778 = arith.mulf %add3A_701, %add3A_737 : vector<16xf32>
    %sub3A_779 = arith.subf %mul3A_777, %mul3A_778 : vector<16xf32>
    %sub3A_780 = arith.subf %add3A_776, %add3A_701 : vector<16xf32>
    %mul3A_781 = arith.mulf %mul3A_761, %sub3A_780 : vector<16xf32>
    %add3A_782 = arith.addf %add3A_701, %mul3A_781 : vector<16xf32>
    %sub3A_783 = arith.subf %sub3A_779, %add3A_704 : vector<16xf32>
    %mul3A_784 = arith.mulf %mul3A_761, %sub3A_783 : vector<16xf32>
    %add3A_785 = arith.addf %add3A_704, %mul3A_784 : vector<16xf32>
    %mul3A_786 = arith.mulf %add3A_713, %sub3A_746 : vector<16xf32>
    %mul3A_787 = arith.mulf %add3A_716, %add3A_743 : vector<16xf32>
    %add3A_788 = arith.addf %mul3A_786, %mul3A_787 : vector<16xf32>
    %mul3A_789 = arith.mulf %add3A_716, %sub3A_746 : vector<16xf32>
    %mul3A_790 = arith.mulf %add3A_713, %add3A_743 : vector<16xf32>
    %sub3A_791 = arith.subf %mul3A_789, %mul3A_790 : vector<16xf32>
    %sub3A_792 = arith.subf %add3A_788, %add3A_713 : vector<16xf32>
    %mul3A_793 = arith.mulf %mul3A_761, %sub3A_792 : vector<16xf32>
    %add3A_794 = arith.addf %add3A_713, %mul3A_793 : vector<16xf32>
    %sub3A_795 = arith.subf %sub3A_791, %add3A_716 : vector<16xf32>
    %mul3A_796 = arith.mulf %mul3A_761, %sub3A_795 : vector<16xf32>
    %add3A_797 = arith.addf %add3A_716, %mul3A_796 : vector<16xf32>
    %mul3A_798 = arith.mulf %add3A_725, %sub3A_752 : vector<16xf32>
    %mul3A_799 = arith.mulf %add3A_728, %add3A_749 : vector<16xf32>
    %add3A_800 = arith.addf %mul3A_798, %mul3A_799 : vector<16xf32>
    %mul3A_801 = arith.mulf %add3A_728, %sub3A_752 : vector<16xf32>
    %mul3A_802 = arith.mulf %add3A_725, %add3A_749 : vector<16xf32>
    %sub3A_803 = arith.subf %mul3A_801, %mul3A_802 : vector<16xf32>
    %sub3A_804 = arith.subf %add3A_800, %add3A_725 : vector<16xf32>
    %mul3A_805 = arith.mulf %mul3A_761, %sub3A_804 : vector<16xf32>
    %add3A_806 = arith.addf %add3A_725, %mul3A_805 : vector<16xf32>
    %sub3A_807 = arith.subf %sub3A_803, %add3A_728 : vector<16xf32>
    %mul3A_808 = arith.mulf %mul3A_761, %sub3A_807 : vector<16xf32>
    %add3A_809 = arith.addf %add3A_728, %mul3A_808 : vector<16xf32>
    %mul3A_810 = arith.mulf %add3A_731, %sub3A_734 : vector<16xf32>
    %mul3A_811 = arith.mulf %sub3A_734, %add3A_731 : vector<16xf32>
    %add3A_812 = arith.addf %mul3A_810, %mul3A_811 : vector<16xf32>
    %mul3A_813 = arith.mulf %sub3A_734, %sub3A_734 : vector<16xf32>
    %mul3A_814 = arith.mulf %add3A_731, %add3A_731 : vector<16xf32>
    %sub3A_815 = arith.subf %mul3A_813, %mul3A_814 : vector<16xf32>
    %mul3A_816 = arith.mulf %add3A_737, %sub3A_740 : vector<16xf32>
    %mul3A_817 = arith.mulf %sub3A_740, %add3A_737 : vector<16xf32>
    %add3A_818 = arith.addf %mul3A_816, %mul3A_817 : vector<16xf32>
    %mul3A_819 = arith.mulf %sub3A_740, %sub3A_740 : vector<16xf32>
    %mul3A_820 = arith.mulf %add3A_737, %add3A_737 : vector<16xf32>
    %sub3A_821 = arith.subf %mul3A_819, %mul3A_820 : vector<16xf32>
    %mul3A_822 = arith.mulf %add3A_743, %sub3A_746 : vector<16xf32>
    %mul3A_823 = arith.mulf %sub3A_746, %add3A_743 : vector<16xf32>
    %add3A_824 = arith.addf %mul3A_822, %mul3A_823 : vector<16xf32>
    %mul3A_825 = arith.mulf %sub3A_746, %sub3A_746 : vector<16xf32>
    %mul3A_826 = arith.mulf %add3A_743, %add3A_743 : vector<16xf32>
    %sub3A_827 = arith.subf %mul3A_825, %mul3A_826 : vector<16xf32>
    %mul3A_828 = arith.mulf %add3A_749, %sub3A_752 : vector<16xf32>
    %mul3A_829 = arith.mulf %sub3A_752, %add3A_749 : vector<16xf32>
    %add3A_830 = arith.addf %mul3A_828, %mul3A_829 : vector<16xf32>
    %mul3A_831 = arith.mulf %sub3A_752, %sub3A_752 : vector<16xf32>
    %mul3A_832 = arith.mulf %add3A_749, %add3A_749 : vector<16xf32>
    %sub3A_833 = arith.subf %mul3A_831, %mul3A_832 : vector<16xf32>
    %shift_right_arithmetic3A_834 = arith.constant 4 : i32
    %shift_right_arithmetic3A_835 = arith.shrsi %add3A, %shift_right_arithmetic3A_834 : i32
    %and3A_836 = arith.constant 1 : i32
    %and3A_837 = arith.andi %shift_right_arithmetic3A_835, %and3A_836 : i32
    %convert_element_type3A_838 = arith.sitofp %and3A_837 : i32 to f32
    %broadcast_in_dim3A_839 = arith.constant 1.000000e+00 : f32
    %broadcast_in_dim3A_840 = vector.broadcast %broadcast_in_dim3A_839 : f32 to vector<16xf32>
    %mul3A_841 = vector.broadcast %convert_element_type3A_838 : f32 to vector<16xf32>
    %mul3A_842 = arith.mulf %broadcast_in_dim3A_840, %mul3A_841 : vector<16xf32>
    %mul3A_843 = arith.mulf %add3A_770, %sub3A_815 : vector<16xf32>
    %mul3A_844 = arith.mulf %add3A_773, %add3A_812 : vector<16xf32>
    %add3A_845 = arith.addf %mul3A_843, %mul3A_844 : vector<16xf32>
    %mul3A_846 = arith.mulf %add3A_773, %sub3A_815 : vector<16xf32>
    %mul3A_847 = arith.mulf %add3A_770, %add3A_812 : vector<16xf32>
    %sub3A_848 = arith.subf %mul3A_846, %mul3A_847 : vector<16xf32>
    %sub3A_849 = arith.subf %add3A_845, %add3A_770 : vector<16xf32>
    %mul3A_850 = arith.mulf %mul3A_842, %sub3A_849 : vector<16xf32>
    %add3A_851 = arith.addf %add3A_770, %mul3A_850 : vector<16xf32>
    %sub3A_852 = arith.subf %sub3A_848, %add3A_773 : vector<16xf32>
    %mul3A_853 = arith.mulf %mul3A_842, %sub3A_852 : vector<16xf32>
    %add3A_854 = arith.addf %add3A_773, %mul3A_853 : vector<16xf32>
    %mul3A_855 = arith.mulf %add3A_782, %sub3A_821 : vector<16xf32>
    %mul3A_856 = arith.mulf %add3A_785, %add3A_818 : vector<16xf32>
    %add3A_857 = arith.addf %mul3A_855, %mul3A_856 : vector<16xf32>
    %mul3A_858 = arith.mulf %add3A_785, %sub3A_821 : vector<16xf32>
    %mul3A_859 = arith.mulf %add3A_782, %add3A_818 : vector<16xf32>
    %sub3A_860 = arith.subf %mul3A_858, %mul3A_859 : vector<16xf32>
    %sub3A_861 = arith.subf %add3A_857, %add3A_782 : vector<16xf32>
    %mul3A_862 = arith.mulf %mul3A_842, %sub3A_861 : vector<16xf32>
    %add3A_863 = arith.addf %add3A_782, %mul3A_862 : vector<16xf32>
    %sub3A_864 = arith.subf %sub3A_860, %add3A_785 : vector<16xf32>
    %mul3A_865 = arith.mulf %mul3A_842, %sub3A_864 : vector<16xf32>
    %add3A_866 = arith.addf %add3A_785, %mul3A_865 : vector<16xf32>
    %mul3A_867 = arith.mulf %add3A_794, %sub3A_827 : vector<16xf32>
    %mul3A_868 = arith.mulf %add3A_797, %add3A_824 : vector<16xf32>
    %add3A_869 = arith.addf %mul3A_867, %mul3A_868 : vector<16xf32>
    %mul3A_870 = arith.mulf %add3A_797, %sub3A_827 : vector<16xf32>
    %mul3A_871 = arith.mulf %add3A_794, %add3A_824 : vector<16xf32>
    %sub3A_872 = arith.subf %mul3A_870, %mul3A_871 : vector<16xf32>
    %sub3A_873 = arith.subf %add3A_869, %add3A_794 : vector<16xf32>
    %mul3A_874 = arith.mulf %mul3A_842, %sub3A_873 : vector<16xf32>
    %add3A_875 = arith.addf %add3A_794, %mul3A_874 : vector<16xf32>
    %sub3A_876 = arith.subf %sub3A_872, %add3A_797 : vector<16xf32>
    %mul3A_877 = arith.mulf %mul3A_842, %sub3A_876 : vector<16xf32>
    %add3A_878 = arith.addf %add3A_797, %mul3A_877 : vector<16xf32>
    %mul3A_879 = arith.mulf %add3A_806, %sub3A_833 : vector<16xf32>
    %mul3A_880 = arith.mulf %add3A_809, %add3A_830 : vector<16xf32>
    %add3A_881 = arith.addf %mul3A_879, %mul3A_880 : vector<16xf32>
    %mul3A_882 = arith.mulf %add3A_809, %sub3A_833 : vector<16xf32>
    %mul3A_883 = arith.mulf %add3A_806, %add3A_830 : vector<16xf32>
    %sub3A_884 = arith.subf %mul3A_882, %mul3A_883 : vector<16xf32>
    %sub3A_885 = arith.subf %add3A_881, %add3A_806 : vector<16xf32>
    %mul3A_886 = arith.mulf %mul3A_842, %sub3A_885 : vector<16xf32>
    %add3A_887 = arith.addf %add3A_806, %mul3A_886 : vector<16xf32>
    %sub3A_888 = arith.subf %sub3A_884, %add3A_809 : vector<16xf32>
    %mul3A_889 = arith.mulf %mul3A_842, %sub3A_888 : vector<16xf32>
    %add3A_890 = arith.addf %add3A_809, %mul3A_889 : vector<16xf32>
    %dma_wait3A_891 = arith.constant 0 : i32
    %dma_wait3A_892 = arith.constant 0 : i32
    %dma_wait3A_893 = arith.constant 0 : i32
    %dma_wait3A_894 = tpu.memref_slice %arg6[%dma_wait3A_891, %dma_wait3A_892, %dma_wait3A_893] : memref<4x64x128xf32, #tpu.memory_space<vmem>> -> memref<1x32x128xf32, #tpu.memory_space<vmem>>
    %dma_wait3A_895 = tpu.memref_squeeze %dma_wait3A_894 : memref<1x32x128xf32, #tpu.memory_space<vmem>> -> memref<32x128xf32, #tpu.memory_space<vmem>>
    %dma_wait3A_896 = arith.constant 0 : i32
    %dma_wait3A_897 = tpu.memref_slice %arg5[%dma_wait3A_896] : memref<256xi32, #tpu.memory_space<vmem>> -> memref<32xi32, #tpu.memory_space<vmem>>
    %dma_wait3A_898 = arith.constant 0 : i32
    %dma_wait3A_899 = arith.constant 0 : i32
    %dma_wait3A_900 = tpu.memref_slice %arg3[%dma_wait3A_898, %dma_wait3A_899] : memref<1000000x128xf32, #tpu.memory_space<hbm>> -> memref<1000000x128xf32, #tpu.memory_space<hbm>>
    tpu.wait_indirect_dma semaphore(%arg8 : memref<!tpu.dma_semaphore, #tpu.memory_space<semaphore_mem>>) src(%dma_wait3A_900 : memref<1000000x128xf32, #tpu.memory_space<hbm>>) dst(%dma_wait3A_895 : memref<32x128xf32, #tpu.memory_space<vmem>>)
    %dma_wait3A_901 = arith.constant 1 : i32
    %dma_wait3A_902 = arith.constant 0 : i32
    %dma_wait3A_903 = arith.constant 0 : i32
    %dma_wait3A_904 = tpu.memref_slice %arg6[%dma_wait3A_901, %dma_wait3A_902, %dma_wait3A_903] : memref<4x64x128xf32, #tpu.memory_space<vmem>> -> memref<1x32x128xf32, #tpu.memory_space<vmem>>
    %dma_wait3A_905 = tpu.memref_squeeze %dma_wait3A_904 : memref<1x32x128xf32, #tpu.memory_space<vmem>> -> memref<32x128xf32, #tpu.memory_space<vmem>>
    %dma_wait3A_906 = arith.constant 64 : i32
    %dma_wait3A_907 = tpu.memref_slice %arg5[%dma_wait3A_906] : memref<256xi32, #tpu.memory_space<vmem>> -> memref<32xi32, #tpu.memory_space<vmem>>
    %dma_wait3A_908 = arith.constant 0 : i32
    %dma_wait3A_909 = arith.constant 0 : i32
    %dma_wait3A_910 = tpu.memref_slice %arg3[%dma_wait3A_908, %dma_wait3A_909] : memref<1000000x128xf32, #tpu.memory_space<hbm>> -> memref<1000000x128xf32, #tpu.memory_space<hbm>>
    tpu.wait_indirect_dma semaphore(%arg8 : memref<!tpu.dma_semaphore, #tpu.memory_space<semaphore_mem>>) src(%dma_wait3A_910 : memref<1000000x128xf32, #tpu.memory_space<hbm>>) dst(%dma_wait3A_905 : memref<32x128xf32, #tpu.memory_space<vmem>>)
    %dma_wait3A_911 = arith.constant 2 : i32
    %dma_wait3A_912 = arith.constant 0 : i32
    %dma_wait3A_913 = arith.constant 0 : i32
    %dma_wait3A_914 = tpu.memref_slice %arg6[%dma_wait3A_911, %dma_wait3A_912, %dma_wait3A_913] : memref<4x64x128xf32, #tpu.memory_space<vmem>> -> memref<1x32x128xf32, #tpu.memory_space<vmem>>
    %dma_wait3A_915 = tpu.memref_squeeze %dma_wait3A_914 : memref<1x32x128xf32, #tpu.memory_space<vmem>> -> memref<32x128xf32, #tpu.memory_space<vmem>>
    %dma_wait3A_916 = arith.constant 128 : i32
    %dma_wait3A_917 = tpu.memref_slice %arg5[%dma_wait3A_916] : memref<256xi32, #tpu.memory_space<vmem>> -> memref<32xi32, #tpu.memory_space<vmem>>
    %dma_wait3A_918 = arith.constant 0 : i32
    %dma_wait3A_919 = arith.constant 0 : i32
    %dma_wait3A_920 = tpu.memref_slice %arg3[%dma_wait3A_918, %dma_wait3A_919] : memref<1000000x128xf32, #tpu.memory_space<hbm>> -> memref<1000000x128xf32, #tpu.memory_space<hbm>>
    tpu.wait_indirect_dma semaphore(%arg8 : memref<!tpu.dma_semaphore, #tpu.memory_space<semaphore_mem>>) src(%dma_wait3A_920 : memref<1000000x128xf32, #tpu.memory_space<hbm>>) dst(%dma_wait3A_915 : memref<32x128xf32, #tpu.memory_space<vmem>>)
    %dma_wait3A_921 = arith.constant 3 : i32
    %dma_wait3A_922 = arith.constant 0 : i32
    %dma_wait3A_923 = arith.constant 0 : i32
    %dma_wait3A_924 = tpu.memref_slice %arg6[%dma_wait3A_921, %dma_wait3A_922, %dma_wait3A_923] : memref<4x64x128xf32, #tpu.memory_space<vmem>> -> memref<1x32x128xf32, #tpu.memory_space<vmem>>
    %dma_wait3A_925 = tpu.memref_squeeze %dma_wait3A_924 : memref<1x32x128xf32, #tpu.memory_space<vmem>> -> memref<32x128xf32, #tpu.memory_space<vmem>>
    %dma_wait3A_926 = arith.constant 192 : i32
    %dma_wait3A_927 = tpu.memref_slice %arg5[%dma_wait3A_926] : memref<256xi32, #tpu.memory_space<vmem>> -> memref<32xi32, #tpu.memory_space<vmem>>
    %dma_wait3A_928 = arith.constant 0 : i32
    %dma_wait3A_929 = arith.constant 0 : i32
    %dma_wait3A_930 = tpu.memref_slice %arg3[%dma_wait3A_928, %dma_wait3A_929] : memref<1000000x128xf32, #tpu.memory_space<hbm>> -> memref<1000000x128xf32, #tpu.memory_space<hbm>>
    tpu.wait_indirect_dma semaphore(%arg8 : memref<!tpu.dma_semaphore, #tpu.memory_space<semaphore_mem>>) src(%dma_wait3A_930 : memref<1000000x128xf32, #tpu.memory_space<hbm>>) dst(%dma_wait3A_925 : memref<32x128xf32, #tpu.memory_space<vmem>>)
    %scan3A = arith.constant 0 : i32
    %scan3A_931 = arith.constant 16 : i32
    %scan3A_932 = arith.addi %scan3A, %scan3A_931 : i32
    %scan3A_933 = arith.constant 1 : i32
    %scan3A_934:8 = scf.for %scan3A_1246 = %scan3A to %scan3A_932 step %scan3A_933 iter_args(%scan3A_1247 = %add3A_851, %scan3A_1248 = %add3A_863, %scan3A_1249 = %add3A_875, %scan3A_1250 = %add3A_887, %scan3A_1251 = %add3A_854, %scan3A_1252 = %add3A_866, %scan3A_1253 = %add3A_878, %scan3A_1254 = %add3A_890) -> (vector<16xf32>, vector<16xf32>, vector<16xf32>, vector<16xf32>, vector<16xf32>, vector<16xf32>, vector<16xf32>, vector<16xf32>)  : i32 {
      %mul3A_1255 = arith.constant 2 : i32
      %mul3A_1256 = arith.muli %scan3A_1246, %mul3A_1255 : i32
      %get3A = arith.constant 0 : i32
      %get3A_1257 = arith.index_cast %get3A : i32 to index
      %get3A_1258 = arith.index_cast %mul3A_1256 : i32 to index
      %get3A_1259 = arith.constant 0 : index
      %get3A_1260 = tpu.vector_load %arg6[%get3A_1257, %get3A_1258, %get3A_1259] {strides = array<i32>} : memref<4x64x128xf32, #tpu.memory_space<vmem>>, vector<1x1x16xf32>,
      %get3A_1261 = vector.shape_cast %get3A_1260 : vector<1x1x16xf32> to vector<16xf32>
      %mul3A_1262 = arith.constant 11.3137083 : f32
      %mul3A_1263 = vector.broadcast %mul3A_1262 : f32 to vector<16xf32>
      %mul3A_1264 = arith.mulf %get3A_1261, %mul3A_1263 : vector<16xf32>
      %add3A_1265 = arith.addf %mul3A_1264, %scan3A_1247 : vector<16xf32>
      %swap3A = arith.constant 0 : i32
      %swap3A_1266 = arith.index_cast %swap3A : i32 to index
      %swap3A_1267 = arith.index_cast %mul3A_1256 : i32 to index
      %swap3A_1268 = arith.constant 0 : index
      %swap3A_1269 = tpu.vector_load %arg6[%swap3A_1266, %swap3A_1267, %swap3A_1268] {strides = array<i32>} : memref<4x64x128xf32, #tpu.memory_space<vmem>>, vector<1x1x16xf32>,
      %swap3A_1270 = vector.shape_cast %swap3A_1269 : vector<1x1x16xf32> to vector<16xf32>
      %swap3A_1271 = vector.shape_cast %add3A_1265 : vector<16xf32> to vector<1x1x16xf32>
      tpu.vector_store %arg6[%swap3A_1266, %swap3A_1267, %swap3A_1268], %swap3A_1271 {strides = array<i32>} : memref<4x64x128xf32, #tpu.memory_space<vmem>>, vector<1x1x16xf32>,
      %get3A_1272 = arith.constant 0 : i32
      %get3A_1273 = arith.index_cast %get3A_1272 : i32 to index
      %get3A_1274 = arith.index_cast %mul3A_1256 : i32 to index
      %get3A_1275 = arith.constant 64 : index
      %get3A_1276 = tpu.vector_load %arg6[%get3A_1273, %get3A_1274, %get3A_1275] {strides = array<i32>} : memref<4x64x128xf32, #tpu.memory_space<vmem>>, vector<1x1x16xf32>,
      %get3A_1277 = vector.shape_cast %get3A_1276 : vector<1x1x16xf32> to vector<16xf32>
      %mul3A_1278 = arith.constant 11.3137083 : f32
      %mul3A_1279 = vector.broadcast %mul3A_1278 : f32 to vector<16xf32>
      %mul3A_1280 = arith.mulf %get3A_1277, %mul3A_1279 : vector<16xf32>
      %add3A_1281 = arith.addf %mul3A_1280, %scan3A_1251 : vector<16xf32>
      %swap3A_1282 = arith.constant 0 : i32
      %swap3A_1283 = arith.index_cast %swap3A_1282 : i32 to index
      %swap3A_1284 = arith.index_cast %mul3A_1256 : i32 to index
      %swap3A_1285 = arith.constant 64 : index
      %swap3A_1286 = tpu.vector_load %arg6[%swap3A_1283, %swap3A_1284, %swap3A_1285] {strides = array<i32>} : memref<4x64x128xf32, #tpu.memory_space<vmem>>, vector<1x1x16xf32>,
      %swap3A_1287 = vector.shape_cast %swap3A_1286 : vector<1x1x16xf32> to vector<16xf32>
      %swap3A_1288 = vector.shape_cast %add3A_1281 : vector<16xf32> to vector<1x1x16xf32>
      tpu.vector_store %arg6[%swap3A_1283, %swap3A_1284, %swap3A_1285], %swap3A_1288 {strides = array<i32>} : memref<4x64x128xf32, #tpu.memory_space<vmem>>, vector<1x1x16xf32>,
      %get3A_1289 = arith.constant 0 : i32
      %get3A_1290 = arith.index_cast %get3A_1289 : i32 to index
      %get3A_1291 = arith.index_cast %mul3A_1256 : i32 to index
      %get3A_1292 = arith.constant 16 : index
      %get3A_1293 = tpu.vector_load %arg6[%get3A_1290, %get3A_1291, %get3A_1292] {strides = array<i32>} : memref<4x64x128xf32, #tpu.memory_space<vmem>>, vector<1x1x16xf32>,
      %get3A_1294 = vector.shape_cast %get3A_1293 : vector<1x1x16xf32> to vector<16xf32>
      %mul3A_1295 = arith.constant 11.3137083 : f32
      %mul3A_1296 = vector.broadcast %mul3A_1295 : f32 to vector<16xf32>
      %mul3A_1297 = arith.mulf %get3A_1294, %mul3A_1296 : vector<16xf32>
      %add3A_1298 = arith.addf %mul3A_1297, %scan3A_1248 : vector<16xf32>
      %swap3A_1299 = arith.constant 0 : i32
      %swap3A_1300 = arith.index_cast %swap3A_1299 : i32 to index
      %swap3A_1301 = arith.index_cast %mul3A_1256 : i32 to index
      %swap3A_1302 = arith.constant 16 : index
      %swap3A_1303 = tpu.vector_load %arg6[%swap3A_1300, %swap3A_1301, %swap3A_1302] {strides = array<i32>} : memref<4x64x128xf32, #tpu.memory_space<vmem>>, vector<1x1x16xf32>,
      %swap3A_1304 = vector.shape_cast %swap3A_1303 : vector<1x1x16xf32> to vector<16xf32>
      %swap3A_1305 = vector.shape_cast %add3A_1298 : vector<16xf32> to vector<1x1x16xf32>
      tpu.vector_store %arg6[%swap3A_1300, %swap3A_1301, %swap3A_1302], %swap3A_1305 {strides = array<i32>} : memref<4x64x128xf32, #tpu.memory_space<vmem>>, vector<1x1x16xf32>,
      %get3A_1306 = arith.constant 0 : i32
      %get3A_1307 = arith.index_cast %get3A_1306 : i32 to index
      %get3A_1308 = arith.index_cast %mul3A_1256 : i32 to index
      %get3A_1309 = arith.constant 80 : index
      %get3A_1310 = tpu.vector_load %arg6[%get3A_1307, %get3A_1308, %get3A_1309] {strides = array<i32>} : memref<4x64x128xf32, #tpu.memory_space<vmem>>, vector<1x1x16xf32>,
      %get3A_1311 = vector.shape_cast %get3A_1310 : vector<1x1x16xf32> to vector<16xf32>
      %mul3A_1312 = arith.constant 11.3137083 : f32
      %mul3A_1313 = vector.broadcast %mul3A_1312 : f32 to vector<16xf32>
      %mul3A_1314 = arith.mulf %get3A_1311, %mul3A_1313 : vector<16xf32>
      %add3A_1315 = arith.addf %mul3A_1314, %scan3A_1252 : vector<16xf32>
      %swap3A_1316 = arith.constant 0 : i32
      %swap3A_1317 = arith.index_cast %swap3A_1316 : i32 to index
      %swap3A_1318 = arith.index_cast %mul3A_1256 : i32 to index
      %swap3A_1319 = arith.constant 80 : index
      %swap3A_1320 = tpu.vector_load %arg6[%swap3A_1317, %swap3A_1318, %swap3A_1319] {strides = array<i32>} : memref<4x64x128xf32, #tpu.memory_space<vmem>>, vector<1x1x16xf32>,
      %swap3A_1321 = vector.shape_cast %swap3A_1320 : vector<1x1x16xf32> to vector<16xf32>
      %swap3A_1322 = vector.shape_cast %add3A_1315 : vector<16xf32> to vector<1x1x16xf32>
      tpu.vector_store %arg6[%swap3A_1317, %swap3A_1318, %swap3A_1319], %swap3A_1322 {strides = array<i32>} : memref<4x64x128xf32, #tpu.memory_space<vmem>>, vector<1x1x16xf32>,
      %get3A_1323 = arith.constant 0 : i32
      %get3A_1324 = arith.index_cast %get3A_1323 : i32 to index
      %get3A_1325 = arith.index_cast %mul3A_1256 : i32 to index
      %get3A_1326 = arith.constant 32 : index
      %get3A_1327 = tpu.vector_load %arg6[%get3A_1324, %get3A_1325, %get3A_1326] {strides = array<i32>} : memref<4x64x128xf32, #tpu.memory_space<vmem>>, vector<1x1x16xf32>,
      %get3A_1328 = vector.shape_cast %get3A_1327 : vector<1x1x16xf32> to vector<16xf32>
      %mul3A_1329 = arith.constant 11.3137083 : f32
      %mul3A_1330 = vector.broadcast %mul3A_1329 : f32 to vector<16xf32>
      %mul3A_1331 = arith.mulf %get3A_1328, %mul3A_1330 : vector<16xf32>
      %add3A_1332 = arith.addf %mul3A_1331, %scan3A_1249 : vector<16xf32>
      %swap3A_1333 = arith.constant 0 : i32
      %swap3A_1334 = arith.index_cast %swap3A_1333 : i32 to index
      %swap3A_1335 = arith.index_cast %mul3A_1256 : i32 to index
      %swap3A_1336 = arith.constant 32 : index
      %swap3A_1337 = tpu.vector_load %arg6[%swap3A_1334, %swap3A_1335, %swap3A_1336] {strides = array<i32>} : memref<4x64x128xf32, #tpu.memory_space<vmem>>, vector<1x1x16xf32>,
      %swap3A_1338 = vector.shape_cast %swap3A_1337 : vector<1x1x16xf32> to vector<16xf32>
      %swap3A_1339 = vector.shape_cast %add3A_1332 : vector<16xf32> to vector<1x1x16xf32>
      tpu.vector_store %arg6[%swap3A_1334, %swap3A_1335, %swap3A_1336], %swap3A_1339 {strides = array<i32>} : memref<4x64x128xf32, #tpu.memory_space<vmem>>, vector<1x1x16xf32>,
      %get3A_1340 = arith.constant 0 : i32
      %get3A_1341 = arith.index_cast %get3A_1340 : i32 to index
      %get3A_1342 = arith.index_cast %mul3A_1256 : i32 to index
      %get3A_1343 = arith.constant 96 : index
      %get3A_1344 = tpu.vector_load %arg6[%get3A_1341, %get3A_1342, %get3A_1343] {strides = array<i32>} : memref<4x64x128xf32, #tpu.memory_space<vmem>>, vector<1x1x16xf32>,
      %get3A_1345 = vector.shape_cast %get3A_1344 : vector<1x1x16xf32> to vector<16xf32>
      %mul3A_1346 = arith.constant 11.3137083 : f32
      %mul3A_1347 = vector.broadcast %mul3A_1346 : f32 to vector<16xf32>
      %mul3A_1348 = arith.mulf %get3A_1345, %mul3A_1347 : vector<16xf32>
      %add3A_1349 = arith.addf %mul3A_1348, %scan3A_1253 : vector<16xf32>
      %swap3A_1350 = arith.constant 0 : i32
      %swap3A_1351 = arith.index_cast %swap3A_1350 : i32 to index
      %swap3A_1352 = arith.index_cast %mul3A_1256 : i32 to index
      %swap3A_1353 = arith.constant 96 : index
      %swap3A_1354 = tpu.vector_load %arg6[%swap3A_1351, %swap3A_1352, %swap3A_1353] {strides = array<i32>} : memref<4x64x128xf32, #tpu.memory_space<vmem>>, vector<1x1x16xf32>,
      %swap3A_1355 = vector.shape_cast %swap3A_1354 : vector<1x1x16xf32> to vector<16xf32>
      %swap3A_1356 = vector.shape_cast %add3A_1349 : vector<16xf32> to vector<1x1x16xf32>
      tpu.vector_store %arg6[%swap3A_1351, %swap3A_1352, %swap3A_1353], %swap3A_1356 {strides = array<i32>} : memref<4x64x128xf32, #tpu.memory_space<vmem>>, vector<1x1x16xf32>,
      %get3A_1357 = arith.constant 0 : i32
      %get3A_1358 = arith.index_cast %get3A_1357 : i32 to index
      %get3A_1359 = arith.index_cast %mul3A_1256 : i32 to index
      %get3A_1360 = arith.constant 48 : index
      %get3A_1361 = tpu.vector_load %arg6[%get3A_1358, %get3A_1359, %get3A_1360] {strides = array<i32>} : memref<4x64x128xf32, #tpu.memory_space<vmem>>, vector<1x1x16xf32>,
      %get3A_1362 = vector.shape_cast %get3A_1361 : vector<1x1x16xf32> to vector<16xf32>
      %mul3A_1363 = arith.constant 11.3137083 : f32
      %mul3A_1364 = vector.broadcast %mul3A_1363 : f32 to vector<16xf32>
      %mul3A_1365 = arith.mulf %get3A_1362, %mul3A_1364 : vector<16xf32>
      %add3A_1366 = arith.addf %mul3A_1365, %scan3A_1250 : vector<16xf32>
      %swap3A_1367 = arith.constant 0 : i32
      %swap3A_1368 = arith.index_cast %swap3A_1367 : i32 to index
      %swap3A_1369 = arith.index_cast %mul3A_1256 : i32 to index
      %swap3A_1370 = arith.constant 48 : index
      %swap3A_1371 = tpu.vector_load %arg6[%swap3A_1368, %swap3A_1369, %swap3A_1370] {strides = array<i32>} : memref<4x64x128xf32, #tpu.memory_space<vmem>>, vector<1x1x16xf32>,
      %swap3A_1372 = vector.shape_cast %swap3A_1371 : vector<1x1x16xf32> to vector<16xf32>
      %swap3A_1373 = vector.shape_cast %add3A_1366 : vector<16xf32> to vector<1x1x16xf32>
      tpu.vector_store %arg6[%swap3A_1368, %swap3A_1369, %swap3A_1370], %swap3A_1373 {strides = array<i32>} : memref<4x64x128xf32, #tpu.memory_space<vmem>>, vector<1x1x16xf32>,
      %get3A_1374 = arith.constant 0 : i32
      %get3A_1375 = arith.index_cast %get3A_1374 : i32 to index
      %get3A_1376 = arith.index_cast %mul3A_1256 : i32 to index
      %get3A_1377 = arith.constant 112 : index
      %get3A_1378 = tpu.vector_load %arg6[%get3A_1375, %get3A_1376, %get3A_1377] {strides = array<i32>} : memref<4x64x128xf32, #tpu.memory_space<vmem>>, vector<1x1x16xf32>,
      %get3A_1379 = vector.shape_cast %get3A_1378 : vector<1x1x16xf32> to vector<16xf32>
      %mul3A_1380 = arith.constant 11.3137083 : f32
      %mul3A_1381 = vector.broadcast %mul3A_1380 : f32 to vector<16xf32>
      %mul3A_1382 = arith.mulf %get3A_1379, %mul3A_1381 : vector<16xf32>
      %add3A_1383 = arith.addf %mul3A_1382, %scan3A_1254 : vector<16xf32>
      %swap3A_1384 = arith.constant 0 : i32
      %swap3A_1385 = arith.index_cast %swap3A_1384 : i32 to index
      %swap3A_1386 = arith.index_cast %mul3A_1256 : i32 to index
      %swap3A_1387 = arith.constant 112 : index
      %swap3A_1388 = tpu.vector_load %arg6[%swap3A_1385, %swap3A_1386, %swap3A_1387] {strides = array<i32>} : memref<4x64x128xf32, #tpu.memory_space<vmem>>, vector<1x1x16xf32>,
      %swap3A_1389 = vector.shape_cast %swap3A_1388 : vector<1x1x16xf32> to vector<16xf32>
      %swap3A_1390 = vector.shape_cast %add3A_1383 : vector<16xf32> to vector<1x1x16xf32>
      tpu.vector_store %arg6[%swap3A_1385, %swap3A_1386, %swap3A_1387], %swap3A_1390 {strides = array<i32>} : memref<4x64x128xf32, #tpu.memory_space<vmem>>, vector<1x1x16xf32>,
      %get3A_1391 = arith.constant 1 : i32
      %get3A_1392 = arith.index_cast %get3A_1391 : i32 to index
      %get3A_1393 = arith.index_cast %mul3A_1256 : i32 to index
      %get3A_1394 = arith.constant 0 : index
      %get3A_1395 = tpu.vector_load %arg6[%get3A_1392, %get3A_1393, %get3A_1394] {strides = array<i32>} : memref<4x64x128xf32, #tpu.memory_space<vmem>>, vector<1x1x16xf32>,
      %get3A_1396 = vector.shape_cast %get3A_1395 : vector<1x1x16xf32> to vector<16xf32>
      %mul3A_1397 = arith.constant 11.3137083 : f32
      %mul3A_1398 = vector.broadcast %mul3A_1397 : f32 to vector<16xf32>
      %mul3A_1399 = arith.mulf %get3A_1396, %mul3A_1398 : vector<16xf32>
      %add3A_1400 = arith.addf %mul3A_1399, %scan3A_1247 : vector<16xf32>
      %swap3A_1401 = arith.constant 1 : i32
      %swap3A_1402 = arith.index_cast %swap3A_1401 : i32 to index
      %swap3A_1403 = arith.index_cast %mul3A_1256 : i32 to index
      %swap3A_1404 = arith.constant 0 : index
      %swap3A_1405 = tpu.vector_load %arg6[%swap3A_1402, %swap3A_1403, %swap3A_1404] {strides = array<i32>} : memref<4x64x128xf32, #tpu.memory_space<vmem>>, vector<1x1x16xf32>,
      %swap3A_1406 = vector.shape_cast %swap3A_1405 : vector<1x1x16xf32> to vector<16xf32>
      %swap3A_1407 = vector.shape_cast %add3A_1400 : vector<16xf32> to vector<1x1x16xf32>
      tpu.vector_store %arg6[%swap3A_1402, %swap3A_1403, %swap3A_1404], %swap3A_1407 {strides = array<i32>} : memref<4x64x128xf32, #tpu.memory_space<vmem>>, vector<1x1x16xf32>,
      %get3A_1408 = arith.constant 1 : i32
      %get3A_1409 = arith.index_cast %get3A_1408 : i32 to index
      %get3A_1410 = arith.index_cast %mul3A_1256 : i32 to index
      %get3A_1411 = arith.constant 64 : index
      %get3A_1412 = tpu.vector_load %arg6[%get3A_1409, %get3A_1410, %get3A_1411] {strides = array<i32>} : memref<4x64x128xf32, #tpu.memory_space<vmem>>, vector<1x1x16xf32>,
      %get3A_1413 = vector.shape_cast %get3A_1412 : vector<1x1x16xf32> to vector<16xf32>
      %mul3A_1414 = arith.constant 11.3137083 : f32
      %mul3A_1415 = vector.broadcast %mul3A_1414 : f32 to vector<16xf32>
      %mul3A_1416 = arith.mulf %get3A_1413, %mul3A_1415 : vector<16xf32>
      %add3A_1417 = arith.addf %mul3A_1416, %scan3A_1251 : vector<16xf32>
      %swap3A_1418 = arith.constant 1 : i32
      %swap3A_1419 = arith.index_cast %swap3A_1418 : i32 to index
      %swap3A_1420 = arith.index_cast %mul3A_1256 : i32 to index
      %swap3A_1421 = arith.constant 64 : index
      %swap3A_1422 = tpu.vector_load %arg6[%swap3A_1419, %swap3A_1420, %swap3A_1421] {strides = array<i32>} : memref<4x64x128xf32, #tpu.memory_space<vmem>>, vector<1x1x16xf32>,
      %swap3A_1423 = vector.shape_cast %swap3A_1422 : vector<1x1x16xf32> to vector<16xf32>
      %swap3A_1424 = vector.shape_cast %add3A_1417 : vector<16xf32> to vector<1x1x16xf32>
      tpu.vector_store %arg6[%swap3A_1419, %swap3A_1420, %swap3A_1421], %swap3A_1424 {strides = array<i32>} : memref<4x64x128xf32, #tpu.memory_space<vmem>>, vector<1x1x16xf32>,
      %get3A_1425 = arith.constant 1 : i32
      %get3A_1426 = arith.index_cast %get3A_1425 : i32 to index
      %get3A_1427 = arith.index_cast %mul3A_1256 : i32 to index
      %get3A_1428 = arith.constant 16 : index
      %get3A_1429 = tpu.vector_load %arg6[%get3A_1426, %get3A_1427, %get3A_1428] {strides = array<i32>} : memref<4x64x128xf32, #tpu.memory_space<vmem>>, vector<1x1x16xf32>,
      %get3A_1430 = vector.shape_cast %get3A_1429 : vector<1x1x16xf32> to vector<16xf32>
      %mul3A_1431 = arith.constant 11.3137083 : f32
      %mul3A_1432 = vector.broadcast %mul3A_1431 : f32 to vector<16xf32>
      %mul3A_1433 = arith.mulf %get3A_1430, %mul3A_1432 : vector<16xf32>
      %add3A_1434 = arith.addf %mul3A_1433, %scan3A_1248 : vector<16xf32>
      %swap3A_1435 = arith.constant 1 : i32
      %swap3A_1436 = arith.index_cast %swap3A_1435 : i32 to index
      %swap3A_1437 = arith.index_cast %mul3A_1256 : i32 to index
      %swap3A_1438 = arith.constant 16 : index
      %swap3A_1439 = tpu.vector_load %arg6[%swap3A_1436, %swap3A_1437, %swap3A_1438] {strides = array<i32>} : memref<4x64x128xf32, #tpu.memory_space<vmem>>, vector<1x1x16xf32>,
      %swap3A_1440 = vector.shape_cast %swap3A_1439 : vector<1x1x16xf32> to vector<16xf32>
      %swap3A_1441 = vector.shape_cast %add3A_1434 : vector<16xf32> to vector<1x1x16xf32>
      tpu.vector_store %arg6[%swap3A_1436, %swap3A_1437, %swap3A_1438], %swap3A_1441 {strides = array<i32>} : memref<4x64x128xf32, #tpu.memory_space<vmem>>, vector<1x1x16xf32>,
      %get3A_1442 = arith.constant 1 : i32
      %get3A_1443 = arith.index_cast %get3A_1442 : i32 to index
      %get3A_1444 = arith.index_cast %mul3A_1256 : i32 to index
      %get3A_1445 = arith.constant 80 : index
      %get3A_1446 = tpu.vector_load %arg6[%get3A_1443, %get3A_1444, %get3A_1445] {strides = array<i32>} : memref<4x64x128xf32, #tpu.memory_space<vmem>>, vector<1x1x16xf32>,
      %get3A_1447 = vector.shape_cast %get3A_1446 : vector<1x1x16xf32> to vector<16xf32>
      %mul3A_1448 = arith.constant 11.3137083 : f32
      %mul3A_1449 = vector.broadcast %mul3A_1448 : f32 to vector<16xf32>
      %mul3A_1450 = arith.mulf %get3A_1447, %mul3A_1449 : vector<16xf32>
      %add3A_1451 = arith.addf %mul3A_1450, %scan3A_1252 : vector<16xf32>
      %swap3A_1452 = arith.constant 1 : i32
      %swap3A_1453 = arith.index_cast %swap3A_1452 : i32 to index
      %swap3A_1454 = arith.index_cast %mul3A_1256 : i32 to index
      %swap3A_1455 = arith.constant 80 : index
      %swap3A_1456 = tpu.vector_load %arg6[%swap3A_1453, %swap3A_1454, %swap3A_1455] {strides = array<i32>} : memref<4x64x128xf32, #tpu.memory_space<vmem>>, vector<1x1x16xf32>,
      %swap3A_1457 = vector.shape_cast %swap3A_1456 : vector<1x1x16xf32> to vector<16xf32>
      %swap3A_1458 = vector.shape_cast %add3A_1451 : vector<16xf32> to vector<1x1x16xf32>
      tpu.vector_store %arg6[%swap3A_1453, %swap3A_1454, %swap3A_1455], %swap3A_1458 {strides = array<i32>} : memref<4x64x128xf32, #tpu.memory_space<vmem>>, vector<1x1x16xf32>,
      %get3A_1459 = arith.constant 1 : i32
      %get3A_1460 = arith.index_cast %get3A_1459 : i32 to index
      %get3A_1461 = arith.index_cast %mul3A_1256 : i32 to index
      %get3A_1462 = arith.constant 32 : index
      %get3A_1463 = tpu.vector_load %arg6[%get3A_1460, %get3A_1461, %get3A_1462] {strides = array<i32>} : memref<4x64x128xf32, #tpu.memory_space<vmem>>, vector<1x1x16xf32>,
      %get3A_1464 = vector.shape_cast %get3A_1463 : vector<1x1x16xf32> to vector<16xf32>
      %mul3A_1465 = arith.constant 11.3137083 : f32
      %mul3A_1466 = vector.broadcast %mul3A_1465 : f32 to vector<16xf32>
      %mul3A_1467 = arith.mulf %get3A_1464, %mul3A_1466 : vector<16xf32>
      %add3A_1468 = arith.addf %mul3A_1467, %scan3A_1249 : vector<16xf32>
      %swap3A_1469 = arith.constant 1 : i32
      %swap3A_1470 = arith.index_cast %swap3A_1469 : i32 to index
      %swap3A_1471 = arith.index_cast %mul3A_1256 : i32 to index
      %swap3A_1472 = arith.constant 32 : index
      %swap3A_1473 = tpu.vector_load %arg6[%swap3A_1470, %swap3A_1471, %swap3A_1472] {strides = array<i32>} : memref<4x64x128xf32, #tpu.memory_space<vmem>>, vector<1x1x16xf32>,
      %swap3A_1474 = vector.shape_cast %swap3A_1473 : vector<1x1x16xf32> to vector<16xf32>
      %swap3A_1475 = vector.shape_cast %add3A_1468 : vector<16xf32> to vector<1x1x16xf32>
      tpu.vector_store %arg6[%swap3A_1470, %swap3A_1471, %swap3A_1472], %swap3A_1475 {strides = array<i32>} : memref<4x64x128xf32, #tpu.memory_space<vmem>>, vector<1x1x16xf32>,
      %get3A_1476 = arith.constant 1 : i32
      %get3A_1477 = arith.index_cast %get3A_1476 : i32 to index
      %get3A_1478 = arith.index_cast %mul3A_1256 : i32 to index
      %get3A_1479 = arith.constant 96 : index
      %get3A_1480 = tpu.vector_load %arg6[%get3A_1477, %get3A_1478, %get3A_1479] {strides = array<i32>} : memref<4x64x128xf32, #tpu.memory_space<vmem>>, vector<1x1x16xf32>,
      %get3A_1481 = vector.shape_cast %get3A_1480 : vector<1x1x16xf32> to vector<16xf32>
      %mul3A_1482 = arith.constant 11.3137083 : f32
      %mul3A_1483 = vector.broadcast %mul3A_1482 : f32 to vector<16xf32>
      %mul3A_1484 = arith.mulf %get3A_1481, %mul3A_1483 : vector<16xf32>
      %add3A_1485 = arith.addf %mul3A_1484, %scan3A_1253 : vector<16xf32>
      %swap3A_1486 = arith.constant 1 : i32
      %swap3A_1487 = arith.index_cast %swap3A_1486 : i32 to index
      %swap3A_1488 = arith.index_cast %mul3A_1256 : i32 to index
      %swap3A_1489 = arith.constant 96 : index
      %swap3A_1490 = tpu.vector_load %arg6[%swap3A_1487, %swap3A_1488, %swap3A_1489] {strides = array<i32>} : memref<4x64x128xf32, #tpu.memory_space<vmem>>, vector<1x1x16xf32>,
      %swap3A_1491 = vector.shape_cast %swap3A_1490 : vector<1x1x16xf32> to vector<16xf32>
      %swap3A_1492 = vector.shape_cast %add3A_1485 : vector<16xf32> to vector<1x1x16xf32>
      tpu.vector_store %arg6[%swap3A_1487, %swap3A_1488, %swap3A_1489], %swap3A_1492 {strides = array<i32>} : memref<4x64x128xf32, #tpu.memory_space<vmem>>, vector<1x1x16xf32>,
      %get3A_1493 = arith.constant 1 : i32
      %get3A_1494 = arith.index_cast %get3A_1493 : i32 to index
      %get3A_1495 = arith.index_cast %mul3A_1256 : i32 to index
      %get3A_1496 = arith.constant 48 : index
      %get3A_1497 = tpu.vector_load %arg6[%get3A_1494, %get3A_1495, %get3A_1496] {strides = array<i32>} : memref<4x64x128xf32, #tpu.memory_space<vmem>>, vector<1x1x16xf32>,
      %get3A_1498 = vector.shape_cast %get3A_1497 : vector<1x1x16xf32> to vector<16xf32>
      %mul3A_1499 = arith.constant 11.3137083 : f32
      %mul3A_1500 = vector.broadcast %mul3A_1499 : f32 to vector<16xf32>
      %mul3A_1501 = arith.mulf %get3A_1498, %mul3A_1500 : vector<16xf32>
      %add3A_1502 = arith.addf %mul3A_1501, %scan3A_1250 : vector<16xf32>
      %swap3A_1503 = arith.constant 1 : i32
      %swap3A_1504 = arith.index_cast %swap3A_1503 : i32 to index
      %swap3A_1505 = arith.index_cast %mul3A_1256 : i32 to index
      %swap3A_1506 = arith.constant 48 : index
      %swap3A_1507 = tpu.vector_load %arg6[%swap3A_1504, %swap3A_1505, %swap3A_1506] {strides = array<i32>} : memref<4x64x128xf32, #tpu.memory_space<vmem>>, vector<1x1x16xf32>,
      %swap3A_1508 = vector.shape_cast %swap3A_1507 : vector<1x1x16xf32> to vector<16xf32>
      %swap3A_1509 = vector.shape_cast %add3A_1502 : vector<16xf32> to vector<1x1x16xf32>
      tpu.vector_store %arg6[%swap3A_1504, %swap3A_1505, %swap3A_1506], %swap3A_1509 {strides = array<i32>} : memref<4x64x128xf32, #tpu.memory_space<vmem>>, vector<1x1x16xf32>,
      %get3A_1510 = arith.constant 1 : i32
      %get3A_1511 = arith.index_cast %get3A_1510 : i32 to index
      %get3A_1512 = arith.index_cast %mul3A_1256 : i32 to index
      %get3A_1513 = arith.constant 112 : index
      %get3A_1514 = tpu.vector_load %arg6[%get3A_1511, %get3A_1512, %get3A_1513] {strides = array<i32>} : memref<4x64x128xf32, #tpu.memory_space<vmem>>, vector<1x1x16xf32>,
      %get3A_1515 = vector.shape_cast %get3A_1514 : vector<1x1x16xf32> to vector<16xf32>
      %mul3A_1516 = arith.constant 11.3137083 : f32
      %mul3A_1517 = vector.broadcast %mul3A_1516 : f32 to vector<16xf32>
      %mul3A_1518 = arith.mulf %get3A_1515, %mul3A_1517 : vector<16xf32>
      %add3A_1519 = arith.addf %mul3A_1518, %scan3A_1254 : vector<16xf32>
      %swap3A_1520 = arith.constant 1 : i32
      %swap3A_1521 = arith.index_cast %swap3A_1520 : i32 to index
      %swap3A_1522 = arith.index_cast %mul3A_1256 : i32 to index
      %swap3A_1523 = arith.constant 112 : index
      %swap3A_1524 = tpu.vector_load %arg6[%swap3A_1521, %swap3A_1522, %swap3A_1523] {strides = array<i32>} : memref<4x64x128xf32, #tpu.memory_space<vmem>>, vector<1x1x16xf32>,
      %swap3A_1525 = vector.shape_cast %swap3A_1524 : vector<1x1x16xf32> to vector<16xf32>
      %swap3A_1526 = vector.shape_cast %add3A_1519 : vector<16xf32> to vector<1x1x16xf32>
      tpu.vector_store %arg6[%swap3A_1521, %swap3A_1522, %swap3A_1523], %swap3A_1526 {strides = array<i32>} : memref<4x64x128xf32, #tpu.memory_space<vmem>>, vector<1x1x16xf32>,
      %get3A_1527 = arith.constant 2 : i32
      %get3A_1528 = arith.index_cast %get3A_1527 : i32 to index
      %get3A_1529 = arith.index_cast %mul3A_1256 : i32 to index
      %get3A_1530 = arith.constant 0 : index
      %get3A_1531 = tpu.vector_load %arg6[%get3A_1528, %get3A_1529, %get3A_1530] {strides = array<i32>} : memref<4x64x128xf32, #tpu.memory_space<vmem>>, vector<1x1x16xf32>,
      %get3A_1532 = vector.shape_cast %get3A_1531 : vector<1x1x16xf32> to vector<16xf32>
      %mul3A_1533 = arith.constant 11.3137083 : f32
      %mul3A_1534 = vector.broadcast %mul3A_1533 : f32 to vector<16xf32>
      %mul3A_1535 = arith.mulf %get3A_1532, %mul3A_1534 : vector<16xf32>
      %add3A_1536 = arith.addf %mul3A_1535, %scan3A_1247 : vector<16xf32>
      %swap3A_1537 = arith.constant 2 : i32
      %swap3A_1538 = arith.index_cast %swap3A_1537 : i32 to index
      %swap3A_1539 = arith.index_cast %mul3A_1256 : i32 to index
      %swap3A_1540 = arith.constant 0 : index
      %swap3A_1541 = tpu.vector_load %arg6[%swap3A_1538, %swap3A_1539, %swap3A_1540] {strides = array<i32>} : memref<4x64x128xf32, #tpu.memory_space<vmem>>, vector<1x1x16xf32>,
      %swap3A_1542 = vector.shape_cast %swap3A_1541 : vector<1x1x16xf32> to vector<16xf32>
      %swap3A_1543 = vector.shape_cast %add3A_1536 : vector<16xf32> to vector<1x1x16xf32>
      tpu.vector_store %arg6[%swap3A_1538, %swap3A_1539, %swap3A_1540], %swap3A_1543 {strides = array<i32>} : memref<4x64x128xf32, #tpu.memory_space<vmem>>, vector<1x1x16xf32>,
      %get3A_1544 = arith.constant 2 : i32
      %get3A_1545 = arith.index_cast %get3A_1544 : i32 to index
      %get3A_1546 = arith.index_cast %mul3A_1256 : i32 to index
      %get3A_1547 = arith.constant 64 : index
      %get3A_1548 = tpu.vector_load %arg6[%get3A_1545, %get3A_1546, %get3A_1547] {strides = array<i32>} : memref<4x64x128xf32, #tpu.memory_space<vmem>>, vector<1x1x16xf32>,
      %get3A_1549 = vector.shape_cast %get3A_1548 : vector<1x1x16xf32> to vector<16xf32>
      %mul3A_1550 = arith.constant 11.3137083 : f32
      %mul3A_1551 = vector.broadcast %mul3A_1550 : f32 to vector<16xf32>
      %mul3A_1552 = arith.mulf %get3A_1549, %mul3A_1551 : vector<16xf32>
      %add3A_1553 = arith.addf %mul3A_1552, %scan3A_1251 : vector<16xf32>
      %swap3A_1554 = arith.constant 2 : i32
      %swap3A_1555 = arith.index_cast %swap3A_1554 : i32 to index
      %swap3A_1556 = arith.index_cast %mul3A_1256 : i32 to index
      %swap3A_1557 = arith.constant 64 : index
      %swap3A_1558 = tpu.vector_load %arg6[%swap3A_1555, %swap3A_1556, %swap3A_1557] {strides = array<i32>} : memref<4x64x128xf32, #tpu.memory_space<vmem>>, vector<1x1x16xf32>,
      %swap3A_1559 = vector.shape_cast %swap3A_1558 : vector<1x1x16xf32> to vector<16xf32>
      %swap3A_1560 = vector.shape_cast %add3A_1553 : vector<16xf32> to vector<1x1x16xf32>
      tpu.vector_store %arg6[%swap3A_1555, %swap3A_1556, %swap3A_1557], %swap3A_1560 {strides = array<i32>} : memref<4x64x128xf32, #tpu.memory_space<vmem>>, vector<1x1x16xf32>,
      %get3A_1561 = arith.constant 2 : i32
      %get3A_1562 = arith.index_cast %get3A_1561 : i32 to index
      %get3A_1563 = arith.index_cast %mul3A_1256 : i32 to index
      %get3A_1564 = arith.constant 16 : index
      %get3A_1565 = tpu.vector_load %arg6[%get3A_1562, %get3A_1563, %get3A_1564] {strides = array<i32>} : memref<4x64x128xf32, #tpu.memory_space<vmem>>, vector<1x1x16xf32>,
      %get3A_1566 = vector.shape_cast %get3A_1565 : vector<1x1x16xf32> to vector<16xf32>
      %mul3A_1567 = arith.constant 11.3137083 : f32
      %mul3A_1568 = vector.broadcast %mul3A_1567 : f32 to vector<16xf32>
      %mul3A_1569 = arith.mulf %get3A_1566, %mul3A_1568 : vector<16xf32>
      %add3A_1570 = arith.addf %mul3A_1569, %scan3A_1248 : vector<16xf32>
      %swap3A_1571 = arith.constant 2 : i32
      %swap3A_1572 = arith.index_cast %swap3A_1571 : i32 to index
      %swap3A_1573 = arith.index_cast %mul3A_1256 : i32 to index
      %swap3A_1574 = arith.constant 16 : index
      %swap3A_1575 = tpu.vector_load %arg6[%swap3A_1572, %swap3A_1573, %swap3A_1574] {strides = array<i32>} : memref<4x64x128xf32, #tpu.memory_space<vmem>>, vector<1x1x16xf32>,
      %swap3A_1576 = vector.shape_cast %swap3A_1575 : vector<1x1x16xf32> to vector<16xf32>
      %swap3A_1577 = vector.shape_cast %add3A_1570 : vector<16xf32> to vector<1x1x16xf32>
      tpu.vector_store %arg6[%swap3A_1572, %swap3A_1573, %swap3A_1574], %swap3A_1577 {strides = array<i32>} : memref<4x64x128xf32, #tpu.memory_space<vmem>>, vector<1x1x16xf32>,
      %get3A_1578 = arith.constant 2 : i32
      %get3A_1579 = arith.index_cast %get3A_1578 : i32 to index
      %get3A_1580 = arith.index_cast %mul3A_1256 : i32 to index
      %get3A_1581 = arith.constant 80 : index
      %get3A_1582 = tpu.vector_load %arg6[%get3A_1579, %get3A_1580, %get3A_1581] {strides = array<i32>} : memref<4x64x128xf32, #tpu.memory_space<vmem>>, vector<1x1x16xf32>,
      %get3A_1583 = vector.shape_cast %get3A_1582 : vector<1x1x16xf32> to vector<16xf32>
      %mul3A_1584 = arith.constant 11.3137083 : f32
      %mul3A_1585 = vector.broadcast %mul3A_1584 : f32 to vector<16xf32>
      %mul3A_1586 = arith.mulf %get3A_1583, %mul3A_1585 : vector<16xf32>
      %add3A_1587 = arith.addf %mul3A_1586, %scan3A_1252 : vector<16xf32>
      %swap3A_1588 = arith.constant 2 : i32
      %swap3A_1589 = arith.index_cast %swap3A_1588 : i32 to index
      %swap3A_1590 = arith.index_cast %mul3A_1256 : i32 to index
      %swap3A_1591 = arith.constant 80 : index
      %swap3A_1592 = tpu.vector_load %arg6[%swap3A_1589, %swap3A_1590, %swap3A_1591] {strides = array<i32>} : memref<4x64x128xf32, #tpu.memory_space<vmem>>, vector<1x1x16xf32>,
      %swap3A_1593 = vector.shape_cast %swap3A_1592 : vector<1x1x16xf32> to vector<16xf32>
      %swap3A_1594 = vector.shape_cast %add3A_1587 : vector<16xf32> to vector<1x1x16xf32>
      tpu.vector_store %arg6[%swap3A_1589, %swap3A_1590, %swap3A_1591], %swap3A_1594 {strides = array<i32>} : memref<4x64x128xf32, #tpu.memory_space<vmem>>, vector<1x1x16xf32>,
      %get3A_1595 = arith.constant 2 : i32
      %get3A_1596 = arith.index_cast %get3A_1595 : i32 to index
      %get3A_1597 = arith.index_cast %mul3A_1256 : i32 to index
      %get3A_1598 = arith.constant 32 : index
      %get3A_1599 = tpu.vector_load %arg6[%get3A_1596, %get3A_1597, %get3A_1598] {strides = array<i32>} : memref<4x64x128xf32, #tpu.memory_space<vmem>>, vector<1x1x16xf32>,
      %get3A_1600 = vector.shape_cast %get3A_1599 : vector<1x1x16xf32> to vector<16xf32>
      %mul3A_1601 = arith.constant 11.3137083 : f32
      %mul3A_1602 = vector.broadcast %mul3A_1601 : f32 to vector<16xf32>
      %mul3A_1603 = arith.mulf %get3A_1600, %mul3A_1602 : vector<16xf32>
      %add3A_1604 = arith.addf %mul3A_1603, %scan3A_1249 : vector<16xf32>
      %swap3A_1605 = arith.constant 2 : i32
      %swap3A_1606 = arith.index_cast %swap3A_1605 : i32 to index
      %swap3A_1607 = arith.index_cast %mul3A_1256 : i32 to index
      %swap3A_1608 = arith.constant 32 : index
      %swap3A_1609 = tpu.vector_load %arg6[%swap3A_1606, %swap3A_1607, %swap3A_1608] {strides = array<i32>} : memref<4x64x128xf32, #tpu.memory_space<vmem>>, vector<1x1x16xf32>,
      %swap3A_1610 = vector.shape_cast %swap3A_1609 : vector<1x1x16xf32> to vector<16xf32>
      %swap3A_1611 = vector.shape_cast %add3A_1604 : vector<16xf32> to vector<1x1x16xf32>
      tpu.vector_store %arg6[%swap3A_1606, %swap3A_1607, %swap3A_1608], %swap3A_1611 {strides = array<i32>} : memref<4x64x128xf32, #tpu.memory_space<vmem>>, vector<1x1x16xf32>,
      %get3A_1612 = arith.constant 2 : i32
      %get3A_1613 = arith.index_cast %get3A_1612 : i32 to index
      %get3A_1614 = arith.index_cast %mul3A_1256 : i32 to index
      %get3A_1615 = arith.constant 96 : index
      %get3A_1616 = tpu.vector_load %arg6[%get3A_1613, %get3A_1614, %get3A_1615] {strides = array<i32>} : memref<4x64x128xf32, #tpu.memory_space<vmem>>, vector<1x1x16xf32>,
      %get3A_1617 = vector.shape_cast %get3A_1616 : vector<1x1x16xf32> to vector<16xf32>
      %mul3A_1618 = arith.constant 11.3137083 : f32
      %mul3A_1619 = vector.broadcast %mul3A_1618 : f32 to vector<16xf32>
      %mul3A_1620 = arith.mulf %get3A_1617, %mul3A_1619 : vector<16xf32>
      %add3A_1621 = arith.addf %mul3A_1620, %scan3A_1253 : vector<16xf32>
      %swap3A_1622 = arith.constant 2 : i32
      %swap3A_1623 = arith.index_cast %swap3A_1622 : i32 to index
      %swap3A_1624 = arith.index_cast %mul3A_1256 : i32 to index
      %swap3A_1625 = arith.constant 96 : index
      %swap3A_1626 = tpu.vector_load %arg6[%swap3A_1623, %swap3A_1624, %swap3A_1625] {strides = array<i32>} : memref<4x64x128xf32, #tpu.memory_space<vmem>>, vector<1x1x16xf32>,
      %swap3A_1627 = vector.shape_cast %swap3A_1626 : vector<1x1x16xf32> to vector<16xf32>
      %swap3A_1628 = vector.shape_cast %add3A_1621 : vector<16xf32> to vector<1x1x16xf32>
      tpu.vector_store %arg6[%swap3A_1623, %swap3A_1624, %swap3A_1625], %swap3A_1628 {strides = array<i32>} : memref<4x64x128xf32, #tpu.memory_space<vmem>>, vector<1x1x16xf32>,
      %get3A_1629 = arith.constant 2 : i32
      %get3A_1630 = arith.index_cast %get3A_1629 : i32 to index
      %get3A_1631 = arith.index_cast %mul3A_1256 : i32 to index
      %get3A_1632 = arith.constant 48 : index
      %get3A_1633 = tpu.vector_load %arg6[%get3A_1630, %get3A_1631, %get3A_1632] {strides = array<i32>} : memref<4x64x128xf32, #tpu.memory_space<vmem>>, vector<1x1x16xf32>,
      %get3A_1634 = vector.shape_cast %get3A_1633 : vector<1x1x16xf32> to vector<16xf32>
      %mul3A_1635 = arith.constant 11.3137083 : f32
      %mul3A_1636 = vector.broadcast %mul3A_1635 : f32 to vector<16xf32>
      %mul3A_1637 = arith.mulf %get3A_1634, %mul3A_1636 : vector<16xf32>
      %add3A_1638 = arith.addf %mul3A_1637, %scan3A_1250 : vector<16xf32>
      %swap3A_1639 = arith.constant 2 : i32
      %swap3A_1640 = arith.index_cast %swap3A_1639 : i32 to index
      %swap3A_1641 = arith.index_cast %mul3A_1256 : i32 to index
      %swap3A_1642 = arith.constant 48 : index
      %swap3A_1643 = tpu.vector_load %arg6[%swap3A_1640, %swap3A_1641, %swap3A_1642] {strides = array<i32>} : memref<4x64x128xf32, #tpu.memory_space<vmem>>, vector<1x1x16xf32>,
      %swap3A_1644 = vector.shape_cast %swap3A_1643 : vector<1x1x16xf32> to vector<16xf32>
      %swap3A_1645 = vector.shape_cast %add3A_1638 : vector<16xf32> to vector<1x1x16xf32>
      tpu.vector_store %arg6[%swap3A_1640, %swap3A_1641, %swap3A_1642], %swap3A_1645 {strides = array<i32>} : memref<4x64x128xf32, #tpu.memory_space<vmem>>, vector<1x1x16xf32>,
      %get3A_1646 = arith.constant 2 : i32
      %get3A_1647 = arith.index_cast %get3A_1646 : i32 to index
      %get3A_1648 = arith.index_cast %mul3A_1256 : i32 to index
      %get3A_1649 = arith.constant 112 : index
      %get3A_1650 = tpu.vector_load %arg6[%get3A_1647, %get3A_1648, %get3A_1649] {strides = array<i32>} : memref<4x64x128xf32, #tpu.memory_space<vmem>>, vector<1x1x16xf32>,
      %get3A_1651 = vector.shape_cast %get3A_1650 : vector<1x1x16xf32> to vector<16xf32>
      %mul3A_1652 = arith.constant 11.3137083 : f32
      %mul3A_1653 = vector.broadcast %mul3A_1652 : f32 to vector<16xf32>
      %mul3A_1654 = arith.mulf %get3A_1651, %mul3A_1653 : vector<16xf32>
      %add3A_1655 = arith.addf %mul3A_1654, %scan3A_1254 : vector<16xf32>
      %swap3A_1656 = arith.constant 2 : i32
      %swap3A_1657 = arith.index_cast %swap3A_1656 : i32 to index
      %swap3A_1658 = arith.index_cast %mul3A_1256 : i32 to index
      %swap3A_1659 = arith.constant 112 : index
      %swap3A_1660 = tpu.vector_load %arg6[%swap3A_1657, %swap3A_1658, %swap3A_1659] {strides = array<i32>} : memref<4x64x128xf32, #tpu.memory_space<vmem>>, vector<1x1x16xf32>,
      %swap3A_1661 = vector.shape_cast %swap3A_1660 : vector<1x1x16xf32> to vector<16xf32>
      %swap3A_1662 = vector.shape_cast %add3A_1655 : vector<16xf32> to vector<1x1x16xf32>
      tpu.vector_store %arg6[%swap3A_1657, %swap3A_1658, %swap3A_1659], %swap3A_1662 {strides = array<i32>} : memref<4x64x128xf32, #tpu.memory_space<vmem>>, vector<1x1x16xf32>,
      %get3A_1663 = arith.constant 3 : i32
      %get3A_1664 = arith.index_cast %get3A_1663 : i32 to index
      %get3A_1665 = arith.index_cast %mul3A_1256 : i32 to index
      %get3A_1666 = arith.constant 0 : index
      %get3A_1667 = tpu.vector_load %arg6[%get3A_1664, %get3A_1665, %get3A_1666] {strides = array<i32>} : memref<4x64x128xf32, #tpu.memory_space<vmem>>, vector<1x1x16xf32>,
      %get3A_1668 = vector.shape_cast %get3A_1667 : vector<1x1x16xf32> to vector<16xf32>
      %mul3A_1669 = arith.constant 11.3137083 : f32
      %mul3A_1670 = vector.broadcast %mul3A_1669 : f32 to vector<16xf32>
      %mul3A_1671 = arith.mulf %get3A_1668, %mul3A_1670 : vector<16xf32>
      %add3A_1672 = arith.addf %mul3A_1671, %scan3A_1247 : vector<16xf32>
      %swap3A_1673 = arith.constant 3 : i32
      %swap3A_1674 = arith.index_cast %swap3A_1673 : i32 to index
      %swap3A_1675 = arith.index_cast %mul3A_1256 : i32 to index
      %swap3A_1676 = arith.constant 0 : index
      %swap3A_1677 = tpu.vector_load %arg6[%swap3A_1674, %swap3A_1675, %swap3A_1676] {strides = array<i32>} : memref<4x64x128xf32, #tpu.memory_space<vmem>>, vector<1x1x16xf32>,
      %swap3A_1678 = vector.shape_cast %swap3A_1677 : vector<1x1x16xf32> to vector<16xf32>
      %swap3A_1679 = vector.shape_cast %add3A_1672 : vector<16xf32> to vector<1x1x16xf32>
      tpu.vector_store %arg6[%swap3A_1674, %swap3A_1675, %swap3A_1676], %swap3A_1679 {strides = array<i32>} : memref<4x64x128xf32, #tpu.memory_space<vmem>>, vector<1x1x16xf32>,
      %get3A_1680 = arith.constant 3 : i32
      %get3A_1681 = arith.index_cast %get3A_1680 : i32 to index
      %get3A_1682 = arith.index_cast %mul3A_1256 : i32 to index
      %get3A_1683 = arith.constant 64 : index
      %get3A_1684 = tpu.vector_load %arg6[%get3A_1681, %get3A_1682, %get3A_1683] {strides = array<i32>} : memref<4x64x128xf32, #tpu.memory_space<vmem>>, vector<1x1x16xf32>,
      %get3A_1685 = vector.shape_cast %get3A_1684 : vector<1x1x16xf32> to vector<16xf32>
      %mul3A_1686 = arith.constant 11.3137083 : f32
      %mul3A_1687 = vector.broadcast %mul3A_1686 : f32 to vector<16xf32>
      %mul3A_1688 = arith.mulf %get3A_1685, %mul3A_1687 : vector<16xf32>
      %add3A_1689 = arith.addf %mul3A_1688, %scan3A_1251 : vector<16xf32>
      %swap3A_1690 = arith.constant 3 : i32
      %swap3A_1691 = arith.index_cast %swap3A_1690 : i32 to index
      %swap3A_1692 = arith.index_cast %mul3A_1256 : i32 to index
      %swap3A_1693 = arith.constant 64 : index
      %swap3A_1694 = tpu.vector_load %arg6[%swap3A_1691, %swap3A_1692, %swap3A_1693] {strides = array<i32>} : memref<4x64x128xf32, #tpu.memory_space<vmem>>, vector<1x1x16xf32>,
      %swap3A_1695 = vector.shape_cast %swap3A_1694 : vector<1x1x16xf32> to vector<16xf32>
      %swap3A_1696 = vector.shape_cast %add3A_1689 : vector<16xf32> to vector<1x1x16xf32>
      tpu.vector_store %arg6[%swap3A_1691, %swap3A_1692, %swap3A_1693], %swap3A_1696 {strides = array<i32>} : memref<4x64x128xf32, #tpu.memory_space<vmem>>, vector<1x1x16xf32>,
      %get3A_1697 = arith.constant 3 : i32
      %get3A_1698 = arith.index_cast %get3A_1697 : i32 to index
      %get3A_1699 = arith.index_cast %mul3A_1256 : i32 to index
      %get3A_1700 = arith.constant 16 : index
      %get3A_1701 = tpu.vector_load %arg6[%get3A_1698, %get3A_1699, %get3A_1700] {strides = array<i32>} : memref<4x64x128xf32, #tpu.memory_space<vmem>>, vector<1x1x16xf32>,
      %get3A_1702 = vector.shape_cast %get3A_1701 : vector<1x1x16xf32> to vector<16xf32>
      %mul3A_1703 = arith.constant 11.3137083 : f32
      %mul3A_1704 = vector.broadcast %mul3A_1703 : f32 to vector<16xf32>
      %mul3A_1705 = arith.mulf %get3A_1702, %mul3A_1704 : vector<16xf32>
      %add3A_1706 = arith.addf %mul3A_1705, %scan3A_1248 : vector<16xf32>
      %swap3A_1707 = arith.constant 3 : i32
      %swap3A_1708 = arith.index_cast %swap3A_1707 : i32 to index
      %swap3A_1709 = arith.index_cast %mul3A_1256 : i32 to index
      %swap3A_1710 = arith.constant 16 : index
      %swap3A_1711 = tpu.vector_load %arg6[%swap3A_1708, %swap3A_1709, %swap3A_1710] {strides = array<i32>} : memref<4x64x128xf32, #tpu.memory_space<vmem>>, vector<1x1x16xf32>,
      %swap3A_1712 = vector.shape_cast %swap3A_1711 : vector<1x1x16xf32> to vector<16xf32>
      %swap3A_1713 = vector.shape_cast %add3A_1706 : vector<16xf32> to vector<1x1x16xf32>
      tpu.vector_store %arg6[%swap3A_1708, %swap3A_1709, %swap3A_1710], %swap3A_1713 {strides = array<i32>} : memref<4x64x128xf32, #tpu.memory_space<vmem>>, vector<1x1x16xf32>,
      %get3A_1714 = arith.constant 3 : i32
      %get3A_1715 = arith.index_cast %get3A_1714 : i32 to index
      %get3A_1716 = arith.index_cast %mul3A_1256 : i32 to index
      %get3A_1717 = arith.constant 80 : index
      %get3A_1718 = tpu.vector_load %arg6[%get3A_1715, %get3A_1716, %get3A_1717] {strides = array<i32>} : memref<4x64x128xf32, #tpu.memory_space<vmem>>, vector<1x1x16xf32>,
      %get3A_1719 = vector.shape_cast %get3A_1718 : vector<1x1x16xf32> to vector<16xf32>
      %mul3A_1720 = arith.constant 11.3137083 : f32
      %mul3A_1721 = vector.broadcast %mul3A_1720 : f32 to vector<16xf32>
      %mul3A_1722 = arith.mulf %get3A_1719, %mul3A_1721 : vector<16xf32>
      %add3A_1723 = arith.addf %mul3A_1722, %scan3A_1252 : vector<16xf32>
      %swap3A_1724 = arith.constant 3 : i32
      %swap3A_1725 = arith.index_cast %swap3A_1724 : i32 to index
      %swap3A_1726 = arith.index_cast %mul3A_1256 : i32 to index
      %swap3A_1727 = arith.constant 80 : index
      %swap3A_1728 = tpu.vector_load %arg6[%swap3A_1725, %swap3A_1726, %swap3A_1727] {strides = array<i32>} : memref<4x64x128xf32, #tpu.memory_space<vmem>>, vector<1x1x16xf32>,
      %swap3A_1729 = vector.shape_cast %swap3A_1728 : vector<1x1x16xf32> to vector<16xf32>
      %swap3A_1730 = vector.shape_cast %add3A_1723 : vector<16xf32> to vector<1x1x16xf32>
      tpu.vector_store %arg6[%swap3A_1725, %swap3A_1726, %swap3A_1727], %swap3A_1730 {strides = array<i32>} : memref<4x64x128xf32, #tpu.memory_space<vmem>>, vector<1x1x16xf32>,
      %get3A_1731 = arith.constant 3 : i32
      %get3A_1732 = arith.index_cast %get3A_1731 : i32 to index
      %get3A_1733 = arith.index_cast %mul3A_1256 : i32 to index
      %get3A_1734 = arith.constant 32 : index
      %get3A_1735 = tpu.vector_load %arg6[%get3A_1732, %get3A_1733, %get3A_1734] {strides = array<i32>} : memref<4x64x128xf32, #tpu.memory_space<vmem>>, vector<1x1x16xf32>,
      %get3A_1736 = vector.shape_cast %get3A_1735 : vector<1x1x16xf32> to vector<16xf32>
      %mul3A_1737 = arith.constant 11.3137083 : f32
      %mul3A_1738 = vector.broadcast %mul3A_1737 : f32 to vector<16xf32>
      %mul3A_1739 = arith.mulf %get3A_1736, %mul3A_1738 : vector<16xf32>
      %add3A_1740 = arith.addf %mul3A_1739, %scan3A_1249 : vector<16xf32>
      %swap3A_1741 = arith.constant 3 : i32
      %swap3A_1742 = arith.index_cast %swap3A_1741 : i32 to index
      %swap3A_1743 = arith.index_cast %mul3A_1256 : i32 to index
      %swap3A_1744 = arith.constant 32 : index
      %swap3A_1745 = tpu.vector_load %arg6[%swap3A_1742, %swap3A_1743, %swap3A_1744] {strides = array<i32>} : memref<4x64x128xf32, #tpu.memory_space<vmem>>, vector<1x1x16xf32>,
      %swap3A_1746 = vector.shape_cast %swap3A_1745 : vector<1x1x16xf32> to vector<16xf32>
      %swap3A_1747 = vector.shape_cast %add3A_1740 : vector<16xf32> to vector<1x1x16xf32>
      tpu.vector_store %arg6[%swap3A_1742, %swap3A_1743, %swap3A_1744], %swap3A_1747 {strides = array<i32>} : memref<4x64x128xf32, #tpu.memory_space<vmem>>, vector<1x1x16xf32>,
      %get3A_1748 = arith.constant 3 : i32
      %get3A_1749 = arith.index_cast %get3A_1748 : i32 to index
      %get3A_1750 = arith.index_cast %mul3A_1256 : i32 to index
      %get3A_1751 = arith.constant 96 : index
      %get3A_1752 = tpu.vector_load %arg6[%get3A_1749, %get3A_1750, %get3A_1751] {strides = array<i32>} : memref<4x64x128xf32, #tpu.memory_space<vmem>>, vector<1x1x16xf32>,
      %get3A_1753 = vector.shape_cast %get3A_1752 : vector<1x1x16xf32> to vector<16xf32>
      %mul3A_1754 = arith.constant 11.3137083 : f32
      %mul3A_1755 = vector.broadcast %mul3A_1754 : f32 to vector<16xf32>
      %mul3A_1756 = arith.mulf %get3A_1753, %mul3A_1755 : vector<16xf32>
      %add3A_1757 = arith.addf %mul3A_1756, %scan3A_1253 : vector<16xf32>
      %swap3A_1758 = arith.constant 3 : i32
      %swap3A_1759 = arith.index_cast %swap3A_1758 : i32 to index
      %swap3A_1760 = arith.index_cast %mul3A_1256 : i32 to index
      %swap3A_1761 = arith.constant 96 : index
      %swap3A_1762 = tpu.vector_load %arg6[%swap3A_1759, %swap3A_1760, %swap3A_1761] {strides = array<i32>} : memref<4x64x128xf32, #tpu.memory_space<vmem>>, vector<1x1x16xf32>,
      %swap3A_1763 = vector.shape_cast %swap3A_1762 : vector<1x1x16xf32> to vector<16xf32>
      %swap3A_1764 = vector.shape_cast %add3A_1757 : vector<16xf32> to vector<1x1x16xf32>
      tpu.vector_store %arg6[%swap3A_1759, %swap3A_1760, %swap3A_1761], %swap3A_1764 {strides = array<i32>} : memref<4x64x128xf32, #tpu.memory_space<vmem>>, vector<1x1x16xf32>,
      %get3A_1765 = arith.constant 3 : i32
      %get3A_1766 = arith.index_cast %get3A_1765 : i32 to index
      %get3A_1767 = arith.index_cast %mul3A_1256 : i32 to index
      %get3A_1768 = arith.constant 48 : index
      %get3A_1769 = tpu.vector_load %arg6[%get3A_1766, %get3A_1767, %get3A_1768] {strides = array<i32>} : memref<4x64x128xf32, #tpu.memory_space<vmem>>, vector<1x1x16xf32>,
      %get3A_1770 = vector.shape_cast %get3A_1769 : vector<1x1x16xf32> to vector<16xf32>
      %mul3A_1771 = arith.constant 11.3137083 : f32
      %mul3A_1772 = vector.broadcast %mul3A_1771 : f32 to vector<16xf32>
      %mul3A_1773 = arith.mulf %get3A_1770, %mul3A_1772 : vector<16xf32>
      %add3A_1774 = arith.addf %mul3A_1773, %scan3A_1250 : vector<16xf32>
      %swap3A_1775 = arith.constant 3 : i32
      %swap3A_1776 = arith.index_cast %swap3A_1775 : i32 to index
      %swap3A_1777 = arith.index_cast %mul3A_1256 : i32 to index
      %swap3A_1778 = arith.constant 48 : index
      %swap3A_1779 = tpu.vector_load %arg6[%swap3A_1776, %swap3A_1777, %swap3A_1778] {strides = array<i32>} : memref<4x64x128xf32, #tpu.memory_space<vmem>>, vector<1x1x16xf32>,
      %swap3A_1780 = vector.shape_cast %swap3A_1779 : vector<1x1x16xf32> to vector<16xf32>
      %swap3A_1781 = vector.shape_cast %add3A_1774 : vector<16xf32> to vector<1x1x16xf32>
      tpu.vector_store %arg6[%swap3A_1776, %swap3A_1777, %swap3A_1778], %swap3A_1781 {strides = array<i32>} : memref<4x64x128xf32, #tpu.memory_space<vmem>>, vector<1x1x16xf32>,
      %get3A_1782 = arith.constant 3 : i32
      %get3A_1783 = arith.index_cast %get3A_1782 : i32 to index
      %get3A_1784 = arith.index_cast %mul3A_1256 : i32 to index
      %get3A_1785 = arith.constant 112 : index
      %get3A_1786 = tpu.vector_load %arg6[%get3A_1783, %get3A_1784, %get3A_1785] {strides = array<i32>} : memref<4x64x128xf32, #tpu.memory_space<vmem>>, vector<1x1x16xf32>,
      %get3A_1787 = vector.shape_cast %get3A_1786 : vector<1x1x16xf32> to vector<16xf32>
      %mul3A_1788 = arith.constant 11.3137083 : f32
      %mul3A_1789 = vector.broadcast %mul3A_1788 : f32 to vector<16xf32>
      %mul3A_1790 = arith.mulf %get3A_1787, %mul3A_1789 : vector<16xf32>
      %add3A_1791 = arith.addf %mul3A_1790, %scan3A_1254 : vector<16xf32>
      %swap3A_1792 = arith.constant 3 : i32
      %swap3A_1793 = arith.index_cast %swap3A_1792 : i32 to index
      %swap3A_1794 = arith.index_cast %mul3A_1256 : i32 to index
      %swap3A_1795 = arith.constant 112 : index
      %swap3A_1796 = tpu.vector_load %arg6[%swap3A_1793, %swap3A_1794, %swap3A_1795] {strides = array<i32>} : memref<4x64x128xf32, #tpu.memory_space<vmem>>, vector<1x1x16xf32>,
      %swap3A_1797 = vector.shape_cast %swap3A_1796 : vector<1x1x16xf32> to vector<16xf32>
      %swap3A_1798 = vector.shape_cast %add3A_1791 : vector<16xf32> to vector<1x1x16xf32>
      tpu.vector_store %arg6[%swap3A_1793, %swap3A_1794, %swap3A_1795], %swap3A_1798 {strides = array<i32>} : memref<4x64x128xf32, #tpu.memory_space<vmem>>, vector<1x1x16xf32>,
      %mul3A_1799 = arith.mulf %scan3A_1247, %add3A_199 : vector<16xf32>
      %mul3A_1800 = arith.mulf %scan3A_1251, %mul3A_200 : vector<16xf32>
      %add3A_1801 = arith.addf %mul3A_1799, %mul3A_1800 : vector<16xf32>
      %mul3A_1802 = arith.mulf %scan3A_1248, %add3A_250 : vector<16xf32>
      %mul3A_1803 = arith.mulf %scan3A_1252, %mul3A_251 : vector<16xf32>
      %add3A_1804 = arith.addf %mul3A_1802, %mul3A_1803 : vector<16xf32>
      %mul3A_1805 = arith.mulf %scan3A_1249, %add3A_301 : vector<16xf32>
      %mul3A_1806 = arith.mulf %scan3A_1253, %mul3A_302 : vector<16xf32>
      %add3A_1807 = arith.addf %mul3A_1805, %mul3A_1806 : vector<16xf32>
      %mul3A_1808 = arith.mulf %scan3A_1250, %add3A_352 : vector<16xf32>
      %mul3A_1809 = arith.mulf %scan3A_1254, %mul3A_353 : vector<16xf32>
      %add3A_1810 = arith.addf %mul3A_1808, %mul3A_1809 : vector<16xf32>
      %mul3A_1811 = arith.mulf %scan3A_1251, %add3A_199 : vector<16xf32>
      %mul3A_1812 = arith.mulf %scan3A_1247, %mul3A_200 : vector<16xf32>
      %sub3A_1813 = arith.subf %mul3A_1811, %mul3A_1812 : vector<16xf32>
      %mul3A_1814 = arith.mulf %scan3A_1252, %add3A_250 : vector<16xf32>
      %mul3A_1815 = arith.mulf %scan3A_1248, %mul3A_251 : vector<16xf32>
      %sub3A_1816 = arith.subf %mul3A_1814, %mul3A_1815 : vector<16xf32>
      %mul3A_1817 = arith.mulf %scan3A_1253, %add3A_301 : vector<16xf32>
      %mul3A_1818 = arith.mulf %scan3A_1249, %mul3A_302 : vector<16xf32>
      %sub3A_1819 = arith.subf %mul3A_1817, %mul3A_1818 : vector<16xf32>
      %mul3A_1820 = arith.mulf %scan3A_1254, %add3A_352 : vector<16xf32>
      %mul3A_1821 = arith.mulf %scan3A_1250, %mul3A_353 : vector<16xf32>
      %sub3A_1822 = arith.subf %mul3A_1820, %mul3A_1821 : vector<16xf32>
      %mul3A_1823 = arith.constant 2 : i32
      %mul3A_1824 = arith.muli %scan3A_1246, %mul3A_1823 : i32
      %add3A_1825 = arith.constant 1 : i32
      %add3A_1826 = arith.addi %mul3A_1824, %add3A_1825 : i32
      %get3A_1827 = arith.constant 0 : i32
      %get3A_1828 = arith.index_cast %get3A_1827 : i32 to index
      %get3A_1829 = arith.index_cast %add3A_1826 : i32 to index
      %get3A_1830 = arith.constant 0 : index
      %get3A_1831 = tpu.vector_load %arg6[%get3A_1828, %get3A_1829, %get3A_1830] {strides = array<i32>} : memref<4x64x128xf32, #tpu.memory_space<vmem>>, vector<1x1x16xf32>,
      %get3A_1832 = vector.shape_cast %get3A_1831 : vector<1x1x16xf32> to vector<16xf32>
      %mul3A_1833 = arith.constant 11.3137083 : f32
      %mul3A_1834 = vector.broadcast %mul3A_1833 : f32 to vector<16xf32>
      %mul3A_1835 = arith.mulf %get3A_1832, %mul3A_1834 : vector<16xf32>
      %add3A_1836 = arith.addf %mul3A_1835, %add3A_1801 : vector<16xf32>
      %swap3A_1837 = arith.constant 0 : i32
      %swap3A_1838 = arith.index_cast %swap3A_1837 : i32 to index
      %swap3A_1839 = arith.index_cast %add3A_1826 : i32 to index
      %swap3A_1840 = arith.constant 0 : index
      %swap3A_1841 = tpu.vector_load %arg6[%swap3A_1838, %swap3A_1839, %swap3A_1840] {strides = array<i32>} : memref<4x64x128xf32, #tpu.memory_space<vmem>>, vector<1x1x16xf32>,
      %swap3A_1842 = vector.shape_cast %swap3A_1841 : vector<1x1x16xf32> to vector<16xf32>
      %swap3A_1843 = vector.shape_cast %add3A_1836 : vector<16xf32> to vector<1x1x16xf32>
      tpu.vector_store %arg6[%swap3A_1838, %swap3A_1839, %swap3A_1840], %swap3A_1843 {strides = array<i32>} : memref<4x64x128xf32, #tpu.memory_space<vmem>>, vector<1x1x16xf32>,
      %get3A_1844 = arith.constant 0 : i32
      %get3A_1845 = arith.index_cast %get3A_1844 : i32 to index
      %get3A_1846 = arith.index_cast %add3A_1826 : i32 to index
      %get3A_1847 = arith.constant 64 : index
      %get3A_1848 = tpu.vector_load %arg6[%get3A_1845, %get3A_1846, %get3A_1847] {strides = array<i32>} : memref<4x64x128xf32, #tpu.memory_space<vmem>>, vector<1x1x16xf32>,
      %get3A_1849 = vector.shape_cast %get3A_1848 : vector<1x1x16xf32> to vector<16xf32>
      %mul3A_1850 = arith.constant 11.3137083 : f32
      %mul3A_1851 = vector.broadcast %mul3A_1850 : f32 to vector<16xf32>
      %mul3A_1852 = arith.mulf %get3A_1849, %mul3A_1851 : vector<16xf32>
      %add3A_1853 = arith.addf %mul3A_1852, %sub3A_1813 : vector<16xf32>
      %swap3A_1854 = arith.constant 0 : i32
      %swap3A_1855 = arith.index_cast %swap3A_1854 : i32 to index
      %swap3A_1856 = arith.index_cast %add3A_1826 : i32 to index
      %swap3A_1857 = arith.constant 64 : index
      %swap3A_1858 = tpu.vector_load %arg6[%swap3A_1855, %swap3A_1856, %swap3A_1857] {strides = array<i32>} : memref<4x64x128xf32, #tpu.memory_space<vmem>>, vector<1x1x16xf32>,
      %swap3A_1859 = vector.shape_cast %swap3A_1858 : vector<1x1x16xf32> to vector<16xf32>
      %swap3A_1860 = vector.shape_cast %add3A_1853 : vector<16xf32> to vector<1x1x16xf32>
      tpu.vector_store %arg6[%swap3A_1855, %swap3A_1856, %swap3A_1857], %swap3A_1860 {strides = array<i32>} : memref<4x64x128xf32, #tpu.memory_space<vmem>>, vector<1x1x16xf32>,
      %get3A_1861 = arith.constant 0 : i32
      %get3A_1862 = arith.index_cast %get3A_1861 : i32 to index
      %get3A_1863 = arith.index_cast %add3A_1826 : i32 to index
      %get3A_1864 = arith.constant 16 : index
      %get3A_1865 = tpu.vector_load %arg6[%get3A_1862, %get3A_1863, %get3A_1864] {strides = array<i32>} : memref<4x64x128xf32, #tpu.memory_space<vmem>>, vector<1x1x16xf32>,
      %get3A_1866 = vector.shape_cast %get3A_1865 : vector<1x1x16xf32> to vector<16xf32>
      %mul3A_1867 = arith.constant 11.3137083 : f32
      %mul3A_1868 = vector.broadcast %mul3A_1867 : f32 to vector<16xf32>
      %mul3A_1869 = arith.mulf %get3A_1866, %mul3A_1868 : vector<16xf32>
      %add3A_1870 = arith.addf %mul3A_1869, %add3A_1804 : vector<16xf32>
      %swap3A_1871 = arith.constant 0 : i32
      %swap3A_1872 = arith.index_cast %swap3A_1871 : i32 to index
      %swap3A_1873 = arith.index_cast %add3A_1826 : i32 to index
      %swap3A_1874 = arith.constant 16 : index
      %swap3A_1875 = tpu.vector_load %arg6[%swap3A_1872, %swap3A_1873, %swap3A_1874] {strides = array<i32>} : memref<4x64x128xf32, #tpu.memory_space<vmem>>, vector<1x1x16xf32>,
      %swap3A_1876 = vector.shape_cast %swap3A_1875 : vector<1x1x16xf32> to vector<16xf32>
      %swap3A_1877 = vector.shape_cast %add3A_1870 : vector<16xf32> to vector<1x1x16xf32>
      tpu.vector_store %arg6[%swap3A_1872, %swap3A_1873, %swap3A_1874], %swap3A_1877 {strides = array<i32>} : memref<4x64x128xf32, #tpu.memory_space<vmem>>, vector<1x1x16xf32>,
      %get3A_1878 = arith.constant 0 : i32
      %get3A_1879 = arith.index_cast %get3A_1878 : i32 to index
      %get3A_1880 = arith.index_cast %add3A_1826 : i32 to index
      %get3A_1881 = arith.constant 80 : index
      %get3A_1882 = tpu.vector_load %arg6[%get3A_1879, %get3A_1880, %get3A_1881] {strides = array<i32>} : memref<4x64x128xf32, #tpu.memory_space<vmem>>, vector<1x1x16xf32>,
      %get3A_1883 = vector.shape_cast %get3A_1882 : vector<1x1x16xf32> to vector<16xf32>
      %mul3A_1884 = arith.constant 11.3137083 : f32
      %mul3A_1885 = vector.broadcast %mul3A_1884 : f32 to vector<16xf32>
      %mul3A_1886 = arith.mulf %get3A_1883, %mul3A_1885 : vector<16xf32>
      %add3A_1887 = arith.addf %mul3A_1886, %sub3A_1816 : vector<16xf32>
      %swap3A_1888 = arith.constant 0 : i32
      %swap3A_1889 = arith.index_cast %swap3A_1888 : i32 to index
      %swap3A_1890 = arith.index_cast %add3A_1826 : i32 to index
      %swap3A_1891 = arith.constant 80 : index
      %swap3A_1892 = tpu.vector_load %arg6[%swap3A_1889, %swap3A_1890, %swap3A_1891] {strides = array<i32>} : memref<4x64x128xf32, #tpu.memory_space<vmem>>, vector<1x1x16xf32>,
      %swap3A_1893 = vector.shape_cast %swap3A_1892 : vector<1x1x16xf32> to vector<16xf32>
      %swap3A_1894 = vector.shape_cast %add3A_1887 : vector<16xf32> to vector<1x1x16xf32>
      tpu.vector_store %arg6[%swap3A_1889, %swap3A_1890, %swap3A_1891], %swap3A_1894 {strides = array<i32>} : memref<4x64x128xf32, #tpu.memory_space<vmem>>, vector<1x1x16xf32>,
      %get3A_1895 = arith.constant 0 : i32
      %get3A_1896 = arith.index_cast %get3A_1895 : i32 to index
      %get3A_1897 = arith.index_cast %add3A_1826 : i32 to index
      %get3A_1898 = arith.constant 32 : index
      %get3A_1899 = tpu.vector_load %arg6[%get3A_1896, %get3A_1897, %get3A_1898] {strides = array<i32>} : memref<4x64x128xf32, #tpu.memory_space<vmem>>, vector<1x1x16xf32>,
      %get3A_1900 = vector.shape_cast %get3A_1899 : vector<1x1x16xf32> to vector<16xf32>
      %mul3A_1901 = arith.constant 11.3137083 : f32
      %mul3A_1902 = vector.broadcast %mul3A_1901 : f32 to vector<16xf32>
      %mul3A_1903 = arith.mulf %get3A_1900, %mul3A_1902 : vector<16xf32>
      %add3A_1904 = arith.addf %mul3A_1903, %add3A_1807 : vector<16xf32>
      %swap3A_1905 = arith.constant 0 : i32
      %swap3A_1906 = arith.index_cast %swap3A_1905 : i32 to index
      %swap3A_1907 = arith.index_cast %add3A_1826 : i32 to index
      %swap3A_1908 = arith.constant 32 : index
      %swap3A_1909 = tpu.vector_load %arg6[%swap3A_1906, %swap3A_1907, %swap3A_1908] {strides = array<i32>} : memref<4x64x128xf32, #tpu.memory_space<vmem>>, vector<1x1x16xf32>,
      %swap3A_1910 = vector.shape_cast %swap3A_1909 : vector<1x1x16xf32> to vector<16xf32>
      %swap3A_1911 = vector.shape_cast %add3A_1904 : vector<16xf32> to vector<1x1x16xf32>
      tpu.vector_store %arg6[%swap3A_1906, %swap3A_1907, %swap3A_1908], %swap3A_1911 {strides = array<i32>} : memref<4x64x128xf32, #tpu.memory_space<vmem>>, vector<1x1x16xf32>,
      %get3A_1912 = arith.constant 0 : i32
      %get3A_1913 = arith.index_cast %get3A_1912 : i32 to index
      %get3A_1914 = arith.index_cast %add3A_1826 : i32 to index
      %get3A_1915 = arith.constant 96 : index
      %get3A_1916 = tpu.vector_load %arg6[%get3A_1913, %get3A_1914, %get3A_1915] {strides = array<i32>} : memref<4x64x128xf32, #tpu.memory_space<vmem>>, vector<1x1x16xf32>,
      %get3A_1917 = vector.shape_cast %get3A_1916 : vector<1x1x16xf32> to vector<16xf32>
      %mul3A_1918 = arith.constant 11.3137083 : f32
      %mul3A_1919 = vector.broadcast %mul3A_1918 : f32 to vector<16xf32>
      %mul3A_1920 = arith.mulf %get3A_1917, %mul3A_1919 : vector<16xf32>
      %add3A_1921 = arith.addf %mul3A_1920, %sub3A_1819 : vector<16xf32>
      %swap3A_1922 = arith.constant 0 : i32
      %swap3A_1923 = arith.index_cast %swap3A_1922 : i32 to index
      %swap3A_1924 = arith.index_cast %add3A_1826 : i32 to index
      %swap3A_1925 = arith.constant 96 : index
      %swap3A_1926 = tpu.vector_load %arg6[%swap3A_1923, %swap3A_1924, %swap3A_1925] {strides = array<i32>} : memref<4x64x128xf32, #tpu.memory_space<vmem>>, vector<1x1x16xf32>,
      %swap3A_1927 = vector.shape_cast %swap3A_1926 : vector<1x1x16xf32> to vector<16xf32>
      %swap3A_1928 = vector.shape_cast %add3A_1921 : vector<16xf32> to vector<1x1x16xf32>
      tpu.vector_store %arg6[%swap3A_1923, %swap3A_1924, %swap3A_1925], %swap3A_1928 {strides = array<i32>} : memref<4x64x128xf32, #tpu.memory_space<vmem>>, vector<1x1x16xf32>,
      %get3A_1929 = arith.constant 0 : i32
      %get3A_1930 = arith.index_cast %get3A_1929 : i32 to index
      %get3A_1931 = arith.index_cast %add3A_1826 : i32 to index
      %get3A_1932 = arith.constant 48 : index
      %get3A_1933 = tpu.vector_load %arg6[%get3A_1930, %get3A_1931, %get3A_1932] {strides = array<i32>} : memref<4x64x128xf32, #tpu.memory_space<vmem>>, vector<1x1x16xf32>,
      %get3A_1934 = vector.shape_cast %get3A_1933 : vector<1x1x16xf32> to vector<16xf32>
      %mul3A_1935 = arith.constant 11.3137083 : f32
      %mul3A_1936 = vector.broadcast %mul3A_1935 : f32 to vector<16xf32>
      %mul3A_1937 = arith.mulf %get3A_1934, %mul3A_1936 : vector<16xf32>
      %add3A_1938 = arith.addf %mul3A_1937, %add3A_1810 : vector<16xf32>
      %swap3A_1939 = arith.constant 0 : i32
      %swap3A_1940 = arith.index_cast %swap3A_1939 : i32 to index
      %swap3A_1941 = arith.index_cast %add3A_1826 : i32 to index
      %swap3A_1942 = arith.constant 48 : index
      %swap3A_1943 = tpu.vector_load %arg6[%swap3A_1940, %swap3A_1941, %swap3A_1942] {strides = array<i32>} : memref<4x64x128xf32, #tpu.memory_space<vmem>>, vector<1x1x16xf32>,
      %swap3A_1944 = vector.shape_cast %swap3A_1943 : vector<1x1x16xf32> to vector<16xf32>
      %swap3A_1945 = vector.shape_cast %add3A_1938 : vector<16xf32> to vector<1x1x16xf32>
      tpu.vector_store %arg6[%swap3A_1940, %swap3A_1941, %swap3A_1942], %swap3A_1945 {strides = array<i32>} : memref<4x64x128xf32, #tpu.memory_space<vmem>>, vector<1x1x16xf32>,
      %get3A_1946 = arith.constant 0 : i32
      %get3A_1947 = arith.index_cast %get3A_1946 : i32 to index
      %get3A_1948 = arith.index_cast %add3A_1826 : i32 to index
      %get3A_1949 = arith.constant 112 : index
      %get3A_1950 = tpu.vector_load %arg6[%get3A_1947, %get3A_1948, %get3A_1949] {strides = array<i32>} : memref<4x64x128xf32, #tpu.memory_space<vmem>>, vector<1x1x16xf32>,
      %get3A_1951 = vector.shape_cast %get3A_1950 : vector<1x1x16xf32> to vector<16xf32>
      %mul3A_1952 = arith.constant 11.3137083 : f32
      %mul3A_1953 = vector.broadcast %mul3A_1952 : f32 to vector<16xf32>
      %mul3A_1954 = arith.mulf %get3A_1951, %mul3A_1953 : vector<16xf32>
      %add3A_1955 = arith.addf %mul3A_1954, %sub3A_1822 : vector<16xf32>
      %swap3A_1956 = arith.constant 0 : i32
      %swap3A_1957 = arith.index_cast %swap3A_1956 : i32 to index
      %swap3A_1958 = arith.index_cast %add3A_1826 : i32 to index
      %swap3A_1959 = arith.constant 112 : index
      %swap3A_1960 = tpu.vector_load %arg6[%swap3A_1957, %swap3A_1958, %swap3A_1959] {strides = array<i32>} : memref<4x64x128xf32, #tpu.memory_space<vmem>>, vector<1x1x16xf32>,
      %swap3A_1961 = vector.shape_cast %swap3A_1960 : vector<1x1x16xf32> to vector<16xf32>
      %swap3A_1962 = vector.shape_cast %add3A_1955 : vector<16xf32> to vector<1x1x16xf32>
      tpu.vector_store %arg6[%swap3A_1957, %swap3A_1958, %swap3A_1959], %swap3A_1962 {strides = array<i32>} : memref<4x64x128xf32, #tpu.memory_space<vmem>>, vector<1x1x16xf32>,
      %get3A_1963 = arith.constant 1 : i32
      %get3A_1964 = arith.index_cast %get3A_1963 : i32 to index
      %get3A_1965 = arith.index_cast %add3A_1826 : i32 to index
      %get3A_1966 = arith.constant 0 : index
      %get3A_1967 = tpu.vector_load %arg6[%get3A_1964, %get3A_1965, %get3A_1966] {strides = array<i32>} : memref<4x64x128xf32, #tpu.memory_space<vmem>>, vector<1x1x16xf32>,
      %get3A_1968 = vector.shape_cast %get3A_1967 : vector<1x1x16xf32> to vector<16xf32>
      %mul3A_1969 = arith.constant 11.3137083 : f32
      %mul3A_1970 = vector.broadcast %mul3A_1969 : f32 to vector<16xf32>
      %mul3A_1971 = arith.mulf %get3A_1968, %mul3A_1970 : vector<16xf32>
      %add3A_1972 = arith.addf %mul3A_1971, %add3A_1801 : vector<16xf32>
      %swap3A_1973 = arith.constant 1 : i32
      %swap3A_1974 = arith.index_cast %swap3A_1973 : i32 to index
      %swap3A_1975 = arith.index_cast %add3A_1826 : i32 to index
      %swap3A_1976 = arith.constant 0 : index
      %swap3A_1977 = tpu.vector_load %arg6[%swap3A_1974, %swap3A_1975, %swap3A_1976] {strides = array<i32>} : memref<4x64x128xf32, #tpu.memory_space<vmem>>, vector<1x1x16xf32>,
      %swap3A_1978 = vector.shape_cast %swap3A_1977 : vector<1x1x16xf32> to vector<16xf32>
      %swap3A_1979 = vector.shape_cast %add3A_1972 : vector<16xf32> to vector<1x1x16xf32>
      tpu.vector_store %arg6[%swap3A_1974, %swap3A_1975, %swap3A_1976], %swap3A_1979 {strides = array<i32>} : memref<4x64x128xf32, #tpu.memory_space<vmem>>, vector<1x1x16xf32>,
      %get3A_1980 = arith.constant 1 : i32
      %get3A_1981 = arith.index_cast %get3A_1980 : i32 to index
      %get3A_1982 = arith.index_cast %add3A_1826 : i32 to index
      %get3A_1983 = arith.constant 64 : index
      %get3A_1984 = tpu.vector_load %arg6[%get3A_1981, %get3A_1982, %get3A_1983] {strides = array<i32>} : memref<4x64x128xf32, #tpu.memory_space<vmem>>, vector<1x1x16xf32>,
      %get3A_1985 = vector.shape_cast %get3A_1984 : vector<1x1x16xf32> to vector<16xf32>
      %mul3A_1986 = arith.constant 11.3137083 : f32
      %mul3A_1987 = vector.broadcast %mul3A_1986 : f32 to vector<16xf32>
      %mul3A_1988 = arith.mulf %get3A_1985, %mul3A_1987 : vector<16xf32>
      %add3A_1989 = arith.addf %mul3A_1988, %sub3A_1813 : vector<16xf32>
      %swap3A_1990 = arith.constant 1 : i32
      %swap3A_1991 = arith.index_cast %swap3A_1990 : i32 to index
      %swap3A_1992 = arith.index_cast %add3A_1826 : i32 to index
      %swap3A_1993 = arith.constant 64 : index
      %swap3A_1994 = tpu.vector_load %arg6[%swap3A_1991, %swap3A_1992, %swap3A_1993] {strides = array<i32>} : memref<4x64x128xf32, #tpu.memory_space<vmem>>, vector<1x1x16xf32>,
      %swap3A_1995 = vector.shape_cast %swap3A_1994 : vector<1x1x16xf32> to vector<16xf32>
      %swap3A_1996 = vector.shape_cast %add3A_1989 : vector<16xf32> to vector<1x1x16xf32>
      tpu.vector_store %arg6[%swap3A_1991, %swap3A_1992, %swap3A_1993], %swap3A_1996 {strides = array<i32>} : memref<4x64x128xf32, #tpu.memory_space<vmem>>, vector<1x1x16xf32>,
      %get3A_1997 = arith.constant 1 : i32
      %get3A_1998 = arith.index_cast %get3A_1997 : i32 to index
      %get3A_1999 = arith.index_cast %add3A_1826 : i32 to index
      %get3A_2000 = arith.constant 16 : index
      %get3A_2001 = tpu.vector_load %arg6[%get3A_1998, %get3A_1999, %get3A_2000] {strides = array<i32>} : memref<4x64x128xf32, #tpu.memory_space<vmem>>, vector<1x1x16xf32>,
      %get3A_2002 = vector.shape_cast %get3A_2001 : vector<1x1x16xf32> to vector<16xf32>
      %mul3A_2003 = arith.constant 11.3137083 : f32
      %mul3A_2004 = vector.broadcast %mul3A_2003 : f32 to vector<16xf32>
      %mul3A_2005 = arith.mulf %get3A_2002, %mul3A_2004 : vector<16xf32>
      %add3A_2006 = arith.addf %mul3A_2005, %add3A_1804 : vector<16xf32>
      %swap3A_2007 = arith.constant 1 : i32
      %swap3A_2008 = arith.index_cast %swap3A_2007 : i32 to index
      %swap3A_2009 = arith.index_cast %add3A_1826 : i32 to index
      %swap3A_2010 = arith.constant 16 : index
      %swap3A_2011 = tpu.vector_load %arg6[%swap3A_2008, %swap3A_2009, %swap3A_2010] {strides = array<i32>} : memref<4x64x128xf32, #tpu.memory_space<vmem>>, vector<1x1x16xf32>,
      %swap3A_2012 = vector.shape_cast %swap3A_2011 : vector<1x1x16xf32> to vector<16xf32>
      %swap3A_2013 = vector.shape_cast %add3A_2006 : vector<16xf32> to vector<1x1x16xf32>
      tpu.vector_store %arg6[%swap3A_2008, %swap3A_2009, %swap3A_2010], %swap3A_2013 {strides = array<i32>} : memref<4x64x128xf32, #tpu.memory_space<vmem>>, vector<1x1x16xf32>,
      %get3A_2014 = arith.constant 1 : i32
      %get3A_2015 = arith.index_cast %get3A_2014 : i32 to index
      %get3A_2016 = arith.index_cast %add3A_1826 : i32 to index
      %get3A_2017 = arith.constant 80 : index
      %get3A_2018 = tpu.vector_load %arg6[%get3A_2015, %get3A_2016, %get3A_2017] {strides = array<i32>} : memref<4x64x128xf32, #tpu.memory_space<vmem>>, vector<1x1x16xf32>,
      %get3A_2019 = vector.shape_cast %get3A_2018 : vector<1x1x16xf32> to vector<16xf32>
      %mul3A_2020 = arith.constant 11.3137083 : f32
      %mul3A_2021 = vector.broadcast %mul3A_2020 : f32 to vector<16xf32>
      %mul3A_2022 = arith.mulf %get3A_2019, %mul3A_2021 : vector<16xf32>
      %add3A_2023 = arith.addf %mul3A_2022, %sub3A_1816 : vector<16xf32>
      %swap3A_2024 = arith.constant 1 : i32
      %swap3A_2025 = arith.index_cast %swap3A_2024 : i32 to index
      %swap3A_2026 = arith.index_cast %add3A_1826 : i32 to index
      %swap3A_2027 = arith.constant 80 : index
      %swap3A_2028 = tpu.vector_load %arg6[%swap3A_2025, %swap3A_2026, %swap3A_2027] {strides = array<i32>} : memref<4x64x128xf32, #tpu.memory_space<vmem>>, vector<1x1x16xf32>,
      %swap3A_2029 = vector.shape_cast %swap3A_2028 : vector<1x1x16xf32> to vector<16xf32>
      %swap3A_2030 = vector.shape_cast %add3A_2023 : vector<16xf32> to vector<1x1x16xf32>
      tpu.vector_store %arg6[%swap3A_2025, %swap3A_2026, %swap3A_2027], %swap3A_2030 {strides = array<i32>} : memref<4x64x128xf32, #tpu.memory_space<vmem>>, vector<1x1x16xf32>,
      %get3A_2031 = arith.constant 1 : i32
      %get3A_2032 = arith.index_cast %get3A_2031 : i32 to index
      %get3A_2033 = arith.index_cast %add3A_1826 : i32 to index
      %get3A_2034 = arith.constant 32 : index
      %get3A_2035 = tpu.vector_load %arg6[%get3A_2032, %get3A_2033, %get3A_2034] {strides = array<i32>} : memref<4x64x128xf32, #tpu.memory_space<vmem>>, vector<1x1x16xf32>,
      %get3A_2036 = vector.shape_cast %get3A_2035 : vector<1x1x16xf32> to vector<16xf32>
      %mul3A_2037 = arith.constant 11.3137083 : f32
      %mul3A_2038 = vector.broadcast %mul3A_2037 : f32 to vector<16xf32>
      %mul3A_2039 = arith.mulf %get3A_2036, %mul3A_2038 : vector<16xf32>
      %add3A_2040 = arith.addf %mul3A_2039, %add3A_1807 : vector<16xf32>
      %swap3A_2041 = arith.constant 1 : i32
      %swap3A_2042 = arith.index_cast %swap3A_2041 : i32 to index
      %swap3A_2043 = arith.index_cast %add3A_1826 : i32 to index
      %swap3A_2044 = arith.constant 32 : index
      %swap3A_2045 = tpu.vector_load %arg6[%swap3A_2042, %swap3A_2043, %swap3A_2044] {strides = array<i32>} : memref<4x64x128xf32, #tpu.memory_space<vmem>>, vector<1x1x16xf32>,
      %swap3A_2046 = vector.shape_cast %swap3A_2045 : vector<1x1x16xf32> to vector<16xf32>
      %swap3A_2047 = vector.shape_cast %add3A_2040 : vector<16xf32> to vector<1x1x16xf32>
      tpu.vector_store %arg6[%swap3A_2042, %swap3A_2043, %swap3A_2044], %swap3A_2047 {strides = array<i32>} : memref<4x64x128xf32, #tpu.memory_space<vmem>>, vector<1x1x16xf32>,
      %get3A_2048 = arith.constant 1 : i32
      %get3A_2049 = arith.index_cast %get3A_2048 : i32 to index
      %get3A_2050 = arith.index_cast %add3A_1826 : i32 to index
      %get3A_2051 = arith.constant 96 : index
      %get3A_2052 = tpu.vector_load %arg6[%get3A_2049, %get3A_2050, %get3A_2051] {strides = array<i32>} : memref<4x64x128xf32, #tpu.memory_space<vmem>>, vector<1x1x16xf32>,
      %get3A_2053 = vector.shape_cast %get3A_2052 : vector<1x1x16xf32> to vector<16xf32>
      %mul3A_2054 = arith.constant 11.3137083 : f32
      %mul3A_2055 = vector.broadcast %mul3A_2054 : f32 to vector<16xf32>
      %mul3A_2056 = arith.mulf %get3A_2053, %mul3A_2055 : vector<16xf32>
      %add3A_2057 = arith.addf %mul3A_2056, %sub3A_1819 : vector<16xf32>
      %swap3A_2058 = arith.constant 1 : i32
      %swap3A_2059 = arith.index_cast %swap3A_2058 : i32 to index
      %swap3A_2060 = arith.index_cast %add3A_1826 : i32 to index
      %swap3A_2061 = arith.constant 96 : index
      %swap3A_2062 = tpu.vector_load %arg6[%swap3A_2059, %swap3A_2060, %swap3A_2061] {strides = array<i32>} : memref<4x64x128xf32, #tpu.memory_space<vmem>>, vector<1x1x16xf32>,
      %swap3A_2063 = vector.shape_cast %swap3A_2062 : vector<1x1x16xf32> to vector<16xf32>
      %swap3A_2064 = vector.shape_cast %add3A_2057 : vector<16xf32> to vector<1x1x16xf32>
      tpu.vector_store %arg6[%swap3A_2059, %swap3A_2060, %swap3A_2061], %swap3A_2064 {strides = array<i32>} : memref<4x64x128xf32, #tpu.memory_space<vmem>>, vector<1x1x16xf32>,
      %get3A_2065 = arith.constant 1 : i32
      %get3A_2066 = arith.index_cast %get3A_2065 : i32 to index
      %get3A_2067 = arith.index_cast %add3A_1826 : i32 to index
      %get3A_2068 = arith.constant 48 : index
      %get3A_2069 = tpu.vector_load %arg6[%get3A_2066, %get3A_2067, %get3A_2068] {strides = array<i32>} : memref<4x64x128xf32, #tpu.memory_space<vmem>>, vector<1x1x16xf32>,
      %get3A_2070 = vector.shape_cast %get3A_2069 : vector<1x1x16xf32> to vector<16xf32>
      %mul3A_2071 = arith.constant 11.3137083 : f32
      %mul3A_2072 = vector.broadcast %mul3A_2071 : f32 to vector<16xf32>
      %mul3A_2073 = arith.mulf %get3A_2070, %mul3A_2072 : vector<16xf32>
      %add3A_2074 = arith.addf %mul3A_2073, %add3A_1810 : vector<16xf32>
      %swap3A_2075 = arith.constant 1 : i32
      %swap3A_2076 = arith.index_cast %swap3A_2075 : i32 to index
      %swap3A_2077 = arith.index_cast %add3A_1826 : i32 to index
      %swap3A_2078 = arith.constant 48 : index
      %swap3A_2079 = tpu.vector_load %arg6[%swap3A_2076, %swap3A_2077, %swap3A_2078] {strides = array<i32>} : memref<4x64x128xf32, #tpu.memory_space<vmem>>, vector<1x1x16xf32>,
      %swap3A_2080 = vector.shape_cast %swap3A_2079 : vector<1x1x16xf32> to vector<16xf32>
      %swap3A_2081 = vector.shape_cast %add3A_2074 : vector<16xf32> to vector<1x1x16xf32>
      tpu.vector_store %arg6[%swap3A_2076, %swap3A_2077, %swap3A_2078], %swap3A_2081 {strides = array<i32>} : memref<4x64x128xf32, #tpu.memory_space<vmem>>, vector<1x1x16xf32>,
      %get3A_2082 = arith.constant 1 : i32
      %get3A_2083 = arith.index_cast %get3A_2082 : i32 to index
      %get3A_2084 = arith.index_cast %add3A_1826 : i32 to index
      %get3A_2085 = arith.constant 112 : index
      %get3A_2086 = tpu.vector_load %arg6[%get3A_2083, %get3A_2084, %get3A_2085] {strides = array<i32>} : memref<4x64x128xf32, #tpu.memory_space<vmem>>, vector<1x1x16xf32>,
      %get3A_2087 = vector.shape_cast %get3A_2086 : vector<1x1x16xf32> to vector<16xf32>
      %mul3A_2088 = arith.constant 11.3137083 : f32
      %mul3A_2089 = vector.broadcast %mul3A_2088 : f32 to vector<16xf32>
      %mul3A_2090 = arith.mulf %get3A_2087, %mul3A_2089 : vector<16xf32>
      %add3A_2091 = arith.addf %mul3A_2090, %sub3A_1822 : vector<16xf32>
      %swap3A_2092 = arith.constant 1 : i32
      %swap3A_2093 = arith.index_cast %swap3A_2092 : i32 to index
      %swap3A_2094 = arith.index_cast %add3A_1826 : i32 to index
      %swap3A_2095 = arith.constant 112 : index
      %swap3A_2096 = tpu.vector_load %arg6[%swap3A_2093, %swap3A_2094, %swap3A_2095] {strides = array<i32>} : memref<4x64x128xf32, #tpu.memory_space<vmem>>, vector<1x1x16xf32>,
      %swap3A_2097 = vector.shape_cast %swap3A_2096 : vector<1x1x16xf32> to vector<16xf32>
      %swap3A_2098 = vector.shape_cast %add3A_2091 : vector<16xf32> to vector<1x1x16xf32>
      tpu.vector_store %arg6[%swap3A_2093, %swap3A_2094, %swap3A_2095], %swap3A_2098 {strides = array<i32>} : memref<4x64x128xf32, #tpu.memory_space<vmem>>, vector<1x1x16xf32>,
      %get3A_2099 = arith.constant 2 : i32
      %get3A_2100 = arith.index_cast %get3A_2099 : i32 to index
      %get3A_2101 = arith.index_cast %add3A_1826 : i32 to index
      %get3A_2102 = arith.constant 0 : index
      %get3A_2103 = tpu.vector_load %arg6[%get3A_2100, %get3A_2101, %get3A_2102] {strides = array<i32>} : memref<4x64x128xf32, #tpu.memory_space<vmem>>, vector<1x1x16xf32>,
      %get3A_2104 = vector.shape_cast %get3A_2103 : vector<1x1x16xf32> to vector<16xf32>
      %mul3A_2105 = arith.constant 11.3137083 : f32
      %mul3A_2106 = vector.broadcast %mul3A_2105 : f32 to vector<16xf32>
      %mul3A_2107 = arith.mulf %get3A_2104, %mul3A_2106 : vector<16xf32>
      %add3A_2108 = arith.addf %mul3A_2107, %add3A_1801 : vector<16xf32>
      %swap3A_2109 = arith.constant 2 : i32
      %swap3A_2110 = arith.index_cast %swap3A_2109 : i32 to index
      %swap3A_2111 = arith.index_cast %add3A_1826 : i32 to index
      %swap3A_2112 = arith.constant 0 : index
      %swap3A_2113 = tpu.vector_load %arg6[%swap3A_2110, %swap3A_2111, %swap3A_2112] {strides = array<i32>} : memref<4x64x128xf32, #tpu.memory_space<vmem>>, vector<1x1x16xf32>,
      %swap3A_2114 = vector.shape_cast %swap3A_2113 : vector<1x1x16xf32> to vector<16xf32>
      %swap3A_2115 = vector.shape_cast %add3A_2108 : vector<16xf32> to vector<1x1x16xf32>
      tpu.vector_store %arg6[%swap3A_2110, %swap3A_2111, %swap3A_2112], %swap3A_2115 {strides = array<i32>} : memref<4x64x128xf32, #tpu.memory_space<vmem>>, vector<1x1x16xf32>,
      %get3A_2116 = arith.constant 2 : i32
      %get3A_2117 = arith.index_cast %get3A_2116 : i32 to index
      %get3A_2118 = arith.index_cast %add3A_1826 : i32 to index
      %get3A_2119 = arith.constant 64 : index
      %get3A_2120 = tpu.vector_load %arg6[%get3A_2117, %get3A_2118, %get3A_2119] {strides = array<i32>} : memref<4x64x128xf32, #tpu.memory_space<vmem>>, vector<1x1x16xf32>,
      %get3A_2121 = vector.shape_cast %get3A_2120 : vector<1x1x16xf32> to vector<16xf32>
      %mul3A_2122 = arith.constant 11.3137083 : f32
      %mul3A_2123 = vector.broadcast %mul3A_2122 : f32 to vector<16xf32>
      %mul3A_2124 = arith.mulf %get3A_2121, %mul3A_2123 : vector<16xf32>
      %add3A_2125 = arith.addf %mul3A_2124, %sub3A_1813 : vector<16xf32>
      %swap3A_2126 = arith.constant 2 : i32
      %swap3A_2127 = arith.index_cast %swap3A_2126 : i32 to index
      %swap3A_2128 = arith.index_cast %add3A_1826 : i32 to index
      %swap3A_2129 = arith.constant 64 : index
      %swap3A_2130 = tpu.vector_load %arg6[%swap3A_2127, %swap3A_2128, %swap3A_2129] {strides = array<i32>} : memref<4x64x128xf32, #tpu.memory_space<vmem>>, vector<1x1x16xf32>,
      %swap3A_2131 = vector.shape_cast %swap3A_2130 : vector<1x1x16xf32> to vector<16xf32>
      %swap3A_2132 = vector.shape_cast %add3A_2125 : vector<16xf32> to vector<1x1x16xf32>
      tpu.vector_store %arg6[%swap3A_2127, %swap3A_2128, %swap3A_2129], %swap3A_2132 {strides = array<i32>} : memref<4x64x128xf32, #tpu.memory_space<vmem>>, vector<1x1x16xf32>,
      %get3A_2133 = arith.constant 2 : i32
      %get3A_2134 = arith.index_cast %get3A_2133 : i32 to index
      %get3A_2135 = arith.index_cast %add3A_1826 : i32 to index
      %get3A_2136 = arith.constant 16 : index
      %get3A_2137 = tpu.vector_load %arg6[%get3A_2134, %get3A_2135, %get3A_2136] {strides = array<i32>} : memref<4x64x128xf32, #tpu.memory_space<vmem>>, vector<1x1x16xf32>,
      %get3A_2138 = vector.shape_cast %get3A_2137 : vector<1x1x16xf32> to vector<16xf32>
      %mul3A_2139 = arith.constant 11.3137083 : f32
      %mul3A_2140 = vector.broadcast %mul3A_2139 : f32 to vector<16xf32>
      %mul3A_2141 = arith.mulf %get3A_2138, %mul3A_2140 : vector<16xf32>
      %add3A_2142 = arith.addf %mul3A_2141, %add3A_1804 : vector<16xf32>
      %swap3A_2143 = arith.constant 2 : i32
      %swap3A_2144 = arith.index_cast %swap3A_2143 : i32 to index
      %swap3A_2145 = arith.index_cast %add3A_1826 : i32 to index
      %swap3A_2146 = arith.constant 16 : index
      %swap3A_2147 = tpu.vector_load %arg6[%swap3A_2144, %swap3A_2145, %swap3A_2146] {strides = array<i32>} : memref<4x64x128xf32, #tpu.memory_space<vmem>>, vector<1x1x16xf32>,
      %swap3A_2148 = vector.shape_cast %swap3A_2147 : vector<1x1x16xf32> to vector<16xf32>
      %swap3A_2149 = vector.shape_cast %add3A_2142 : vector<16xf32> to vector<1x1x16xf32>
      tpu.vector_store %arg6[%swap3A_2144, %swap3A_2145, %swap3A_2146], %swap3A_2149 {strides = array<i32>} : memref<4x64x128xf32, #tpu.memory_space<vmem>>, vector<1x1x16xf32>,
      %get3A_2150 = arith.constant 2 : i32
      %get3A_2151 = arith.index_cast %get3A_2150 : i32 to index
      %get3A_2152 = arith.index_cast %add3A_1826 : i32 to index
      %get3A_2153 = arith.constant 80 : index
      %get3A_2154 = tpu.vector_load %arg6[%get3A_2151, %get3A_2152, %get3A_2153] {strides = array<i32>} : memref<4x64x128xf32, #tpu.memory_space<vmem>>, vector<1x1x16xf32>,
      %get3A_2155 = vector.shape_cast %get3A_2154 : vector<1x1x16xf32> to vector<16xf32>
      %mul3A_2156 = arith.constant 11.3137083 : f32
      %mul3A_2157 = vector.broadcast %mul3A_2156 : f32 to vector<16xf32>
      %mul3A_2158 = arith.mulf %get3A_2155, %mul3A_2157 : vector<16xf32>
      %add3A_2159 = arith.addf %mul3A_2158, %sub3A_1816 : vector<16xf32>
      %swap3A_2160 = arith.constant 2 : i32
      %swap3A_2161 = arith.index_cast %swap3A_2160 : i32 to index
      %swap3A_2162 = arith.index_cast %add3A_1826 : i32 to index
      %swap3A_2163 = arith.constant 80 : index
      %swap3A_2164 = tpu.vector_load %arg6[%swap3A_2161, %swap3A_2162, %swap3A_2163] {strides = array<i32>} : memref<4x64x128xf32, #tpu.memory_space<vmem>>, vector<1x1x16xf32>,
      %swap3A_2165 = vector.shape_cast %swap3A_2164 : vector<1x1x16xf32> to vector<16xf32>
      %swap3A_2166 = vector.shape_cast %add3A_2159 : vector<16xf32> to vector<1x1x16xf32>
      tpu.vector_store %arg6[%swap3A_2161, %swap3A_2162, %swap3A_2163], %swap3A_2166 {strides = array<i32>} : memref<4x64x128xf32, #tpu.memory_space<vmem>>, vector<1x1x16xf32>,
      %get3A_2167 = arith.constant 2 : i32
      %get3A_2168 = arith.index_cast %get3A_2167 : i32 to index
      %get3A_2169 = arith.index_cast %add3A_1826 : i32 to index
      %get3A_2170 = arith.constant 32 : index
      %get3A_2171 = tpu.vector_load %arg6[%get3A_2168, %get3A_2169, %get3A_2170] {strides = array<i32>} : memref<4x64x128xf32, #tpu.memory_space<vmem>>, vector<1x1x16xf32>,
      %get3A_2172 = vector.shape_cast %get3A_2171 : vector<1x1x16xf32> to vector<16xf32>
      %mul3A_2173 = arith.constant 11.3137083 : f32
      %mul3A_2174 = vector.broadcast %mul3A_2173 : f32 to vector<16xf32>
      %mul3A_2175 = arith.mulf %get3A_2172, %mul3A_2174 : vector<16xf32>
      %add3A_2176 = arith.addf %mul3A_2175, %add3A_1807 : vector<16xf32>
      %swap3A_2177 = arith.constant 2 : i32
      %swap3A_2178 = arith.index_cast %swap3A_2177 : i32 to index
      %swap3A_2179 = arith.index_cast %add3A_1826 : i32 to index
      %swap3A_2180 = arith.constant 32 : index
      %swap3A_2181 = tpu.vector_load %arg6[%swap3A_2178, %swap3A_2179, %swap3A_2180] {strides = array<i32>} : memref<4x64x128xf32, #tpu.memory_space<vmem>>, vector<1x1x16xf32>,
      %swap3A_2182 = vector.shape_cast %swap3A_2181 : vector<1x1x16xf32> to vector<16xf32>
      %swap3A_2183 = vector.shape_cast %add3A_2176 : vector<16xf32> to vector<1x1x16xf32>
      tpu.vector_store %arg6[%swap3A_2178, %swap3A_2179, %swap3A_2180], %swap3A_2183 {strides = array<i32>} : memref<4x64x128xf32, #tpu.memory_space<vmem>>, vector<1x1x16xf32>,
      %get3A_2184 = arith.constant 2 : i32
      %get3A_2185 = arith.index_cast %get3A_2184 : i32 to index
      %get3A_2186 = arith.index_cast %add3A_1826 : i32 to index
      %get3A_2187 = arith.constant 96 : index
      %get3A_2188 = tpu.vector_load %arg6[%get3A_2185, %get3A_2186, %get3A_2187] {strides = array<i32>} : memref<4x64x128xf32, #tpu.memory_space<vmem>>, vector<1x1x16xf32>,
      %get3A_2189 = vector.shape_cast %get3A_2188 : vector<1x1x16xf32> to vector<16xf32>
      %mul3A_2190 = arith.constant 11.3137083 : f32
      %mul3A_2191 = vector.broadcast %mul3A_2190 : f32 to vector<16xf32>
      %mul3A_2192 = arith.mulf %get3A_2189, %mul3A_2191 : vector<16xf32>
      %add3A_2193 = arith.addf %mul3A_2192, %sub3A_1819 : vector<16xf32>
      %swap3A_2194 = arith.constant 2 : i32
      %swap3A_2195 = arith.index_cast %swap3A_2194 : i32 to index
      %swap3A_2196 = arith.index_cast %add3A_1826 : i32 to index
      %swap3A_2197 = arith.constant 96 : index
      %swap3A_2198 = tpu.vector_load %arg6[%swap3A_2195, %swap3A_2196, %swap3A_2197] {strides = array<i32>} : memref<4x64x128xf32, #tpu.memory_space<vmem>>, vector<1x1x16xf32>,
      %swap3A_2199 = vector.shape_cast %swap3A_2198 : vector<1x1x16xf32> to vector<16xf32>
      %swap3A_2200 = vector.shape_cast %add3A_2193 : vector<16xf32> to vector<1x1x16xf32>
      tpu.vector_store %arg6[%swap3A_2195, %swap3A_2196, %swap3A_2197], %swap3A_2200 {strides = array<i32>} : memref<4x64x128xf32, #tpu.memory_space<vmem>>, vector<1x1x16xf32>,
      %get3A_2201 = arith.constant 2 : i32
      %get3A_2202 = arith.index_cast %get3A_2201 : i32 to index
      %get3A_2203 = arith.index_cast %add3A_1826 : i32 to index
      %get3A_2204 = arith.constant 48 : index
      %get3A_2205 = tpu.vector_load %arg6[%get3A_2202, %get3A_2203, %get3A_2204] {strides = array<i32>} : memref<4x64x128xf32, #tpu.memory_space<vmem>>, vector<1x1x16xf32>,
      %get3A_2206 = vector.shape_cast %get3A_2205 : vector<1x1x16xf32> to vector<16xf32>
      %mul3A_2207 = arith.constant 11.3137083 : f32
      %mul3A_2208 = vector.broadcast %mul3A_2207 : f32 to vector<16xf32>
      %mul3A_2209 = arith.mulf %get3A_2206, %mul3A_2208 : vector<16xf32>
      %add3A_2210 = arith.addf %mul3A_2209, %add3A_1810 : vector<16xf32>
      %swap3A_2211 = arith.constant 2 : i32
      %swap3A_2212 = arith.index_cast %swap3A_2211 : i32 to index
      %swap3A_2213 = arith.index_cast %add3A_1826 : i32 to index
      %swap3A_2214 = arith.constant 48 : index
      %swap3A_2215 = tpu.vector_load %arg6[%swap3A_2212, %swap3A_2213, %swap3A_2214] {strides = array<i32>} : memref<4x64x128xf32, #tpu.memory_space<vmem>>, vector<1x1x16xf32>,
      %swap3A_2216 = vector.shape_cast %swap3A_2215 : vector<1x1x16xf32> to vector<16xf32>
      %swap3A_2217 = vector.shape_cast %add3A_2210 : vector<16xf32> to vector<1x1x16xf32>
      tpu.vector_store %arg6[%swap3A_2212, %swap3A_2213, %swap3A_2214], %swap3A_2217 {strides = array<i32>} : memref<4x64x128xf32, #tpu.memory_space<vmem>>, vector<1x1x16xf32>,
      %get3A_2218 = arith.constant 2 : i32
      %get3A_2219 = arith.index_cast %get3A_2218 : i32 to index
      %get3A_2220 = arith.index_cast %add3A_1826 : i32 to index
      %get3A_2221 = arith.constant 112 : index
      %get3A_2222 = tpu.vector_load %arg6[%get3A_2219, %get3A_2220, %get3A_2221] {strides = array<i32>} : memref<4x64x128xf32, #tpu.memory_space<vmem>>, vector<1x1x16xf32>,
      %get3A_2223 = vector.shape_cast %get3A_2222 : vector<1x1x16xf32> to vector<16xf32>
      %mul3A_2224 = arith.constant 11.3137083 : f32
      %mul3A_2225 = vector.broadcast %mul3A_2224 : f32 to vector<16xf32>
      %mul3A_2226 = arith.mulf %get3A_2223, %mul3A_2225 : vector<16xf32>
      %add3A_2227 = arith.addf %mul3A_2226, %sub3A_1822 : vector<16xf32>
      %swap3A_2228 = arith.constant 2 : i32
      %swap3A_2229 = arith.index_cast %swap3A_2228 : i32 to index
      %swap3A_2230 = arith.index_cast %add3A_1826 : i32 to index
      %swap3A_2231 = arith.constant 112 : index
      %swap3A_2232 = tpu.vector_load %arg6[%swap3A_2229, %swap3A_2230, %swap3A_2231] {strides = array<i32>} : memref<4x64x128xf32, #tpu.memory_space<vmem>>, vector<1x1x16xf32>,
      %swap3A_2233 = vector.shape_cast %swap3A_2232 : vector<1x1x16xf32> to vector<16xf32>
      %swap3A_2234 = vector.shape_cast %add3A_2227 : vector<16xf32> to vector<1x1x16xf32>
      tpu.vector_store %arg6[%swap3A_2229, %swap3A_2230, %swap3A_2231], %swap3A_2234 {strides = array<i32>} : memref<4x64x128xf32, #tpu.memory_space<vmem>>, vector<1x1x16xf32>,
      %get3A_2235 = arith.constant 3 : i32
      %get3A_2236 = arith.index_cast %get3A_2235 : i32 to index
      %get3A_2237 = arith.index_cast %add3A_1826 : i32 to index
      %get3A_2238 = arith.constant 0 : index
      %get3A_2239 = tpu.vector_load %arg6[%get3A_2236, %get3A_2237, %get3A_2238] {strides = array<i32>} : memref<4x64x128xf32, #tpu.memory_space<vmem>>, vector<1x1x16xf32>,
      %get3A_2240 = vector.shape_cast %get3A_2239 : vector<1x1x16xf32> to vector<16xf32>
      %mul3A_2241 = arith.constant 11.3137083 : f32
      %mul3A_2242 = vector.broadcast %mul3A_2241 : f32 to vector<16xf32>
      %mul3A_2243 = arith.mulf %get3A_2240, %mul3A_2242 : vector<16xf32>
      %add3A_2244 = arith.addf %mul3A_2243, %add3A_1801 : vector<16xf32>
      %swap3A_2245 = arith.constant 3 : i32
      %swap3A_2246 = arith.index_cast %swap3A_2245 : i32 to index
      %swap3A_2247 = arith.index_cast %add3A_1826 : i32 to index
      %swap3A_2248 = arith.constant 0 : index
      %swap3A_2249 = tpu.vector_load %arg6[%swap3A_2246, %swap3A_2247, %swap3A_2248] {strides = array<i32>} : memref<4x64x128xf32, #tpu.memory_space<vmem>>, vector<1x1x16xf32>,
      %swap3A_2250 = vector.shape_cast %swap3A_2249 : vector<1x1x16xf32> to vector<16xf32>
      %swap3A_2251 = vector.shape_cast %add3A_2244 : vector<16xf32> to vector<1x1x16xf32>
      tpu.vector_store %arg6[%swap3A_2246, %swap3A_2247, %swap3A_2248], %swap3A_2251 {strides = array<i32>} : memref<4x64x128xf32, #tpu.memory_space<vmem>>, vector<1x1x16xf32>,
      %get3A_2252 = arith.constant 3 : i32
      %get3A_2253 = arith.index_cast %get3A_2252 : i32 to index
      %get3A_2254 = arith.index_cast %add3A_1826 : i32 to index
      %get3A_2255 = arith.constant 64 : index
      %get3A_2256 = tpu.vector_load %arg6[%get3A_2253, %get3A_2254, %get3A_2255] {strides = array<i32>} : memref<4x64x128xf32, #tpu.memory_space<vmem>>, vector<1x1x16xf32>,
      %get3A_2257 = vector.shape_cast %get3A_2256 : vector<1x1x16xf32> to vector<16xf32>
      %mul3A_2258 = arith.constant 11.3137083 : f32
      %mul3A_2259 = vector.broadcast %mul3A_2258 : f32 to vector<16xf32>
      %mul3A_2260 = arith.mulf %get3A_2257, %mul3A_2259 : vector<16xf32>
      %add3A_2261 = arith.addf %mul3A_2260, %sub3A_1813 : vector<16xf32>
      %swap3A_2262 = arith.constant 3 : i32
      %swap3A_2263 = arith.index_cast %swap3A_2262 : i32 to index
      %swap3A_2264 = arith.index_cast %add3A_1826 : i32 to index
      %swap3A_2265 = arith.constant 64 : index
      %swap3A_2266 = tpu.vector_load %arg6[%swap3A_2263, %swap3A_2264, %swap3A_2265] {strides = array<i32>} : memref<4x64x128xf32, #tpu.memory_space<vmem>>, vector<1x1x16xf32>,
      %swap3A_2267 = vector.shape_cast %swap3A_2266 : vector<1x1x16xf32> to vector<16xf32>
      %swap3A_2268 = vector.shape_cast %add3A_2261 : vector<16xf32> to vector<1x1x16xf32>
      tpu.vector_store %arg6[%swap3A_2263, %swap3A_2264, %swap3A_2265], %swap3A_2268 {strides = array<i32>} : memref<4x64x128xf32, #tpu.memory_space<vmem>>, vector<1x1x16xf32>,
      %get3A_2269 = arith.constant 3 : i32
      %get3A_2270 = arith.index_cast %get3A_2269 : i32 to index
      %get3A_2271 = arith.index_cast %add3A_1826 : i32 to index
      %get3A_2272 = arith.constant 16 : index
      %get3A_2273 = tpu.vector_load %arg6[%get3A_2270, %get3A_2271, %get3A_2272] {strides = array<i32>} : memref<4x64x128xf32, #tpu.memory_space<vmem>>, vector<1x1x16xf32>,
      %get3A_2274 = vector.shape_cast %get3A_2273 : vector<1x1x16xf32> to vector<16xf32>
      %mul3A_2275 = arith.constant 11.3137083 : f32
      %mul3A_2276 = vector.broadcast %mul3A_2275 : f32 to vector<16xf32>
      %mul3A_2277 = arith.mulf %get3A_2274, %mul3A_2276 : vector<16xf32>
      %add3A_2278 = arith.addf %mul3A_2277, %add3A_1804 : vector<16xf32>
      %swap3A_2279 = arith.constant 3 : i32
      %swap3A_2280 = arith.index_cast %swap3A_2279 : i32 to index
      %swap3A_2281 = arith.index_cast %add3A_1826 : i32 to index
      %swap3A_2282 = arith.constant 16 : index
      %swap3A_2283 = tpu.vector_load %arg6[%swap3A_2280, %swap3A_2281, %swap3A_2282] {strides = array<i32>} : memref<4x64x128xf32, #tpu.memory_space<vmem>>, vector<1x1x16xf32>,
      %swap3A_2284 = vector.shape_cast %swap3A_2283 : vector<1x1x16xf32> to vector<16xf32>
      %swap3A_2285 = vector.shape_cast %add3A_2278 : vector<16xf32> to vector<1x1x16xf32>
      tpu.vector_store %arg6[%swap3A_2280, %swap3A_2281, %swap3A_2282], %swap3A_2285 {strides = array<i32>} : memref<4x64x128xf32, #tpu.memory_space<vmem>>, vector<1x1x16xf32>,
      %get3A_2286 = arith.constant 3 : i32
      %get3A_2287 = arith.index_cast %get3A_2286 : i32 to index
      %get3A_2288 = arith.index_cast %add3A_1826 : i32 to index
      %get3A_2289 = arith.constant 80 : index
      %get3A_2290 = tpu.vector_load %arg6[%get3A_2287, %get3A_2288, %get3A_2289] {strides = array<i32>} : memref<4x64x128xf32, #tpu.memory_space<vmem>>, vector<1x1x16xf32>,
      %get3A_2291 = vector.shape_cast %get3A_2290 : vector<1x1x16xf32> to vector<16xf32>
      %mul3A_2292 = arith.constant 11.3137083 : f32
      %mul3A_2293 = vector.broadcast %mul3A_2292 : f32 to vector<16xf32>
      %mul3A_2294 = arith.mulf %get3A_2291, %mul3A_2293 : vector<16xf32>
      %add3A_2295 = arith.addf %mul3A_2294, %sub3A_1816 : vector<16xf32>
      %swap3A_2296 = arith.constant 3 : i32
      %swap3A_2297 = arith.index_cast %swap3A_2296 : i32 to index
      %swap3A_2298 = arith.index_cast %add3A_1826 : i32 to index
      %swap3A_2299 = arith.constant 80 : index
      %swap3A_2300 = tpu.vector_load %arg6[%swap3A_2297, %swap3A_2298, %swap3A_2299] {strides = array<i32>} : memref<4x64x128xf32, #tpu.memory_space<vmem>>, vector<1x1x16xf32>,
      %swap3A_2301 = vector.shape_cast %swap3A_2300 : vector<1x1x16xf32> to vector<16xf32>
      %swap3A_2302 = vector.shape_cast %add3A_2295 : vector<16xf32> to vector<1x1x16xf32>
      tpu.vector_store %arg6[%swap3A_2297, %swap3A_2298, %swap3A_2299], %swap3A_2302 {strides = array<i32>} : memref<4x64x128xf32, #tpu.memory_space<vmem>>, vector<1x1x16xf32>,
      %get3A_2303 = arith.constant 3 : i32
      %get3A_2304 = arith.index_cast %get3A_2303 : i32 to index
      %get3A_2305 = arith.index_cast %add3A_1826 : i32 to index
      %get3A_2306 = arith.constant 32 : index
      %get3A_2307 = tpu.vector_load %arg6[%get3A_2304, %get3A_2305, %get3A_2306] {strides = array<i32>} : memref<4x64x128xf32, #tpu.memory_space<vmem>>, vector<1x1x16xf32>,
      %get3A_2308 = vector.shape_cast %get3A_2307 : vector<1x1x16xf32> to vector<16xf32>
      %mul3A_2309 = arith.constant 11.3137083 : f32
      %mul3A_2310 = vector.broadcast %mul3A_2309 : f32 to vector<16xf32>
      %mul3A_2311 = arith.mulf %get3A_2308, %mul3A_2310 : vector<16xf32>
      %add3A_2312 = arith.addf %mul3A_2311, %add3A_1807 : vector<16xf32>
      %swap3A_2313 = arith.constant 3 : i32
      %swap3A_2314 = arith.index_cast %swap3A_2313 : i32 to index
      %swap3A_2315 = arith.index_cast %add3A_1826 : i32 to index
      %swap3A_2316 = arith.constant 32 : index
      %swap3A_2317 = tpu.vector_load %arg6[%swap3A_2314, %swap3A_2315, %swap3A_2316] {strides = array<i32>} : memref<4x64x128xf32, #tpu.memory_space<vmem>>, vector<1x1x16xf32>,
      %swap3A_2318 = vector.shape_cast %swap3A_2317 : vector<1x1x16xf32> to vector<16xf32>
      %swap3A_2319 = vector.shape_cast %add3A_2312 : vector<16xf32> to vector<1x1x16xf32>
      tpu.vector_store %arg6[%swap3A_2314, %swap3A_2315, %swap3A_2316], %swap3A_2319 {strides = array<i32>} : memref<4x64x128xf32, #tpu.memory_space<vmem>>, vector<1x1x16xf32>,
      %get3A_2320 = arith.constant 3 : i32
      %get3A_2321 = arith.index_cast %get3A_2320 : i32 to index
      %get3A_2322 = arith.index_cast %add3A_1826 : i32 to index
      %get3A_2323 = arith.constant 96 : index
      %get3A_2324 = tpu.vector_load %arg6[%get3A_2321, %get3A_2322, %get3A_2323] {strides = array<i32>} : memref<4x64x128xf32, #tpu.memory_space<vmem>>, vector<1x1x16xf32>,
      %get3A_2325 = vector.shape_cast %get3A_2324 : vector<1x1x16xf32> to vector<16xf32>
      %mul3A_2326 = arith.constant 11.3137083 : f32
      %mul3A_2327 = vector.broadcast %mul3A_2326 : f32 to vector<16xf32>
      %mul3A_2328 = arith.mulf %get3A_2325, %mul3A_2327 : vector<16xf32>
      %add3A_2329 = arith.addf %mul3A_2328, %sub3A_1819 : vector<16xf32>
      %swap3A_2330 = arith.constant 3 : i32
      %swap3A_2331 = arith.index_cast %swap3A_2330 : i32 to index
      %swap3A_2332 = arith.index_cast %add3A_1826 : i32 to index
      %swap3A_2333 = arith.constant 96 : index
      %swap3A_2334 = tpu.vector_load %arg6[%swap3A_2331, %swap3A_2332, %swap3A_2333] {strides = array<i32>} : memref<4x64x128xf32, #tpu.memory_space<vmem>>, vector<1x1x16xf32>,
      %swap3A_2335 = vector.shape_cast %swap3A_2334 : vector<1x1x16xf32> to vector<16xf32>
      %swap3A_2336 = vector.shape_cast %add3A_2329 : vector<16xf32> to vector<1x1x16xf32>
      tpu.vector_store %arg6[%swap3A_2331, %swap3A_2332, %swap3A_2333], %swap3A_2336 {strides = array<i32>} : memref<4x64x128xf32, #tpu.memory_space<vmem>>, vector<1x1x16xf32>,
      %get3A_2337 = arith.constant 3 : i32
      %get3A_2338 = arith.index_cast %get3A_2337 : i32 to index
      %get3A_2339 = arith.index_cast %add3A_1826 : i32 to index
      %get3A_2340 = arith.constant 48 : index
      %get3A_2341 = tpu.vector_load %arg6[%get3A_2338, %get3A_2339, %get3A_2340] {strides = array<i32>} : memref<4x64x128xf32, #tpu.memory_space<vmem>>, vector<1x1x16xf32>,
      %get3A_2342 = vector.shape_cast %get3A_2341 : vector<1x1x16xf32> to vector<16xf32>
      %mul3A_2343 = arith.constant 11.3137083 : f32
      %mul3A_2344 = vector.broadcast %mul3A_2343 : f32 to vector<16xf32>
      %mul3A_2345 = arith.mulf %get3A_2342, %mul3A_2344 : vector<16xf32>
      %add3A_2346 = arith.addf %mul3A_2345, %add3A_1810 : vector<16xf32>
      %swap3A_2347 = arith.constant 3 : i32
      %swap3A_2348 = arith.index_cast %swap3A_2347 : i32 to index
      %swap3A_2349 = arith.index_cast %add3A_1826 : i32 to index
      %swap3A_2350 = arith.constant 48 : index
      %swap3A_2351 = tpu.vector_load %arg6[%swap3A_2348, %swap3A_2349, %swap3A_2350] {strides = array<i32>} : memref<4x64x128xf32, #tpu.memory_space<vmem>>, vector<1x1x16xf32>,
      %swap3A_2352 = vector.shape_cast %swap3A_2351 : vector<1x1x16xf32> to vector<16xf32>
      %swap3A_2353 = vector.shape_cast %add3A_2346 : vector<16xf32> to vector<1x1x16xf32>
      tpu.vector_store %arg6[%swap3A_2348, %swap3A_2349, %swap3A_2350], %swap3A_2353 {strides = array<i32>} : memref<4x64x128xf32, #tpu.memory_space<vmem>>, vector<1x1x16xf32>,
      %get3A_2354 = arith.constant 3 : i32
      %get3A_2355 = arith.index_cast %get3A_2354 : i32 to index
      %get3A_2356 = arith.index_cast %add3A_1826 : i32 to index
      %get3A_2357 = arith.constant 112 : index
      %get3A_2358 = tpu.vector_load %arg6[%get3A_2355, %get3A_2356, %get3A_2357] {strides = array<i32>} : memref<4x64x128xf32, #tpu.memory_space<vmem>>, vector<1x1x16xf32>,
      %get3A_2359 = vector.shape_cast %get3A_2358 : vector<1x1x16xf32> to vector<16xf32>
      %mul3A_2360 = arith.constant 11.3137083 : f32
      %mul3A_2361 = vector.broadcast %mul3A_2360 : f32 to vector<16xf32>
      %mul3A_2362 = arith.mulf %get3A_2359, %mul3A_2361 : vector<16xf32>
      %add3A_2363 = arith.addf %mul3A_2362, %sub3A_1822 : vector<16xf32>
      %swap3A_2364 = arith.constant 3 : i32
      %swap3A_2365 = arith.index_cast %swap3A_2364 : i32 to index
      %swap3A_2366 = arith.index_cast %add3A_1826 : i32 to index
      %swap3A_2367 = arith.constant 112 : index
      %swap3A_2368 = tpu.vector_load %arg6[%swap3A_2365, %swap3A_2366, %swap3A_2367] {strides = array<i32>} : memref<4x64x128xf32, #tpu.memory_space<vmem>>, vector<1x1x16xf32>,
      %swap3A_2369 = vector.shape_cast %swap3A_2368 : vector<1x1x16xf32> to vector<16xf32>
      %swap3A_2370 = vector.shape_cast %add3A_2363 : vector<16xf32> to vector<1x1x16xf32>
      tpu.vector_store %arg6[%swap3A_2365, %swap3A_2366, %swap3A_2367], %swap3A_2370 {strides = array<i32>} : memref<4x64x128xf32, #tpu.memory_space<vmem>>, vector<1x1x16xf32>,
      %mul3A_2371 = arith.mulf %add3A_1801, %add3A_199 : vector<16xf32>
      %mul3A_2372 = arith.mulf %sub3A_1813, %mul3A_200 : vector<16xf32>
      %add3A_2373 = arith.addf %mul3A_2371, %mul3A_2372 : vector<16xf32>
      %mul3A_2374 = arith.mulf %add3A_1804, %add3A_250 : vector<16xf32>
      %mul3A_2375 = arith.mulf %sub3A_1816, %mul3A_251 : vector<16xf32>
      %add3A_2376 = arith.addf %mul3A_2374, %mul3A_2375 : vector<16xf32>
      %mul3A_2377 = arith.mulf %add3A_1807, %add3A_301 : vector<16xf32>
      %mul3A_2378 = arith.mulf %sub3A_1819, %mul3A_302 : vector<16xf32>
      %add3A_2379 = arith.addf %mul3A_2377, %mul3A_2378 : vector<16xf32>
      %mul3A_2380 = arith.mulf %add3A_1810, %add3A_352 : vector<16xf32>
      %mul3A_2381 = arith.mulf %sub3A_1822, %mul3A_353 : vector<16xf32>
      %add3A_2382 = arith.addf %mul3A_2380, %mul3A_2381 : vector<16xf32>
      %mul3A_2383 = arith.mulf %sub3A_1813, %add3A_199 : vector<16xf32>
      %mul3A_2384 = arith.mulf %add3A_1801, %mul3A_200 : vector<16xf32>
      %sub3A_2385 = arith.subf %mul3A_2383, %mul3A_2384 : vector<16xf32>
      %mul3A_2386 = arith.mulf %sub3A_1816, %add3A_250 : vector<16xf32>
      %mul3A_2387 = arith.mulf %add3A_1804, %mul3A_251 : vector<16xf32>
      %sub3A_2388 = arith.subf %mul3A_2386, %mul3A_2387 : vector<16xf32>
      %mul3A_2389 = arith.mulf %sub3A_1819, %add3A_301 : vector<16xf32>
      %mul3A_2390 = arith.mulf %add3A_1807, %mul3A_302 : vector<16xf32>
      %sub3A_2391 = arith.subf %mul3A_2389, %mul3A_2390 : vector<16xf32>
      %mul3A_2392 = arith.mulf %sub3A_1822, %add3A_352 : vector<16xf32>
      %mul3A_2393 = arith.mulf %add3A_1810, %mul3A_353 : vector<16xf32>
      %sub3A_2394 = arith.subf %mul3A_2392, %mul3A_2393 : vector<16xf32>
      scf.yield %add3A_2373, %add3A_2376, %add3A_2379, %add3A_2382, %sub3A_2385, %sub3A_2388, %sub3A_2391, %sub3A_2394 : vector<16xf32>, vector<16xf32>, vector<16xf32>, vector<16xf32>, vector<16xf32>, vector<16xf32>, vector<16xf32>, vector<16xf32>
    }
    %scan3A_935 = arith.constant 16 : i32
    %dma_start3A_936 = arith.constant 0 : i32
    %dma_start3A_937 = arith.constant 0 : i32
    %dma_start3A_938 = arith.constant 0 : i32
    %dma_start3A_939 = arith.constant 0 : i32
    %dma_start3A_940 = tpu.memref_slice %arg6[%dma_start3A_936, %dma_start3A_938, %dma_start3A_939] : memref<4x64x128xf32, #tpu.memory_space<vmem>> -> memref<1x32x128xf32, #tpu.memory_space<vmem>>
    %dma_start3A_941 = tpu.memref_squeeze %dma_start3A_940 : memref<1x32x128xf32, #tpu.memory_space<vmem>> -> memref<32x128xf32, #tpu.memory_space<vmem>>
    %dma_start3A_942 = arith.constant 0 : i32
    %dma_start3A_943 = tpu.memref_slice %arg4[%dma_start3A_937, %mul3A_2, %dma_start3A_942] : memref<4x2048x128xf32, #tpu.memory_space<hbm>> -> memref<1x32x128xf32, #tpu.memory_space<hbm>>
    %dma_start3A_944 = tpu.memref_squeeze %dma_start3A_943 : memref<1x32x128xf32, #tpu.memory_space<hbm>> -> memref<32x128xf32, #tpu.memory_space<hbm>>
    %dma_start3A_945 = arith.constant 0 : i32
    %dma_start3A_946 = tpu.memref_slice %arg4[%dma_start3A_937, %mul3A_2, %dma_start3A_945] : memref<4x2048x128xf32, #tpu.memory_space<hbm>> -> memref<1x32x128xf32, #tpu.memory_space<hbm>>
    %dma_start3A_947 = tpu.memref_squeeze %dma_start3A_946 : memref<1x32x128xf32, #tpu.memory_space<hbm>> -> memref<32x128xf32, #tpu.memory_space<hbm>>
    %dma_start3A_948 = arith.constant 0 : i32
    %dma_start3A_949 = arith.constant 0 : i32
    %dma_start3A_950 = tpu.memref_slice %arg6[%dma_start3A_936, %dma_start3A_948, %dma_start3A_949] : memref<4x64x128xf32, #tpu.memory_space<vmem>> -> memref<1x32x128xf32, #tpu.memory_space<vmem>>
    %dma_start3A_951 = tpu.memref_squeeze %dma_start3A_950 : memref<1x32x128xf32, #tpu.memory_space<vmem>> -> memref<32x128xf32, #tpu.memory_space<vmem>>
    tpu.enqueue_dma source(%dma_start3A_951 : memref<32x128xf32, #tpu.memory_space<vmem>>) target(%dma_start3A_947 : memref<32x128xf32, #tpu.memory_space<hbm>>) target_semaphore(%arg10 : memref<!tpu.dma_semaphore, #tpu.memory_space<semaphore_mem>>)
    %dma_start3A_952 = arith.constant 1 : i32
    %dma_start3A_953 = arith.constant 1 : i32
    %dma_start3A_954 = arith.constant 0 : i32
    %dma_start3A_955 = arith.constant 0 : i32
    %dma_start3A_956 = tpu.memref_slice %arg6[%dma_start3A_952, %dma_start3A_954, %dma_start3A_955] : memref<4x64x128xf32, #tpu.memory_space<vmem>> -> memref<1x32x128xf32, #tpu.memory_space<vmem>>
    %dma_start3A_957 = tpu.memref_squeeze %dma_start3A_956 : memref<1x32x128xf32, #tpu.memory_space<vmem>> -> memref<32x128xf32, #tpu.memory_space<vmem>>
    %dma_start3A_958 = arith.constant 0 : i32
    %dma_start3A_959 = tpu.memref_slice %arg4[%dma_start3A_953, %mul3A_2, %dma_start3A_958] : memref<4x2048x128xf32, #tpu.memory_space<hbm>> -> memref<1x32x128xf32, #tpu.memory_space<hbm>>
    %dma_start3A_960 = tpu.memref_squeeze %dma_start3A_959 : memref<1x32x128xf32, #tpu.memory_space<hbm>> -> memref<32x128xf32, #tpu.memory_space<hbm>>
    %dma_start3A_961 = arith.constant 0 : i32
    %dma_start3A_962 = tpu.memref_slice %arg4[%dma_start3A_953, %mul3A_2, %dma_start3A_961] : memref<4x2048x128xf32, #tpu.memory_space<hbm>> -> memref<1x32x128xf32, #tpu.memory_space<hbm>>
    %dma_start3A_963 = tpu.memref_squeeze %dma_start3A_962 : memref<1x32x128xf32, #tpu.memory_space<hbm>> -> memref<32x128xf32, #tpu.memory_space<hbm>>
    %dma_start3A_964 = arith.constant 0 : i32
    %dma_start3A_965 = arith.constant 0 : i32
    %dma_start3A_966 = tpu.memref_slice %arg6[%dma_start3A_952, %dma_start3A_964, %dma_start3A_965] : memref<4x64x128xf32, #tpu.memory_space<vmem>> -> memref<1x32x128xf32, #tpu.memory_space<vmem>>
    %dma_start3A_967 = tpu.memref_squeeze %dma_start3A_966 : memref<1x32x128xf32, #tpu.memory_space<vmem>> -> memref<32x128xf32, #tpu.memory_space<vmem>>
    tpu.enqueue_dma source(%dma_start3A_967 : memref<32x128xf32, #tpu.memory_space<vmem>>) target(%dma_start3A_963 : memref<32x128xf32, #tpu.memory_space<hbm>>) target_semaphore(%arg10 : memref<!tpu.dma_semaphore, #tpu.memory_space<semaphore_mem>>)
    %dma_start3A_968 = arith.constant 2 : i32
    %dma_start3A_969 = arith.constant 2 : i32
    %dma_start3A_970 = arith.constant 0 : i32
    %dma_start3A_971 = arith.constant 0 : i32
    %dma_start3A_972 = tpu.memref_slice %arg6[%dma_start3A_968, %dma_start3A_970, %dma_start3A_971] : memref<4x64x128xf32, #tpu.memory_space<vmem>> -> memref<1x32x128xf32, #tpu.memory_space<vmem>>
    %dma_start3A_973 = tpu.memref_squeeze %dma_start3A_972 : memref<1x32x128xf32, #tpu.memory_space<vmem>> -> memref<32x128xf32, #tpu.memory_space<vmem>>
    %dma_start3A_974 = arith.constant 0 : i32
    %dma_start3A_975 = tpu.memref_slice %arg4[%dma_start3A_969, %mul3A_2, %dma_start3A_974] : memref<4x2048x128xf32, #tpu.memory_space<hbm>> -> memref<1x32x128xf32, #tpu.memory_space<hbm>>
    %dma_start3A_976 = tpu.memref_squeeze %dma_start3A_975 : memref<1x32x128xf32, #tpu.memory_space<hbm>> -> memref<32x128xf32, #tpu.memory_space<hbm>>
    %dma_start3A_977 = arith.constant 0 : i32
    %dma_start3A_978 = tpu.memref_slice %arg4[%dma_start3A_969, %mul3A_2, %dma_start3A_977] : memref<4x2048x128xf32, #tpu.memory_space<hbm>> -> memref<1x32x128xf32, #tpu.memory_space<hbm>>
    %dma_start3A_979 = tpu.memref_squeeze %dma_start3A_978 : memref<1x32x128xf32, #tpu.memory_space<hbm>> -> memref<32x128xf32, #tpu.memory_space<hbm>>
    %dma_start3A_980 = arith.constant 0 : i32
    %dma_start3A_981 = arith.constant 0 : i32
    %dma_start3A_982 = tpu.memref_slice %arg6[%dma_start3A_968, %dma_start3A_980, %dma_start3A_981] : memref<4x64x128xf32, #tpu.memory_space<vmem>> -> memref<1x32x128xf32, #tpu.memory_space<vmem>>
    %dma_start3A_983 = tpu.memref_squeeze %dma_start3A_982 : memref<1x32x128xf32, #tpu.memory_space<vmem>> -> memref<32x128xf32, #tpu.memory_space<vmem>>
    tpu.enqueue_dma source(%dma_start3A_983 : memref<32x128xf32, #tpu.memory_space<vmem>>) target(%dma_start3A_979 : memref<32x128xf32, #tpu.memory_space<hbm>>) target_semaphore(%arg10 : memref<!tpu.dma_semaphore, #tpu.memory_space<semaphore_mem>>)
    %dma_start3A_984 = arith.constant 3 : i32
    %dma_start3A_985 = arith.constant 3 : i32
    %dma_start3A_986 = arith.constant 0 : i32
    %dma_start3A_987 = arith.constant 0 : i32
    %dma_start3A_988 = tpu.memref_slice %arg6[%dma_start3A_984, %dma_start3A_986, %dma_start3A_987] : memref<4x64x128xf32, #tpu.memory_space<vmem>> -> memref<1x32x128xf32, #tpu.memory_space<vmem>>
    %dma_start3A_989 = tpu.memref_squeeze %dma_start3A_988 : memref<1x32x128xf32, #tpu.memory_space<vmem>> -> memref<32x128xf32, #tpu.memory_space<vmem>>
    %dma_start3A_990 = arith.constant 0 : i32
    %dma_start3A_991 = tpu.memref_slice %arg4[%dma_start3A_985, %mul3A_2, %dma_start3A_990] : memref<4x2048x128xf32, #tpu.memory_space<hbm>> -> memref<1x32x128xf32, #tpu.memory_space<hbm>>
    %dma_start3A_992 = tpu.memref_squeeze %dma_start3A_991 : memref<1x32x128xf32, #tpu.memory_space<hbm>> -> memref<32x128xf32, #tpu.memory_space<hbm>>
    %dma_start3A_993 = arith.constant 0 : i32
    %dma_start3A_994 = tpu.memref_slice %arg4[%dma_start3A_985, %mul3A_2, %dma_start3A_993] : memref<4x2048x128xf32, #tpu.memory_space<hbm>> -> memref<1x32x128xf32, #tpu.memory_space<hbm>>
    %dma_start3A_995 = tpu.memref_squeeze %dma_start3A_994 : memref<1x32x128xf32, #tpu.memory_space<hbm>> -> memref<32x128xf32, #tpu.memory_space<hbm>>
    %dma_start3A_996 = arith.constant 0 : i32
    %dma_start3A_997 = arith.constant 0 : i32
    %dma_start3A_998 = tpu.memref_slice %arg6[%dma_start3A_984, %dma_start3A_996, %dma_start3A_997] : memref<4x64x128xf32, #tpu.memory_space<vmem>> -> memref<1x32x128xf32, #tpu.memory_space<vmem>>
    %dma_start3A_999 = tpu.memref_squeeze %dma_start3A_998 : memref<1x32x128xf32, #tpu.memory_space<vmem>> -> memref<32x128xf32, #tpu.memory_space<vmem>>
    tpu.enqueue_dma source(%dma_start3A_999 : memref<32x128xf32, #tpu.memory_space<vmem>>) target(%dma_start3A_995 : memref<32x128xf32, #tpu.memory_space<hbm>>) target_semaphore(%arg10 : memref<!tpu.dma_semaphore, #tpu.memory_space<semaphore_mem>>)
    %dma_wait3A_1000 = arith.constant 0 : i32
    %dma_wait3A_1001 = arith.constant 32 : i32
    %dma_wait3A_1002 = arith.constant 0 : i32
    %dma_wait3A_1003 = tpu.memref_slice %arg6[%dma_wait3A_1000, %dma_wait3A_1001, %dma_wait3A_1002] : memref<4x64x128xf32, #tpu.memory_space<vmem>> -> memref<1x32x128xf32, #tpu.memory_space<vmem>>
    %dma_wait3A_1004 = tpu.memref_squeeze %dma_wait3A_1003 : memref<1x32x128xf32, #tpu.memory_space<vmem>> -> memref<32x128xf32, #tpu.memory_space<vmem>>
    %dma_wait3A_1005 = arith.constant 32 : i32
    %dma_wait3A_1006 = tpu.memref_slice %arg5[%dma_wait3A_1005] : memref<256xi32, #tpu.memory_space<vmem>> -> memref<32xi32, #tpu.memory_space<vmem>>
    %dma_wait3A_1007 = arith.constant 0 : i32
    %dma_wait3A_1008 = arith.constant 0 : i32
    %dma_wait3A_1009 = tpu.memref_slice %arg3[%dma_wait3A_1007, %dma_wait3A_1008] : memref<1000000x128xf32, #tpu.memory_space<hbm>> -> memref<1000000x128xf32, #tpu.memory_space<hbm>>
    tpu.wait_indirect_dma semaphore(%arg9 : memref<!tpu.dma_semaphore, #tpu.memory_space<semaphore_mem>>) src(%dma_wait3A_1009 : memref<1000000x128xf32, #tpu.memory_space<hbm>>) dst(%dma_wait3A_1004 : memref<32x128xf32, #tpu.memory_space<vmem>>)
    %dma_wait3A_1010 = arith.constant 1 : i32
    %dma_wait3A_1011 = arith.constant 32 : i32
    %dma_wait3A_1012 = arith.constant 0 : i32
    %dma_wait3A_1013 = tpu.memref_slice %arg6[%dma_wait3A_1010, %dma_wait3A_1011, %dma_wait3A_1012] : memref<4x64x128xf32, #tpu.memory_space<vmem>> -> memref<1x32x128xf32, #tpu.memory_space<vmem>>
    %dma_wait3A_1014 = tpu.memref_squeeze %dma_wait3A_1013 : memref<1x32x128xf32, #tpu.memory_space<vmem>> -> memref<32x128xf32, #tpu.memory_space<vmem>>
    %dma_wait3A_1015 = arith.constant 96 : i32
    %dma_wait3A_1016 = tpu.memref_slice %arg5[%dma_wait3A_1015] : memref<256xi32, #tpu.memory_space<vmem>> -> memref<32xi32, #tpu.memory_space<vmem>>
    %dma_wait3A_1017 = arith.constant 0 : i32
    %dma_wait3A_1018 = arith.constant 0 : i32
    %dma_wait3A_1019 = tpu.memref_slice %arg3[%dma_wait3A_1017, %dma_wait3A_1018] : memref<1000000x128xf32, #tpu.memory_space<hbm>> -> memref<1000000x128xf32, #tpu.memory_space<hbm>>
    tpu.wait_indirect_dma semaphore(%arg9 : memref<!tpu.dma_semaphore, #tpu.memory_space<semaphore_mem>>) src(%dma_wait3A_1019 : memref<1000000x128xf32, #tpu.memory_space<hbm>>) dst(%dma_wait3A_1014 : memref<32x128xf32, #tpu.memory_space<vmem>>)
    %dma_wait3A_1020 = arith.constant 2 : i32
    %dma_wait3A_1021 = arith.constant 32 : i32
    %dma_wait3A_1022 = arith.constant 0 : i32
    %dma_wait3A_1023 = tpu.memref_slice %arg6[%dma_wait3A_1020, %dma_wait3A_1021, %dma_wait3A_1022] : memref<4x64x128xf32, #tpu.memory_space<vmem>> -> memref<1x32x128xf32, #tpu.memory_space<vmem>>
    %dma_wait3A_1024 = tpu.memref_squeeze %dma_wait3A_1023 : memref<1x32x128xf32, #tpu.memory_space<vmem>> -> memref<32x128xf32, #tpu.memory_space<vmem>>
    %dma_wait3A_1025 = arith.constant 160 : i32
    %dma_wait3A_1026 = tpu.memref_slice %arg5[%dma_wait3A_1025] : memref<256xi32, #tpu.memory_space<vmem>> -> memref<32xi32, #tpu.memory_space<vmem>>
    %dma_wait3A_1027 = arith.constant 0 : i32
    %dma_wait3A_1028 = arith.constant 0 : i32
    %dma_wait3A_1029 = tpu.memref_slice %arg3[%dma_wait3A_1027, %dma_wait3A_1028] : memref<1000000x128xf32, #tpu.memory_space<hbm>> -> memref<1000000x128xf32, #tpu.memory_space<hbm>>
    tpu.wait_indirect_dma semaphore(%arg9 : memref<!tpu.dma_semaphore, #tpu.memory_space<semaphore_mem>>) src(%dma_wait3A_1029 : memref<1000000x128xf32, #tpu.memory_space<hbm>>) dst(%dma_wait3A_1024 : memref<32x128xf32, #tpu.memory_space<vmem>>)
    %dma_wait3A_1030 = arith.constant 3 : i32
    %dma_wait3A_1031 = arith.constant 32 : i32
    %dma_wait3A_1032 = arith.constant 0 : i32
    %dma_wait3A_1033 = tpu.memref_slice %arg6[%dma_wait3A_1030, %dma_wait3A_1031, %dma_wait3A_1032] : memref<4x64x128xf32, #tpu.memory_space<vmem>> -> memref<1x32x128xf32, #tpu.memory_space<vmem>>
    %dma_wait3A_1034 = tpu.memref_squeeze %dma_wait3A_1033 : memref<1x32x128xf32, #tpu.memory_space<vmem>> -> memref<32x128xf32, #tpu.memory_space<vmem>>
    %dma_wait3A_1035 = arith.constant 224 : i32
    %dma_wait3A_1036 = tpu.memref_slice %arg5[%dma_wait3A_1035] : memref<256xi32, #tpu.memory_space<vmem>> -> memref<32xi32, #tpu.memory_space<vmem>>
    %dma_wait3A_1037 = arith.constant 0 : i32
    %dma_wait3A_1038 = arith.constant 0 : i32
    %dma_wait3A_1039 = tpu.memref_slice %arg3[%dma_wait3A_1037, %dma_wait3A_1038] : memref<1000000x128xf32, #tpu.memory_space<hbm>> -> memref<1000000x128xf32, #tpu.memory_space<hbm>>
    tpu.wait_indirect_dma semaphore(%arg9 : memref<!tpu.dma_semaphore, #tpu.memory_space<semaphore_mem>>) src(%dma_wait3A_1039 : memref<1000000x128xf32, #tpu.memory_space<hbm>>) dst(%dma_wait3A_1034 : memref<32x128xf32, #tpu.memory_space<vmem>>)
    %scan3A_1040 = arith.constant 16 : i32
    %scan3A_1041 = arith.constant 16 : i32
    %scan3A_1042 = arith.addi %scan3A_1040, %scan3A_1041 : i32
    %scan3A_1043 = arith.constant 1 : i32
    %scan3A_1044:8 = scf.for %scan3A_1246 = %scan3A_1040 to %scan3A_1042 step %scan3A_1043 iter_args(%scan3A_1247 = %scan3A_934#0, %scan3A_1248 = %scan3A_934#1, %scan3A_1249 = %scan3A_934#2, %scan3A_1250 = %scan3A_934#3, %scan3A_1251 = %scan3A_934#4, %scan3A_1252 = %scan3A_934#5, %scan3A_1253 = %scan3A_934#6, %scan3A_1254 = %scan3A_934#7) -> (vector<16xf32>, vector<16xf32>, vector<16xf32>, vector<16xf32>, vector<16xf32>, vector<16xf32>, vector<16xf32>, vector<16xf32>)  : i32 {
      %mul3A_1255 = arith.constant 2 : i32
      %mul3A_1256 = arith.muli %scan3A_1246, %mul3A_1255 : i32
      %get3A = arith.constant 0 : i32
      %get3A_1257 = arith.index_cast %get3A : i32 to index
      %get3A_1258 = arith.index_cast %mul3A_1256 : i32 to index
      %get3A_1259 = arith.constant 0 : index
      %get3A_1260 = tpu.vector_load %arg6[%get3A_1257, %get3A_1258, %get3A_1259] {strides = array<i32>} : memref<4x64x128xf32, #tpu.memory_space<vmem>>, vector<1x1x16xf32>,
      %get3A_1261 = vector.shape_cast %get3A_1260 : vector<1x1x16xf32> to vector<16xf32>
      %mul3A_1262 = arith.constant 11.3137083 : f32
      %mul3A_1263 = vector.broadcast %mul3A_1262 : f32 to vector<16xf32>
      %mul3A_1264 = arith.mulf %get3A_1261, %mul3A_1263 : vector<16xf32>
      %add3A_1265 = arith.addf %mul3A_1264, %scan3A_1247 : vector<16xf32>
      %swap3A = arith.constant 0 : i32
      %swap3A_1266 = arith.index_cast %swap3A : i32 to index
      %swap3A_1267 = arith.index_cast %mul3A_1256 : i32 to index
      %swap3A_1268 = arith.constant 0 : index
      %swap3A_1269 = tpu.vector_load %arg6[%swap3A_1266, %swap3A_1267, %swap3A_1268] {strides = array<i32>} : memref<4x64x128xf32, #tpu.memory_space<vmem>>, vector<1x1x16xf32>,
      %swap3A_1270 = vector.shape_cast %swap3A_1269 : vector<1x1x16xf32> to vector<16xf32>
      %swap3A_1271 = vector.shape_cast %add3A_1265 : vector<16xf32> to vector<1x1x16xf32>
      tpu.vector_store %arg6[%swap3A_1266, %swap3A_1267, %swap3A_1268], %swap3A_1271 {strides = array<i32>} : memref<4x64x128xf32, #tpu.memory_space<vmem>>, vector<1x1x16xf32>,
      %get3A_1272 = arith.constant 0 : i32
      %get3A_1273 = arith.index_cast %get3A_1272 : i32 to index
      %get3A_1274 = arith.index_cast %mul3A_1256 : i32 to index
      %get3A_1275 = arith.constant 64 : index
      %get3A_1276 = tpu.vector_load %arg6[%get3A_1273, %get3A_1274, %get3A_1275] {strides = array<i32>} : memref<4x64x128xf32, #tpu.memory_space<vmem>>, vector<1x1x16xf32>,
      %get3A_1277 = vector.shape_cast %get3A_1276 : vector<1x1x16xf32> to vector<16xf32>
      %mul3A_1278 = arith.constant 11.3137083 : f32
      %mul3A_1279 = vector.broadcast %mul3A_1278 : f32 to vector<16xf32>
      %mul3A_1280 = arith.mulf %get3A_1277, %mul3A_1279 : vector<16xf32>
      %add3A_1281 = arith.addf %mul3A_1280, %scan3A_1251 : vector<16xf32>
      %swap3A_1282 = arith.constant 0 : i32
      %swap3A_1283 = arith.index_cast %swap3A_1282 : i32 to index
      %swap3A_1284 = arith.index_cast %mul3A_1256 : i32 to index
      %swap3A_1285 = arith.constant 64 : index
      %swap3A_1286 = tpu.vector_load %arg6[%swap3A_1283, %swap3A_1284, %swap3A_1285] {strides = array<i32>} : memref<4x64x128xf32, #tpu.memory_space<vmem>>, vector<1x1x16xf32>,
      %swap3A_1287 = vector.shape_cast %swap3A_1286 : vector<1x1x16xf32> to vector<16xf32>
      %swap3A_1288 = vector.shape_cast %add3A_1281 : vector<16xf32> to vector<1x1x16xf32>
      tpu.vector_store %arg6[%swap3A_1283, %swap3A_1284, %swap3A_1285], %swap3A_1288 {strides = array<i32>} : memref<4x64x128xf32, #tpu.memory_space<vmem>>, vector<1x1x16xf32>,
      %get3A_1289 = arith.constant 0 : i32
      %get3A_1290 = arith.index_cast %get3A_1289 : i32 to index
      %get3A_1291 = arith.index_cast %mul3A_1256 : i32 to index
      %get3A_1292 = arith.constant 16 : index
      %get3A_1293 = tpu.vector_load %arg6[%get3A_1290, %get3A_1291, %get3A_1292] {strides = array<i32>} : memref<4x64x128xf32, #tpu.memory_space<vmem>>, vector<1x1x16xf32>,
      %get3A_1294 = vector.shape_cast %get3A_1293 : vector<1x1x16xf32> to vector<16xf32>
      %mul3A_1295 = arith.constant 11.3137083 : f32
      %mul3A_1296 = vector.broadcast %mul3A_1295 : f32 to vector<16xf32>
      %mul3A_1297 = arith.mulf %get3A_1294, %mul3A_1296 : vector<16xf32>
      %add3A_1298 = arith.addf %mul3A_1297, %scan3A_1248 : vector<16xf32>
      %swap3A_1299 = arith.constant 0 : i32
      %swap3A_1300 = arith.index_cast %swap3A_1299 : i32 to index
      %swap3A_1301 = arith.index_cast %mul3A_1256 : i32 to index
      %swap3A_1302 = arith.constant 16 : index
      %swap3A_1303 = tpu.vector_load %arg6[%swap3A_1300, %swap3A_1301, %swap3A_1302] {strides = array<i32>} : memref<4x64x128xf32, #tpu.memory_space<vmem>>, vector<1x1x16xf32>,
      %swap3A_1304 = vector.shape_cast %swap3A_1303 : vector<1x1x16xf32> to vector<16xf32>
      %swap3A_1305 = vector.shape_cast %add3A_1298 : vector<16xf32> to vector<1x1x16xf32>
      tpu.vector_store %arg6[%swap3A_1300, %swap3A_1301, %swap3A_1302], %swap3A_1305 {strides = array<i32>} : memref<4x64x128xf32, #tpu.memory_space<vmem>>, vector<1x1x16xf32>,
      %get3A_1306 = arith.constant 0 : i32
      %get3A_1307 = arith.index_cast %get3A_1306 : i32 to index
      %get3A_1308 = arith.index_cast %mul3A_1256 : i32 to index
      %get3A_1309 = arith.constant 80 : index
      %get3A_1310 = tpu.vector_load %arg6[%get3A_1307, %get3A_1308, %get3A_1309] {strides = array<i32>} : memref<4x64x128xf32, #tpu.memory_space<vmem>>, vector<1x1x16xf32>,
      %get3A_1311 = vector.shape_cast %get3A_1310 : vector<1x1x16xf32> to vector<16xf32>
      %mul3A_1312 = arith.constant 11.3137083 : f32
      %mul3A_1313 = vector.broadcast %mul3A_1312 : f32 to vector<16xf32>
      %mul3A_1314 = arith.mulf %get3A_1311, %mul3A_1313 : vector<16xf32>
      %add3A_1315 = arith.addf %mul3A_1314, %scan3A_1252 : vector<16xf32>
      %swap3A_1316 = arith.constant 0 : i32
      %swap3A_1317 = arith.index_cast %swap3A_1316 : i32 to index
      %swap3A_1318 = arith.index_cast %mul3A_1256 : i32 to index
      %swap3A_1319 = arith.constant 80 : index
      %swap3A_1320 = tpu.vector_load %arg6[%swap3A_1317, %swap3A_1318, %swap3A_1319] {strides = array<i32>} : memref<4x64x128xf32, #tpu.memory_space<vmem>>, vector<1x1x16xf32>,
      %swap3A_1321 = vector.shape_cast %swap3A_1320 : vector<1x1x16xf32> to vector<16xf32>
      %swap3A_1322 = vector.shape_cast %add3A_1315 : vector<16xf32> to vector<1x1x16xf32>
      tpu.vector_store %arg6[%swap3A_1317, %swap3A_1318, %swap3A_1319], %swap3A_1322 {strides = array<i32>} : memref<4x64x128xf32, #tpu.memory_space<vmem>>, vector<1x1x16xf32>,
      %get3A_1323 = arith.constant 0 : i32
      %get3A_1324 = arith.index_cast %get3A_1323 : i32 to index
      %get3A_1325 = arith.index_cast %mul3A_1256 : i32 to index
      %get3A_1326 = arith.constant 32 : index
      %get3A_1327 = tpu.vector_load %arg6[%get3A_1324, %get3A_1325, %get3A_1326] {strides = array<i32>} : memref<4x64x128xf32, #tpu.memory_space<vmem>>, vector<1x1x16xf32>,
      %get3A_1328 = vector.shape_cast %get3A_1327 : vector<1x1x16xf32> to vector<16xf32>
      %mul3A_1329 = arith.constant 11.3137083 : f32
      %mul3A_1330 = vector.broadcast %mul3A_1329 : f32 to vector<16xf32>
      %mul3A_1331 = arith.mulf %get3A_1328, %mul3A_1330 : vector<16xf32>
      %add3A_1332 = arith.addf %mul3A_1331, %scan3A_1249 : vector<16xf32>
      %swap3A_1333 = arith.constant 0 : i32
      %swap3A_1334 = arith.index_cast %swap3A_1333 : i32 to index
      %swap3A_1335 = arith.index_cast %mul3A_1256 : i32 to index
      %swap3A_1336 = arith.constant 32 : index
      %swap3A_1337 = tpu.vector_load %arg6[%swap3A_1334, %swap3A_1335, %swap3A_1336] {strides = array<i32>} : memref<4x64x128xf32, #tpu.memory_space<vmem>>, vector<1x1x16xf32>,
      %swap3A_1338 = vector.shape_cast %swap3A_1337 : vector<1x1x16xf32> to vector<16xf32>
      %swap3A_1339 = vector.shape_cast %add3A_1332 : vector<16xf32> to vector<1x1x16xf32>
      tpu.vector_store %arg6[%swap3A_1334, %swap3A_1335, %swap3A_1336], %swap3A_1339 {strides = array<i32>} : memref<4x64x128xf32, #tpu.memory_space<vmem>>, vector<1x1x16xf32>,
      %get3A_1340 = arith.constant 0 : i32
      %get3A_1341 = arith.index_cast %get3A_1340 : i32 to index
      %get3A_1342 = arith.index_cast %mul3A_1256 : i32 to index
      %get3A_1343 = arith.constant 96 : index
      %get3A_1344 = tpu.vector_load %arg6[%get3A_1341, %get3A_1342, %get3A_1343] {strides = array<i32>} : memref<4x64x128xf32, #tpu.memory_space<vmem>>, vector<1x1x16xf32>,
      %get3A_1345 = vector.shape_cast %get3A_1344 : vector<1x1x16xf32> to vector<16xf32>
      %mul3A_1346 = arith.constant 11.3137083 : f32
      %mul3A_1347 = vector.broadcast %mul3A_1346 : f32 to vector<16xf32>
      %mul3A_1348 = arith.mulf %get3A_1345, %mul3A_1347 : vector<16xf32>
      %add3A_1349 = arith.addf %mul3A_1348, %scan3A_1253 : vector<16xf32>
      %swap3A_1350 = arith.constant 0 : i32
      %swap3A_1351 = arith.index_cast %swap3A_1350 : i32 to index
      %swap3A_1352 = arith.index_cast %mul3A_1256 : i32 to index
      %swap3A_1353 = arith.constant 96 : index
      %swap3A_1354 = tpu.vector_load %arg6[%swap3A_1351, %swap3A_1352, %swap3A_1353] {strides = array<i32>} : memref<4x64x128xf32, #tpu.memory_space<vmem>>, vector<1x1x16xf32>,
      %swap3A_1355 = vector.shape_cast %swap3A_1354 : vector<1x1x16xf32> to vector<16xf32>
      %swap3A_1356 = vector.shape_cast %add3A_1349 : vector<16xf32> to vector<1x1x16xf32>
      tpu.vector_store %arg6[%swap3A_1351, %swap3A_1352, %swap3A_1353], %swap3A_1356 {strides = array<i32>} : memref<4x64x128xf32, #tpu.memory_space<vmem>>, vector<1x1x16xf32>,
      %get3A_1357 = arith.constant 0 : i32
      %get3A_1358 = arith.index_cast %get3A_1357 : i32 to index
      %get3A_1359 = arith.index_cast %mul3A_1256 : i32 to index
      %get3A_1360 = arith.constant 48 : index
      %get3A_1361 = tpu.vector_load %arg6[%get3A_1358, %get3A_1359, %get3A_1360] {strides = array<i32>} : memref<4x64x128xf32, #tpu.memory_space<vmem>>, vector<1x1x16xf32>,
      %get3A_1362 = vector.shape_cast %get3A_1361 : vector<1x1x16xf32> to vector<16xf32>
      %mul3A_1363 = arith.constant 11.3137083 : f32
      %mul3A_1364 = vector.broadcast %mul3A_1363 : f32 to vector<16xf32>
      %mul3A_1365 = arith.mulf %get3A_1362, %mul3A_1364 : vector<16xf32>
      %add3A_1366 = arith.addf %mul3A_1365, %scan3A_1250 : vector<16xf32>
      %swap3A_1367 = arith.constant 0 : i32
      %swap3A_1368 = arith.index_cast %swap3A_1367 : i32 to index
      %swap3A_1369 = arith.index_cast %mul3A_1256 : i32 to index
      %swap3A_1370 = arith.constant 48 : index
      %swap3A_1371 = tpu.vector_load %arg6[%swap3A_1368, %swap3A_1369, %swap3A_1370] {strides = array<i32>} : memref<4x64x128xf32, #tpu.memory_space<vmem>>, vector<1x1x16xf32>,
      %swap3A_1372 = vector.shape_cast %swap3A_1371 : vector<1x1x16xf32> to vector<16xf32>
      %swap3A_1373 = vector.shape_cast %add3A_1366 : vector<16xf32> to vector<1x1x16xf32>
      tpu.vector_store %arg6[%swap3A_1368, %swap3A_1369, %swap3A_1370], %swap3A_1373 {strides = array<i32>} : memref<4x64x128xf32, #tpu.memory_space<vmem>>, vector<1x1x16xf32>,
      %get3A_1374 = arith.constant 0 : i32
      %get3A_1375 = arith.index_cast %get3A_1374 : i32 to index
      %get3A_1376 = arith.index_cast %mul3A_1256 : i32 to index
      %get3A_1377 = arith.constant 112 : index
      %get3A_1378 = tpu.vector_load %arg6[%get3A_1375, %get3A_1376, %get3A_1377] {strides = array<i32>} : memref<4x64x128xf32, #tpu.memory_space<vmem>>, vector<1x1x16xf32>,
      %get3A_1379 = vector.shape_cast %get3A_1378 : vector<1x1x16xf32> to vector<16xf32>
      %mul3A_1380 = arith.constant 11.3137083 : f32
      %mul3A_1381 = vector.broadcast %mul3A_1380 : f32 to vector<16xf32>
      %mul3A_1382 = arith.mulf %get3A_1379, %mul3A_1381 : vector<16xf32>
      %add3A_1383 = arith.addf %mul3A_1382, %scan3A_1254 : vector<16xf32>
      %swap3A_1384 = arith.constant 0 : i32
      %swap3A_1385 = arith.index_cast %swap3A_1384 : i32 to index
      %swap3A_1386 = arith.index_cast %mul3A_1256 : i32 to index
      %swap3A_1387 = arith.constant 112 : index
      %swap3A_1388 = tpu.vector_load %arg6[%swap3A_1385, %swap3A_1386, %swap3A_1387] {strides = array<i32>} : memref<4x64x128xf32, #tpu.memory_space<vmem>>, vector<1x1x16xf32>,
      %swap3A_1389 = vector.shape_cast %swap3A_1388 : vector<1x1x16xf32> to vector<16xf32>
      %swap3A_1390 = vector.shape_cast %add3A_1383 : vector<16xf32> to vector<1x1x16xf32>
      tpu.vector_store %arg6[%swap3A_1385, %swap3A_1386, %swap3A_1387], %swap3A_1390 {strides = array<i32>} : memref<4x64x128xf32, #tpu.memory_space<vmem>>, vector<1x1x16xf32>,
      %get3A_1391 = arith.constant 1 : i32
      %get3A_1392 = arith.index_cast %get3A_1391 : i32 to index
      %get3A_1393 = arith.index_cast %mul3A_1256 : i32 to index
      %get3A_1394 = arith.constant 0 : index
      %get3A_1395 = tpu.vector_load %arg6[%get3A_1392, %get3A_1393, %get3A_1394] {strides = array<i32>} : memref<4x64x128xf32, #tpu.memory_space<vmem>>, vector<1x1x16xf32>,
      %get3A_1396 = vector.shape_cast %get3A_1395 : vector<1x1x16xf32> to vector<16xf32>
      %mul3A_1397 = arith.constant 11.3137083 : f32
      %mul3A_1398 = vector.broadcast %mul3A_1397 : f32 to vector<16xf32>
      %mul3A_1399 = arith.mulf %get3A_1396, %mul3A_1398 : vector<16xf32>
      %add3A_1400 = arith.addf %mul3A_1399, %scan3A_1247 : vector<16xf32>
      %swap3A_1401 = arith.constant 1 : i32
      %swap3A_1402 = arith.index_cast %swap3A_1401 : i32 to index
      %swap3A_1403 = arith.index_cast %mul3A_1256 : i32 to index
      %swap3A_1404 = arith.constant 0 : index
      %swap3A_1405 = tpu.vector_load %arg6[%swap3A_1402, %swap3A_1403, %swap3A_1404] {strides = array<i32>} : memref<4x64x128xf32, #tpu.memory_space<vmem>>, vector<1x1x16xf32>,
      %swap3A_1406 = vector.shape_cast %swap3A_1405 : vector<1x1x16xf32> to vector<16xf32>
      %swap3A_1407 = vector.shape_cast %add3A_1400 : vector<16xf32> to vector<1x1x16xf32>
      tpu.vector_store %arg6[%swap3A_1402, %swap3A_1403, %swap3A_1404], %swap3A_1407 {strides = array<i32>} : memref<4x64x128xf32, #tpu.memory_space<vmem>>, vector<1x1x16xf32>,
      %get3A_1408 = arith.constant 1 : i32
      %get3A_1409 = arith.index_cast %get3A_1408 : i32 to index
      %get3A_1410 = arith.index_cast %mul3A_1256 : i32 to index
      %get3A_1411 = arith.constant 64 : index
      %get3A_1412 = tpu.vector_load %arg6[%get3A_1409, %get3A_1410, %get3A_1411] {strides = array<i32>} : memref<4x64x128xf32, #tpu.memory_space<vmem>>, vector<1x1x16xf32>,
      %get3A_1413 = vector.shape_cast %get3A_1412 : vector<1x1x16xf32> to vector<16xf32>
      %mul3A_1414 = arith.constant 11.3137083 : f32
      %mul3A_1415 = vector.broadcast %mul3A_1414 : f32 to vector<16xf32>
      %mul3A_1416 = arith.mulf %get3A_1413, %mul3A_1415 : vector<16xf32>
      %add3A_1417 = arith.addf %mul3A_1416, %scan3A_1251 : vector<16xf32>
      %swap3A_1418 = arith.constant 1 : i32
      %swap3A_1419 = arith.index_cast %swap3A_1418 : i32 to index
      %swap3A_1420 = arith.index_cast %mul3A_1256 : i32 to index
      %swap3A_1421 = arith.constant 64 : index
      %swap3A_1422 = tpu.vector_load %arg6[%swap3A_1419, %swap3A_1420, %swap3A_1421] {strides = array<i32>} : memref<4x64x128xf32, #tpu.memory_space<vmem>>, vector<1x1x16xf32>,
      %swap3A_1423 = vector.shape_cast %swap3A_1422 : vector<1x1x16xf32> to vector<16xf32>
      %swap3A_1424 = vector.shape_cast %add3A_1417 : vector<16xf32> to vector<1x1x16xf32>
      tpu.vector_store %arg6[%swap3A_1419, %swap3A_1420, %swap3A_1421], %swap3A_1424 {strides = array<i32>} : memref<4x64x128xf32, #tpu.memory_space<vmem>>, vector<1x1x16xf32>,
      %get3A_1425 = arith.constant 1 : i32
      %get3A_1426 = arith.index_cast %get3A_1425 : i32 to index
      %get3A_1427 = arith.index_cast %mul3A_1256 : i32 to index
      %get3A_1428 = arith.constant 16 : index
      %get3A_1429 = tpu.vector_load %arg6[%get3A_1426, %get3A_1427, %get3A_1428] {strides = array<i32>} : memref<4x64x128xf32, #tpu.memory_space<vmem>>, vector<1x1x16xf32>,
      %get3A_1430 = vector.shape_cast %get3A_1429 : vector<1x1x16xf32> to vector<16xf32>
      %mul3A_1431 = arith.constant 11.3137083 : f32
      %mul3A_1432 = vector.broadcast %mul3A_1431 : f32 to vector<16xf32>
      %mul3A_1433 = arith.mulf %get3A_1430, %mul3A_1432 : vector<16xf32>
      %add3A_1434 = arith.addf %mul3A_1433, %scan3A_1248 : vector<16xf32>
      %swap3A_1435 = arith.constant 1 : i32
      %swap3A_1436 = arith.index_cast %swap3A_1435 : i32 to index
      %swap3A_1437 = arith.index_cast %mul3A_1256 : i32 to index
      %swap3A_1438 = arith.constant 16 : index
      %swap3A_1439 = tpu.vector_load %arg6[%swap3A_1436, %swap3A_1437, %swap3A_1438] {strides = array<i32>} : memref<4x64x128xf32, #tpu.memory_space<vmem>>, vector<1x1x16xf32>,
      %swap3A_1440 = vector.shape_cast %swap3A_1439 : vector<1x1x16xf32> to vector<16xf32>
      %swap3A_1441 = vector.shape_cast %add3A_1434 : vector<16xf32> to vector<1x1x16xf32>
      tpu.vector_store %arg6[%swap3A_1436, %swap3A_1437, %swap3A_1438], %swap3A_1441 {strides = array<i32>} : memref<4x64x128xf32, #tpu.memory_space<vmem>>, vector<1x1x16xf32>,
      %get3A_1442 = arith.constant 1 : i32
      %get3A_1443 = arith.index_cast %get3A_1442 : i32 to index
      %get3A_1444 = arith.index_cast %mul3A_1256 : i32 to index
      %get3A_1445 = arith.constant 80 : index
      %get3A_1446 = tpu.vector_load %arg6[%get3A_1443, %get3A_1444, %get3A_1445] {strides = array<i32>} : memref<4x64x128xf32, #tpu.memory_space<vmem>>, vector<1x1x16xf32>,
      %get3A_1447 = vector.shape_cast %get3A_1446 : vector<1x1x16xf32> to vector<16xf32>
      %mul3A_1448 = arith.constant 11.3137083 : f32
      %mul3A_1449 = vector.broadcast %mul3A_1448 : f32 to vector<16xf32>
      %mul3A_1450 = arith.mulf %get3A_1447, %mul3A_1449 : vector<16xf32>
      %add3A_1451 = arith.addf %mul3A_1450, %scan3A_1252 : vector<16xf32>
      %swap3A_1452 = arith.constant 1 : i32
      %swap3A_1453 = arith.index_cast %swap3A_1452 : i32 to index
      %swap3A_1454 = arith.index_cast %mul3A_1256 : i32 to index
      %swap3A_1455 = arith.constant 80 : index
      %swap3A_1456 = tpu.vector_load %arg6[%swap3A_1453, %swap3A_1454, %swap3A_1455] {strides = array<i32>} : memref<4x64x128xf32, #tpu.memory_space<vmem>>, vector<1x1x16xf32>,
      %swap3A_1457 = vector.shape_cast %swap3A_1456 : vector<1x1x16xf32> to vector<16xf32>
      %swap3A_1458 = vector.shape_cast %add3A_1451 : vector<16xf32> to vector<1x1x16xf32>
      tpu.vector_store %arg6[%swap3A_1453, %swap3A_1454, %swap3A_1455], %swap3A_1458 {strides = array<i32>} : memref<4x64x128xf32, #tpu.memory_space<vmem>>, vector<1x1x16xf32>,
      %get3A_1459 = arith.constant 1 : i32
      %get3A_1460 = arith.index_cast %get3A_1459 : i32 to index
      %get3A_1461 = arith.index_cast %mul3A_1256 : i32 to index
      %get3A_1462 = arith.constant 32 : index
      %get3A_1463 = tpu.vector_load %arg6[%get3A_1460, %get3A_1461, %get3A_1462] {strides = array<i32>} : memref<4x64x128xf32, #tpu.memory_space<vmem>>, vector<1x1x16xf32>,
      %get3A_1464 = vector.shape_cast %get3A_1463 : vector<1x1x16xf32> to vector<16xf32>
      %mul3A_1465 = arith.constant 11.3137083 : f32
      %mul3A_1466 = vector.broadcast %mul3A_1465 : f32 to vector<16xf32>
      %mul3A_1467 = arith.mulf %get3A_1464, %mul3A_1466 : vector<16xf32>
      %add3A_1468 = arith.addf %mul3A_1467, %scan3A_1249 : vector<16xf32>
      %swap3A_1469 = arith.constant 1 : i32
      %swap3A_1470 = arith.index_cast %swap3A_1469 : i32 to index
      %swap3A_1471 = arith.index_cast %mul3A_1256 : i32 to index
      %swap3A_1472 = arith.constant 32 : index
      %swap3A_1473 = tpu.vector_load %arg6[%swap3A_1470, %swap3A_1471, %swap3A_1472] {strides = array<i32>} : memref<4x64x128xf32, #tpu.memory_space<vmem>>, vector<1x1x16xf32>,
      %swap3A_1474 = vector.shape_cast %swap3A_1473 : vector<1x1x16xf32> to vector<16xf32>
      %swap3A_1475 = vector.shape_cast %add3A_1468 : vector<16xf32> to vector<1x1x16xf32>
      tpu.vector_store %arg6[%swap3A_1470, %swap3A_1471, %swap3A_1472], %swap3A_1475 {strides = array<i32>} : memref<4x64x128xf32, #tpu.memory_space<vmem>>, vector<1x1x16xf32>,
      %get3A_1476 = arith.constant 1 : i32
      %get3A_1477 = arith.index_cast %get3A_1476 : i32 to index
      %get3A_1478 = arith.index_cast %mul3A_1256 : i32 to index
      %get3A_1479 = arith.constant 96 : index
      %get3A_1480 = tpu.vector_load %arg6[%get3A_1477, %get3A_1478, %get3A_1479] {strides = array<i32>} : memref<4x64x128xf32, #tpu.memory_space<vmem>>, vector<1x1x16xf32>,
      %get3A_1481 = vector.shape_cast %get3A_1480 : vector<1x1x16xf32> to vector<16xf32>
      %mul3A_1482 = arith.constant 11.3137083 : f32
      %mul3A_1483 = vector.broadcast %mul3A_1482 : f32 to vector<16xf32>
      %mul3A_1484 = arith.mulf %get3A_1481, %mul3A_1483 : vector<16xf32>
      %add3A_1485 = arith.addf %mul3A_1484, %scan3A_1253 : vector<16xf32>
      %swap3A_1486 = arith.constant 1 : i32
      %swap3A_1487 = arith.index_cast %swap3A_1486 : i32 to index
      %swap3A_1488 = arith.index_cast %mul3A_1256 : i32 to index
      %swap3A_1489 = arith.constant 96 : index
      %swap3A_1490 = tpu.vector_load %arg6[%swap3A_1487, %swap3A_1488, %swap3A_1489] {strides = array<i32>} : memref<4x64x128xf32, #tpu.memory_space<vmem>>, vector<1x1x16xf32>,
      %swap3A_1491 = vector.shape_cast %swap3A_1490 : vector<1x1x16xf32> to vector<16xf32>
      %swap3A_1492 = vector.shape_cast %add3A_1485 : vector<16xf32> to vector<1x1x16xf32>
      tpu.vector_store %arg6[%swap3A_1487, %swap3A_1488, %swap3A_1489], %swap3A_1492 {strides = array<i32>} : memref<4x64x128xf32, #tpu.memory_space<vmem>>, vector<1x1x16xf32>,
      %get3A_1493 = arith.constant 1 : i32
      %get3A_1494 = arith.index_cast %get3A_1493 : i32 to index
      %get3A_1495 = arith.index_cast %mul3A_1256 : i32 to index
      %get3A_1496 = arith.constant 48 : index
      %get3A_1497 = tpu.vector_load %arg6[%get3A_1494, %get3A_1495, %get3A_1496] {strides = array<i32>} : memref<4x64x128xf32, #tpu.memory_space<vmem>>, vector<1x1x16xf32>,
      %get3A_1498 = vector.shape_cast %get3A_1497 : vector<1x1x16xf32> to vector<16xf32>
      %mul3A_1499 = arith.constant 11.3137083 : f32
      %mul3A_1500 = vector.broadcast %mul3A_1499 : f32 to vector<16xf32>
      %mul3A_1501 = arith.mulf %get3A_1498, %mul3A_1500 : vector<16xf32>
      %add3A_1502 = arith.addf %mul3A_1501, %scan3A_1250 : vector<16xf32>
      %swap3A_1503 = arith.constant 1 : i32
      %swap3A_1504 = arith.index_cast %swap3A_1503 : i32 to index
      %swap3A_1505 = arith.index_cast %mul3A_1256 : i32 to index
      %swap3A_1506 = arith.constant 48 : index
      %swap3A_1507 = tpu.vector_load %arg6[%swap3A_1504, %swap3A_1505, %swap3A_1506] {strides = array<i32>} : memref<4x64x128xf32, #tpu.memory_space<vmem>>, vector<1x1x16xf32>,
      %swap3A_1508 = vector.shape_cast %swap3A_1507 : vector<1x1x16xf32> to vector<16xf32>
      %swap3A_1509 = vector.shape_cast %add3A_1502 : vector<16xf32> to vector<1x1x16xf32>
      tpu.vector_store %arg6[%swap3A_1504, %swap3A_1505, %swap3A_1506], %swap3A_1509 {strides = array<i32>} : memref<4x64x128xf32, #tpu.memory_space<vmem>>, vector<1x1x16xf32>,
      %get3A_1510 = arith.constant 1 : i32
      %get3A_1511 = arith.index_cast %get3A_1510 : i32 to index
      %get3A_1512 = arith.index_cast %mul3A_1256 : i32 to index
      %get3A_1513 = arith.constant 112 : index
      %get3A_1514 = tpu.vector_load %arg6[%get3A_1511, %get3A_1512, %get3A_1513] {strides = array<i32>} : memref<4x64x128xf32, #tpu.memory_space<vmem>>, vector<1x1x16xf32>,
      %get3A_1515 = vector.shape_cast %get3A_1514 : vector<1x1x16xf32> to vector<16xf32>
      %mul3A_1516 = arith.constant 11.3137083 : f32
      %mul3A_1517 = vector.broadcast %mul3A_1516 : f32 to vector<16xf32>
      %mul3A_1518 = arith.mulf %get3A_1515, %mul3A_1517 : vector<16xf32>
      %add3A_1519 = arith.addf %mul3A_1518, %scan3A_1254 : vector<16xf32>
      %swap3A_1520 = arith.constant 1 : i32
      %swap3A_1521 = arith.index_cast %swap3A_1520 : i32 to index
      %swap3A_1522 = arith.index_cast %mul3A_1256 : i32 to index
      %swap3A_1523 = arith.constant 112 : index
      %swap3A_1524 = tpu.vector_load %arg6[%swap3A_1521, %swap3A_1522, %swap3A_1523] {strides = array<i32>} : memref<4x64x128xf32, #tpu.memory_space<vmem>>, vector<1x1x16xf32>,
      %swap3A_1525 = vector.shape_cast %swap3A_1524 : vector<1x1x16xf32> to vector<16xf32>
      %swap3A_1526 = vector.shape_cast %add3A_1519 : vector<16xf32> to vector<1x1x16xf32>
      tpu.vector_store %arg6[%swap3A_1521, %swap3A_1522, %swap3A_1523], %swap3A_1526 {strides = array<i32>} : memref<4x64x128xf32, #tpu.memory_space<vmem>>, vector<1x1x16xf32>,
      %get3A_1527 = arith.constant 2 : i32
      %get3A_1528 = arith.index_cast %get3A_1527 : i32 to index
      %get3A_1529 = arith.index_cast %mul3A_1256 : i32 to index
      %get3A_1530 = arith.constant 0 : index
      %get3A_1531 = tpu.vector_load %arg6[%get3A_1528, %get3A_1529, %get3A_1530] {strides = array<i32>} : memref<4x64x128xf32, #tpu.memory_space<vmem>>, vector<1x1x16xf32>,
      %get3A_1532 = vector.shape_cast %get3A_1531 : vector<1x1x16xf32> to vector<16xf32>
      %mul3A_1533 = arith.constant 11.3137083 : f32
      %mul3A_1534 = vector.broadcast %mul3A_1533 : f32 to vector<16xf32>
      %mul3A_1535 = arith.mulf %get3A_1532, %mul3A_1534 : vector<16xf32>
      %add3A_1536 = arith.addf %mul3A_1535, %scan3A_1247 : vector<16xf32>
      %swap3A_1537 = arith.constant 2 : i32
      %swap3A_1538 = arith.index_cast %swap3A_1537 : i32 to index
      %swap3A_1539 = arith.index_cast %mul3A_1256 : i32 to index
      %swap3A_1540 = arith.constant 0 : index
      %swap3A_1541 = tpu.vector_load %arg6[%swap3A_1538, %swap3A_1539, %swap3A_1540] {strides = array<i32>} : memref<4x64x128xf32, #tpu.memory_space<vmem>>, vector<1x1x16xf32>,
      %swap3A_1542 = vector.shape_cast %swap3A_1541 : vector<1x1x16xf32> to vector<16xf32>
      %swap3A_1543 = vector.shape_cast %add3A_1536 : vector<16xf32> to vector<1x1x16xf32>
      tpu.vector_store %arg6[%swap3A_1538, %swap3A_1539, %swap3A_1540], %swap3A_1543 {strides = array<i32>} : memref<4x64x128xf32, #tpu.memory_space<vmem>>, vector<1x1x16xf32>,
      %get3A_1544 = arith.constant 2 : i32
      %get3A_1545 = arith.index_cast %get3A_1544 : i32 to index
      %get3A_1546 = arith.index_cast %mul3A_1256 : i32 to index
      %get3A_1547 = arith.constant 64 : index
      %get3A_1548 = tpu.vector_load %arg6[%get3A_1545, %get3A_1546, %get3A_1547] {strides = array<i32>} : memref<4x64x128xf32, #tpu.memory_space<vmem>>, vector<1x1x16xf32>,
      %get3A_1549 = vector.shape_cast %get3A_1548 : vector<1x1x16xf32> to vector<16xf32>
      %mul3A_1550 = arith.constant 11.3137083 : f32
      %mul3A_1551 = vector.broadcast %mul3A_1550 : f32 to vector<16xf32>
      %mul3A_1552 = arith.mulf %get3A_1549, %mul3A_1551 : vector<16xf32>
      %add3A_1553 = arith.addf %mul3A_1552, %scan3A_1251 : vector<16xf32>
      %swap3A_1554 = arith.constant 2 : i32
      %swap3A_1555 = arith.index_cast %swap3A_1554 : i32 to index
      %swap3A_1556 = arith.index_cast %mul3A_1256 : i32 to index
      %swap3A_1557 = arith.constant 64 : index
      %swap3A_1558 = tpu.vector_load %arg6[%swap3A_1555, %swap3A_1556, %swap3A_1557] {strides = array<i32>} : memref<4x64x128xf32, #tpu.memory_space<vmem>>, vector<1x1x16xf32>,
      %swap3A_1559 = vector.shape_cast %swap3A_1558 : vector<1x1x16xf32> to vector<16xf32>
      %swap3A_1560 = vector.shape_cast %add3A_1553 : vector<16xf32> to vector<1x1x16xf32>
      tpu.vector_store %arg6[%swap3A_1555, %swap3A_1556, %swap3A_1557], %swap3A_1560 {strides = array<i32>} : memref<4x64x128xf32, #tpu.memory_space<vmem>>, vector<1x1x16xf32>,
      %get3A_1561 = arith.constant 2 : i32
      %get3A_1562 = arith.index_cast %get3A_1561 : i32 to index
      %get3A_1563 = arith.index_cast %mul3A_1256 : i32 to index
      %get3A_1564 = arith.constant 16 : index
      %get3A_1565 = tpu.vector_load %arg6[%get3A_1562, %get3A_1563, %get3A_1564] {strides = array<i32>} : memref<4x64x128xf32, #tpu.memory_space<vmem>>, vector<1x1x16xf32>,
      %get3A_1566 = vector.shape_cast %get3A_1565 : vector<1x1x16xf32> to vector<16xf32>
      %mul3A_1567 = arith.constant 11.3137083 : f32
      %mul3A_1568 = vector.broadcast %mul3A_1567 : f32 to vector<16xf32>
      %mul3A_1569 = arith.mulf %get3A_1566, %mul3A_1568 : vector<16xf32>
      %add3A_1570 = arith.addf %mul3A_1569, %scan3A_1248 : vector<16xf32>
      %swap3A_1571 = arith.constant 2 : i32
      %swap3A_1572 = arith.index_cast %swap3A_1571 : i32 to index
      %swap3A_1573 = arith.index_cast %mul3A_1256 : i32 to index
      %swap3A_1574 = arith.constant 16 : index
      %swap3A_1575 = tpu.vector_load %arg6[%swap3A_1572, %swap3A_1573, %swap3A_1574] {strides = array<i32>} : memref<4x64x128xf32, #tpu.memory_space<vmem>>, vector<1x1x16xf32>,
      %swap3A_1576 = vector.shape_cast %swap3A_1575 : vector<1x1x16xf32> to vector<16xf32>
      %swap3A_1577 = vector.shape_cast %add3A_1570 : vector<16xf32> to vector<1x1x16xf32>
      tpu.vector_store %arg6[%swap3A_1572, %swap3A_1573, %swap3A_1574], %swap3A_1577 {strides = array<i32>} : memref<4x64x128xf32, #tpu.memory_space<vmem>>, vector<1x1x16xf32>,
      %get3A_1578 = arith.constant 2 : i32
      %get3A_1579 = arith.index_cast %get3A_1578 : i32 to index
      %get3A_1580 = arith.index_cast %mul3A_1256 : i32 to index
      %get3A_1581 = arith.constant 80 : index
      %get3A_1582 = tpu.vector_load %arg6[%get3A_1579, %get3A_1580, %get3A_1581] {strides = array<i32>} : memref<4x64x128xf32, #tpu.memory_space<vmem>>, vector<1x1x16xf32>,
      %get3A_1583 = vector.shape_cast %get3A_1582 : vector<1x1x16xf32> to vector<16xf32>
      %mul3A_1584 = arith.constant 11.3137083 : f32
      %mul3A_1585 = vector.broadcast %mul3A_1584 : f32 to vector<16xf32>
      %mul3A_1586 = arith.mulf %get3A_1583, %mul3A_1585 : vector<16xf32>
      %add3A_1587 = arith.addf %mul3A_1586, %scan3A_1252 : vector<16xf32>
      %swap3A_1588 = arith.constant 2 : i32
      %swap3A_1589 = arith.index_cast %swap3A_1588 : i32 to index
      %swap3A_1590 = arith.index_cast %mul3A_1256 : i32 to index
      %swap3A_1591 = arith.constant 80 : index
      %swap3A_1592 = tpu.vector_load %arg6[%swap3A_1589, %swap3A_1590, %swap3A_1591] {strides = array<i32>} : memref<4x64x128xf32, #tpu.memory_space<vmem>>, vector<1x1x16xf32>,
      %swap3A_1593 = vector.shape_cast %swap3A_1592 : vector<1x1x16xf32> to vector<16xf32>
      %swap3A_1594 = vector.shape_cast %add3A_1587 : vector<16xf32> to vector<1x1x16xf32>
      tpu.vector_store %arg6[%swap3A_1589, %swap3A_1590, %swap3A_1591], %swap3A_1594 {strides = array<i32>} : memref<4x64x128xf32, #tpu.memory_space<vmem>>, vector<1x1x16xf32>,
      %get3A_1595 = arith.constant 2 : i32
      %get3A_1596 = arith.index_cast %get3A_1595 : i32 to index
      %get3A_1597 = arith.index_cast %mul3A_1256 : i32 to index
      %get3A_1598 = arith.constant 32 : index
      %get3A_1599 = tpu.vector_load %arg6[%get3A_1596, %get3A_1597, %get3A_1598] {strides = array<i32>} : memref<4x64x128xf32, #tpu.memory_space<vmem>>, vector<1x1x16xf32>,
      %get3A_1600 = vector.shape_cast %get3A_1599 : vector<1x1x16xf32> to vector<16xf32>
      %mul3A_1601 = arith.constant 11.3137083 : f32
      %mul3A_1602 = vector.broadcast %mul3A_1601 : f32 to vector<16xf32>
      %mul3A_1603 = arith.mulf %get3A_1600, %mul3A_1602 : vector<16xf32>
      %add3A_1604 = arith.addf %mul3A_1603, %scan3A_1249 : vector<16xf32>
      %swap3A_1605 = arith.constant 2 : i32
      %swap3A_1606 = arith.index_cast %swap3A_1605 : i32 to index
      %swap3A_1607 = arith.index_cast %mul3A_1256 : i32 to index
      %swap3A_1608 = arith.constant 32 : index
      %swap3A_1609 = tpu.vector_load %arg6[%swap3A_1606, %swap3A_1607, %swap3A_1608] {strides = array<i32>} : memref<4x64x128xf32, #tpu.memory_space<vmem>>, vector<1x1x16xf32>,
      %swap3A_1610 = vector.shape_cast %swap3A_1609 : vector<1x1x16xf32> to vector<16xf32>
      %swap3A_1611 = vector.shape_cast %add3A_1604 : vector<16xf32> to vector<1x1x16xf32>
      tpu.vector_store %arg6[%swap3A_1606, %swap3A_1607, %swap3A_1608], %swap3A_1611 {strides = array<i32>} : memref<4x64x128xf32, #tpu.memory_space<vmem>>, vector<1x1x16xf32>,
      %get3A_1612 = arith.constant 2 : i32
      %get3A_1613 = arith.index_cast %get3A_1612 : i32 to index
      %get3A_1614 = arith.index_cast %mul3A_1256 : i32 to index
      %get3A_1615 = arith.constant 96 : index
      %get3A_1616 = tpu.vector_load %arg6[%get3A_1613, %get3A_1614, %get3A_1615] {strides = array<i32>} : memref<4x64x128xf32, #tpu.memory_space<vmem>>, vector<1x1x16xf32>,
      %get3A_1617 = vector.shape_cast %get3A_1616 : vector<1x1x16xf32> to vector<16xf32>
      %mul3A_1618 = arith.constant 11.3137083 : f32
      %mul3A_1619 = vector.broadcast %mul3A_1618 : f32 to vector<16xf32>
      %mul3A_1620 = arith.mulf %get3A_1617, %mul3A_1619 : vector<16xf32>
      %add3A_1621 = arith.addf %mul3A_1620, %scan3A_1253 : vector<16xf32>
      %swap3A_1622 = arith.constant 2 : i32
      %swap3A_1623 = arith.index_cast %swap3A_1622 : i32 to index
      %swap3A_1624 = arith.index_cast %mul3A_1256 : i32 to index
      %swap3A_1625 = arith.constant 96 : index
      %swap3A_1626 = tpu.vector_load %arg6[%swap3A_1623, %swap3A_1624, %swap3A_1625] {strides = array<i32>} : memref<4x64x128xf32, #tpu.memory_space<vmem>>, vector<1x1x16xf32>,
      %swap3A_1627 = vector.shape_cast %swap3A_1626 : vector<1x1x16xf32> to vector<16xf32>
      %swap3A_1628 = vector.shape_cast %add3A_1621 : vector<16xf32> to vector<1x1x16xf32>
      tpu.vector_store %arg6[%swap3A_1623, %swap3A_1624, %swap3A_1625], %swap3A_1628 {strides = array<i32>} : memref<4x64x128xf32, #tpu.memory_space<vmem>>, vector<1x1x16xf32>,
      %get3A_1629 = arith.constant 2 : i32
      %get3A_1630 = arith.index_cast %get3A_1629 : i32 to index
      %get3A_1631 = arith.index_cast %mul3A_1256 : i32 to index
      %get3A_1632 = arith.constant 48 : index
      %get3A_1633 = tpu.vector_load %arg6[%get3A_1630, %get3A_1631, %get3A_1632] {strides = array<i32>} : memref<4x64x128xf32, #tpu.memory_space<vmem>>, vector<1x1x16xf32>,
      %get3A_1634 = vector.shape_cast %get3A_1633 : vector<1x1x16xf32> to vector<16xf32>
      %mul3A_1635 = arith.constant 11.3137083 : f32
      %mul3A_1636 = vector.broadcast %mul3A_1635 : f32 to vector<16xf32>
      %mul3A_1637 = arith.mulf %get3A_1634, %mul3A_1636 : vector<16xf32>
      %add3A_1638 = arith.addf %mul3A_1637, %scan3A_1250 : vector<16xf32>
      %swap3A_1639 = arith.constant 2 : i32
      %swap3A_1640 = arith.index_cast %swap3A_1639 : i32 to index
      %swap3A_1641 = arith.index_cast %mul3A_1256 : i32 to index
      %swap3A_1642 = arith.constant 48 : index
      %swap3A_1643 = tpu.vector_load %arg6[%swap3A_1640, %swap3A_1641, %swap3A_1642] {strides = array<i32>} : memref<4x64x128xf32, #tpu.memory_space<vmem>>, vector<1x1x16xf32>,
      %swap3A_1644 = vector.shape_cast %swap3A_1643 : vector<1x1x16xf32> to vector<16xf32>
      %swap3A_1645 = vector.shape_cast %add3A_1638 : vector<16xf32> to vector<1x1x16xf32>
      tpu.vector_store %arg6[%swap3A_1640, %swap3A_1641, %swap3A_1642], %swap3A_1645 {strides = array<i32>} : memref<4x64x128xf32, #tpu.memory_space<vmem>>, vector<1x1x16xf32>,
      %get3A_1646 = arith.constant 2 : i32
      %get3A_1647 = arith.index_cast %get3A_1646 : i32 to index
      %get3A_1648 = arith.index_cast %mul3A_1256 : i32 to index
      %get3A_1649 = arith.constant 112 : index
      %get3A_1650 = tpu.vector_load %arg6[%get3A_1647, %get3A_1648, %get3A_1649] {strides = array<i32>} : memref<4x64x128xf32, #tpu.memory_space<vmem>>, vector<1x1x16xf32>,
      %get3A_1651 = vector.shape_cast %get3A_1650 : vector<1x1x16xf32> to vector<16xf32>
      %mul3A_1652 = arith.constant 11.3137083 : f32
      %mul3A_1653 = vector.broadcast %mul3A_1652 : f32 to vector<16xf32>
      %mul3A_1654 = arith.mulf %get3A_1651, %mul3A_1653 : vector<16xf32>
      %add3A_1655 = arith.addf %mul3A_1654, %scan3A_1254 : vector<16xf32>
      %swap3A_1656 = arith.constant 2 : i32
      %swap3A_1657 = arith.index_cast %swap3A_1656 : i32 to index
      %swap3A_1658 = arith.index_cast %mul3A_1256 : i32 to index
      %swap3A_1659 = arith.constant 112 : index
      %swap3A_1660 = tpu.vector_load %arg6[%swap3A_1657, %swap3A_1658, %swap3A_1659] {strides = array<i32>} : memref<4x64x128xf32, #tpu.memory_space<vmem>>, vector<1x1x16xf32>,
      %swap3A_1661 = vector.shape_cast %swap3A_1660 : vector<1x1x16xf32> to vector<16xf32>
      %swap3A_1662 = vector.shape_cast %add3A_1655 : vector<16xf32> to vector<1x1x16xf32>
      tpu.vector_store %arg6[%swap3A_1657, %swap3A_1658, %swap3A_1659], %swap3A_1662 {strides = array<i32>} : memref<4x64x128xf32, #tpu.memory_space<vmem>>, vector<1x1x16xf32>,
      %get3A_1663 = arith.constant 3 : i32
      %get3A_1664 = arith.index_cast %get3A_1663 : i32 to index
      %get3A_1665 = arith.index_cast %mul3A_1256 : i32 to index
      %get3A_1666 = arith.constant 0 : index
      %get3A_1667 = tpu.vector_load %arg6[%get3A_1664, %get3A_1665, %get3A_1666] {strides = array<i32>} : memref<4x64x128xf32, #tpu.memory_space<vmem>>, vector<1x1x16xf32>,
      %get3A_1668 = vector.shape_cast %get3A_1667 : vector<1x1x16xf32> to vector<16xf32>
      %mul3A_1669 = arith.constant 11.3137083 : f32
      %mul3A_1670 = vector.broadcast %mul3A_1669 : f32 to vector<16xf32>
      %mul3A_1671 = arith.mulf %get3A_1668, %mul3A_1670 : vector<16xf32>
      %add3A_1672 = arith.addf %mul3A_1671, %scan3A_1247 : vector<16xf32>
      %swap3A_1673 = arith.constant 3 : i32
      %swap3A_1674 = arith.index_cast %swap3A_1673 : i32 to index
      %swap3A_1675 = arith.index_cast %mul3A_1256 : i32 to index
      %swap3A_1676 = arith.constant 0 : index
      %swap3A_1677 = tpu.vector_load %arg6[%swap3A_1674, %swap3A_1675, %swap3A_1676] {strides = array<i32>} : memref<4x64x128xf32, #tpu.memory_space<vmem>>, vector<1x1x16xf32>,
      %swap3A_1678 = vector.shape_cast %swap3A_1677 : vector<1x1x16xf32> to vector<16xf32>
      %swap3A_1679 = vector.shape_cast %add3A_1672 : vector<16xf32> to vector<1x1x16xf32>
      tpu.vector_store %arg6[%swap3A_1674, %swap3A_1675, %swap3A_1676], %swap3A_1679 {strides = array<i32>} : memref<4x64x128xf32, #tpu.memory_space<vmem>>, vector<1x1x16xf32>,
      %get3A_1680 = arith.constant 3 : i32
      %get3A_1681 = arith.index_cast %get3A_1680 : i32 to index
      %get3A_1682 = arith.index_cast %mul3A_1256 : i32 to index
      %get3A_1683 = arith.constant 64 : index
      %get3A_1684 = tpu.vector_load %arg6[%get3A_1681, %get3A_1682, %get3A_1683] {strides = array<i32>} : memref<4x64x128xf32, #tpu.memory_space<vmem>>, vector<1x1x16xf32>,
      %get3A_1685 = vector.shape_cast %get3A_1684 : vector<1x1x16xf32> to vector<16xf32>
      %mul3A_1686 = arith.constant 11.3137083 : f32
      %mul3A_1687 = vector.broadcast %mul3A_1686 : f32 to vector<16xf32>
      %mul3A_1688 = arith.mulf %get3A_1685, %mul3A_1687 : vector<16xf32>
      %add3A_1689 = arith.addf %mul3A_1688, %scan3A_1251 : vector<16xf32>
      %swap3A_1690 = arith.constant 3 : i32
      %swap3A_1691 = arith.index_cast %swap3A_1690 : i32 to index
      %swap3A_1692 = arith.index_cast %mul3A_1256 : i32 to index
      %swap3A_1693 = arith.constant 64 : index
      %swap3A_1694 = tpu.vector_load %arg6[%swap3A_1691, %swap3A_1692, %swap3A_1693] {strides = array<i32>} : memref<4x64x128xf32, #tpu.memory_space<vmem>>, vector<1x1x16xf32>,
      %swap3A_1695 = vector.shape_cast %swap3A_1694 : vector<1x1x16xf32> to vector<16xf32>
      %swap3A_1696 = vector.shape_cast %add3A_1689 : vector<16xf32> to vector<1x1x16xf32>
      tpu.vector_store %arg6[%swap3A_1691, %swap3A_1692, %swap3A_1693], %swap3A_1696 {strides = array<i32>} : memref<4x64x128xf32, #tpu.memory_space<vmem>>, vector<1x1x16xf32>,
      %get3A_1697 = arith.constant 3 : i32
      %get3A_1698 = arith.index_cast %get3A_1697 : i32 to index
      %get3A_1699 = arith.index_cast %mul3A_1256 : i32 to index
      %get3A_1700 = arith.constant 16 : index
      %get3A_1701 = tpu.vector_load %arg6[%get3A_1698, %get3A_1699, %get3A_1700] {strides = array<i32>} : memref<4x64x128xf32, #tpu.memory_space<vmem>>, vector<1x1x16xf32>,
      %get3A_1702 = vector.shape_cast %get3A_1701 : vector<1x1x16xf32> to vector<16xf32>
      %mul3A_1703 = arith.constant 11.3137083 : f32
      %mul3A_1704 = vector.broadcast %mul3A_1703 : f32 to vector<16xf32>
      %mul3A_1705 = arith.mulf %get3A_1702, %mul3A_1704 : vector<16xf32>
      %add3A_1706 = arith.addf %mul3A_1705, %scan3A_1248 : vector<16xf32>
      %swap3A_1707 = arith.constant 3 : i32
      %swap3A_1708 = arith.index_cast %swap3A_1707 : i32 to index
      %swap3A_1709 = arith.index_cast %mul3A_1256 : i32 to index
      %swap3A_1710 = arith.constant 16 : index
      %swap3A_1711 = tpu.vector_load %arg6[%swap3A_1708, %swap3A_1709, %swap3A_1710] {strides = array<i32>} : memref<4x64x128xf32, #tpu.memory_space<vmem>>, vector<1x1x16xf32>,
      %swap3A_1712 = vector.shape_cast %swap3A_1711 : vector<1x1x16xf32> to vector<16xf32>
      %swap3A_1713 = vector.shape_cast %add3A_1706 : vector<16xf32> to vector<1x1x16xf32>
      tpu.vector_store %arg6[%swap3A_1708, %swap3A_1709, %swap3A_1710], %swap3A_1713 {strides = array<i32>} : memref<4x64x128xf32, #tpu.memory_space<vmem>>, vector<1x1x16xf32>,
      %get3A_1714 = arith.constant 3 : i32
      %get3A_1715 = arith.index_cast %get3A_1714 : i32 to index
      %get3A_1716 = arith.index_cast %mul3A_1256 : i32 to index
      %get3A_1717 = arith.constant 80 : index
      %get3A_1718 = tpu.vector_load %arg6[%get3A_1715, %get3A_1716, %get3A_1717] {strides = array<i32>} : memref<4x64x128xf32, #tpu.memory_space<vmem>>, vector<1x1x16xf32>,
      %get3A_1719 = vector.shape_cast %get3A_1718 : vector<1x1x16xf32> to vector<16xf32>
      %mul3A_1720 = arith.constant 11.3137083 : f32
      %mul3A_1721 = vector.broadcast %mul3A_1720 : f32 to vector<16xf32>
      %mul3A_1722 = arith.mulf %get3A_1719, %mul3A_1721 : vector<16xf32>
      %add3A_1723 = arith.addf %mul3A_1722, %scan3A_1252 : vector<16xf32>
      %swap3A_1724 = arith.constant 3 : i32
      %swap3A_1725 = arith.index_cast %swap3A_1724 : i32 to index
      %swap3A_1726 = arith.index_cast %mul3A_1256 : i32 to index
      %swap3A_1727 = arith.constant 80 : index
      %swap3A_1728 = tpu.vector_load %arg6[%swap3A_1725, %swap3A_1726, %swap3A_1727] {strides = array<i32>} : memref<4x64x128xf32, #tpu.memory_space<vmem>>, vector<1x1x16xf32>,
      %swap3A_1729 = vector.shape_cast %swap3A_1728 : vector<1x1x16xf32> to vector<16xf32>
      %swap3A_1730 = vector.shape_cast %add3A_1723 : vector<16xf32> to vector<1x1x16xf32>
      tpu.vector_store %arg6[%swap3A_1725, %swap3A_1726, %swap3A_1727], %swap3A_1730 {strides = array<i32>} : memref<4x64x128xf32, #tpu.memory_space<vmem>>, vector<1x1x16xf32>,
      %get3A_1731 = arith.constant 3 : i32
      %get3A_1732 = arith.index_cast %get3A_1731 : i32 to index
      %get3A_1733 = arith.index_cast %mul3A_1256 : i32 to index
      %get3A_1734 = arith.constant 32 : index
      %get3A_1735 = tpu.vector_load %arg6[%get3A_1732, %get3A_1733, %get3A_1734] {strides = array<i32>} : memref<4x64x128xf32, #tpu.memory_space<vmem>>, vector<1x1x16xf32>,
      %get3A_1736 = vector.shape_cast %get3A_1735 : vector<1x1x16xf32> to vector<16xf32>
      %mul3A_1737 = arith.constant 11.3137083 : f32
      %mul3A_1738 = vector.broadcast %mul3A_1737 : f32 to vector<16xf32>
      %mul3A_1739 = arith.mulf %get3A_1736, %mul3A_1738 : vector<16xf32>
      %add3A_1740 = arith.addf %mul3A_1739, %scan3A_1249 : vector<16xf32>
      %swap3A_1741 = arith.constant 3 : i32
      %swap3A_1742 = arith.index_cast %swap3A_1741 : i32 to index
      %swap3A_1743 = arith.index_cast %mul3A_1256 : i32 to index
      %swap3A_1744 = arith.constant 32 : index
      %swap3A_1745 = tpu.vector_load %arg6[%swap3A_1742, %swap3A_1743, %swap3A_1744] {strides = array<i32>} : memref<4x64x128xf32, #tpu.memory_space<vmem>>, vector<1x1x16xf32>,
      %swap3A_1746 = vector.shape_cast %swap3A_1745 : vector<1x1x16xf32> to vector<16xf32>
      %swap3A_1747 = vector.shape_cast %add3A_1740 : vector<16xf32> to vector<1x1x16xf32>
      tpu.vector_store %arg6[%swap3A_1742, %swap3A_1743, %swap3A_1744], %swap3A_1747 {strides = array<i32>} : memref<4x64x128xf32, #tpu.memory_space<vmem>>, vector<1x1x16xf32>,
      %get3A_1748 = arith.constant 3 : i32
      %get3A_1749 = arith.index_cast %get3A_1748 : i32 to index
      %get3A_1750 = arith.index_cast %mul3A_1256 : i32 to index
      %get3A_1751 = arith.constant 96 : index
      %get3A_1752 = tpu.vector_load %arg6[%get3A_1749, %get3A_1750, %get3A_1751] {strides = array<i32>} : memref<4x64x128xf32, #tpu.memory_space<vmem>>, vector<1x1x16xf32>,
      %get3A_1753 = vector.shape_cast %get3A_1752 : vector<1x1x16xf32> to vector<16xf32>
      %mul3A_1754 = arith.constant 11.3137083 : f32
      %mul3A_1755 = vector.broadcast %mul3A_1754 : f32 to vector<16xf32>
      %mul3A_1756 = arith.mulf %get3A_1753, %mul3A_1755 : vector<16xf32>
      %add3A_1757 = arith.addf %mul3A_1756, %scan3A_1253 : vector<16xf32>
      %swap3A_1758 = arith.constant 3 : i32
      %swap3A_1759 = arith.index_cast %swap3A_1758 : i32 to index
      %swap3A_1760 = arith.index_cast %mul3A_1256 : i32 to index
      %swap3A_1761 = arith.constant 96 : index
      %swap3A_1762 = tpu.vector_load %arg6[%swap3A_1759, %swap3A_1760, %swap3A_1761] {strides = array<i32>} : memref<4x64x128xf32, #tpu.memory_space<vmem>>, vector<1x1x16xf32>,
      %swap3A_1763 = vector.shape_cast %swap3A_1762 : vector<1x1x16xf32> to vector<16xf32>
      %swap3A_1764 = vector.shape_cast %add3A_1757 : vector<16xf32> to vector<1x1x16xf32>
      tpu.vector_store %arg6[%swap3A_1759, %swap3A_1760, %swap3A_1761], %swap3A_1764 {strides = array<i32>} : memref<4x64x128xf32, #tpu.memory_space<vmem>>, vector<1x1x16xf32>,
      %get3A_1765 = arith.constant 3 : i32
      %get3A_1766 = arith.index_cast %get3A_1765 : i32 to index
      %get3A_1767 = arith.index_cast %mul3A_1256 : i32 to index
      %get3A_1768 = arith.constant 48 : index
      %get3A_1769 = tpu.vector_load %arg6[%get3A_1766, %get3A_1767, %get3A_1768] {strides = array<i32>} : memref<4x64x128xf32, #tpu.memory_space<vmem>>, vector<1x1x16xf32>,
      %get3A_1770 = vector.shape_cast %get3A_1769 : vector<1x1x16xf32> to vector<16xf32>
      %mul3A_1771 = arith.constant 11.3137083 : f32
      %mul3A_1772 = vector.broadcast %mul3A_1771 : f32 to vector<16xf32>
      %mul3A_1773 = arith.mulf %get3A_1770, %mul3A_1772 : vector<16xf32>
      %add3A_1774 = arith.addf %mul3A_1773, %scan3A_1250 : vector<16xf32>
      %swap3A_1775 = arith.constant 3 : i32
      %swap3A_1776 = arith.index_cast %swap3A_1775 : i32 to index
      %swap3A_1777 = arith.index_cast %mul3A_1256 : i32 to index
      %swap3A_1778 = arith.constant 48 : index
      %swap3A_1779 = tpu.vector_load %arg6[%swap3A_1776, %swap3A_1777, %swap3A_1778] {strides = array<i32>} : memref<4x64x128xf32, #tpu.memory_space<vmem>>, vector<1x1x16xf32>,
      %swap3A_1780 = vector.shape_cast %swap3A_1779 : vector<1x1x16xf32> to vector<16xf32>
      %swap3A_1781 = vector.shape_cast %add3A_1774 : vector<16xf32> to vector<1x1x16xf32>
      tpu.vector_store %arg6[%swap3A_1776, %swap3A_1777, %swap3A_1778], %swap3A_1781 {strides = array<i32>} : memref<4x64x128xf32, #tpu.memory_space<vmem>>, vector<1x1x16xf32>,
      %get3A_1782 = arith.constant 3 : i32
      %get3A_1783 = arith.index_cast %get3A_1782 : i32 to index
      %get3A_1784 = arith.index_cast %mul3A_1256 : i32 to index
      %get3A_1785 = arith.constant 112 : index
      %get3A_1786 = tpu.vector_load %arg6[%get3A_1783, %get3A_1784, %get3A_1785] {strides = array<i32>} : memref<4x64x128xf32, #tpu.memory_space<vmem>>, vector<1x1x16xf32>,
      %get3A_1787 = vector.shape_cast %get3A_1786 : vector<1x1x16xf32> to vector<16xf32>
      %mul3A_1788 = arith.constant 11.3137083 : f32
      %mul3A_1789 = vector.broadcast %mul3A_1788 : f32 to vector<16xf32>
      %mul3A_1790 = arith.mulf %get3A_1787, %mul3A_1789 : vector<16xf32>
      %add3A_1791 = arith.addf %mul3A_1790, %scan3A_1254 : vector<16xf32>
      %swap3A_1792 = arith.constant 3 : i32
      %swap3A_1793 = arith.index_cast %swap3A_1792 : i32 to index
      %swap3A_1794 = arith.index_cast %mul3A_1256 : i32 to index
      %swap3A_1795 = arith.constant 112 : index
      %swap3A_1796 = tpu.vector_load %arg6[%swap3A_1793, %swap3A_1794, %swap3A_1795] {strides = array<i32>} : memref<4x64x128xf32, #tpu.memory_space<vmem>>, vector<1x1x16xf32>,
      %swap3A_1797 = vector.shape_cast %swap3A_1796 : vector<1x1x16xf32> to vector<16xf32>
      %swap3A_1798 = vector.shape_cast %add3A_1791 : vector<16xf32> to vector<1x1x16xf32>
      tpu.vector_store %arg6[%swap3A_1793, %swap3A_1794, %swap3A_1795], %swap3A_1798 {strides = array<i32>} : memref<4x64x128xf32, #tpu.memory_space<vmem>>, vector<1x1x16xf32>,
      %mul3A_1799 = arith.mulf %scan3A_1247, %add3A_199 : vector<16xf32>
      %mul3A_1800 = arith.mulf %scan3A_1251, %mul3A_200 : vector<16xf32>
      %add3A_1801 = arith.addf %mul3A_1799, %mul3A_1800 : vector<16xf32>
      %mul3A_1802 = arith.mulf %scan3A_1248, %add3A_250 : vector<16xf32>
      %mul3A_1803 = arith.mulf %scan3A_1252, %mul3A_251 : vector<16xf32>
      %add3A_1804 = arith.addf %mul3A_1802, %mul3A_1803 : vector<16xf32>
      %mul3A_1805 = arith.mulf %scan3A_1249, %add3A_301 : vector<16xf32>
      %mul3A_1806 = arith.mulf %scan3A_1253, %mul3A_302 : vector<16xf32>
      %add3A_1807 = arith.addf %mul3A_1805, %mul3A_1806 : vector<16xf32>
      %mul3A_1808 = arith.mulf %scan3A_1250, %add3A_352 : vector<16xf32>
      %mul3A_1809 = arith.mulf %scan3A_1254, %mul3A_353 : vector<16xf32>
      %add3A_1810 = arith.addf %mul3A_1808, %mul3A_1809 : vector<16xf32>
      %mul3A_1811 = arith.mulf %scan3A_1251, %add3A_199 : vector<16xf32>
      %mul3A_1812 = arith.mulf %scan3A_1247, %mul3A_200 : vector<16xf32>
      %sub3A_1813 = arith.subf %mul3A_1811, %mul3A_1812 : vector<16xf32>
      %mul3A_1814 = arith.mulf %scan3A_1252, %add3A_250 : vector<16xf32>
      %mul3A_1815 = arith.mulf %scan3A_1248, %mul3A_251 : vector<16xf32>
      %sub3A_1816 = arith.subf %mul3A_1814, %mul3A_1815 : vector<16xf32>
      %mul3A_1817 = arith.mulf %scan3A_1253, %add3A_301 : vector<16xf32>
      %mul3A_1818 = arith.mulf %scan3A_1249, %mul3A_302 : vector<16xf32>
      %sub3A_1819 = arith.subf %mul3A_1817, %mul3A_1818 : vector<16xf32>
      %mul3A_1820 = arith.mulf %scan3A_1254, %add3A_352 : vector<16xf32>
      %mul3A_1821 = arith.mulf %scan3A_1250, %mul3A_353 : vector<16xf32>
      %sub3A_1822 = arith.subf %mul3A_1820, %mul3A_1821 : vector<16xf32>
      %mul3A_1823 = arith.constant 2 : i32
      %mul3A_1824 = arith.muli %scan3A_1246, %mul3A_1823 : i32
      %add3A_1825 = arith.constant 1 : i32
      %add3A_1826 = arith.addi %mul3A_1824, %add3A_1825 : i32
      %get3A_1827 = arith.constant 0 : i32
      %get3A_1828 = arith.index_cast %get3A_1827 : i32 to index
      %get3A_1829 = arith.index_cast %add3A_1826 : i32 to index
      %get3A_1830 = arith.constant 0 : index
      %get3A_1831 = tpu.vector_load %arg6[%get3A_1828, %get3A_1829, %get3A_1830] {strides = array<i32>} : memref<4x64x128xf32, #tpu.memory_space<vmem>>, vector<1x1x16xf32>,
      %get3A_1832 = vector.shape_cast %get3A_1831 : vector<1x1x16xf32> to vector<16xf32>
      %mul3A_1833 = arith.constant 11.3137083 : f32
      %mul3A_1834 = vector.broadcast %mul3A_1833 : f32 to vector<16xf32>
      %mul3A_1835 = arith.mulf %get3A_1832, %mul3A_1834 : vector<16xf32>
      %add3A_1836 = arith.addf %mul3A_1835, %add3A_1801 : vector<16xf32>
      %swap3A_1837 = arith.constant 0 : i32
      %swap3A_1838 = arith.index_cast %swap3A_1837 : i32 to index
      %swap3A_1839 = arith.index_cast %add3A_1826 : i32 to index
      %swap3A_1840 = arith.constant 0 : index
      %swap3A_1841 = tpu.vector_load %arg6[%swap3A_1838, %swap3A_1839, %swap3A_1840] {strides = array<i32>} : memref<4x64x128xf32, #tpu.memory_space<vmem>>, vector<1x1x16xf32>,
      %swap3A_1842 = vector.shape_cast %swap3A_1841 : vector<1x1x16xf32> to vector<16xf32>
      %swap3A_1843 = vector.shape_cast %add3A_1836 : vector<16xf32> to vector<1x1x16xf32>
      tpu.vector_store %arg6[%swap3A_1838, %swap3A_1839, %swap3A_1840], %swap3A_1843 {strides = array<i32>} : memref<4x64x128xf32, #tpu.memory_space<vmem>>, vector<1x1x16xf32>,
      %get3A_1844 = arith.constant 0 : i32
      %get3A_1845 = arith.index_cast %get3A_1844 : i32 to index
      %get3A_1846 = arith.index_cast %add3A_1826 : i32 to index
      %get3A_1847 = arith.constant 64 : index
      %get3A_1848 = tpu.vector_load %arg6[%get3A_1845, %get3A_1846, %get3A_1847] {strides = array<i32>} : memref<4x64x128xf32, #tpu.memory_space<vmem>>, vector<1x1x16xf32>,
      %get3A_1849 = vector.shape_cast %get3A_1848 : vector<1x1x16xf32> to vector<16xf32>
      %mul3A_1850 = arith.constant 11.3137083 : f32
      %mul3A_1851 = vector.broadcast %mul3A_1850 : f32 to vector<16xf32>
      %mul3A_1852 = arith.mulf %get3A_1849, %mul3A_1851 : vector<16xf32>
      %add3A_1853 = arith.addf %mul3A_1852, %sub3A_1813 : vector<16xf32>
      %swap3A_1854 = arith.constant 0 : i32
      %swap3A_1855 = arith.index_cast %swap3A_1854 : i32 to index
      %swap3A_1856 = arith.index_cast %add3A_1826 : i32 to index
      %swap3A_1857 = arith.constant 64 : index
      %swap3A_1858 = tpu.vector_load %arg6[%swap3A_1855, %swap3A_1856, %swap3A_1857] {strides = array<i32>} : memref<4x64x128xf32, #tpu.memory_space<vmem>>, vector<1x1x16xf32>,
      %swap3A_1859 = vector.shape_cast %swap3A_1858 : vector<1x1x16xf32> to vector<16xf32>
      %swap3A_1860 = vector.shape_cast %add3A_1853 : vector<16xf32> to vector<1x1x16xf32>
      tpu.vector_store %arg6[%swap3A_1855, %swap3A_1856, %swap3A_1857], %swap3A_1860 {strides = array<i32>} : memref<4x64x128xf32, #tpu.memory_space<vmem>>, vector<1x1x16xf32>,
      %get3A_1861 = arith.constant 0 : i32
      %get3A_1862 = arith.index_cast %get3A_1861 : i32 to index
      %get3A_1863 = arith.index_cast %add3A_1826 : i32 to index
      %get3A_1864 = arith.constant 16 : index
      %get3A_1865 = tpu.vector_load %arg6[%get3A_1862, %get3A_1863, %get3A_1864] {strides = array<i32>} : memref<4x64x128xf32, #tpu.memory_space<vmem>>, vector<1x1x16xf32>,
      %get3A_1866 = vector.shape_cast %get3A_1865 : vector<1x1x16xf32> to vector<16xf32>
      %mul3A_1867 = arith.constant 11.3137083 : f32
      %mul3A_1868 = vector.broadcast %mul3A_1867 : f32 to vector<16xf32>
      %mul3A_1869 = arith.mulf %get3A_1866, %mul3A_1868 : vector<16xf32>
      %add3A_1870 = arith.addf %mul3A_1869, %add3A_1804 : vector<16xf32>
      %swap3A_1871 = arith.constant 0 : i32
      %swap3A_1872 = arith.index_cast %swap3A_1871 : i32 to index
      %swap3A_1873 = arith.index_cast %add3A_1826 : i32 to index
      %swap3A_1874 = arith.constant 16 : index
      %swap3A_1875 = tpu.vector_load %arg6[%swap3A_1872, %swap3A_1873, %swap3A_1874] {strides = array<i32>} : memref<4x64x128xf32, #tpu.memory_space<vmem>>, vector<1x1x16xf32>,
      %swap3A_1876 = vector.shape_cast %swap3A_1875 : vector<1x1x16xf32> to vector<16xf32>
      %swap3A_1877 = vector.shape_cast %add3A_1870 : vector<16xf32> to vector<1x1x16xf32>
      tpu.vector_store %arg6[%swap3A_1872, %swap3A_1873, %swap3A_1874], %swap3A_1877 {strides = array<i32>} : memref<4x64x128xf32, #tpu.memory_space<vmem>>, vector<1x1x16xf32>,
      %get3A_1878 = arith.constant 0 : i32
      %get3A_1879 = arith.index_cast %get3A_1878 : i32 to index
      %get3A_1880 = arith.index_cast %add3A_1826 : i32 to index
      %get3A_1881 = arith.constant 80 : index
      %get3A_1882 = tpu.vector_load %arg6[%get3A_1879, %get3A_1880, %get3A_1881] {strides = array<i32>} : memref<4x64x128xf32, #tpu.memory_space<vmem>>, vector<1x1x16xf32>,
      %get3A_1883 = vector.shape_cast %get3A_1882 : vector<1x1x16xf32> to vector<16xf32>
      %mul3A_1884 = arith.constant 11.3137083 : f32
      %mul3A_1885 = vector.broadcast %mul3A_1884 : f32 to vector<16xf32>
      %mul3A_1886 = arith.mulf %get3A_1883, %mul3A_1885 : vector<16xf32>
      %add3A_1887 = arith.addf %mul3A_1886, %sub3A_1816 : vector<16xf32>
      %swap3A_1888 = arith.constant 0 : i32
      %swap3A_1889 = arith.index_cast %swap3A_1888 : i32 to index
      %swap3A_1890 = arith.index_cast %add3A_1826 : i32 to index
      %swap3A_1891 = arith.constant 80 : index
      %swap3A_1892 = tpu.vector_load %arg6[%swap3A_1889, %swap3A_1890, %swap3A_1891] {strides = array<i32>} : memref<4x64x128xf32, #tpu.memory_space<vmem>>, vector<1x1x16xf32>,
      %swap3A_1893 = vector.shape_cast %swap3A_1892 : vector<1x1x16xf32> to vector<16xf32>
      %swap3A_1894 = vector.shape_cast %add3A_1887 : vector<16xf32> to vector<1x1x16xf32>
      tpu.vector_store %arg6[%swap3A_1889, %swap3A_1890, %swap3A_1891], %swap3A_1894 {strides = array<i32>} : memref<4x64x128xf32, #tpu.memory_space<vmem>>, vector<1x1x16xf32>,
      %get3A_1895 = arith.constant 0 : i32
      %get3A_1896 = arith.index_cast %get3A_1895 : i32 to index
      %get3A_1897 = arith.index_cast %add3A_1826 : i32 to index
      %get3A_1898 = arith.constant 32 : index
      %get3A_1899 = tpu.vector_load %arg6[%get3A_1896, %get3A_1897, %get3A_1898] {strides = array<i32>} : memref<4x64x128xf32, #tpu.memory_space<vmem>>, vector<1x1x16xf32>,
      %get3A_1900 = vector.shape_cast %get3A_1899 : vector<1x1x16xf32> to vector<16xf32>
      %mul3A_1901 = arith.constant 11.3137083 : f32
      %mul3A_1902 = vector.broadcast %mul3A_1901 : f32 to vector<16xf32>
      %mul3A_1903 = arith.mulf %get3A_1900, %mul3A_1902 : vector<16xf32>
      %add3A_1904 = arith.addf %mul3A_1903, %add3A_1807 : vector<16xf32>
      %swap3A_1905 = arith.constant 0 : i32
      %swap3A_1906 = arith.index_cast %swap3A_1905 : i32 to index
      %swap3A_1907 = arith.index_cast %add3A_1826 : i32 to index
      %swap3A_1908 = arith.constant 32 : index
      %swap3A_1909 = tpu.vector_load %arg6[%swap3A_1906, %swap3A_1907, %swap3A_1908] {strides = array<i32>} : memref<4x64x128xf32, #tpu.memory_space<vmem>>, vector<1x1x16xf32>,
      %swap3A_1910 = vector.shape_cast %swap3A_1909 : vector<1x1x16xf32> to vector<16xf32>
      %swap3A_1911 = vector.shape_cast %add3A_1904 : vector<16xf32> to vector<1x1x16xf32>
      tpu.vector_store %arg6[%swap3A_1906, %swap3A_1907, %swap3A_1908], %swap3A_1911 {strides = array<i32>} : memref<4x64x128xf32, #tpu.memory_space<vmem>>, vector<1x1x16xf32>,
      %get3A_1912 = arith.constant 0 : i32
      %get3A_1913 = arith.index_cast %get3A_1912 : i32 to index
      %get3A_1914 = arith.index_cast %add3A_1826 : i32 to index
      %get3A_1915 = arith.constant 96 : index
      %get3A_1916 = tpu.vector_load %arg6[%get3A_1913, %get3A_1914, %get3A_1915] {strides = array<i32>} : memref<4x64x128xf32, #tpu.memory_space<vmem>>, vector<1x1x16xf32>,
      %get3A_1917 = vector.shape_cast %get3A_1916 : vector<1x1x16xf32> to vector<16xf32>
      %mul3A_1918 = arith.constant 11.3137083 : f32
      %mul3A_1919 = vector.broadcast %mul3A_1918 : f32 to vector<16xf32>
      %mul3A_1920 = arith.mulf %get3A_1917, %mul3A_1919 : vector<16xf32>
      %add3A_1921 = arith.addf %mul3A_1920, %sub3A_1819 : vector<16xf32>
      %swap3A_1922 = arith.constant 0 : i32
      %swap3A_1923 = arith.index_cast %swap3A_1922 : i32 to index
      %swap3A_1924 = arith.index_cast %add3A_1826 : i32 to index
      %swap3A_1925 = arith.constant 96 : index
      %swap3A_1926 = tpu.vector_load %arg6[%swap3A_1923, %swap3A_1924, %swap3A_1925] {strides = array<i32>} : memref<4x64x128xf32, #tpu.memory_space<vmem>>, vector<1x1x16xf32>,
      %swap3A_1927 = vector.shape_cast %swap3A_1926 : vector<1x1x16xf32> to vector<16xf32>
      %swap3A_1928 = vector.shape_cast %add3A_1921 : vector<16xf32> to vector<1x1x16xf32>
      tpu.vector_store %arg6[%swap3A_1923, %swap3A_1924, %swap3A_1925], %swap3A_1928 {strides = array<i32>} : memref<4x64x128xf32, #tpu.memory_space<vmem>>, vector<1x1x16xf32>,
      %get3A_1929 = arith.constant 0 : i32
      %get3A_1930 = arith.index_cast %get3A_1929 : i32 to index
      %get3A_1931 = arith.index_cast %add3A_1826 : i32 to index
      %get3A_1932 = arith.constant 48 : index
      %get3A_1933 = tpu.vector_load %arg6[%get3A_1930, %get3A_1931, %get3A_1932] {strides = array<i32>} : memref<4x64x128xf32, #tpu.memory_space<vmem>>, vector<1x1x16xf32>,
      %get3A_1934 = vector.shape_cast %get3A_1933 : vector<1x1x16xf32> to vector<16xf32>
      %mul3A_1935 = arith.constant 11.3137083 : f32
      %mul3A_1936 = vector.broadcast %mul3A_1935 : f32 to vector<16xf32>
      %mul3A_1937 = arith.mulf %get3A_1934, %mul3A_1936 : vector<16xf32>
      %add3A_1938 = arith.addf %mul3A_1937, %add3A_1810 : vector<16xf32>
      %swap3A_1939 = arith.constant 0 : i32
      %swap3A_1940 = arith.index_cast %swap3A_1939 : i32 to index
      %swap3A_1941 = arith.index_cast %add3A_1826 : i32 to index
      %swap3A_1942 = arith.constant 48 : index
      %swap3A_1943 = tpu.vector_load %arg6[%swap3A_1940, %swap3A_1941, %swap3A_1942] {strides = array<i32>} : memref<4x64x128xf32, #tpu.memory_space<vmem>>, vector<1x1x16xf32>,
      %swap3A_1944 = vector.shape_cast %swap3A_1943 : vector<1x1x16xf32> to vector<16xf32>
      %swap3A_1945 = vector.shape_cast %add3A_1938 : vector<16xf32> to vector<1x1x16xf32>
      tpu.vector_store %arg6[%swap3A_1940, %swap3A_1941, %swap3A_1942], %swap3A_1945 {strides = array<i32>} : memref<4x64x128xf32, #tpu.memory_space<vmem>>, vector<1x1x16xf32>,
      %get3A_1946 = arith.constant 0 : i32
      %get3A_1947 = arith.index_cast %get3A_1946 : i32 to index
      %get3A_1948 = arith.index_cast %add3A_1826 : i32 to index
      %get3A_1949 = arith.constant 112 : index
      %get3A_1950 = tpu.vector_load %arg6[%get3A_1947, %get3A_1948, %get3A_1949] {strides = array<i32>} : memref<4x64x128xf32, #tpu.memory_space<vmem>>, vector<1x1x16xf32>,
      %get3A_1951 = vector.shape_cast %get3A_1950 : vector<1x1x16xf32> to vector<16xf32>
      %mul3A_1952 = arith.constant 11.3137083 : f32
      %mul3A_1953 = vector.broadcast %mul3A_1952 : f32 to vector<16xf32>
      %mul3A_1954 = arith.mulf %get3A_1951, %mul3A_1953 : vector<16xf32>
      %add3A_1955 = arith.addf %mul3A_1954, %sub3A_1822 : vector<16xf32>
      %swap3A_1956 = arith.constant 0 : i32
      %swap3A_1957 = arith.index_cast %swap3A_1956 : i32 to index
      %swap3A_1958 = arith.index_cast %add3A_1826 : i32 to index
      %swap3A_1959 = arith.constant 112 : index
      %swap3A_1960 = tpu.vector_load %arg6[%swap3A_1957, %swap3A_1958, %swap3A_1959] {strides = array<i32>} : memref<4x64x128xf32, #tpu.memory_space<vmem>>, vector<1x1x16xf32>,
      %swap3A_1961 = vector.shape_cast %swap3A_1960 : vector<1x1x16xf32> to vector<16xf32>
      %swap3A_1962 = vector.shape_cast %add3A_1955 : vector<16xf32> to vector<1x1x16xf32>
      tpu.vector_store %arg6[%swap3A_1957, %swap3A_1958, %swap3A_1959], %swap3A_1962 {strides = array<i32>} : memref<4x64x128xf32, #tpu.memory_space<vmem>>, vector<1x1x16xf32>,
      %get3A_1963 = arith.constant 1 : i32
      %get3A_1964 = arith.index_cast %get3A_1963 : i32 to index
      %get3A_1965 = arith.index_cast %add3A_1826 : i32 to index
      %get3A_1966 = arith.constant 0 : index
      %get3A_1967 = tpu.vector_load %arg6[%get3A_1964, %get3A_1965, %get3A_1966] {strides = array<i32>} : memref<4x64x128xf32, #tpu.memory_space<vmem>>, vector<1x1x16xf32>,
      %get3A_1968 = vector.shape_cast %get3A_1967 : vector<1x1x16xf32> to vector<16xf32>
      %mul3A_1969 = arith.constant 11.3137083 : f32
      %mul3A_1970 = vector.broadcast %mul3A_1969 : f32 to vector<16xf32>
      %mul3A_1971 = arith.mulf %get3A_1968, %mul3A_1970 : vector<16xf32>
      %add3A_1972 = arith.addf %mul3A_1971, %add3A_1801 : vector<16xf32>
      %swap3A_1973 = arith.constant 1 : i32
      %swap3A_1974 = arith.index_cast %swap3A_1973 : i32 to index
      %swap3A_1975 = arith.index_cast %add3A_1826 : i32 to index
      %swap3A_1976 = arith.constant 0 : index
      %swap3A_1977 = tpu.vector_load %arg6[%swap3A_1974, %swap3A_1975, %swap3A_1976] {strides = array<i32>} : memref<4x64x128xf32, #tpu.memory_space<vmem>>, vector<1x1x16xf32>,
      %swap3A_1978 = vector.shape_cast %swap3A_1977 : vector<1x1x16xf32> to vector<16xf32>
      %swap3A_1979 = vector.shape_cast %add3A_1972 : vector<16xf32> to vector<1x1x16xf32>
      tpu.vector_store %arg6[%swap3A_1974, %swap3A_1975, %swap3A_1976], %swap3A_1979 {strides = array<i32>} : memref<4x64x128xf32, #tpu.memory_space<vmem>>, vector<1x1x16xf32>,
      %get3A_1980 = arith.constant 1 : i32
      %get3A_1981 = arith.index_cast %get3A_1980 : i32 to index
      %get3A_1982 = arith.index_cast %add3A_1826 : i32 to index
      %get3A_1983 = arith.constant 64 : index
      %get3A_1984 = tpu.vector_load %arg6[%get3A_1981, %get3A_1982, %get3A_1983] {strides = array<i32>} : memref<4x64x128xf32, #tpu.memory_space<vmem>>, vector<1x1x16xf32>,
      %get3A_1985 = vector.shape_cast %get3A_1984 : vector<1x1x16xf32> to vector<16xf32>
      %mul3A_1986 = arith.constant 11.3137083 : f32
      %mul3A_1987 = vector.broadcast %mul3A_1986 : f32 to vector<16xf32>
      %mul3A_1988 = arith.mulf %get3A_1985, %mul3A_1987 : vector<16xf32>
      %add3A_1989 = arith.addf %mul3A_1988, %sub3A_1813 : vector<16xf32>
      %swap3A_1990 = arith.constant 1 : i32
      %swap3A_1991 = arith.index_cast %swap3A_1990 : i32 to index
      %swap3A_1992 = arith.index_cast %add3A_1826 : i32 to index
      %swap3A_1993 = arith.constant 64 : index
      %swap3A_1994 = tpu.vector_load %arg6[%swap3A_1991, %swap3A_1992, %swap3A_1993] {strides = array<i32>} : memref<4x64x128xf32, #tpu.memory_space<vmem>>, vector<1x1x16xf32>,
      %swap3A_1995 = vector.shape_cast %swap3A_1994 : vector<1x1x16xf32> to vector<16xf32>
      %swap3A_1996 = vector.shape_cast %add3A_1989 : vector<16xf32> to vector<1x1x16xf32>
      tpu.vector_store %arg6[%swap3A_1991, %swap3A_1992, %swap3A_1993], %swap3A_1996 {strides = array<i32>} : memref<4x64x128xf32, #tpu.memory_space<vmem>>, vector<1x1x16xf32>,
      %get3A_1997 = arith.constant 1 : i32
      %get3A_1998 = arith.index_cast %get3A_1997 : i32 to index
      %get3A_1999 = arith.index_cast %add3A_1826 : i32 to index
      %get3A_2000 = arith.constant 16 : index
      %get3A_2001 = tpu.vector_load %arg6[%get3A_1998, %get3A_1999, %get3A_2000] {strides = array<i32>} : memref<4x64x128xf32, #tpu.memory_space<vmem>>, vector<1x1x16xf32>,
      %get3A_2002 = vector.shape_cast %get3A_2001 : vector<1x1x16xf32> to vector<16xf32>
      %mul3A_2003 = arith.constant 11.3137083 : f32
      %mul3A_2004 = vector.broadcast %mul3A_2003 : f32 to vector<16xf32>
      %mul3A_2005 = arith.mulf %get3A_2002, %mul3A_2004 : vector<16xf32>
      %add3A_2006 = arith.addf %mul3A_2005, %add3A_1804 : vector<16xf32>
      %swap3A_2007 = arith.constant 1 : i32
      %swap3A_2008 = arith.index_cast %swap3A_2007 : i32 to index
      %swap3A_2009 = arith.index_cast %add3A_1826 : i32 to index
      %swap3A_2010 = arith.constant 16 : index
      %swap3A_2011 = tpu.vector_load %arg6[%swap3A_2008, %swap3A_2009, %swap3A_2010] {strides = array<i32>} : memref<4x64x128xf32, #tpu.memory_space<vmem>>, vector<1x1x16xf32>,
      %swap3A_2012 = vector.shape_cast %swap3A_2011 : vector<1x1x16xf32> to vector<16xf32>
      %swap3A_2013 = vector.shape_cast %add3A_2006 : vector<16xf32> to vector<1x1x16xf32>
      tpu.vector_store %arg6[%swap3A_2008, %swap3A_2009, %swap3A_2010], %swap3A_2013 {strides = array<i32>} : memref<4x64x128xf32, #tpu.memory_space<vmem>>, vector<1x1x16xf32>,
      %get3A_2014 = arith.constant 1 : i32
      %get3A_2015 = arith.index_cast %get3A_2014 : i32 to index
      %get3A_2016 = arith.index_cast %add3A_1826 : i32 to index
      %get3A_2017 = arith.constant 80 : index
      %get3A_2018 = tpu.vector_load %arg6[%get3A_2015, %get3A_2016, %get3A_2017] {strides = array<i32>} : memref<4x64x128xf32, #tpu.memory_space<vmem>>, vector<1x1x16xf32>,
      %get3A_2019 = vector.shape_cast %get3A_2018 : vector<1x1x16xf32> to vector<16xf32>
      %mul3A_2020 = arith.constant 11.3137083 : f32
      %mul3A_2021 = vector.broadcast %mul3A_2020 : f32 to vector<16xf32>
      %mul3A_2022 = arith.mulf %get3A_2019, %mul3A_2021 : vector<16xf32>
      %add3A_2023 = arith.addf %mul3A_2022, %sub3A_1816 : vector<16xf32>
      %swap3A_2024 = arith.constant 1 : i32
      %swap3A_2025 = arith.index_cast %swap3A_2024 : i32 to index
      %swap3A_2026 = arith.index_cast %add3A_1826 : i32 to index
      %swap3A_2027 = arith.constant 80 : index
      %swap3A_2028 = tpu.vector_load %arg6[%swap3A_2025, %swap3A_2026, %swap3A_2027] {strides = array<i32>} : memref<4x64x128xf32, #tpu.memory_space<vmem>>, vector<1x1x16xf32>,
      %swap3A_2029 = vector.shape_cast %swap3A_2028 : vector<1x1x16xf32> to vector<16xf32>
      %swap3A_2030 = vector.shape_cast %add3A_2023 : vector<16xf32> to vector<1x1x16xf32>
      tpu.vector_store %arg6[%swap3A_2025, %swap3A_2026, %swap3A_2027], %swap3A_2030 {strides = array<i32>} : memref<4x64x128xf32, #tpu.memory_space<vmem>>, vector<1x1x16xf32>,
      %get3A_2031 = arith.constant 1 : i32
      %get3A_2032 = arith.index_cast %get3A_2031 : i32 to index
      %get3A_2033 = arith.index_cast %add3A_1826 : i32 to index
      %get3A_2034 = arith.constant 32 : index
      %get3A_2035 = tpu.vector_load %arg6[%get3A_2032, %get3A_2033, %get3A_2034] {strides = array<i32>} : memref<4x64x128xf32, #tpu.memory_space<vmem>>, vector<1x1x16xf32>,
      %get3A_2036 = vector.shape_cast %get3A_2035 : vector<1x1x16xf32> to vector<16xf32>
      %mul3A_2037 = arith.constant 11.3137083 : f32
      %mul3A_2038 = vector.broadcast %mul3A_2037 : f32 to vector<16xf32>
      %mul3A_2039 = arith.mulf %get3A_2036, %mul3A_2038 : vector<16xf32>
      %add3A_2040 = arith.addf %mul3A_2039, %add3A_1807 : vector<16xf32>
      %swap3A_2041 = arith.constant 1 : i32
      %swap3A_2042 = arith.index_cast %swap3A_2041 : i32 to index
      %swap3A_2043 = arith.index_cast %add3A_1826 : i32 to index
      %swap3A_2044 = arith.constant 32 : index
      %swap3A_2045 = tpu.vector_load %arg6[%swap3A_2042, %swap3A_2043, %swap3A_2044] {strides = array<i32>} : memref<4x64x128xf32, #tpu.memory_space<vmem>>, vector<1x1x16xf32>,
      %swap3A_2046 = vector.shape_cast %swap3A_2045 : vector<1x1x16xf32> to vector<16xf32>
      %swap3A_2047 = vector.shape_cast %add3A_2040 : vector<16xf32> to vector<1x1x16xf32>
      tpu.vector_store %arg6[%swap3A_2042, %swap3A_2043, %swap3A_2044], %swap3A_2047 {strides = array<i32>} : memref<4x64x128xf32, #tpu.memory_space<vmem>>, vector<1x1x16xf32>,
      %get3A_2048 = arith.constant 1 : i32
      %get3A_2049 = arith.index_cast %get3A_2048 : i32 to index
      %get3A_2050 = arith.index_cast %add3A_1826 : i32 to index
      %get3A_2051 = arith.constant 96 : index
      %get3A_2052 = tpu.vector_load %arg6[%get3A_2049, %get3A_2050, %get3A_2051] {strides = array<i32>} : memref<4x64x128xf32, #tpu.memory_space<vmem>>, vector<1x1x16xf32>,
      %get3A_2053 = vector.shape_cast %get3A_2052 : vector<1x1x16xf32> to vector<16xf32>
      %mul3A_2054 = arith.constant 11.3137083 : f32
      %mul3A_2055 = vector.broadcast %mul3A_2054 : f32 to vector<16xf32>
      %mul3A_2056 = arith.mulf %get3A_2053, %mul3A_2055 : vector<16xf32>
      %add3A_2057 = arith.addf %mul3A_2056, %sub3A_1819 : vector<16xf32>
      %swap3A_2058 = arith.constant 1 : i32
      %swap3A_2059 = arith.index_cast %swap3A_2058 : i32 to index
      %swap3A_2060 = arith.index_cast %add3A_1826 : i32 to index
      %swap3A_2061 = arith.constant 96 : index
      %swap3A_2062 = tpu.vector_load %arg6[%swap3A_2059, %swap3A_2060, %swap3A_2061] {strides = array<i32>} : memref<4x64x128xf32, #tpu.memory_space<vmem>>, vector<1x1x16xf32>,
      %swap3A_2063 = vector.shape_cast %swap3A_2062 : vector<1x1x16xf32> to vector<16xf32>
      %swap3A_2064 = vector.shape_cast %add3A_2057 : vector<16xf32> to vector<1x1x16xf32>
      tpu.vector_store %arg6[%swap3A_2059, %swap3A_2060, %swap3A_2061], %swap3A_2064 {strides = array<i32>} : memref<4x64x128xf32, #tpu.memory_space<vmem>>, vector<1x1x16xf32>,
      %get3A_2065 = arith.constant 1 : i32
      %get3A_2066 = arith.index_cast %get3A_2065 : i32 to index
      %get3A_2067 = arith.index_cast %add3A_1826 : i32 to index
      %get3A_2068 = arith.constant 48 : index
      %get3A_2069 = tpu.vector_load %arg6[%get3A_2066, %get3A_2067, %get3A_2068] {strides = array<i32>} : memref<4x64x128xf32, #tpu.memory_space<vmem>>, vector<1x1x16xf32>,
      %get3A_2070 = vector.shape_cast %get3A_2069 : vector<1x1x16xf32> to vector<16xf32>
      %mul3A_2071 = arith.constant 11.3137083 : f32
      %mul3A_2072 = vector.broadcast %mul3A_2071 : f32 to vector<16xf32>
      %mul3A_2073 = arith.mulf %get3A_2070, %mul3A_2072 : vector<16xf32>
      %add3A_2074 = arith.addf %mul3A_2073, %add3A_1810 : vector<16xf32>
      %swap3A_2075 = arith.constant 1 : i32
      %swap3A_2076 = arith.index_cast %swap3A_2075 : i32 to index
      %swap3A_2077 = arith.index_cast %add3A_1826 : i32 to index
      %swap3A_2078 = arith.constant 48 : index
      %swap3A_2079 = tpu.vector_load %arg6[%swap3A_2076, %swap3A_2077, %swap3A_2078] {strides = array<i32>} : memref<4x64x128xf32, #tpu.memory_space<vmem>>, vector<1x1x16xf32>,
      %swap3A_2080 = vector.shape_cast %swap3A_2079 : vector<1x1x16xf32> to vector<16xf32>
      %swap3A_2081 = vector.shape_cast %add3A_2074 : vector<16xf32> to vector<1x1x16xf32>
      tpu.vector_store %arg6[%swap3A_2076, %swap3A_2077, %swap3A_2078], %swap3A_2081 {strides = array<i32>} : memref<4x64x128xf32, #tpu.memory_space<vmem>>, vector<1x1x16xf32>,
      %get3A_2082 = arith.constant 1 : i32
      %get3A_2083 = arith.index_cast %get3A_2082 : i32 to index
      %get3A_2084 = arith.index_cast %add3A_1826 : i32 to index
      %get3A_2085 = arith.constant 112 : index
      %get3A_2086 = tpu.vector_load %arg6[%get3A_2083, %get3A_2084, %get3A_2085] {strides = array<i32>} : memref<4x64x128xf32, #tpu.memory_space<vmem>>, vector<1x1x16xf32>,
      %get3A_2087 = vector.shape_cast %get3A_2086 : vector<1x1x16xf32> to vector<16xf32>
      %mul3A_2088 = arith.constant 11.3137083 : f32
      %mul3A_2089 = vector.broadcast %mul3A_2088 : f32 to vector<16xf32>
      %mul3A_2090 = arith.mulf %get3A_2087, %mul3A_2089 : vector<16xf32>
      %add3A_2091 = arith.addf %mul3A_2090, %sub3A_1822 : vector<16xf32>
      %swap3A_2092 = arith.constant 1 : i32
      %swap3A_2093 = arith.index_cast %swap3A_2092 : i32 to index
      %swap3A_2094 = arith.index_cast %add3A_1826 : i32 to index
      %swap3A_2095 = arith.constant 112 : index
      %swap3A_2096 = tpu.vector_load %arg6[%swap3A_2093, %swap3A_2094, %swap3A_2095] {strides = array<i32>} : memref<4x64x128xf32, #tpu.memory_space<vmem>>, vector<1x1x16xf32>,
      %swap3A_2097 = vector.shape_cast %swap3A_2096 : vector<1x1x16xf32> to vector<16xf32>
      %swap3A_2098 = vector.shape_cast %add3A_2091 : vector<16xf32> to vector<1x1x16xf32>
      tpu.vector_store %arg6[%swap3A_2093, %swap3A_2094, %swap3A_2095], %swap3A_2098 {strides = array<i32>} : memref<4x64x128xf32, #tpu.memory_space<vmem>>, vector<1x1x16xf32>,
      %get3A_2099 = arith.constant 2 : i32
      %get3A_2100 = arith.index_cast %get3A_2099 : i32 to index
      %get3A_2101 = arith.index_cast %add3A_1826 : i32 to index
      %get3A_2102 = arith.constant 0 : index
      %get3A_2103 = tpu.vector_load %arg6[%get3A_2100, %get3A_2101, %get3A_2102] {strides = array<i32>} : memref<4x64x128xf32, #tpu.memory_space<vmem>>, vector<1x1x16xf32>,
      %get3A_2104 = vector.shape_cast %get3A_2103 : vector<1x1x16xf32> to vector<16xf32>
      %mul3A_2105 = arith.constant 11.3137083 : f32
      %mul3A_2106 = vector.broadcast %mul3A_2105 : f32 to vector<16xf32>
      %mul3A_2107 = arith.mulf %get3A_2104, %mul3A_2106 : vector<16xf32>
      %add3A_2108 = arith.addf %mul3A_2107, %add3A_1801 : vector<16xf32>
      %swap3A_2109 = arith.constant 2 : i32
      %swap3A_2110 = arith.index_cast %swap3A_2109 : i32 to index
      %swap3A_2111 = arith.index_cast %add3A_1826 : i32 to index
      %swap3A_2112 = arith.constant 0 : index
      %swap3A_2113 = tpu.vector_load %arg6[%swap3A_2110, %swap3A_2111, %swap3A_2112] {strides = array<i32>} : memref<4x64x128xf32, #tpu.memory_space<vmem>>, vector<1x1x16xf32>,
      %swap3A_2114 = vector.shape_cast %swap3A_2113 : vector<1x1x16xf32> to vector<16xf32>
      %swap3A_2115 = vector.shape_cast %add3A_2108 : vector<16xf32> to vector<1x1x16xf32>
      tpu.vector_store %arg6[%swap3A_2110, %swap3A_2111, %swap3A_2112], %swap3A_2115 {strides = array<i32>} : memref<4x64x128xf32, #tpu.memory_space<vmem>>, vector<1x1x16xf32>,
      %get3A_2116 = arith.constant 2 : i32
      %get3A_2117 = arith.index_cast %get3A_2116 : i32 to index
      %get3A_2118 = arith.index_cast %add3A_1826 : i32 to index
      %get3A_2119 = arith.constant 64 : index
      %get3A_2120 = tpu.vector_load %arg6[%get3A_2117, %get3A_2118, %get3A_2119] {strides = array<i32>} : memref<4x64x128xf32, #tpu.memory_space<vmem>>, vector<1x1x16xf32>,
      %get3A_2121 = vector.shape_cast %get3A_2120 : vector<1x1x16xf32> to vector<16xf32>
      %mul3A_2122 = arith.constant 11.3137083 : f32
      %mul3A_2123 = vector.broadcast %mul3A_2122 : f32 to vector<16xf32>
      %mul3A_2124 = arith.mulf %get3A_2121, %mul3A_2123 : vector<16xf32>
      %add3A_2125 = arith.addf %mul3A_2124, %sub3A_1813 : vector<16xf32>
      %swap3A_2126 = arith.constant 2 : i32
      %swap3A_2127 = arith.index_cast %swap3A_2126 : i32 to index
      %swap3A_2128 = arith.index_cast %add3A_1826 : i32 to index
      %swap3A_2129 = arith.constant 64 : index
      %swap3A_2130 = tpu.vector_load %arg6[%swap3A_2127, %swap3A_2128, %swap3A_2129] {strides = array<i32>} : memref<4x64x128xf32, #tpu.memory_space<vmem>>, vector<1x1x16xf32>,
      %swap3A_2131 = vector.shape_cast %swap3A_2130 : vector<1x1x16xf32> to vector<16xf32>
      %swap3A_2132 = vector.shape_cast %add3A_2125 : vector<16xf32> to vector<1x1x16xf32>
      tpu.vector_store %arg6[%swap3A_2127, %swap3A_2128, %swap3A_2129], %swap3A_2132 {strides = array<i32>} : memref<4x64x128xf32, #tpu.memory_space<vmem>>, vector<1x1x16xf32>,
      %get3A_2133 = arith.constant 2 : i32
      %get3A_2134 = arith.index_cast %get3A_2133 : i32 to index
      %get3A_2135 = arith.index_cast %add3A_1826 : i32 to index
      %get3A_2136 = arith.constant 16 : index
      %get3A_2137 = tpu.vector_load %arg6[%get3A_2134, %get3A_2135, %get3A_2136] {strides = array<i32>} : memref<4x64x128xf32, #tpu.memory_space<vmem>>, vector<1x1x16xf32>,
      %get3A_2138 = vector.shape_cast %get3A_2137 : vector<1x1x16xf32> to vector<16xf32>
      %mul3A_2139 = arith.constant 11.3137083 : f32
      %mul3A_2140 = vector.broadcast %mul3A_2139 : f32 to vector<16xf32>
      %mul3A_2141 = arith.mulf %get3A_2138, %mul3A_2140 : vector<16xf32>
      %add3A_2142 = arith.addf %mul3A_2141, %add3A_1804 : vector<16xf32>
      %swap3A_2143 = arith.constant 2 : i32
      %swap3A_2144 = arith.index_cast %swap3A_2143 : i32 to index
      %swap3A_2145 = arith.index_cast %add3A_1826 : i32 to index
      %swap3A_2146 = arith.constant 16 : index
      %swap3A_2147 = tpu.vector_load %arg6[%swap3A_2144, %swap3A_2145, %swap3A_2146] {strides = array<i32>} : memref<4x64x128xf32, #tpu.memory_space<vmem>>, vector<1x1x16xf32>,
      %swap3A_2148 = vector.shape_cast %swap3A_2147 : vector<1x1x16xf32> to vector<16xf32>
      %swap3A_2149 = vector.shape_cast %add3A_2142 : vector<16xf32> to vector<1x1x16xf32>
      tpu.vector_store %arg6[%swap3A_2144, %swap3A_2145, %swap3A_2146], %swap3A_2149 {strides = array<i32>} : memref<4x64x128xf32, #tpu.memory_space<vmem>>, vector<1x1x16xf32>,
      %get3A_2150 = arith.constant 2 : i32
      %get3A_2151 = arith.index_cast %get3A_2150 : i32 to index
      %get3A_2152 = arith.index_cast %add3A_1826 : i32 to index
      %get3A_2153 = arith.constant 80 : index
      %get3A_2154 = tpu.vector_load %arg6[%get3A_2151, %get3A_2152, %get3A_2153] {strides = array<i32>} : memref<4x64x128xf32, #tpu.memory_space<vmem>>, vector<1x1x16xf32>,
      %get3A_2155 = vector.shape_cast %get3A_2154 : vector<1x1x16xf32> to vector<16xf32>
      %mul3A_2156 = arith.constant 11.3137083 : f32
      %mul3A_2157 = vector.broadcast %mul3A_2156 : f32 to vector<16xf32>
      %mul3A_2158 = arith.mulf %get3A_2155, %mul3A_2157 : vector<16xf32>
      %add3A_2159 = arith.addf %mul3A_2158, %sub3A_1816 : vector<16xf32>
      %swap3A_2160 = arith.constant 2 : i32
      %swap3A_2161 = arith.index_cast %swap3A_2160 : i32 to index
      %swap3A_2162 = arith.index_cast %add3A_1826 : i32 to index
      %swap3A_2163 = arith.constant 80 : index
      %swap3A_2164 = tpu.vector_load %arg6[%swap3A_2161, %swap3A_2162, %swap3A_2163] {strides = array<i32>} : memref<4x64x128xf32, #tpu.memory_space<vmem>>, vector<1x1x16xf32>,
      %swap3A_2165 = vector.shape_cast %swap3A_2164 : vector<1x1x16xf32> to vector<16xf32>
      %swap3A_2166 = vector.shape_cast %add3A_2159 : vector<16xf32> to vector<1x1x16xf32>
      tpu.vector_store %arg6[%swap3A_2161, %swap3A_2162, %swap3A_2163], %swap3A_2166 {strides = array<i32>} : memref<4x64x128xf32, #tpu.memory_space<vmem>>, vector<1x1x16xf32>,
      %get3A_2167 = arith.constant 2 : i32
      %get3A_2168 = arith.index_cast %get3A_2167 : i32 to index
      %get3A_2169 = arith.index_cast %add3A_1826 : i32 to index
      %get3A_2170 = arith.constant 32 : index
      %get3A_2171 = tpu.vector_load %arg6[%get3A_2168, %get3A_2169, %get3A_2170] {strides = array<i32>} : memref<4x64x128xf32, #tpu.memory_space<vmem>>, vector<1x1x16xf32>,
      %get3A_2172 = vector.shape_cast %get3A_2171 : vector<1x1x16xf32> to vector<16xf32>
      %mul3A_2173 = arith.constant 11.3137083 : f32
      %mul3A_2174 = vector.broadcast %mul3A_2173 : f32 to vector<16xf32>
      %mul3A_2175 = arith.mulf %get3A_2172, %mul3A_2174 : vector<16xf32>
      %add3A_2176 = arith.addf %mul3A_2175, %add3A_1807 : vector<16xf32>
      %swap3A_2177 = arith.constant 2 : i32
      %swap3A_2178 = arith.index_cast %swap3A_2177 : i32 to index
      %swap3A_2179 = arith.index_cast %add3A_1826 : i32 to index
      %swap3A_2180 = arith.constant 32 : index
      %swap3A_2181 = tpu.vector_load %arg6[%swap3A_2178, %swap3A_2179, %swap3A_2180] {strides = array<i32>} : memref<4x64x128xf32, #tpu.memory_space<vmem>>, vector<1x1x16xf32>,
      %swap3A_2182 = vector.shape_cast %swap3A_2181 : vector<1x1x16xf32> to vector<16xf32>
      %swap3A_2183 = vector.shape_cast %add3A_2176 : vector<16xf32> to vector<1x1x16xf32>
      tpu.vector_store %arg6[%swap3A_2178, %swap3A_2179, %swap3A_2180], %swap3A_2183 {strides = array<i32>} : memref<4x64x128xf32, #tpu.memory_space<vmem>>, vector<1x1x16xf32>,
      %get3A_2184 = arith.constant 2 : i32
      %get3A_2185 = arith.index_cast %get3A_2184 : i32 to index
      %get3A_2186 = arith.index_cast %add3A_1826 : i32 to index
      %get3A_2187 = arith.constant 96 : index
      %get3A_2188 = tpu.vector_load %arg6[%get3A_2185, %get3A_2186, %get3A_2187] {strides = array<i32>} : memref<4x64x128xf32, #tpu.memory_space<vmem>>, vector<1x1x16xf32>,
      %get3A_2189 = vector.shape_cast %get3A_2188 : vector<1x1x16xf32> to vector<16xf32>
      %mul3A_2190 = arith.constant 11.3137083 : f32
      %mul3A_2191 = vector.broadcast %mul3A_2190 : f32 to vector<16xf32>
      %mul3A_2192 = arith.mulf %get3A_2189, %mul3A_2191 : vector<16xf32>
      %add3A_2193 = arith.addf %mul3A_2192, %sub3A_1819 : vector<16xf32>
      %swap3A_2194 = arith.constant 2 : i32
      %swap3A_2195 = arith.index_cast %swap3A_2194 : i32 to index
      %swap3A_2196 = arith.index_cast %add3A_1826 : i32 to index
      %swap3A_2197 = arith.constant 96 : index
      %swap3A_2198 = tpu.vector_load %arg6[%swap3A_2195, %swap3A_2196, %swap3A_2197] {strides = array<i32>} : memref<4x64x128xf32, #tpu.memory_space<vmem>>, vector<1x1x16xf32>,
      %swap3A_2199 = vector.shape_cast %swap3A_2198 : vector<1x1x16xf32> to vector<16xf32>
      %swap3A_2200 = vector.shape_cast %add3A_2193 : vector<16xf32> to vector<1x1x16xf32>
      tpu.vector_store %arg6[%swap3A_2195, %swap3A_2196, %swap3A_2197], %swap3A_2200 {strides = array<i32>} : memref<4x64x128xf32, #tpu.memory_space<vmem>>, vector<1x1x16xf32>,
      %get3A_2201 = arith.constant 2 : i32
      %get3A_2202 = arith.index_cast %get3A_2201 : i32 to index
      %get3A_2203 = arith.index_cast %add3A_1826 : i32 to index
      %get3A_2204 = arith.constant 48 : index
      %get3A_2205 = tpu.vector_load %arg6[%get3A_2202, %get3A_2203, %get3A_2204] {strides = array<i32>} : memref<4x64x128xf32, #tpu.memory_space<vmem>>, vector<1x1x16xf32>,
      %get3A_2206 = vector.shape_cast %get3A_2205 : vector<1x1x16xf32> to vector<16xf32>
      %mul3A_2207 = arith.constant 11.3137083 : f32
      %mul3A_2208 = vector.broadcast %mul3A_2207 : f32 to vector<16xf32>
      %mul3A_2209 = arith.mulf %get3A_2206, %mul3A_2208 : vector<16xf32>
      %add3A_2210 = arith.addf %mul3A_2209, %add3A_1810 : vector<16xf32>
      %swap3A_2211 = arith.constant 2 : i32
      %swap3A_2212 = arith.index_cast %swap3A_2211 : i32 to index
      %swap3A_2213 = arith.index_cast %add3A_1826 : i32 to index
      %swap3A_2214 = arith.constant 48 : index
      %swap3A_2215 = tpu.vector_load %arg6[%swap3A_2212, %swap3A_2213, %swap3A_2214] {strides = array<i32>} : memref<4x64x128xf32, #tpu.memory_space<vmem>>, vector<1x1x16xf32>,
      %swap3A_2216 = vector.shape_cast %swap3A_2215 : vector<1x1x16xf32> to vector<16xf32>
      %swap3A_2217 = vector.shape_cast %add3A_2210 : vector<16xf32> to vector<1x1x16xf32>
      tpu.vector_store %arg6[%swap3A_2212, %swap3A_2213, %swap3A_2214], %swap3A_2217 {strides = array<i32>} : memref<4x64x128xf32, #tpu.memory_space<vmem>>, vector<1x1x16xf32>,
      %get3A_2218 = arith.constant 2 : i32
      %get3A_2219 = arith.index_cast %get3A_2218 : i32 to index
      %get3A_2220 = arith.index_cast %add3A_1826 : i32 to index
      %get3A_2221 = arith.constant 112 : index
      %get3A_2222 = tpu.vector_load %arg6[%get3A_2219, %get3A_2220, %get3A_2221] {strides = array<i32>} : memref<4x64x128xf32, #tpu.memory_space<vmem>>, vector<1x1x16xf32>,
      %get3A_2223 = vector.shape_cast %get3A_2222 : vector<1x1x16xf32> to vector<16xf32>
      %mul3A_2224 = arith.constant 11.3137083 : f32
      %mul3A_2225 = vector.broadcast %mul3A_2224 : f32 to vector<16xf32>
      %mul3A_2226 = arith.mulf %get3A_2223, %mul3A_2225 : vector<16xf32>
      %add3A_2227 = arith.addf %mul3A_2226, %sub3A_1822 : vector<16xf32>
      %swap3A_2228 = arith.constant 2 : i32
      %swap3A_2229 = arith.index_cast %swap3A_2228 : i32 to index
      %swap3A_2230 = arith.index_cast %add3A_1826 : i32 to index
      %swap3A_2231 = arith.constant 112 : index
      %swap3A_2232 = tpu.vector_load %arg6[%swap3A_2229, %swap3A_2230, %swap3A_2231] {strides = array<i32>} : memref<4x64x128xf32, #tpu.memory_space<vmem>>, vector<1x1x16xf32>,
      %swap3A_2233 = vector.shape_cast %swap3A_2232 : vector<1x1x16xf32> to vector<16xf32>
      %swap3A_2234 = vector.shape_cast %add3A_2227 : vector<16xf32> to vector<1x1x16xf32>
      tpu.vector_store %arg6[%swap3A_2229, %swap3A_2230, %swap3A_2231], %swap3A_2234 {strides = array<i32>} : memref<4x64x128xf32, #tpu.memory_space<vmem>>, vector<1x1x16xf32>,
      %get3A_2235 = arith.constant 3 : i32
      %get3A_2236 = arith.index_cast %get3A_2235 : i32 to index
      %get3A_2237 = arith.index_cast %add3A_1826 : i32 to index
      %get3A_2238 = arith.constant 0 : index
      %get3A_2239 = tpu.vector_load %arg6[%get3A_2236, %get3A_2237, %get3A_2238] {strides = array<i32>} : memref<4x64x128xf32, #tpu.memory_space<vmem>>, vector<1x1x16xf32>,
      %get3A_2240 = vector.shape_cast %get3A_2239 : vector<1x1x16xf32> to vector<16xf32>
      %mul3A_2241 = arith.constant 11.3137083 : f32
      %mul3A_2242 = vector.broadcast %mul3A_2241 : f32 to vector<16xf32>
      %mul3A_2243 = arith.mulf %get3A_2240, %mul3A_2242 : vector<16xf32>
      %add3A_2244 = arith.addf %mul3A_2243, %add3A_1801 : vector<16xf32>
      %swap3A_2245 = arith.constant 3 : i32
      %swap3A_2246 = arith.index_cast %swap3A_2245 : i32 to index
      %swap3A_2247 = arith.index_cast %add3A_1826 : i32 to index
      %swap3A_2248 = arith.constant 0 : index
      %swap3A_2249 = tpu.vector_load %arg6[%swap3A_2246, %swap3A_2247, %swap3A_2248] {strides = array<i32>} : memref<4x64x128xf32, #tpu.memory_space<vmem>>, vector<1x1x16xf32>,
      %swap3A_2250 = vector.shape_cast %swap3A_2249 : vector<1x1x16xf32> to vector<16xf32>
      %swap3A_2251 = vector.shape_cast %add3A_2244 : vector<16xf32> to vector<1x1x16xf32>
      tpu.vector_store %arg6[%swap3A_2246, %swap3A_2247, %swap3A_2248], %swap3A_2251 {strides = array<i32>} : memref<4x64x128xf32, #tpu.memory_space<vmem>>, vector<1x1x16xf32>,
      %get3A_2252 = arith.constant 3 : i32
      %get3A_2253 = arith.index_cast %get3A_2252 : i32 to index
      %get3A_2254 = arith.index_cast %add3A_1826 : i32 to index
      %get3A_2255 = arith.constant 64 : index
      %get3A_2256 = tpu.vector_load %arg6[%get3A_2253, %get3A_2254, %get3A_2255] {strides = array<i32>} : memref<4x64x128xf32, #tpu.memory_space<vmem>>, vector<1x1x16xf32>,
      %get3A_2257 = vector.shape_cast %get3A_2256 : vector<1x1x16xf32> to vector<16xf32>
      %mul3A_2258 = arith.constant 11.3137083 : f32
      %mul3A_2259 = vector.broadcast %mul3A_2258 : f32 to vector<16xf32>
      %mul3A_2260 = arith.mulf %get3A_2257, %mul3A_2259 : vector<16xf32>
      %add3A_2261 = arith.addf %mul3A_2260, %sub3A_1813 : vector<16xf32>
      %swap3A_2262 = arith.constant 3 : i32
      %swap3A_2263 = arith.index_cast %swap3A_2262 : i32 to index
      %swap3A_2264 = arith.index_cast %add3A_1826 : i32 to index
      %swap3A_2265 = arith.constant 64 : index
      %swap3A_2266 = tpu.vector_load %arg6[%swap3A_2263, %swap3A_2264, %swap3A_2265] {strides = array<i32>} : memref<4x64x128xf32, #tpu.memory_space<vmem>>, vector<1x1x16xf32>,
      %swap3A_2267 = vector.shape_cast %swap3A_2266 : vector<1x1x16xf32> to vector<16xf32>
      %swap3A_2268 = vector.shape_cast %add3A_2261 : vector<16xf32> to vector<1x1x16xf32>
      tpu.vector_store %arg6[%swap3A_2263, %swap3A_2264, %swap3A_2265], %swap3A_2268 {strides = array<i32>} : memref<4x64x128xf32, #tpu.memory_space<vmem>>, vector<1x1x16xf32>,
      %get3A_2269 = arith.constant 3 : i32
      %get3A_2270 = arith.index_cast %get3A_2269 : i32 to index
      %get3A_2271 = arith.index_cast %add3A_1826 : i32 to index
      %get3A_2272 = arith.constant 16 : index
      %get3A_2273 = tpu.vector_load %arg6[%get3A_2270, %get3A_2271, %get3A_2272] {strides = array<i32>} : memref<4x64x128xf32, #tpu.memory_space<vmem>>, vector<1x1x16xf32>,
      %get3A_2274 = vector.shape_cast %get3A_2273 : vector<1x1x16xf32> to vector<16xf32>
      %mul3A_2275 = arith.constant 11.3137083 : f32
      %mul3A_2276 = vector.broadcast %mul3A_2275 : f32 to vector<16xf32>
      %mul3A_2277 = arith.mulf %get3A_2274, %mul3A_2276 : vector<16xf32>
      %add3A_2278 = arith.addf %mul3A_2277, %add3A_1804 : vector<16xf32>
      %swap3A_2279 = arith.constant 3 : i32
      %swap3A_2280 = arith.index_cast %swap3A_2279 : i32 to index
      %swap3A_2281 = arith.index_cast %add3A_1826 : i32 to index
      %swap3A_2282 = arith.constant 16 : index
      %swap3A_2283 = tpu.vector_load %arg6[%swap3A_2280, %swap3A_2281, %swap3A_2282] {strides = array<i32>} : memref<4x64x128xf32, #tpu.memory_space<vmem>>, vector<1x1x16xf32>,
      %swap3A_2284 = vector.shape_cast %swap3A_2283 : vector<1x1x16xf32> to vector<16xf32>
      %swap3A_2285 = vector.shape_cast %add3A_2278 : vector<16xf32> to vector<1x1x16xf32>
      tpu.vector_store %arg6[%swap3A_2280, %swap3A_2281, %swap3A_2282], %swap3A_2285 {strides = array<i32>} : memref<4x64x128xf32, #tpu.memory_space<vmem>>, vector<1x1x16xf32>,
      %get3A_2286 = arith.constant 3 : i32
      %get3A_2287 = arith.index_cast %get3A_2286 : i32 to index
      %get3A_2288 = arith.index_cast %add3A_1826 : i32 to index
      %get3A_2289 = arith.constant 80 : index
      %get3A_2290 = tpu.vector_load %arg6[%get3A_2287, %get3A_2288, %get3A_2289] {strides = array<i32>} : memref<4x64x128xf32, #tpu.memory_space<vmem>>, vector<1x1x16xf32>,
      %get3A_2291 = vector.shape_cast %get3A_2290 : vector<1x1x16xf32> to vector<16xf32>
      %mul3A_2292 = arith.constant 11.3137083 : f32
      %mul3A_2293 = vector.broadcast %mul3A_2292 : f32 to vector<16xf32>
      %mul3A_2294 = arith.mulf %get3A_2291, %mul3A_2293 : vector<16xf32>
      %add3A_2295 = arith.addf %mul3A_2294, %sub3A_1816 : vector<16xf32>
      %swap3A_2296 = arith.constant 3 : i32
      %swap3A_2297 = arith.index_cast %swap3A_2296 : i32 to index
      %swap3A_2298 = arith.index_cast %add3A_1826 : i32 to index
      %swap3A_2299 = arith.constant 80 : index
      %swap3A_2300 = tpu.vector_load %arg6[%swap3A_2297, %swap3A_2298, %swap3A_2299] {strides = array<i32>} : memref<4x64x128xf32, #tpu.memory_space<vmem>>, vector<1x1x16xf32>,
      %swap3A_2301 = vector.shape_cast %swap3A_2300 : vector<1x1x16xf32> to vector<16xf32>
      %swap3A_2302 = vector.shape_cast %add3A_2295 : vector<16xf32> to vector<1x1x16xf32>
      tpu.vector_store %arg6[%swap3A_2297, %swap3A_2298, %swap3A_2299], %swap3A_2302 {strides = array<i32>} : memref<4x64x128xf32, #tpu.memory_space<vmem>>, vector<1x1x16xf32>,
      %get3A_2303 = arith.constant 3 : i32
      %get3A_2304 = arith.index_cast %get3A_2303 : i32 to index
      %get3A_2305 = arith.index_cast %add3A_1826 : i32 to index
      %get3A_2306 = arith.constant 32 : index
      %get3A_2307 = tpu.vector_load %arg6[%get3A_2304, %get3A_2305, %get3A_2306] {strides = array<i32>} : memref<4x64x128xf32, #tpu.memory_space<vmem>>, vector<1x1x16xf32>,
      %get3A_2308 = vector.shape_cast %get3A_2307 : vector<1x1x16xf32> to vector<16xf32>
      %mul3A_2309 = arith.constant 11.3137083 : f32
      %mul3A_2310 = vector.broadcast %mul3A_2309 : f32 to vector<16xf32>
      %mul3A_2311 = arith.mulf %get3A_2308, %mul3A_2310 : vector<16xf32>
      %add3A_2312 = arith.addf %mul3A_2311, %add3A_1807 : vector<16xf32>
      %swap3A_2313 = arith.constant 3 : i32
      %swap3A_2314 = arith.index_cast %swap3A_2313 : i32 to index
      %swap3A_2315 = arith.index_cast %add3A_1826 : i32 to index
      %swap3A_2316 = arith.constant 32 : index
      %swap3A_2317 = tpu.vector_load %arg6[%swap3A_2314, %swap3A_2315, %swap3A_2316] {strides = array<i32>} : memref<4x64x128xf32, #tpu.memory_space<vmem>>, vector<1x1x16xf32>,
      %swap3A_2318 = vector.shape_cast %swap3A_2317 : vector<1x1x16xf32> to vector<16xf32>
      %swap3A_2319 = vector.shape_cast %add3A_2312 : vector<16xf32> to vector<1x1x16xf32>
      tpu.vector_store %arg6[%swap3A_2314, %swap3A_2315, %swap3A_2316], %swap3A_2319 {strides = array<i32>} : memref<4x64x128xf32, #tpu.memory_space<vmem>>, vector<1x1x16xf32>,
      %get3A_2320 = arith.constant 3 : i32
      %get3A_2321 = arith.index_cast %get3A_2320 : i32 to index
      %get3A_2322 = arith.index_cast %add3A_1826 : i32 to index
      %get3A_2323 = arith.constant 96 : index
      %get3A_2324 = tpu.vector_load %arg6[%get3A_2321, %get3A_2322, %get3A_2323] {strides = array<i32>} : memref<4x64x128xf32, #tpu.memory_space<vmem>>, vector<1x1x16xf32>,
      %get3A_2325 = vector.shape_cast %get3A_2324 : vector<1x1x16xf32> to vector<16xf32>
      %mul3A_2326 = arith.constant 11.3137083 : f32
      %mul3A_2327 = vector.broadcast %mul3A_2326 : f32 to vector<16xf32>
      %mul3A_2328 = arith.mulf %get3A_2325, %mul3A_2327 : vector<16xf32>
      %add3A_2329 = arith.addf %mul3A_2328, %sub3A_1819 : vector<16xf32>
      %swap3A_2330 = arith.constant 3 : i32
      %swap3A_2331 = arith.index_cast %swap3A_2330 : i32 to index
      %swap3A_2332 = arith.index_cast %add3A_1826 : i32 to index
      %swap3A_2333 = arith.constant 96 : index
      %swap3A_2334 = tpu.vector_load %arg6[%swap3A_2331, %swap3A_2332, %swap3A_2333] {strides = array<i32>} : memref<4x64x128xf32, #tpu.memory_space<vmem>>, vector<1x1x16xf32>,
      %swap3A_2335 = vector.shape_cast %swap3A_2334 : vector<1x1x16xf32> to vector<16xf32>
      %swap3A_2336 = vector.shape_cast %add3A_2329 : vector<16xf32> to vector<1x1x16xf32>
      tpu.vector_store %arg6[%swap3A_2331, %swap3A_2332, %swap3A_2333], %swap3A_2336 {strides = array<i32>} : memref<4x64x128xf32, #tpu.memory_space<vmem>>, vector<1x1x16xf32>,
      %get3A_2337 = arith.constant 3 : i32
      %get3A_2338 = arith.index_cast %get3A_2337 : i32 to index
      %get3A_2339 = arith.index_cast %add3A_1826 : i32 to index
      %get3A_2340 = arith.constant 48 : index
      %get3A_2341 = tpu.vector_load %arg6[%get3A_2338, %get3A_2339, %get3A_2340] {strides = array<i32>} : memref<4x64x128xf32, #tpu.memory_space<vmem>>, vector<1x1x16xf32>,
      %get3A_2342 = vector.shape_cast %get3A_2341 : vector<1x1x16xf32> to vector<16xf32>
      %mul3A_2343 = arith.constant 11.3137083 : f32
      %mul3A_2344 = vector.broadcast %mul3A_2343 : f32 to vector<16xf32>
      %mul3A_2345 = arith.mulf %get3A_2342, %mul3A_2344 : vector<16xf32>
      %add3A_2346 = arith.addf %mul3A_2345, %add3A_1810 : vector<16xf32>
      %swap3A_2347 = arith.constant 3 : i32
      %swap3A_2348 = arith.index_cast %swap3A_2347 : i32 to index
      %swap3A_2349 = arith.index_cast %add3A_1826 : i32 to index
      %swap3A_2350 = arith.constant 48 : index
      %swap3A_2351 = tpu.vector_load %arg6[%swap3A_2348, %swap3A_2349, %swap3A_2350] {strides = array<i32>} : memref<4x64x128xf32, #tpu.memory_space<vmem>>, vector<1x1x16xf32>,
      %swap3A_2352 = vector.shape_cast %swap3A_2351 : vector<1x1x16xf32> to vector<16xf32>
      %swap3A_2353 = vector.shape_cast %add3A_2346 : vector<16xf32> to vector<1x1x16xf32>
      tpu.vector_store %arg6[%swap3A_2348, %swap3A_2349, %swap3A_2350], %swap3A_2353 {strides = array<i32>} : memref<4x64x128xf32, #tpu.memory_space<vmem>>, vector<1x1x16xf32>,
      %get3A_2354 = arith.constant 3 : i32
      %get3A_2355 = arith.index_cast %get3A_2354 : i32 to index
      %get3A_2356 = arith.index_cast %add3A_1826 : i32 to index
      %get3A_2357 = arith.constant 112 : index
      %get3A_2358 = tpu.vector_load %arg6[%get3A_2355, %get3A_2356, %get3A_2357] {strides = array<i32>} : memref<4x64x128xf32, #tpu.memory_space<vmem>>, vector<1x1x16xf32>,
      %get3A_2359 = vector.shape_cast %get3A_2358 : vector<1x1x16xf32> to vector<16xf32>
      %mul3A_2360 = arith.constant 11.3137083 : f32
      %mul3A_2361 = vector.broadcast %mul3A_2360 : f32 to vector<16xf32>
      %mul3A_2362 = arith.mulf %get3A_2359, %mul3A_2361 : vector<16xf32>
      %add3A_2363 = arith.addf %mul3A_2362, %sub3A_1822 : vector<16xf32>
      %swap3A_2364 = arith.constant 3 : i32
      %swap3A_2365 = arith.index_cast %swap3A_2364 : i32 to index
      %swap3A_2366 = arith.index_cast %add3A_1826 : i32 to index
      %swap3A_2367 = arith.constant 112 : index
      %swap3A_2368 = tpu.vector_load %arg6[%swap3A_2365, %swap3A_2366, %swap3A_2367] {strides = array<i32>} : memref<4x64x128xf32, #tpu.memory_space<vmem>>, vector<1x1x16xf32>,
      %swap3A_2369 = vector.shape_cast %swap3A_2368 : vector<1x1x16xf32> to vector<16xf32>
      %swap3A_2370 = vector.shape_cast %add3A_2363 : vector<16xf32> to vector<1x1x16xf32>
      tpu.vector_store %arg6[%swap3A_2365, %swap3A_2366, %swap3A_2367], %swap3A_2370 {strides = array<i32>} : memref<4x64x128xf32, #tpu.memory_space<vmem>>, vector<1x1x16xf32>,
      %mul3A_2371 = arith.mulf %add3A_1801, %add3A_199 : vector<16xf32>
      %mul3A_2372 = arith.mulf %sub3A_1813, %mul3A_200 : vector<16xf32>
      %add3A_2373 = arith.addf %mul3A_2371, %mul3A_2372 : vector<16xf32>
      %mul3A_2374 = arith.mulf %add3A_1804, %add3A_250 : vector<16xf32>
      %mul3A_2375 = arith.mulf %sub3A_1816, %mul3A_251 : vector<16xf32>
      %add3A_2376 = arith.addf %mul3A_2374, %mul3A_2375 : vector<16xf32>
      %mul3A_2377 = arith.mulf %add3A_1807, %add3A_301 : vector<16xf32>
      %mul3A_2378 = arith.mulf %sub3A_1819, %mul3A_302 : vector<16xf32>
      %add3A_2379 = arith.addf %mul3A_2377, %mul3A_2378 : vector<16xf32>
      %mul3A_2380 = arith.mulf %add3A_1810, %add3A_352 : vector<16xf32>
      %mul3A_2381 = arith.mulf %sub3A_1822, %mul3A_353 : vector<16xf32>
      %add3A_2382 = arith.addf %mul3A_2380, %mul3A_2381 : vector<16xf32>
      %mul3A_2383 = arith.mulf %sub3A_1813, %add3A_199 : vector<16xf32>
      %mul3A_2384 = arith.mulf %add3A_1801, %mul3A_200 : vector<16xf32>
      %sub3A_2385 = arith.subf %mul3A_2383, %mul3A_2384 : vector<16xf32>
      %mul3A_2386 = arith.mulf %sub3A_1816, %add3A_250 : vector<16xf32>
      %mul3A_2387 = arith.mulf %add3A_1804, %mul3A_251 : vector<16xf32>
      %sub3A_2388 = arith.subf %mul3A_2386, %mul3A_2387 : vector<16xf32>
      %mul3A_2389 = arith.mulf %sub3A_1819, %add3A_301 : vector<16xf32>
      %mul3A_2390 = arith.mulf %add3A_1807, %mul3A_302 : vector<16xf32>
      %sub3A_2391 = arith.subf %mul3A_2389, %mul3A_2390 : vector<16xf32>
      %mul3A_2392 = arith.mulf %sub3A_1822, %add3A_352 : vector<16xf32>
      %mul3A_2393 = arith.mulf %add3A_1810, %mul3A_353 : vector<16xf32>
      %sub3A_2394 = arith.subf %mul3A_2392, %mul3A_2393 : vector<16xf32>
      scf.yield %add3A_2373, %add3A_2376, %add3A_2379, %add3A_2382, %sub3A_2385, %sub3A_2388, %sub3A_2391, %sub3A_2394 : vector<16xf32>, vector<16xf32>, vector<16xf32>, vector<16xf32>, vector<16xf32>, vector<16xf32>, vector<16xf32>, vector<16xf32>
    }
    %scan3A_1045 = arith.constant 16 : i32
    %add3A_1046 = arith.constant 32 : i32
    %add3A_1047 = arith.addi %mul3A_2, %add3A_1046 : i32
    %dma_start3A_1048 = arith.constant 0 : i32
    %dma_start3A_1049 = arith.constant 0 : i32
    %dma_start3A_1050 = arith.constant 32 : i32
    %dma_start3A_1051 = arith.constant 0 : i32
    %dma_start3A_1052 = tpu.memref_slice %arg6[%dma_start3A_1048, %dma_start3A_1050, %dma_start3A_1051] : memref<4x64x128xf32, #tpu.memory_space<vmem>> -> memref<1x32x128xf32, #tpu.memory_space<vmem>>
    %dma_start3A_1053 = tpu.memref_squeeze %dma_start3A_1052 : memref<1x32x128xf32, #tpu.memory_space<vmem>> -> memref<32x128xf32, #tpu.memory_space<vmem>>
    %dma_start3A_1054 = arith.constant 0 : i32
    %dma_start3A_1055 = tpu.memref_slice %arg4[%dma_start3A_1049, %add3A_1047, %dma_start3A_1054] : memref<4x2048x128xf32, #tpu.memory_space<hbm>> -> memref<1x32x128xf32, #tpu.memory_space<hbm>>
    %dma_start3A_1056 = tpu.memref_squeeze %dma_start3A_1055 : memref<1x32x128xf32, #tpu.memory_space<hbm>> -> memref<32x128xf32, #tpu.memory_space<hbm>>
    %dma_start3A_1057 = arith.constant 0 : i32
    %dma_start3A_1058 = tpu.memref_slice %arg4[%dma_start3A_1049, %add3A_1047, %dma_start3A_1057] : memref<4x2048x128xf32, #tpu.memory_space<hbm>> -> memref<1x32x128xf32, #tpu.memory_space<hbm>>
    %dma_start3A_1059 = tpu.memref_squeeze %dma_start3A_1058 : memref<1x32x128xf32, #tpu.memory_space<hbm>> -> memref<32x128xf32, #tpu.memory_space<hbm>>
    %dma_start3A_1060 = arith.constant 32 : i32
    %dma_start3A_1061 = arith.constant 0 : i32
    %dma_start3A_1062 = tpu.memref_slice %arg6[%dma_start3A_1048, %dma_start3A_1060, %dma_start3A_1061] : memref<4x64x128xf32, #tpu.memory_space<vmem>> -> memref<1x32x128xf32, #tpu.memory_space<vmem>>
    %dma_start3A_1063 = tpu.memref_squeeze %dma_start3A_1062 : memref<1x32x128xf32, #tpu.memory_space<vmem>> -> memref<32x128xf32, #tpu.memory_space<vmem>>
    tpu.enqueue_dma source(%dma_start3A_1063 : memref<32x128xf32, #tpu.memory_space<vmem>>) target(%dma_start3A_1059 : memref<32x128xf32, #tpu.memory_space<hbm>>) target_semaphore(%arg10 : memref<!tpu.dma_semaphore, #tpu.memory_space<semaphore_mem>>)
    %add3A_1064 = arith.constant 32 : i32
    %add3A_1065 = arith.addi %mul3A_2, %add3A_1064 : i32
    %dma_start3A_1066 = arith.constant 1 : i32
    %dma_start3A_1067 = arith.constant 1 : i32
    %dma_start3A_1068 = arith.constant 32 : i32
    %dma_start3A_1069 = arith.constant 0 : i32
    %dma_start3A_1070 = tpu.memref_slice %arg6[%dma_start3A_1066, %dma_start3A_1068, %dma_start3A_1069] : memref<4x64x128xf32, #tpu.memory_space<vmem>> -> memref<1x32x128xf32, #tpu.memory_space<vmem>>
    %dma_start3A_1071 = tpu.memref_squeeze %dma_start3A_1070 : memref<1x32x128xf32, #tpu.memory_space<vmem>> -> memref<32x128xf32, #tpu.memory_space<vmem>>
    %dma_start3A_1072 = arith.constant 0 : i32
    %dma_start3A_1073 = tpu.memref_slice %arg4[%dma_start3A_1067, %add3A_1065, %dma_start3A_1072] : memref<4x2048x128xf32, #tpu.memory_space<hbm>> -> memref<1x32x128xf32, #tpu.memory_space<hbm>>
    %dma_start3A_1074 = tpu.memref_squeeze %dma_start3A_1073 : memref<1x32x128xf32, #tpu.memory_space<hbm>> -> memref<32x128xf32, #tpu.memory_space<hbm>>
    %dma_start3A_1075 = arith.constant 0 : i32
    %dma_start3A_1076 = tpu.memref_slice %arg4[%dma_start3A_1067, %add3A_1065, %dma_start3A_1075] : memref<4x2048x128xf32, #tpu.memory_space<hbm>> -> memref<1x32x128xf32, #tpu.memory_space<hbm>>
    %dma_start3A_1077 = tpu.memref_squeeze %dma_start3A_1076 : memref<1x32x128xf32, #tpu.memory_space<hbm>> -> memref<32x128xf32, #tpu.memory_space<hbm>>
    %dma_start3A_1078 = arith.constant 32 : i32
    %dma_start3A_1079 = arith.constant 0 : i32
    %dma_start3A_1080 = tpu.memref_slice %arg6[%dma_start3A_1066, %dma_start3A_1078, %dma_start3A_1079] : memref<4x64x128xf32, #tpu.memory_space<vmem>> -> memref<1x32x128xf32, #tpu.memory_space<vmem>>
    %dma_start3A_1081 = tpu.memref_squeeze %dma_start3A_1080 : memref<1x32x128xf32, #tpu.memory_space<vmem>> -> memref<32x128xf32, #tpu.memory_space<vmem>>
    tpu.enqueue_dma source(%dma_start3A_1081 : memref<32x128xf32, #tpu.memory_space<vmem>>) target(%dma_start3A_1077 : memref<32x128xf32, #tpu.memory_space<hbm>>) target_semaphore(%arg10 : memref<!tpu.dma_semaphore, #tpu.memory_space<semaphore_mem>>)
    %add3A_1082 = arith.constant 32 : i32
    %add3A_1083 = arith.addi %mul3A_2, %add3A_1082 : i32
    %dma_start3A_1084 = arith.constant 2 : i32
    %dma_start3A_1085 = arith.constant 2 : i32
    %dma_start3A_1086 = arith.constant 32 : i32
    %dma_start3A_1087 = arith.constant 0 : i32
    %dma_start3A_1088 = tpu.memref_slice %arg6[%dma_start3A_1084, %dma_start3A_1086, %dma_start3A_1087] : memref<4x64x128xf32, #tpu.memory_space<vmem>> -> memref<1x32x128xf32, #tpu.memory_space<vmem>>
    %dma_start3A_1089 = tpu.memref_squeeze %dma_start3A_1088 : memref<1x32x128xf32, #tpu.memory_space<vmem>> -> memref<32x128xf32, #tpu.memory_space<vmem>>
    %dma_start3A_1090 = arith.constant 0 : i32
    %dma_start3A_1091 = tpu.memref_slice %arg4[%dma_start3A_1085, %add3A_1083, %dma_start3A_1090] : memref<4x2048x128xf32, #tpu.memory_space<hbm>> -> memref<1x32x128xf32, #tpu.memory_space<hbm>>
    %dma_start3A_1092 = tpu.memref_squeeze %dma_start3A_1091 : memref<1x32x128xf32, #tpu.memory_space<hbm>> -> memref<32x128xf32, #tpu.memory_space<hbm>>
    %dma_start3A_1093 = arith.constant 0 : i32
    %dma_start3A_1094 = tpu.memref_slice %arg4[%dma_start3A_1085, %add3A_1083, %dma_start3A_1093] : memref<4x2048x128xf32, #tpu.memory_space<hbm>> -> memref<1x32x128xf32, #tpu.memory_space<hbm>>
    %dma_start3A_1095 = tpu.memref_squeeze %dma_start3A_1094 : memref<1x32x128xf32, #tpu.memory_space<hbm>> -> memref<32x128xf32, #tpu.memory_space<hbm>>
    %dma_start3A_1096 = arith.constant 32 : i32
    %dma_start3A_1097 = arith.constant 0 : i32
    %dma_start3A_1098 = tpu.memref_slice %arg6[%dma_start3A_1084, %dma_start3A_1096, %dma_start3A_1097] : memref<4x64x128xf32, #tpu.memory_space<vmem>> -> memref<1x32x128xf32, #tpu.memory_space<vmem>>
    %dma_start3A_1099 = tpu.memref_squeeze %dma_start3A_1098 : memref<1x32x128xf32, #tpu.memory_space<vmem>> -> memref<32x128xf32, #tpu.memory_space<vmem>>
    tpu.enqueue_dma source(%dma_start3A_1099 : memref<32x128xf32, #tpu.memory_space<vmem>>) target(%dma_start3A_1095 : memref<32x128xf32, #tpu.memory_space<hbm>>) target_semaphore(%arg10 : memref<!tpu.dma_semaphore, #tpu.memory_space<semaphore_mem>>)
    %add3A_1100 = arith.constant 32 : i32
    %add3A_1101 = arith.addi %mul3A_2, %add3A_1100 : i32
    %dma_start3A_1102 = arith.constant 3 : i32
    %dma_start3A_1103 = arith.constant 3 : i32
    %dma_start3A_1104 = arith.constant 32 : i32
    %dma_start3A_1105 = arith.constant 0 : i32
    %dma_start3A_1106 = tpu.memref_slice %arg6[%dma_start3A_1102, %dma_start3A_1104, %dma_start3A_1105] : memref<4x64x128xf32, #tpu.memory_space<vmem>> -> memref<1x32x128xf32, #tpu.memory_space<vmem>>
    %dma_start3A_1107 = tpu.memref_squeeze %dma_start3A_1106 : memref<1x32x128xf32, #tpu.memory_space<vmem>> -> memref<32x128xf32, #tpu.memory_space<vmem>>
    %dma_start3A_1108 = arith.constant 0 : i32
    %dma_start3A_1109 = tpu.memref_slice %arg4[%dma_start3A_1103, %add3A_1101, %dma_start3A_1108] : memref<4x2048x128xf32, #tpu.memory_space<hbm>> -> memref<1x32x128xf32, #tpu.memory_space<hbm>>
    %dma_start3A_1110 = tpu.memref_squeeze %dma_start3A_1109 : memref<1x32x128xf32, #tpu.memory_space<hbm>> -> memref<32x128xf32, #tpu.memory_space<hbm>>
    %dma_start3A_1111 = arith.constant 0 : i32
    %dma_start3A_1112 = tpu.memref_slice %arg4[%dma_start3A_1103, %add3A_1101, %dma_start3A_1111] : memref<4x2048x128xf32, #tpu.memory_space<hbm>> -> memref<1x32x128xf32, #tpu.memory_space<hbm>>
    %dma_start3A_1113 = tpu.memref_squeeze %dma_start3A_1112 : memref<1x32x128xf32, #tpu.memory_space<hbm>> -> memref<32x128xf32, #tpu.memory_space<hbm>>
    %dma_start3A_1114 = arith.constant 32 : i32
    %dma_start3A_1115 = arith.constant 0 : i32
    %dma_start3A_1116 = tpu.memref_slice %arg6[%dma_start3A_1102, %dma_start3A_1114, %dma_start3A_1115] : memref<4x64x128xf32, #tpu.memory_space<vmem>> -> memref<1x32x128xf32, #tpu.memory_space<vmem>>
    %dma_start3A_1117 = tpu.memref_squeeze %dma_start3A_1116 : memref<1x32x128xf32, #tpu.memory_space<vmem>> -> memref<32x128xf32, #tpu.memory_space<vmem>>
    tpu.enqueue_dma source(%dma_start3A_1117 : memref<32x128xf32, #tpu.memory_space<vmem>>) target(%dma_start3A_1113 : memref<32x128xf32, #tpu.memory_space<hbm>>) target_semaphore(%arg10 : memref<!tpu.dma_semaphore, #tpu.memory_space<semaphore_mem>>)
    %dma_wait3A_1118 = arith.constant 0 : i32
    %dma_wait3A_1119 = arith.constant 0 : i32
    %dma_wait3A_1120 = arith.constant 0 : i32
    %dma_wait3A_1121 = arith.constant 0 : i32
    %dma_wait3A_1122 = tpu.memref_slice %arg6[%dma_wait3A_1118, %dma_wait3A_1120, %dma_wait3A_1121] : memref<4x64x128xf32, #tpu.memory_space<vmem>> -> memref<1x32x128xf32, #tpu.memory_space<vmem>>
    %dma_wait3A_1123 = tpu.memref_squeeze %dma_wait3A_1122 : memref<1x32x128xf32, #tpu.memory_space<vmem>> -> memref<32x128xf32, #tpu.memory_space<vmem>>
    %dma_wait3A_1124 = arith.constant 0 : i32
    %dma_wait3A_1125 = tpu.memref_slice %arg4[%dma_wait3A_1119, %mul3A_2, %dma_wait3A_1124] : memref<4x2048x128xf32, #tpu.memory_space<hbm>> -> memref<1x32x128xf32, #tpu.memory_space<hbm>>
    %dma_wait3A_1126 = tpu.memref_squeeze %dma_wait3A_1125 : memref<1x32x128xf32, #tpu.memory_space<hbm>> -> memref<32x128xf32, #tpu.memory_space<hbm>>
    %dma_wait3A_1127 = arith.constant 0 : i32
    %dma_wait3A_1128 = tpu.memref_slice %arg4[%dma_wait3A_1119, %mul3A_2, %dma_wait3A_1127] : memref<4x2048x128xf32, #tpu.memory_space<hbm>> -> memref<1x32x128xf32, #tpu.memory_space<hbm>>
    %dma_wait3A_1129 = tpu.memref_squeeze %dma_wait3A_1128 : memref<1x32x128xf32, #tpu.memory_space<hbm>> -> memref<32x128xf32, #tpu.memory_space<hbm>>
    %dma_wait3A_1130 = arith.constant 0 : i32
    %dma_wait3A_1131 = arith.constant 0 : i32
    %dma_wait3A_1132 = tpu.memref_slice %arg6[%dma_wait3A_1118, %dma_wait3A_1130, %dma_wait3A_1131] : memref<4x64x128xf32, #tpu.memory_space<vmem>> -> memref<1x32x128xf32, #tpu.memory_space<vmem>>
    %dma_wait3A_1133 = tpu.memref_squeeze %dma_wait3A_1132 : memref<1x32x128xf32, #tpu.memory_space<vmem>> -> memref<32x128xf32, #tpu.memory_space<vmem>>
    tpu.wait_dma2 semaphore(%arg10 : memref<!tpu.dma_semaphore, #tpu.memory_space<semaphore_mem>>) src(%dma_wait3A_1133 : memref<32x128xf32, #tpu.memory_space<vmem>>) dst(%dma_wait3A_1129 : memref<32x128xf32, #tpu.memory_space<hbm>>)
    %dma_wait3A_1134 = arith.constant 1 : i32
    %dma_wait3A_1135 = arith.constant 1 : i32
    %dma_wait3A_1136 = arith.constant 0 : i32
    %dma_wait3A_1137 = arith.constant 0 : i32
    %dma_wait3A_1138 = tpu.memref_slice %arg6[%dma_wait3A_1134, %dma_wait3A_1136, %dma_wait3A_1137] : memref<4x64x128xf32, #tpu.memory_space<vmem>> -> memref<1x32x128xf32, #tpu.memory_space<vmem>>
    %dma_wait3A_1139 = tpu.memref_squeeze %dma_wait3A_1138 : memref<1x32x128xf32, #tpu.memory_space<vmem>> -> memref<32x128xf32, #tpu.memory_space<vmem>>
    %dma_wait3A_1140 = arith.constant 0 : i32
    %dma_wait3A_1141 = tpu.memref_slice %arg4[%dma_wait3A_1135, %mul3A_2, %dma_wait3A_1140] : memref<4x2048x128xf32, #tpu.memory_space<hbm>> -> memref<1x32x128xf32, #tpu.memory_space<hbm>>
    %dma_wait3A_1142 = tpu.memref_squeeze %dma_wait3A_1141 : memref<1x32x128xf32, #tpu.memory_space<hbm>> -> memref<32x128xf32, #tpu.memory_space<hbm>>
    %dma_wait3A_1143 = arith.constant 0 : i32
    %dma_wait3A_1144 = tpu.memref_slice %arg4[%dma_wait3A_1135, %mul3A_2, %dma_wait3A_1143] : memref<4x2048x128xf32, #tpu.memory_space<hbm>> -> memref<1x32x128xf32, #tpu.memory_space<hbm>>
    %dma_wait3A_1145 = tpu.memref_squeeze %dma_wait3A_1144 : memref<1x32x128xf32, #tpu.memory_space<hbm>> -> memref<32x128xf32, #tpu.memory_space<hbm>>
    %dma_wait3A_1146 = arith.constant 0 : i32
    %dma_wait3A_1147 = arith.constant 0 : i32
    %dma_wait3A_1148 = tpu.memref_slice %arg6[%dma_wait3A_1134, %dma_wait3A_1146, %dma_wait3A_1147] : memref<4x64x128xf32, #tpu.memory_space<vmem>> -> memref<1x32x128xf32, #tpu.memory_space<vmem>>
    %dma_wait3A_1149 = tpu.memref_squeeze %dma_wait3A_1148 : memref<1x32x128xf32, #tpu.memory_space<vmem>> -> memref<32x128xf32, #tpu.memory_space<vmem>>
    tpu.wait_dma2 semaphore(%arg10 : memref<!tpu.dma_semaphore, #tpu.memory_space<semaphore_mem>>) src(%dma_wait3A_1149 : memref<32x128xf32, #tpu.memory_space<vmem>>) dst(%dma_wait3A_1145 : memref<32x128xf32, #tpu.memory_space<hbm>>)
    %dma_wait3A_1150 = arith.constant 2 : i32
    %dma_wait3A_1151 = arith.constant 2 : i32
    %dma_wait3A_1152 = arith.constant 0 : i32
    %dma_wait3A_1153 = arith.constant 0 : i32
    %dma_wait3A_1154 = tpu.memref_slice %arg6[%dma_wait3A_1150, %dma_wait3A_1152, %dma_wait3A_1153] : memref<4x64x128xf32, #tpu.memory_space<vmem>> -> memref<1x32x128xf32, #tpu.memory_space<vmem>>
    %dma_wait3A_1155 = tpu.memref_squeeze %dma_wait3A_1154 : memref<1x32x128xf32, #tpu.memory_space<vmem>> -> memref<32x128xf32, #tpu.memory_space<vmem>>
    %dma_wait3A_1156 = arith.constant 0 : i32
    %dma_wait3A_1157 = tpu.memref_slice %arg4[%dma_wait3A_1151, %mul3A_2, %dma_wait3A_1156] : memref<4x2048x128xf32, #tpu.memory_space<hbm>> -> memref<1x32x128xf32, #tpu.memory_space<hbm>>
    %dma_wait3A_1158 = tpu.memref_squeeze %dma_wait3A_1157 : memref<1x32x128xf32, #tpu.memory_space<hbm>> -> memref<32x128xf32, #tpu.memory_space<hbm>>
    %dma_wait3A_1159 = arith.constant 0 : i32
    %dma_wait3A_1160 = tpu.memref_slice %arg4[%dma_wait3A_1151, %mul3A_2, %dma_wait3A_1159] : memref<4x2048x128xf32, #tpu.memory_space<hbm>> -> memref<1x32x128xf32, #tpu.memory_space<hbm>>
    %dma_wait3A_1161 = tpu.memref_squeeze %dma_wait3A_1160 : memref<1x32x128xf32, #tpu.memory_space<hbm>> -> memref<32x128xf32, #tpu.memory_space<hbm>>
    %dma_wait3A_1162 = arith.constant 0 : i32
    %dma_wait3A_1163 = arith.constant 0 : i32
    %dma_wait3A_1164 = tpu.memref_slice %arg6[%dma_wait3A_1150, %dma_wait3A_1162, %dma_wait3A_1163] : memref<4x64x128xf32, #tpu.memory_space<vmem>> -> memref<1x32x128xf32, #tpu.memory_space<vmem>>
    %dma_wait3A_1165 = tpu.memref_squeeze %dma_wait3A_1164 : memref<1x32x128xf32, #tpu.memory_space<vmem>> -> memref<32x128xf32, #tpu.memory_space<vmem>>
    tpu.wait_dma2 semaphore(%arg10 : memref<!tpu.dma_semaphore, #tpu.memory_space<semaphore_mem>>) src(%dma_wait3A_1165 : memref<32x128xf32, #tpu.memory_space<vmem>>) dst(%dma_wait3A_1161 : memref<32x128xf32, #tpu.memory_space<hbm>>)
    %dma_wait3A_1166 = arith.constant 3 : i32
    %dma_wait3A_1167 = arith.constant 3 : i32
    %dma_wait3A_1168 = arith.constant 0 : i32
    %dma_wait3A_1169 = arith.constant 0 : i32
    %dma_wait3A_1170 = tpu.memref_slice %arg6[%dma_wait3A_1166, %dma_wait3A_1168, %dma_wait3A_1169] : memref<4x64x128xf32, #tpu.memory_space<vmem>> -> memref<1x32x128xf32, #tpu.memory_space<vmem>>
    %dma_wait3A_1171 = tpu.memref_squeeze %dma_wait3A_1170 : memref<1x32x128xf32, #tpu.memory_space<vmem>> -> memref<32x128xf32, #tpu.memory_space<vmem>>
    %dma_wait3A_1172 = arith.constant 0 : i32
    %dma_wait3A_1173 = tpu.memref_slice %arg4[%dma_wait3A_1167, %mul3A_2, %dma_wait3A_1172] : memref<4x2048x128xf32, #tpu.memory_space<hbm>> -> memref<1x32x128xf32, #tpu.memory_space<hbm>>
    %dma_wait3A_1174 = tpu.memref_squeeze %dma_wait3A_1173 : memref<1x32x128xf32, #tpu.memory_space<hbm>> -> memref<32x128xf32, #tpu.memory_space<hbm>>
    %dma_wait3A_1175 = arith.constant 0 : i32
    %dma_wait3A_1176 = tpu.memref_slice %arg4[%dma_wait3A_1167, %mul3A_2, %dma_wait3A_1175] : memref<4x2048x128xf32, #tpu.memory_space<hbm>> -> memref<1x32x128xf32, #tpu.memory_space<hbm>>
    %dma_wait3A_1177 = tpu.memref_squeeze %dma_wait3A_1176 : memref<1x32x128xf32, #tpu.memory_space<hbm>> -> memref<32x128xf32, #tpu.memory_space<hbm>>
    %dma_wait3A_1178 = arith.constant 0 : i32
    %dma_wait3A_1179 = arith.constant 0 : i32
    %dma_wait3A_1180 = tpu.memref_slice %arg6[%dma_wait3A_1166, %dma_wait3A_1178, %dma_wait3A_1179] : memref<4x64x128xf32, #tpu.memory_space<vmem>> -> memref<1x32x128xf32, #tpu.memory_space<vmem>>
    %dma_wait3A_1181 = tpu.memref_squeeze %dma_wait3A_1180 : memref<1x32x128xf32, #tpu.memory_space<vmem>> -> memref<32x128xf32, #tpu.memory_space<vmem>>
    tpu.wait_dma2 semaphore(%arg10 : memref<!tpu.dma_semaphore, #tpu.memory_space<semaphore_mem>>) src(%dma_wait3A_1181 : memref<32x128xf32, #tpu.memory_space<vmem>>) dst(%dma_wait3A_1177 : memref<32x128xf32, #tpu.memory_space<hbm>>)
    %dma_wait3A_1182 = arith.constant 0 : i32
    %dma_wait3A_1183 = arith.constant 0 : i32
    %dma_wait3A_1184 = arith.constant 32 : i32
    %dma_wait3A_1185 = arith.constant 0 : i32
    %dma_wait3A_1186 = tpu.memref_slice %arg6[%dma_wait3A_1182, %dma_wait3A_1184, %dma_wait3A_1185] : memref<4x64x128xf32, #tpu.memory_space<vmem>> -> memref<1x32x128xf32, #tpu.memory_space<vmem>>
    %dma_wait3A_1187 = tpu.memref_squeeze %dma_wait3A_1186 : memref<1x32x128xf32, #tpu.memory_space<vmem>> -> memref<32x128xf32, #tpu.memory_space<vmem>>
    %dma_wait3A_1188 = arith.constant 0 : i32
    %dma_wait3A_1189 = tpu.memref_slice %arg4[%dma_wait3A_1183, %add3A_1047, %dma_wait3A_1188] : memref<4x2048x128xf32, #tpu.memory_space<hbm>> -> memref<1x32x128xf32, #tpu.memory_space<hbm>>
    %dma_wait3A_1190 = tpu.memref_squeeze %dma_wait3A_1189 : memref<1x32x128xf32, #tpu.memory_space<hbm>> -> memref<32x128xf32, #tpu.memory_space<hbm>>
    %dma_wait3A_1191 = arith.constant 0 : i32
    %dma_wait3A_1192 = tpu.memref_slice %arg4[%dma_wait3A_1183, %add3A_1047, %dma_wait3A_1191] : memref<4x2048x128xf32, #tpu.memory_space<hbm>> -> memref<1x32x128xf32, #tpu.memory_space<hbm>>
    %dma_wait3A_1193 = tpu.memref_squeeze %dma_wait3A_1192 : memref<1x32x128xf32, #tpu.memory_space<hbm>> -> memref<32x128xf32, #tpu.memory_space<hbm>>
    %dma_wait3A_1194 = arith.constant 32 : i32
    %dma_wait3A_1195 = arith.constant 0 : i32
    %dma_wait3A_1196 = tpu.memref_slice %arg6[%dma_wait3A_1182, %dma_wait3A_1194, %dma_wait3A_1195] : memref<4x64x128xf32, #tpu.memory_space<vmem>> -> memref<1x32x128xf32, #tpu.memory_space<vmem>>
    %dma_wait3A_1197 = tpu.memref_squeeze %dma_wait3A_1196 : memref<1x32x128xf32, #tpu.memory_space<vmem>> -> memref<32x128xf32, #tpu.memory_space<vmem>>
    tpu.wait_dma2 semaphore(%arg10 : memref<!tpu.dma_semaphore, #tpu.memory_space<semaphore_mem>>) src(%dma_wait3A_1197 : memref<32x128xf32, #tpu.memory_space<vmem>>) dst(%dma_wait3A_1193 : memref<32x128xf32, #tpu.memory_space<hbm>>)
    %dma_wait3A_1198 = arith.constant 1 : i32
    %dma_wait3A_1199 = arith.constant 1 : i32
    %dma_wait3A_1200 = arith.constant 32 : i32
    %dma_wait3A_1201 = arith.constant 0 : i32
    %dma_wait3A_1202 = tpu.memref_slice %arg6[%dma_wait3A_1198, %dma_wait3A_1200, %dma_wait3A_1201] : memref<4x64x128xf32, #tpu.memory_space<vmem>> -> memref<1x32x128xf32, #tpu.memory_space<vmem>>
    %dma_wait3A_1203 = tpu.memref_squeeze %dma_wait3A_1202 : memref<1x32x128xf32, #tpu.memory_space<vmem>> -> memref<32x128xf32, #tpu.memory_space<vmem>>
    %dma_wait3A_1204 = arith.constant 0 : i32
    %dma_wait3A_1205 = tpu.memref_slice %arg4[%dma_wait3A_1199, %add3A_1065, %dma_wait3A_1204] : memref<4x2048x128xf32, #tpu.memory_space<hbm>> -> memref<1x32x128xf32, #tpu.memory_space<hbm>>
    %dma_wait3A_1206 = tpu.memref_squeeze %dma_wait3A_1205 : memref<1x32x128xf32, #tpu.memory_space<hbm>> -> memref<32x128xf32, #tpu.memory_space<hbm>>
    %dma_wait3A_1207 = arith.constant 0 : i32
    %dma_wait3A_1208 = tpu.memref_slice %arg4[%dma_wait3A_1199, %add3A_1065, %dma_wait3A_1207] : memref<4x2048x128xf32, #tpu.memory_space<hbm>> -> memref<1x32x128xf32, #tpu.memory_space<hbm>>
    %dma_wait3A_1209 = tpu.memref_squeeze %dma_wait3A_1208 : memref<1x32x128xf32, #tpu.memory_space<hbm>> -> memref<32x128xf32, #tpu.memory_space<hbm>>
    %dma_wait3A_1210 = arith.constant 32 : i32
    %dma_wait3A_1211 = arith.constant 0 : i32
    %dma_wait3A_1212 = tpu.memref_slice %arg6[%dma_wait3A_1198, %dma_wait3A_1210, %dma_wait3A_1211] : memref<4x64x128xf32, #tpu.memory_space<vmem>> -> memref<1x32x128xf32, #tpu.memory_space<vmem>>
    %dma_wait3A_1213 = tpu.memref_squeeze %dma_wait3A_1212 : memref<1x32x128xf32, #tpu.memory_space<vmem>> -> memref<32x128xf32, #tpu.memory_space<vmem>>
    tpu.wait_dma2 semaphore(%arg10 : memref<!tpu.dma_semaphore, #tpu.memory_space<semaphore_mem>>) src(%dma_wait3A_1213 : memref<32x128xf32, #tpu.memory_space<vmem>>) dst(%dma_wait3A_1209 : memref<32x128xf32, #tpu.memory_space<hbm>>)
    %dma_wait3A_1214 = arith.constant 2 : i32
    %dma_wait3A_1215 = arith.constant 2 : i32
    %dma_wait3A_1216 = arith.constant 32 : i32
    %dma_wait3A_1217 = arith.constant 0 : i32
    %dma_wait3A_1218 = tpu.memref_slice %arg6[%dma_wait3A_1214, %dma_wait3A_1216, %dma_wait3A_1217] : memref<4x64x128xf32, #tpu.memory_space<vmem>> -> memref<1x32x128xf32, #tpu.memory_space<vmem>>
    %dma_wait3A_1219 = tpu.memref_squeeze %dma_wait3A_1218 : memref<1x32x128xf32, #tpu.memory_space<vmem>> -> memref<32x128xf32, #tpu.memory_space<vmem>>
    %dma_wait3A_1220 = arith.constant 0 : i32
    %dma_wait3A_1221 = tpu.memref_slice %arg4[%dma_wait3A_1215, %add3A_1083, %dma_wait3A_1220] : memref<4x2048x128xf32, #tpu.memory_space<hbm>> -> memref<1x32x128xf32, #tpu.memory_space<hbm>>
    %dma_wait3A_1222 = tpu.memref_squeeze %dma_wait3A_1221 : memref<1x32x128xf32, #tpu.memory_space<hbm>> -> memref<32x128xf32, #tpu.memory_space<hbm>>
    %dma_wait3A_1223 = arith.constant 0 : i32
    %dma_wait3A_1224 = tpu.memref_slice %arg4[%dma_wait3A_1215, %add3A_1083, %dma_wait3A_1223] : memref<4x2048x128xf32, #tpu.memory_space<hbm>> -> memref<1x32x128xf32, #tpu.memory_space<hbm>>
    %dma_wait3A_1225 = tpu.memref_squeeze %dma_wait3A_1224 : memref<1x32x128xf32, #tpu.memory_space<hbm>> -> memref<32x128xf32, #tpu.memory_space<hbm>>
    %dma_wait3A_1226 = arith.constant 32 : i32
    %dma_wait3A_1227 = arith.constant 0 : i32
    %dma_wait3A_1228 = tpu.memref_slice %arg6[%dma_wait3A_1214, %dma_wait3A_1226, %dma_wait3A_1227] : memref<4x64x128xf32, #tpu.memory_space<vmem>> -> memref<1x32x128xf32, #tpu.memory_space<vmem>>
    %dma_wait3A_1229 = tpu.memref_squeeze %dma_wait3A_1228 : memref<1x32x128xf32, #tpu.memory_space<vmem>> -> memref<32x128xf32, #tpu.memory_space<vmem>>
    tpu.wait_dma2 semaphore(%arg10 : memref<!tpu.dma_semaphore, #tpu.memory_space<semaphore_mem>>) src(%dma_wait3A_1229 : memref<32x128xf32, #tpu.memory_space<vmem>>) dst(%dma_wait3A_1225 : memref<32x128xf32, #tpu.memory_space<hbm>>)
    %dma_wait3A_1230 = arith.constant 3 : i32
    %dma_wait3A_1231 = arith.constant 3 : i32
    %dma_wait3A_1232 = arith.constant 32 : i32
    %dma_wait3A_1233 = arith.constant 0 : i32
    %dma_wait3A_1234 = tpu.memref_slice %arg6[%dma_wait3A_1230, %dma_wait3A_1232, %dma_wait3A_1233] : memref<4x64x128xf32, #tpu.memory_space<vmem>> -> memref<1x32x128xf32, #tpu.memory_space<vmem>>
    %dma_wait3A_1235 = tpu.memref_squeeze %dma_wait3A_1234 : memref<1x32x128xf32, #tpu.memory_space<vmem>> -> memref<32x128xf32, #tpu.memory_space<vmem>>
    %dma_wait3A_1236 = arith.constant 0 : i32
    %dma_wait3A_1237 = tpu.memref_slice %arg4[%dma_wait3A_1231, %add3A_1101, %dma_wait3A_1236] : memref<4x2048x128xf32, #tpu.memory_space<hbm>> -> memref<1x32x128xf32, #tpu.memory_space<hbm>>
    %dma_wait3A_1238 = tpu.memref_squeeze %dma_wait3A_1237 : memref<1x32x128xf32, #tpu.memory_space<hbm>> -> memref<32x128xf32, #tpu.memory_space<hbm>>
    %dma_wait3A_1239 = arith.constant 0 : i32
    %dma_wait3A_1240 = tpu.memref_slice %arg4[%dma_wait3A_1231, %add3A_1101, %dma_wait3A_1239] : memref<4x2048x128xf32, #tpu.memory_space<hbm>> -> memref<1x32x128xf32, #tpu.memory_space<hbm>>
    %dma_wait3A_1241 = tpu.memref_squeeze %dma_wait3A_1240 : memref<1x32x128xf32, #tpu.memory_space<hbm>> -> memref<32x128xf32, #tpu.memory_space<hbm>>
    %dma_wait3A_1242 = arith.constant 32 : i32
    %dma_wait3A_1243 = arith.constant 0 : i32
    %dma_wait3A_1244 = tpu.memref_slice %arg6[%dma_wait3A_1230, %dma_wait3A_1242, %dma_wait3A_1243] : memref<4x64x128xf32, #tpu.memory_space<vmem>> -> memref<1x32x128xf32, #tpu.memory_space<vmem>>
    %dma_wait3A_1245 = tpu.memref_squeeze %dma_wait3A_1244 : memref<1x32x128xf32, #tpu.memory_space<vmem>> -> memref<32x128xf32, #tpu.memory_space<vmem>>
    tpu.wait_dma2 semaphore(%arg10 : memref<!tpu.dma_semaphore, #tpu.memory_space<semaphore_mem>>) src(%dma_wait3A_1245 : memref<32x128xf32, #tpu.memory_space<vmem>>) dst(%dma_wait3A_1241 : memref<32x128xf32, #tpu.memory_space<hbm>>)
    return
  }
}

</mosaic_0001>

<sc_bundles>
// kernel: kernel.3.cloned.1.call-start
scs
__scs_entry_jumppad:
0x0: {  	(pc) =	sbr.rel $0x88, $3  }
0x1: {  	(tag) =	ssettag $0x0;
	lr =	simm.s32 $0x1  }
0x2: {  	[smem:$0x3F9F] =	sst lr;
	_ =	strace $0xD0000000  }
0x3: {  	_ = 	snop  }
0x4: {  	_ = 	snop  }
0x5: {  	_ = 	snop  }
0x6: {  	_ = 	snop  }
0x7: {  	_ = 	snop  }
__scs_overlays_trampoline_lowered:
0x8: {  	[smem:$0x3FAE] =	sst s0  }
0x9: {  	[smem:$0x3FAF] =	sst s1  }
0xa: {  	[smem:$0x3FB0] =	sst s2  }
0xb: {  	[smem:$0x3FB1] =	sst s3  }
0xc: {  	[smem:$0x3FB2] =	sst s4  }
0xd: {  	[smem:$0x3FB3] =	sst s5  }
0xe: {  	[smem:$0x3FB4] =	sst s6  }
0xf: {  	[smem:$0x3FB5] =	sst s7  }
0x10: {  	[smem:$0x3FB6] =	sst s8  }
0x11: {  	[smem:$0x3FB7] =	sst s9;
	s0 =	simm.s32 @!p0 $0x0  }
0x12: {  	s1 =	sld [smem:$0x3F9D];
	s0 =	simm.s32 @p0 $0x1  }
0x13: {  	[smem:$0x3FB8] =	sst s0;
	s0 =	simm.s32 @!p1 $0x0  }
0x14: {  	s2 =	sld [smem:$0x3F9C];
	s0 =	simm.s32 @p1 $0x1  }
0x15: {  	[smem:$0x3FB9] =	sst s0;
	s0 =	simm.s32 @!p2 $0x0  }
0x16: {  	s3 =	sld [smem:$0x3FDB];
	s0 =	simm.s32 @p2 $0x1  }
0x17: {  	s4 =	simm.s32 $0x1BF5;
	[smem:$0x3FBB] =	sst s0  }
0x18: {  	s0 =	sld [smem:$0x3F9E];
	_ =	swait.ge [sflag:s4], $0x0  }
0x19: {  	s7 =	sld [smem:$0x3F9F]  }
0x1a: {  	s8 =	sadd.s32 $0xFFFFE003, lr  }
0x1b: {  	s9 =	sadd.s32 $0xFFFFFEF7, lr;
	s5 =	simm.s32 $0xFFFFFFFF;
	p2 =	slt.u32 s8, $0xFFFFF086  }
0x1c: {  	p1 =	slt.u32 s9, $0xF7A;
	s5 =	simm.s32 @!p2 $0x0  }
0x1d: {  	s5 =	simm.s32 @p1 $0x1;
	p0 =	seq.s32 s7, s2  }
0x1e: {  	s7 =	smul.u32 @!p0 $0xF7A, s2;
	p2 =	seq.s32 @!p0 s5, $0x0  }
0x1f: {  	s9 =	smul.u32 $0xF7A, s1;
	s8 =	simm.s32 @!p0 $0x1BF5;
	p2 =	por !p2, p0  }
0x20: {  	[sflag:s8] =	ssyncset.s32 @!p0 $0xFFFFF086;
	s6 =	sadd.s32 @!p0 s3, s7;
	s7 =	simm.s32 @!p0 $0x108  }
0x21: {  	s3 =	sadd.s32 s3, s9;
	s6 =	sadd.s32 @!p0 $0x88, s6;
	s7 =	simm.s32 @p2 $0x1082  }
0x22: {  	[simem:s7], [sflag:s8] =	dma.local @!p0 [hbm:s6], $0xF7A  }
0x23: {  	s9 =	sor.u32 $0xD0000000, s2;
	s6 =	simm.s32 $0x108;
	_ =	swait.ge @!p0 [sflag:s8], $0x0  }
0x24: {  	s3 =	sadd.s32 $0x88, s3;
	s6 =	simm.s32 @!p1 $0x1082;
	[sflag:s4] =	ssyncset.s32 $0xFFFFF086  }
0x25: {  	[simem:s6], [sflag:s4] =	dma.local [hbm:s3], $0xF7A  }
0x26: {  	[smem:$0x3F9F] =	sst s1;
	(tag) =	ssettag s2;
	_ =	strace s9  }
0x27: {  	s1 =	sld [smem:$0x3FAF]  }
0x28: {  	s2 =	sld [smem:$0x3FB0]  }
0x29: {  	s4 =	sld [smem:$0x3FB2]  }
0x2a: {  	p0 =	seq.s32 s5, $0x0;
	s5 =	sld [smem:$0x3FB3]  }
0x2b: {  	s6 =	sld [smem:$0x3FB4]  }
0x2c: {  	s7 =	sld [smem:$0x3FB5]  }
0x2d: {  	s3 =	simm.s32 $0x108;
	s8 =	sld [smem:$0x3FB6]  }
0x2e: {  	s3 =	simm.s32 @!p0 $0x1082;
	s9 =	sld [smem:$0x3FB7]  }
0x2f: {  	lr =	sadd.s32 s0, s3;
	s0 =	sld [smem:$0x3FAE]  }
0x30: {  	s3 =	sld [smem:$0x3FB1]  }
0x31: {  	[smem:$0x3FBA] =	sst s10  }
0x32: {  	s10 =	sld [smem:$0x3FB8];
	_ =	sdelay $0x3  }
0x33: {  	p0 =	seq.s32 s10, $0x1;
	s10 =	sld [smem:$0x3FBA];
	_ =	sdelay $0x3  }
0x34: {  	[smem:$0x3FBA] =	sst s10  }
0x35: {  	s10 =	sld [smem:$0x3FB9];
	_ =	sdelay $0x3  }
0x36: {  	p1 =	seq.s32 s10, $0x1;
	s10 =	sld [smem:$0x3FBA];
	_ =	sdelay $0x3  }
0x37: {  	[smem:$0x3FBA] =	sst s10  }
0x38: {  	s10 =	sld [smem:$0x3FBB]  }
0x39: {  	_ = 	snop;
	(pc) =	sbr.ind lr, $3  }
0x3a: {  	_ = 	snop  }
0x3b: {  	_ = 	snop  }
0x3c: {  	p2 =	seq.s32 s10, $0x1;
	s10 =	sld [smem:$0x3FBA]  }
0x3d: {  	_ =	shalt  }
0x3e: {  	_ =	shalt  }
0x3f: {  	_ =	shalt  }
0x40: {  	_ =	shalt  }
0x41: {  	_ =	shalt  }
0x42: {  	_ =	shalt  }
0x43: {  	_ =	shalt  }
0x44: {  	_ =	shalt  }
0x45: {  	_ =	shalt  }
0x46: {  	_ =	shalt  }
0x47: {  	_ =	shalt  }
0x48: {  	_ =	shalt  }
0x49: {  	_ =	shalt  }
0x4a: {  	_ =	shalt  }
0x4b: {  	_ =	shalt  }
0x4c: {  	_ =	shalt  }
0x4d: {  	_ =	shalt  }
0x4e: {  	_ =	shalt  }
0x4f: {  	_ =	shalt  }
0x50: {  	_ =	shalt  }
0x51: {  	_ =	shalt  }
0x52: {  	_ =	shalt  }
0x53: {  	_ =	shalt  }
0x54: {  	_ =	shalt  }
0x55: {  	_ =	shalt  }
0x56: {  	_ =	shalt  }
0x57: {  	_ =	shalt  }
0x58: {  	_ =	shalt  }
0x59: {  	_ =	shalt  }
0x5a: {  	_ =	shalt  }
0x5b: {  	_ =	shalt  }
0x5c: {  	_ =	shalt  }
0x5d: {  	_ =	shalt  }
0x5e: {  	_ =	shalt  }
0x5f: {  	_ =	shalt  }
0x60: {  	_ =	shalt  }
0x61: {  	_ =	shalt  }
0x62: {  	_ =	shalt  }
0x63: {  	_ =	shalt  }
0x64: {  	_ =	shalt  }
0x65: {  	_ =	shalt  }
0x66: {  	_ =	shalt  }
0x67: {  	_ =	shalt  }
0x68: {  	_ =	shalt  }
0x69: {  	_ =	shalt  }
0x6a: {  	_ =	shalt  }
0x6b: {  	_ =	shalt  }
0x6c: {  	_ =	shalt  }
0x6d: {  	_ =	shalt  }
0x6e: {  	_ =	shalt  }
0x6f: {  	_ =	shalt  }
0x70: {  	_ =	shalt  }
0x71: {  	_ =	shalt  }
0x72: {  	_ =	shalt  }
0x73: {  	_ =	shalt  }
0x74: {  	_ =	shalt  }
0x75: {  	_ =	shalt  }
0x76: {  	_ =	shalt  }
0x77: {  	_ =	shalt  }
0x78: {  	_ =	shalt  }
0x79: {  	_ =	shalt  }
0x7a: {  	_ =	shalt  }
0x7b: {  	_ =	shalt  }
0x7c: {  	_ =	shalt  }
0x7d: {  	_ =	shalt  }
0x7e: {  	_ =	shalt  }
0x7f: {  	_ =	shalt  }
0x80: {  	_ =	shalt  }
0x81: {  	_ =	shalt  }
0x82: {  	_ =	shalt  }
0x83: {  	_ =	shalt  }
0x84: {  	_ =	shalt  }
0x85: {  	_ =	shalt  }
0x86: {  	_ =	shalt  }
0x87: {  	_ =	shalt  }
.Lfunc_end0:
.L_simem_size_0:
called_computation_lowered:
.L_overlay_start_0:
0x88: {  	s2 =	sld [smem:$0x3FD9]  }
0x89: {  	s3 =	sld [smem:$0x3FFE];
	_ =	sdelay $0x1  }
0x8a: {  	s1 =	srdreg.scid  }
0x8b: {  	s0 =	sand.u32 $0x1, s1  }
0x8c: {  	s18 =	sshll.u32 s0, $0xA;
	s2 =	sadd.s32 s3, s2  }
0x8d: {  	s2 =	sadd.s32 s2, s18  }
0x8e: {  	[smem:$0x3FC6] =	sst s2  }
0x8f: {  	_ = 	snop  }
0x90: {  	s2 =	sld [smem:$0x3FC9]  }
0x91: {  	s19 =	sld [smem:$0x3FC8]  }
0x92: {  	s4 =	sld [smem:$0x3FD0];
	(tm) =	ssettm $0x1  }
0x93: {  	s5 =	sld [smem:$0x3FFB];
	_ =	sdelay $0x3  }
0x94: {  	_ =	strace s5  }
0x95: {  	s5 =	sld [smem:$0x3FFC];
	_ =	sdelay $0x3  }
0x96: {  	_ =	strace s5  }
0x97: {  	s5 =	sld [smem:$0x3FFD];
	_ =	sdelay $0x3  }
0x98: {  	_ =	strace s5  }
0x99: {  	_ =	strace $0x8FFFFFFF  }
0x9a: {  	s20 =	sld [smem:$0x3FDB];
	_ =	sdelay $0x1  }
0x9b: {  	s6 =	simm.s32 $_scs_section_size  }
0x9c: {  	s7 =	simm.s32 $_size__tile_overlayer_lowered;
	s8 =	simm.s32 $_tile_overlayer_lowered  }
0x9d: {  	s23 =	simm.s32 $0x1BFF;
	s22 =	sshll.u32 s8, $0x1;
	s5 =	sadd.s32 s6, s20  }
0x9e: {  	s9 =	simm.s32 $0x0;
	s21 =	sshll.u32 s7, $0x1;
	s7 =	sadd.s32 s22, s5  }
0x9f: {  	[timem:s9], [sflag:s23] =	dma.local [hbm:s7], s21  }
0xa0: {  	_ =	swait.ge [sflag:s23], s21  }
0xa1: {  	s6 =	ssub.s32 $0x0, s21;
	[sflag:s23] =	ssyncset.done $0x0  }
0xa2: {  	[sflag:s23] =	ssyncadd.s32 s6;
	_ =	sdelay $0x1  }
0xa3: {  	s24 =	simm.s32 $0x1B8B  }
0xa4: {  	_ =	swait.ge [sflag:s24], $0x1  }
0xa5: {  	[sflag:s24] =	ssyncset.done $0x0  }
0xa6: {  	s25 =	simm.s32 $0x1B8E;
	[sflag:s24] =	ssyncadd.s32 $0xFFFFFFFF  }
0xa7: {  	s26 =	simm.s32 $execute0_lowered;
	[smem:$0x3FD2] =	sst s25  }
0xa8: {  	s6 =	sshll.u32 s26, $0x1;
	_ =	strace $0x80000046;
	[dreg:$0x1] =	wrdreg $0xFFFFFFFF  }
0xa9: {  	s28 =	simm.s32 $_size_execute0_lowered;
	s5 =	sadd.s32 s5, s6;
	[dreg:$0x0] =	wrdreg $0x0  }
0xaa: {  	s6 =	sshll.u32 s28, $0x1;
	[dreg:$0x2] =	wrdreg s5  }
0xab: {  	[dreg:$0x3] =	wrdreg s6  }
0xac: {  	[dreg:$0x4] =	wrdreg $0xC0  }
0xad: {  	_ =	task [dreg:s9], $0x5FFFF  }
0xae: {  	[dreg:$0x1] =	wrdreg $0xFFFFFFFF  }
0xaf: {  	[dreg:$0x0] =	wrdreg $0x60  }
0xb0: {  	[dreg:$0x2] =	wrdreg s2  }
0xb1: {  	[dreg:$0x3] =	wrdreg s19  }
0xb2: {  	[dreg:$0x4] =	wrdreg s4  }
0xb3: {  	[dreg:$0x5] =	wrdreg $0x9  }
0xb4: {  	_ =	task.clear_ibuf [dreg:s9], $0x6FFFF;
	_ =	strace $0x90000046  }
0xb5: {  	s29 =	simm.s32 $0x9;
	_ =	strace $0x80000048  }
0xb6: {  	_ =	swait.ge [sflag:s29], $0x1  }
0xb7: {  	[sflag:s29] =	ssyncadd.s32 $0xFFFFFFFF  }
0xb8: {  	_ =	strace $0x90000048  }
0xb9: {  	_ =	sfence  }
0xba: {  	s30 =	sld [smem:$0x0];
	_ =	sdelay $0x2  }
0xbb: {  	s31 =	sshll.u32 s1, $0xD;
	s1 =	sshrl.u32 s1, $0x2  }
0xbc: {  	s3 =	sand.u32 $0x4000, s31;
	s1 =	sadd.s32 s1, s30  }
0xbd: {  	s0 =	sor.u32 s3, s0;
	s1 =	sshll.u32 s1, $0x11  }
0xbe: {  	s0 =	sor.u32 s1, s0  }
0xbf: {  	s0 =	sadd.s32 $0x8F2B, s0  }
0xc0: {  	[sflag:s0] =	ssyncadd.remote.s32 $0x1  }
0xc1: {  	_ =	sfence.sel $0xFFFF  }
0xc2: {  	[dreg:$0x0] =	wrdreg $0xFFFFFFFF;
	(pc) =	sbr.abs _section_cstart, $3  }
0xc3: {  	[dreg:$0x1] =	wrdreg $0xFFFFFFFF  }
0xc4: {  	_ =	task.clear_ibuf [dreg:s9], $0x2FFFF;
	_ =	strace $0x9FFFFFFF  }
0xc5: {  	(tm) =	ssettm $0x7FFFFFFF  }
tec
execute0_lowered:
.L_overlay_start_1:
0x0: {  	(tag) =	ssettag $0x1  }
0x1: {  	v0 =	vimm.f32 $-3.114307640e+00;
	vm14 =	vcmask $0x300  }
0x2: {  	vm13 =	vcmask $0x704;
	v0 =	vsel vm14, $0x80000000, v0  }
0x3: {  	vm12 =	vcmask $0xB08;
	v0 =	vsel vm13, $0xBE549A78, v0  }
0x4: {  	vm11 =	vcmask $0xF0C;
	v0 =	vsel vm12, $0xBED49A78, v0  }
0x5: {  	vm10 =	vcmask $0x1310;
	vm9 =	vcmask $0x1714;
	v0 =	vsel vm11, $0xBF1F73DA, v0  }
0x6: {  	vm8 =	vcmask $0x1B18;
	vm7 =	vcmask $0x1F1C;
	v0 =	vsel vm10, $0xBF549A78, v0  }
0x7: {  	vm4 =	vcmask $0x2320;
	vm0 =	vcmask $0x2724;
	v0 =	vsel vm9, $0xBF84E08C, v0  }
0x8: {  	vm1 =	vcmask $0x2B28;
	vm2 =	vcmask $0x2F2C;
	v0 =	vsel vm8, $0xBF9F73DA, v0  }
0x9: {  	vm3 =	vcmask $0x3330;
	vm5 =	vcmask $0x3734;
	v0 =	vsel vm7, $0xBFBA0729, v0  }
0xa: {  	s0 =	rddreg [dreg:$0x0];
	s2 =	simm.s32 $0x0;
	v4 =	vimm.f32 $-6.436235900e+00;
	v5 =	vimm.f32 $-9.758164400e+00;
	v0 =	vsel vm4, $0xBFD49A78, v0  }
0xb: {  	vm6 =	vcmask $0x3B38;
	v6 =	vimm.f32 $-1.308009240e+01;
	[smem:$0x7FF] =	sst s2;
	v0 =	vsel vm0, $0xBFEF2DC8, v0  }
0xc: {  	s1 =	rddreg [dreg:$0x1];
	v4 =	vsel vm14, $0xC0549A78, v4;
	v5 =	vsel vm14, $0xC0D49A78, v5;
	v0 =	vsel vm1, $0xC004E08C, v0  }
0xd: {  	s3 =	rddreg [dreg:$0x2];
	v6 =	vsel vm14, $0xC11F73DA, v6;
	_ =	strace $0x80000047;
	v0 =	vsel vm2, $0xC0122A33, v0  }
0xe: {  	v4 =	vsel vm13, $0xC061E420, v4;
	v5 =	vsel vm13, $0xC0DB3F4B, v5;
	v0 =	vsel vm3, $0xC01F73DA, v0  }
0xf: {  	v6 =	vsel vm13, $0xC122C644, v6;
	v4 =	vsel vm12, $0xC06F2DC8, v4;
	v0 =	vsel vm5, $0xC02CBD82, v0  }
0x10: {  	v5 =	vsel vm12, $0xC0E1E420, v5;
	v4 =	vsel vm11, $0xC07C776F, v4;
	v0 =	vsel vm6, $0xC03A0729, v0  }
0x11: {  	v6 =	vsel vm12, $0xC12618AE, v6;
	v4 =	vsel vm10, $0xC084E08C, v4;
	(erf) = vpow2.f32 v0  }
0x12: {  	v5 =	vsel vm11, $0xC0E888F3, v5;
	v6 =	vsel vm11, $0xC1296B18, v6;
	v4 =	vsel vm9, $0xC08B855F, v4  }
0x13: {  	v5 =	vsel vm10, $0xC0EF2DC8, v5;
	v6 =	vsel vm10, $0xC12CBD82, v6;
	v4 =	vsel vm8, $0xC0922A33, v4  }
0x14: {  	v5 =	vsel vm9, $0xC0F5D29B, v5;
	v6 =	vsel vm9, $0xC1300FEB, v6;
	v4 =	vsel vm7, $0xC098CF06, v4  }
0x15: {  	v5 =	vsel vm8, $0xC0FC776F, v5;
	v6 =	vsel vm8, $0xC1336256, v6;
	v4 =	vsel vm4, $0xC09F73DA, v4  }
0x16: {  	v5 =	vsel vm7, $0xC1018E21, v5;
	v6 =	vsel vm7, $0xC136B4BF, v6;
	v4 =	vsel vm0, $0xC0A618AE, v4  }
0x17: {  	v5 =	vsel vm4, $0xC104E08C, v5;
	v6 =	vsel vm4, $0xC13A0729, v6;
	v4 =	vsel vm1, $0xC0ACBD82, v4  }
0x18: {  	v5 =	vsel vm0, $0xC10832F5, v5;
	v6 =	vsel vm0, $0xC13D5992, v6;
	v4 =	vsel vm2, $0xC0B36256, v4  }
0x19: {  	v5 =	vsel vm1, $0xC10B855F, v5;
	v6 =	vsel vm1, $0xC140ABFD, v6;
	v4 =	vsel vm3, $0xC0BA0729, v4  }
0x1a: {  	v5 =	vsel vm2, $0xC10ED7C9, v5;
	v6 =	vsel vm2, $0xC143FE67, v6;
	v4 =	vsel vm5, $0xC0C0ABFD, v4;
	v0 =	vpop (erf)  }
0x1b: {  	v5 =	vsel vm3, $0xC1122A33, v5;
	v4 =	vsel vm6, $0xC0C750D1, v4;
	v1 =	vmul.f32 v0, v0  }
0x1c: {  	(erf) = vpow2.f32 v4;
	v4 =	vsel vm5, $0xC1157C9D, v5;
	v5 =	vsel vm3, $0xC14750D1, v6  }
0x1d: {  	v4 =	vsel vm6, $0xC118CF06, v4;
	v2 =	vmul.f32 $2.755731880e-06, v1;
	v3 =	vmul.f32 $2.755732000e-07, v1  }
0x1e: {  	v5 =	vsel vm5, $0xC14AA33A, v5;
	(erf) = vpow2.f32 v4  }
0x1f: {  	v4 =	vsel vm6, $0xC14DF5A5, v5;
	v2 =	vadd.f32 $-1.984127010e-04, v2;
	v3 =	vsub.f32 $2.480158760e-05, v3  }
0x20: {  	(erf) = vpow2.f32 v4  }
0x21: {  	v2 =	vmul.f32 v2, v1;
	v3 =	vmul.f32 v3, v1;
	_ =	sdelay $0x1  }
0x22: {  	v2 =	vadd.f32 $8.333333770e-03, v2;
	v3 =	vadd.f32 $-1.388888920e-03, v3;
	_ =	sdelay $0x1  }
0x23: {  	v2 =	vmul.f32 v2, v1;
	v3 =	vmul.f32 v3, v1  }
0x24: {  	v4 =	vpop (erf)  }
0x25: {  	v6 =	vpop (erf);
	v2 =	vadd.f32 $-1.666666720e-01, v2;
	v3 =	vadd.f32 $4.166666790e-02, v3  }
0x26: {  	v7 =	vmul.f32 v6, v6  }
0x27: {  	v8 =	vpop (erf);
	v2 =	vmul.f32 v2, v1;
	v3 =	vmul.f32 v3, v1  }
0x28: {  	v5 =	vmul.f32 v4, v4;
	v9 =	vmul.f32 v8, v8  }
0x29: {  	v10 =	vmul.f32 $2.755731880e-06, v7;
	v2 =	vadd.f32 $1.000000000e+00, v2;
	v3 =	vadd.f32 $-5.000000000e-01, v3  }
0x2a: {  	v11 =	vmul.f32 $2.755732000e-07, v7;
	v13 =	vmul.f32 $2.755732000e-07, v9  }
0x2b: {  	v3 =	vmul.f32 v3, v1;
	v0 =	vmul.f32 v2, v0  }
0x2c: {  	v10 =	vadd.f32 $-1.984127010e-04, v10;
	v1 =	vmul.f32 $2.755732000e-07, v5;
	v2 =	vmul.f32 $2.755731880e-06, v5  }
0x2d: {  	v12 =	vmul.f32 $2.755731880e-06, v9;
	v11 =	vsub.f32 $2.480158760e-05, v11;
	v13 =	vsub.f32 $2.480158760e-05, v13  }
0x2e: {  	v10 =	vmul.f32 v10, v7;
	v1 =	vsub.f32 $2.480158760e-05, v1;
	v2 =	vadd.f32 $-1.984127010e-04, v2  }
0x2f: {  	v12 =	vadd.f32 $-1.984127010e-04, v12;
	v11 =	vmul.f32 v11, v7;
	v13 =	vmul.f32 v13, v9  }
0x30: {  	v10 =	vadd.f32 $8.333333770e-03, v10;
	v1 =	vmul.f32 v1, v5;
	v2 =	vmul.f32 v2, v5  }
0x31: {  	v12 =	vmul.f32 v12, v9;
	v11 =	vadd.f32 $-1.388888920e-03, v11;
	v13 =	vadd.f32 $-1.388888920e-03, v13  }
0x32: {  	v10 =	vmul.f32 v10, v7;
	v1 =	vadd.f32 $-1.388888920e-03, v1;
	v2 =	vadd.f32 $8.333333770e-03, v2  }
0x33: {  	v12 =	vadd.f32 $8.333333770e-03, v12;
	v11 =	vmul.f32 v11, v7;
	v13 =	vmul.f32 v13, v9  }
0x34: {  	v10 =	vadd.f32 $-1.666666720e-01, v10;
	v1 =	vmul.f32 v1, v5;
	v2 =	vmul.f32 v2, v5  }
0x35: {  	v12 =	vmul.f32 v12, v9;
	v11 =	vadd.f32 $4.166666790e-02, v11;
	v13 =	vadd.f32 $4.166666790e-02, v13  }
0x36: {  	v10 =	vmul.f32 v10, v7;
	v1 =	vadd.f32 $4.166666790e-02, v1;
	v2 =	vadd.f32 $-1.666666720e-01, v2  }
0x37: {  	v12 =	vadd.f32 $-1.666666720e-01, v12;
	v11 =	vmul.f32 v11, v7;
	v13 =	vmul.f32 v13, v9  }
0x38: {  	v10 =	vadd.f32 $1.000000000e+00, v10;
	v1 =	vmul.f32 v1, v5;
	v2 =	vmul.f32 v2, v5  }
0x39: {  	v12 =	vmul.f32 v12, v9;
	v11 =	vadd.f32 $-5.000000000e-01, v11;
	v13 =	vadd.f32 $-5.000000000e-01, v13  }
0x3a: {  	v1 =	vadd.f32 $-5.000000000e-01, v1;
	v2 =	vadd.f32 $1.000000000e+00, v2  }
0x3b: {  	v12 =	vadd.f32 $1.000000000e+00, v12;
	v7 =	vmul.f32 v11, v7;
	v9 =	vmul.f32 v13, v9  }
0x3c: {  	v5 =	vmul.f32 v1, v5;
	v1 =	vmul.f32 v2, v4;
	v2 =	vadd.f32 $1.000000000e+00, v3  }
0x3d: {  	v3 =	vmul.f32 v10, v6;
	v6 =	vadd.f32 $1.000000000e+00, v7;
	v7 =	vadd.f32 $1.000000000e+00, v9  }
0x3e: {  	v9 =	vmul.f32 v0, v0;
	v4 =	vadd.f32 $1.000000000e+00, v5;
	v5 =	vmul.f32 v12, v8  }
0x3f: {  	v8 =	vmul.f32 v2, v0;
	v10 =	vmul.f32 v2, v2  }
0x40: {  	v13 =	vmul.f32 v1, v1;
	v14 =	vmul.f32 v3, v3  }
0x41: {  	v16 =	vmul.f32 v7, v7;
	v12 =	vmul.f32 v4, v4  }
0x42: {  	v11 =	vmul.f32 v4, v1;
	v8 =	vadd.f32 v8, v8;
	v9 =	vsub.f32 v10, v9  }
0x43: {  	v15 =	vmul.f32 v7, v5;
	v12 =	vsub.f32 v12, v13;
	v13 =	vmul.f32 v6, v6  }
0x44: {  	v10 =	vadd.f32 v11, v11;
	v11 =	vmul.f32 v6, v3;
	v17 =	vmul.f32 v9, v8  }
0x45: {  	v15 =	vadd.f32 v15, v15;
	v13 =	vsub.f32 v13, v14;
	v14 =	vmul.f32 v5, v5  }
0x46: {  	v9 =	vmul.f32 v9, v9;
	v8 =	vmul.f32 v8, v8;
	v11 =	vadd.f32 v11, v11  }
0x47: {  	v14 =	vsub.f32 v16, v14;
	v16 =	vadd.f32 v17, v17;
	v17 =	vmul.f32 v12, v10  }
0x48: {  	v8 =	vsub.f32 v9, v8;
	v9 =	vmul.f32 v12, v12;
	v10 =	vmul.f32 v10, v10  }
0x49: {  	v12 =	vadd.f32 v17, v17;
	v17 =	vmul.f32 v13, v11;
	v13 =	vmul.f32 v13, v13  }
0x4a: {  	v9 =	vsub.f32 v9, v10;
	v10 =	vmul.f32 v11, v11;
	v11 =	vmul.f32 v14, v15  }
0x4b: {  	v14 =	vmul.f32 v14, v14;
	v15 =	vmul.f32 v15, v15  }
0x4c: {  	v17 =	vadd.f32 v17, v17;
	v10 =	vsub.f32 v13, v10;
	v13 =	vmul.f32 v8, v16  }
0x4d: {  	v14 =	vsub.f32 v14, v15;
	v8 =	vmul.f32 v8, v8;
	v15 =	vmul.f32 v16, v16  }
0x4e: {  	v11 =	vadd.f32 v11, v11;
	v16 =	vmul.f32 v9, v12;
	v9 =	vmul.f32 v9, v9  }
0x4f: {  	v12 =	vmul.f32 v12, v12;
	v8 =	vsub.f32 v8, v15;
	v15 =	vmul.f32 v10, v17  }
0x50: {  	v13 =	vadd.f32 v13, v13;
	v10 =	vmul.f32 v10, v10;
	v17 =	vmul.f32 v17, v17  }
0x51: {  	v9 =	vsub.f32 v9, v12;
	v12 =	vadd.f32 v15, v15;
	v15 =	vmul.f32 v14, v11  }
0x52: {  	v16 =	vadd.f32 v16, v16;
	v14 =	vmul.f32 v14, v14;
	v11 =	vmul.f32 v11, v11  }
0x53: {  	v10 =	vsub.f32 v10, v17;
	v17 =	vmul.f32 v8, v13;
	v8 =	vmul.f32 v8, v8  }
0x54: {  	v13 =	vmul.f32 v13, v13;
	v11 =	vsub.f32 v14, v11;
	v14 =	vmul.f32 v9, v16  }
0x55: {  	v15 =	vadd.f32 v15, v15;
	v9 =	vmul.f32 v9, v9;
	v16 =	vmul.f32 v16, v16  }
0x56: {  	v8 =	vsub.f32 v8, v13;
	v13 =	vadd.f32 v14, v14;
	v14 =	vmul.f32 v10, v12  }
0x57: {  	v17 =	vadd.f32 v17, v17;
	v10 =	vmul.f32 v10, v10;
	v12 =	vmul.f32 v12, v12  }
0x58: {  	v9 =	vsub.f32 v9, v16;
	v16 =	vmul.f32 v11, v15;
	v11 =	vmul.f32 v11, v11  }
0x59: {  	v10 =	vsub.f32 v10, v12;
	v12 =	vmul.f32 v15, v15;
	v15 =	vmul.f32 v8, v17  }
0x5a: {  	v14 =	vadd.f32 v14, v14;
	v8 =	vmul.f32 v8, v8;
	v17 =	vmul.f32 v17, v17  }
0x5b: {  	v11 =	vsub.f32 v11, v12;
	v12 =	vadd.f32 v15, v15;
	v15 =	vmul.f32 v9, v13  }
0x5c: {  	v16 =	vadd.f32 v16, v16;
	v9 =	vmul.f32 v9, v9;
	v13 =	vmul.f32 v13, v13  }
0x5d: {  	v8 =	vsub.f32 v8, v17;
	v17 =	vmul.f32 v10, v14;
	v10 =	vmul.f32 v10, v10  }
0x5e: {  	v9 =	vsub.f32 v9, v13;
	v13 =	vmul.f32 v14, v14;
	v14 =	vmul.f32 v11, v16  }
0x5f: {  	v15 =	vadd.f32 v15, v15;
	v11 =	vmul.f32 v11, v11;
	v16 =	vmul.f32 v16, v16  }
0x60: {  	v10 =	vsub.f32 v10, v13;
	v13 =	vadd.f32 v14, v14;
	v14 =	vmul.f32 v8, v12  }
0x61: {  	v17 =	vadd.f32 v17, v17;
	v8 =	vmul.f32 v8, v8;
	v12 =	vmul.f32 v12, v12  }
0x62: {  	v11 =	vsub.f32 v11, v16;
	v16 =	vmul.f32 v9, v15;
	v9 =	vmul.f32 v9, v9  }
0x63: {  	v8 =	vsub.f32 v8, v12;
	v12 =	vmul.f32 v15, v15;
	v15 =	vmul.f32 v10, v17  }
0x64: {  	v14 =	vadd.f32 v14, v14;
	v10 =	vmul.f32 v10, v10;
	v17 =	vmul.f32 v17, v17  }
0x65: {  	v16 =	vadd.f32 v16, v16;
	v9 =	vsub.f32 v9, v12;
	v12 =	vmul.f32 $0.0e+00, v8  }
0x66: {  	v18 =	vmul.f32 $0.0e+00, v14;
	v10 =	vsub.f32 v10, v17;
	v17 =	vmul.f32 v11, v13  }
0x67: {  	v15 =	vadd.f32 v15, v15;
	v11 =	vmul.f32 v11, v11;
	v13 =	vmul.f32 v13, v13  }
0x68: {  	s4 =	srdreg.scid;
	v19 =	vmul.f32 $0.0e+00, v16;
	v24 =	vmul.f32 v8, v14;
	v12 =	vadd.f32 v12, v14  }
0x69: {  	s4 =	sand.u32 $0x1, s4;
	v18 =	vsub.f32 v8, v18;
	v17 =	vadd.f32 v17, v17;
	v20 =	vmul.f32 $0.0e+00, v9  }
0x6a: {  	s5 =	scvt.s32.f32 s4;
	v11 =	vsub.f32 v11, v13;
	v37 =	vmul.f32 $0.0e+00, v15;
	v21 =	vmul.f32 $0.0e+00, v10  }
0x6b: {  	v13 =	vsub.f32 v9, v19;
	v8 =	vmul.f32 v8, v8;
	v14 =	vmul.f32 v14, v14  }
0x6c: {  	v24 =	vadd.f32 v24, v24;
	v38 =	vmul.f32 v10, v15;
	v12 =	vmul.f32 s5, v12  }
0x6d: {  	v18 =	vadd.f32 $-1.000000000e+00, v18;
	v20 =	vadd.f32 v20, v16;
	v22 =	vmul.f32 $0.0e+00, v17  }
0x6e: {  	v23 =	vmul.f32 $0.0e+00, v11;
	v8 =	vsub.f32 v8, v14;
	v14 =	vmul.f32 v9, v16  }
0x6f: {  	v19 =	vsub.f32 v10, v37;
	v9 =	vmul.f32 v9, v9;
	v16 =	vmul.f32 v16, v16  }
0x70: {  	v21 =	vadd.f32 v21, v15;
	v10 =	vmul.f32 v10, v10;
	v15 =	vmul.f32 v15, v15  }
0x71: {  	v13 =	vadd.f32 $-1.000000000e+00, v13;
	v40 =	vmul.f32 v11, v17;
	v55 =	vmul.f32 v24, v24  }
0x72: {  	v12 =	vadd.f32 $0.0e+00, v12;
	v18 =	vmul.f32 s5, v18;
	v20 =	vmul.f32 s5, v20  }
0x73: {  	v13 =	vmul.f32 s5, v13;
	v19 =	vadd.f32 $-1.000000000e+00, v19;
	v22 =	vsub.f32 v11, v22  }
0x74: {  	v21 =	vmul.f32 s5, v21;
	v23 =	vadd.f32 v23, v17;
	v14 =	vadd.f32 v14, v14  }
0x75: {  	v9 =	vsub.f32 v9, v16;
	v11 =	vmul.f32 v11, v11;
	v17 =	vmul.f32 v17, v17  }
0x76: {  	v10 =	vsub.f32 v10, v15;
	v54 =	vmul.f32 v8, v24;
	v18 =	vadd.f32 $1.000000000e+00, v18  }
0x77: {  	v20 =	vadd.f32 $0.0e+00, v20;
	v13 =	vadd.f32 $1.000000000e+00, v13;
	v19 =	vmul.f32 s5, v19  }
0x78: {  	v22 =	vadd.f32 $-1.000000000e+00, v22;
	v23 =	vmul.f32 s5, v23;
	v25 =	vmul.f32 v12, v8  }
0x79: {  	v21 =	vadd.f32 $0.0e+00, v21;
	v28 =	vmul.f32 v12, v24;
	v59 =	vmul.f32 v9, v14  }
0x7a: {  	v11 =	vsub.f32 v11, v17;
	v22 =	vmul.f32 s5, v22;
	v26 =	vmul.f32 v18, v24  }
0x7b: {  	v58 =	vadd.f32 v54, v54;
	v27 =	vmul.f32 v18, v8;
	v41 =	vmul.f32 v13, v14  }
0x7c: {  	v19 =	vadd.f32 $1.000000000e+00, v19;
	v42 =	vmul.f32 v13, v9;
	v43 =	vmul.f32 v20, v14  }
0x7d: {  	v23 =	vadd.f32 $0.0e+00, v23;
	v44 =	vmul.f32 v21, v10;
	v8 =	vmul.f32 v8, v8  }
0x7e: {  	s6 =	stileid.u32;
	v14 =	vmul.f32 v14, v14;
	v16 =	vadd.f32 v26, v25;
	v25 =	vadd.f32 v38, v38  }
0x7f: {  	s14 =	sand.u32 $0x1, s6;
	v22 =	vadd.f32 $1.000000000e+00, v22;
	v39 =	vsub.f32 v27, v28;
	v46 =	vmul.f32 v19, v10  }
0x80: {  	s5 =	scvt.s32.f32 s14;
	v47 =	vmul.f32 v23, v11;
	v16 =	vsub.f32 v16, v12;
	v45 =	vmul.f32 v19, v25  }
0x81: {  	v26 =	vsub.f32 v39, v18;
	v29 =	vmul.f32 v21, v25;
	v30 =	vmul.f32 v22, v11  }
0x82: {  	v8 =	vsub.f32 v8, v55;
	v62 =	vmul.f32 v10, v25;
	v15 =	vmul.f32 s5, v16  }
0x83: {  	v16 =	vadd.f32 v40, v40;
	v17 =	vmul.f32 s5, v26;
	v26 =	vadd.f32 v45, v44  }
0x84: {  	v10 =	vmul.f32 v10, v10;
	v27 =	vsub.f32 v46, v29;
	v63 =	vadd.f32 v62, v62  }
0x85: {  	v12 =	vadd.f32 v15, v12;
	v15 =	vmul.f32 v20, v9;
	v17 =	vadd.f32 v17, v18  }
0x86: {  	v18 =	vsub.f32 v42, v43;
	v48 =	vmul.f32 v22, v16;
	v31 =	vmul.f32 v23, v16  }
0x87: {  	v26 =	vsub.f32 v26, v21;
	v9 =	vmul.f32 v9, v9;
	v33 =	vmul.f32 v11, v16  }
0x88: {  	v27 =	vsub.f32 v27, v19;
	v11 =	vmul.f32 v11, v11;
	v16 =	vmul.f32 v16, v16  }
0x89: {  	v15 =	vadd.f32 v41, v15;
	v18 =	vsub.f32 v18, v13;
	v50 =	vmul.f32 s5, v26  }
0x8a: {  	v28 =	vadd.f32 v48, v47;
	v51 =	vmul.f32 s5, v27;
	v60 =	vmul.f32 v12, v8  }
0x8b: {  	v49 =	vsub.f32 v30, v31;
	v61 =	vmul.f32 v17, v58;
	v30 =	vmul.f32 v25, v25  }
0x8c: {  	v9 =	vsub.f32 v9, v14;
	v31 =	vmul.f32 v17, v8;
	v32 =	vmul.f32 v12, v58  }
0x8d: {  	v24 =	vadd.f32 v33, v33;
	v11 =	vsub.f32 v11, v16;
	v47 =	vmul.f32 v8, v58  }
0x8e: {  	v8 =	vmul.f32 v8, v8;
	v15 =	vsub.f32 v15, v20;
	v52 =	vsub.f32 v28, v23  }
0x8f: {  	v18 =	vmul.f32 s5, v18;
	v53 =	vsub.f32 v49, v22;
	v19 =	vadd.f32 v51, v19  }
0x90: {  	v48 =	vmul.f32 v58, v58;
	v14 =	vadd.f32 v61, v60;
	v10 =	vsub.f32 v10, v30  }
0x91: {  	v15 =	vmul.f32 s5, v15;
	v13 =	vadd.f32 v18, v13;
	v56 =	vmul.f32 s5, v52  }
0x92: {  	s15 =	sshrl.u32 s6, $0x1;
	v57 =	vmul.f32 s5, v53;
	v18 =	vadd.f32 v59, v59;
	v14 =	vsub.f32 v14, v12  }
0x93: {  	s5 =	sand.u32 $0x1, s15;
	v40 =	vmul.f32 v19, v63;
	v55 =	vmul.f32 v10, v63;
	v15 =	vadd.f32 v15, v20  }
0x94: {  	s5 =	scvt.s32.f32 s5;
	v20 =	vadd.f32 v50, v21;
	v35 =	vmul.f32 v13, v18;
	v36 =	vmul.f32 v13, v9  }
0x95: {  	v21 =	vadd.f32 v56, v23;
	v51 =	vmul.f32 v9, v18;
	v23 =	vmul.f32 v63, v63  }
0x96: {  	v22 =	vadd.f32 v57, v22;
	v57 =	vmul.f32 v11, v24;
	v14 =	vmul.f32 s5, v14  }
0x97: {  	v25 =	vsub.f32 v31, v32;
	v34 =	vmul.f32 v15, v9;
	v37 =	vmul.f32 v15, v18  }
0x98: {  	v8 =	vsub.f32 v8, v48;
	v39 =	vmul.f32 v20, v10;
	v41 =	vmul.f32 v20, v63  }
0x99: {  	v25 =	vsub.f32 v25, v17;
	v42 =	vmul.f32 v21, v11;
	v43 =	vmul.f32 v22, v24  }
0x9a: {  	v50 =	vadd.f32 v47, v47;
	v44 =	vmul.f32 v21, v24;
	v9 =	vmul.f32 v9, v9  }
0x9b: {  	v18 =	vmul.f32 v18, v18;
	v58 =	vadd.f32 v57, v57;
	v12 =	vadd.f32 v14, v12  }
0x9c: {  	v14 =	vmul.f32 s5, v25;
	v16 =	vadd.f32 v35, v34;
	v38 =	vsub.f32 v36, v37  }
0x9d: {  	v24 =	vmul.f32 v24, v24;
	v26 =	vadd.f32 v40, v39;
	v28 =	vadd.f32 v43, v42  }
0x9e: {  	v18 =	vsub.f32 v9, v18;
	v42 =	vmul.f32 v8, v50;
	v14 =	vadd.f32 v14, v17  }
0x9f: {  	v17 =	vmul.f32 v19, v10;
	v52 =	vmul.f32 v12, v8;
	v16 =	vsub.f32 v16, v15  }
0xa0: {  	v10 =	vmul.f32 v10, v10;
	v25 =	vsub.f32 v38, v13;
	v26 =	vsub.f32 v26, v20  }
0xa1: {  	v46 =	vsub.f32 v28, v21;
	v28 =	vmul.f32 v12, v50;
	v53 =	vmul.f32 v14, v50  }
0xa2: {  	v17 =	vsub.f32 v17, v41;
	v54 =	vmul.f32 v14, v8;
	v16 =	vmul.f32 s5, v16  }
0xa3: {  	v10 =	vsub.f32 v10, v23;
	v8 =	vmul.f32 v8, v8;
	v23 =	vmul.f32 v58, v58  }
0xa4: {  	v25 =	vmul.f32 s5, v25;
	v15 =	vadd.f32 v16, v15;
	v16 =	vmul.f32 v22, v11  }
0xa5: {  	v45 =	vmul.f32 s5, v26;
	v17 =	vsub.f32 v17, v19;
	v9 =	vadd.f32 v53, v52  }
0xa6: {  	v49 =	vmul.f32 s5, v46;
	v56 =	vsub.f32 v54, v28;
	v16 =	vsub.f32 v16, v44  }
0xa7: {  	v13 =	vadd.f32 v25, v13;
	v25 =	vadd.f32 v51, v51;
	v17 =	vmul.f32 s5, v17  }
0xa8: {  	v20 =	vadd.f32 v45, v20;
	v11 =	vmul.f32 v11, v11;
	v16 =	vsub.f32 v16, v22  }
0xa9: {  	v59 =	vmul.f32 v15, v18;
	v60 =	vmul.f32 v13, v25;
	v17 =	vadd.f32 v17, v19  }
0xaa: {  	s16 =	sshrl.u32 s6, $0x2;
	v19 =	vadd.f32 v49, v21;
	v21 =	vadd.f32 v55, v55;
	v16 =	vmul.f32 s5, v16  }
0xab: {  	v9 =	vsub.f32 v9, v12;
	v61 =	vmul.f32 v15, v25;
	v62 =	vmul.f32 v20, v10;
	s5 =	sand.u32 $0x1, s16  }
0xac: {  	v63 =	vmul.f32 v17, v21;
	s5 =	scvt.s32.f32 s5;
	v16 =	vadd.f32 v16, v22;
	v22 =	vsub.f32 v56, v14  }
0xad: {  	v11 =	vsub.f32 v11, v24;
	v32 =	vmul.f32 v17, v10;
	v33 =	vmul.f32 v20, v21  }
0xae: {  	v9 =	vmul.f32 s5, v9;
	v22 =	vmul.f32 s5, v22  }
0xaf: {  	v45 =	vadd.f32 v42, v42;
	v34 =	vmul.f32 v19, v11;
	v49 =	vmul.f32 v10, v21  }
0xb0: {  	v12 =	vadd.f32 v9, v12;
	v9 =	vadd.f32 v22, v14;
	v14 =	vmul.f32 v13, v18  }
0xb1: {  	v24 =	vadd.f32 v60, v59;
	v10 =	vmul.f32 v10, v10;
	v21 =	vmul.f32 v21, v21  }
0xb2: {  	v37 =	vmul.f32 v19, v58;
	v27 =	vadd.f32 v63, v62;
	v14 =	vsub.f32 v14, v61  }
0xb3: {  	v24 =	vsub.f32 v24, v15;
	v10 =	vsub.f32 v10, v21;
	v35 =	vmul.f32 v16, v58  }
0xb4: {  	v27 =	vsub.f32 v27, v20;
	v36 =	vmul.f32 v16, v11;
	v14 =	vsub.f32 v14, v13  }
0xb5: {  	v46 =	vmul.f32 v25, v25;
	v22 =	vsub.f32 v32, v33;
	v28 =	vadd.f32 v35, v34  }
0xb6: {  	v24 =	vmul.f32 s5, v24;
	v38 =	vsub.f32 v36, v37;
	v14 =	vmul.f32 s5, v14  }
0xb7: {  	v39 =	vmul.f32 s5, v27;
	v22 =	vsub.f32 v22, v17;
	v40 =	vsub.f32 v28, v19  }
0xb8: {  	v41 =	vsub.f32 v38, v16;
	v13 =	vadd.f32 v14, v13;
	v14 =	vmul.f32 v50, v50  }
0xb9: {  	v15 =	vadd.f32 v24, v15;
	v22 =	vmul.f32 s5, v22;
	v43 =	vmul.f32 s5, v40  }
0xba: {  	v48 =	vmul.f32 v9, v45;
	v44 =	vmul.f32 s5, v41;
	v8 =	vsub.f32 v8, v14  }
0xbb: {  	v17 =	vadd.f32 v22, v17;
	v19 =	vadd.f32 v43, v19;
	v50 =	vmul.f32 v11, v58  }
0xbc: {  	v16 =	vadd.f32 v44, v16;
	v11 =	vmul.f32 v11, v11;
	v47 =	vmul.f32 v12, v8  }
0xbd: {  	v22 =	vadd.f32 v49, v49;
	v14 =	vmul.f32 v18, v25;
	v18 =	vmul.f32 v18, v18  }
0xbe: {  	v51 =	vmul.f32 v12, v45;
	v11 =	vsub.f32 v11, v23;
	v24 =	vadd.f32 v48, v47  }
0xbf: {  	s17 =	sshll.u32 s6, $0x1;
	s6 =	sshrl.u32 s6, $0x3;
	v57 =	vmul.f32 v17, v22;
	v25 =	vadd.f32 v50, v50;
	v18 =	vsub.f32 v18, v46  }
0xc0: {  	s18 =	scvt.s32.f32 s6;
	v8 =	vmul.f32 v9, v8;
	v58 =	vmul.f32 v19, v11;
	v24 =	vsub.f32 v24, v12  }
0xc1: {  	s19 =	simm.s32 $0xC0;
	s20 =	simm.s32 $0x1;
	v14 =	vadd.f32 v14, v14;
	v59 =	vmul.f32 v16, v25;
	v11 =	vmul.f32 v16, v11  }
0xc2: {  	s21 =	simm.s32 $0x20;
	s28 =	simm.s32 $0x4100;
	s30 =	simm.s32 $0x5100;
	v20 =	vadd.f32 v39, v20;
	v60 =	vmul.f32 v19, v25;
	v52 =	vmul.f32 s18, v24  }
0xc3: {  	s31 =	simm.s32 $0x6100;
	s29 =	simm.s32 $0x3;
	s7 =	sor.u32 s4, s17;
	v21 =	vsub.f32 v8, v51;
	v53 =	vmul.f32 v15, v18;
	v54 =	vmul.f32 v13, v14  }
0xc4: {  	s8 =	sshll.u32 s4, $0x6;
	s4 =	ssub.s32 $0x2, s4;
	s22 =	sshll.u32 s7, $0x8;
	v14 =	vmul.f32 v15, v14;
	v8 =	vadd.f32 v52, v12;
	v12 =	vmul.f32 v13, v18  }
0xc5: {  	s10 =	sshrl.u32 s4, $0x1;
	s9 =	sand.u32 $0x1E00, s22;
	s6 =	sor.u32 s8, s22;
	v22 =	vmul.f32 v20, v22;
	v61 =	vadd.f32 v59, v58;
	v11 =	vsub.f32 v11, v60  }
0xc6: {  	s7 =	sshll.u32 s7, $0xA;
	s9 =	sor.u32 s8, s9;
	s6 =	sshrl.u32 s6, $0x3;
	v56 =	vadd.f32 v54, v53;
	v12 =	vsub.f32 v12, v14;
	v14 =	vmul.f32 v20, v10  }
0xc7: {  	s22 =	simm.s32 $0x100;
	s9 =	sshrl.u32 s9, $0x3;
	s24 =	sor.u32 $0x20, s6;
	v55 =	vsub.f32 v21, v9;
	v11 =	vsub.f32 v11, v16;
	v10 =	vmul.f32 v17, v10  }
0xc8: {  	s25 =	sor.u32 $0x30, s6;
	s6 =	sadd.s32 s3, s7;
	s3 =	simm.s32 $0x7100;
	v21 =	vsub.f32 v56, v15;
	v14 =	vadd.f32 v57, v14  }
0xc9: {  	s26 =	sadd.s32 s0, s24;
	s8 =	sadd.s32 s0, s25;
	s11 =	sadd.s32 $0x18000, s6;
	v63 =	vmul.f32 s18, v11;
	v12 =	vsub.f32 v12, v13;
	v10 =	vsub.f32 v10, v22  }
0xca: {  	s12 =	sadd.s32 $0x200, s6;
	s13 =	sadd.s32 $0x8200, s6;
	s24 =	simm.s32 $0x2100;
	v18 =	vmul.f32 s18, v55;
	v22 =	vsub.f32 v61, v19;
	v14 =	vsub.f32 v14, v20  }
0xcb: {  	s25 =	simm.s32 $0x2;
	[dreg:$0x5] =	wrdreg s26;
	s26 =	simm.s32 $0x3100;
	v21 =	vmul.f32 s18, v21;
	v10 =	vsub.f32 v10, v17;
	v12 =	vmul.f32 s18, v12  }
0xcc: {  	s14 =	sadd.s32 $0x10200, s6;
	s15 =	sadd.s32 $0x18200, s6;
	s16 =	ssub.s32 s4, s10;
	v9 =	vadd.f32 v18, v9;
	v22 =	vmul.f32 s18, v22;
	v14 =	vmul.f32 s18, v14  }
0xcd: {  	s4 =	sadd.s32 s0, s9;
	s9 =	sadd.s32 $0x8000, s6;
	s10 =	sadd.s32 $0x10000, s6;
	v62 =	vmul.f32 s18, v10;
	v10 =	vadd.f32 v21, v15;
	v11 =	vadd.f32 v12, v13  }
0xce: {  	s0 =	simm.s32 $0x4;
	s23 =	sadd.s32 $0x10, s4;
	s16 =	smax.u32 s16, $0x1;
	v15 =	vadd.f32 v63, v16;
	v12 =	vadd.f32 v14, v20  }
0xcf: {  	[dreg:$0x4] =	wrdreg s23;
	s23 =	simm.s32 $0x1100;
	s5 =	simm.s32 $0x0;
	v13 =	vadd.f32 v62, v17;
	v14 =	vadd.f32 v22, v19  }
.LBB2_1:
0xd0: {  	[tilespmem:s2], [sflag:$0x1] =	stream.linear.gather [hbm4b:s4+s2], $0x40, $0x38;
	[tilespmem:$0x8100] =	vst v63  }
0xd1: {  	s7 =	rddreg [dreg:$0x4];
	s17 =	simm.s32 $0x40  }
0xd2: {  	[tilespmem:s17], [sflag:$0x1] =	stream.linear.gather [hbm4b:s7+s2], $0x40, $0x38;
	[tilespmem:$0x8100] =	vst v63  }
0xd3: {  	s18 =	simm.s32 $0x80;
	s7 =	rddreg [dreg:$0x5]  }
0xd4: {  	[tilespmem:s18], [sflag:$0x1] =	stream.linear.gather [hbm4b:s7+s2], $0x40, $0x38;
	[tilespmem:$0x8100] =	vst v63  }
0xd5: {  	_ = 	snop  }
0xd6: {  	[tilespmem:s19], [sflag:$0x1] =	stream.linear.gather [hbm4b:s8+s2], $0x40, $0x38;
	[tilespmem:$0x8100] =	vst v63  }
0xd7: {  	_ =	swait.ge [sflag:s20], $0x40  }
0xd8: {  	[sflag:s20] =	ssyncset.done $0x0  }
0xd9: {  	[sflag:s20] =	ssyncadd.s32 $0xFFFFFFC0  }
0xda: {  	_ =	swait.ge [sflag:s20], $0x40  }
0xdb: {  	[sflag:s20] =	ssyncset.done $0x0  }
0xdc: {  	[sflag:s20] =	ssyncadd.s32 $0xFFFFFFC0  }
0xdd: {  	_ =	swait.ge [sflag:s20], $0x40  }
0xde: {  	[sflag:s20] =	ssyncset.done $0x0  }
0xdf: {  	[sflag:s20] =	ssyncadd.s32 $0xFFFFFFC0  }
0xe0: {  	_ =	swait.ge [sflag:s20], $0x40  }
0xe1: {  	[sflag:s20] =	ssyncset.done $0x0  }
0xe2: {  	[sflag:s20] =	ssyncadd.s32 $0xFFFFFFC0  }
0xe3: {  	[tilespmem:s22], [sflag:$0x2] =	stream.indirect.gather [hbm4b:s1+s21], $0x80, s2, s21, $0xb8;
	[tilespmem:$0x8100] =	vst v63  }
0xe4: {  	_ = 	snop  }
0xe5: {  	[tilespmem:s23], [sflag:$0x3] =	stream.indirect.gather [hbm4b:s1+s21], $0x80, s21, s21, $0xb8;
	[tilespmem:$0x8100] =	vst v63  }
0xe6: {  	_ = 	snop  }
0xe7: {  	[tilespmem:s24], [sflag:$0x2] =	stream.indirect.gather [hbm4b:s1+s21], $0x80, s17, s21, $0xb8;
	[tilespmem:$0x8100] =	vst v63  }
0xe8: {  	s17 =	simm.s32 $0x60  }
0xe9: {  	[tilespmem:s26], [sflag:$0x3] =	stream.indirect.gather [hbm4b:s1+s21], $0x80, s17, s21, $0xb8;
	[tilespmem:$0x8100] =	vst v63  }
0xea: {  	_ = 	snop  }
0xeb: {  	[tilespmem:s28], [sflag:$0x2] =	stream.indirect.gather [hbm4b:s1+s21], $0x80, s18, s21, $0xb8;
	[tilespmem:$0x8100] =	vst v63  }
0xec: {  	s17 =	simm.s32 $0xA0  }
0xed: {  	[tilespmem:s30], [sflag:$0x3] =	stream.indirect.gather [hbm4b:s1+s21], $0x80, s17, s21, $0xb8;
	[tilespmem:$0x8100] =	vst v63  }
0xee: {  	_ = 	snop  }
0xef: {  	[tilespmem:s31], [sflag:$0x2] =	stream.indirect.gather [hbm4b:s1+s21], $0x80, s19, s21, $0xb8;
	[tilespmem:$0x8100] =	vst v63  }
0xf0: {  	s18 =	simm.s32 $0xE0  }
0xf1: {  	[tilespmem:s3], [sflag:$0x3] =	stream.indirect.gather [hbm4b:s1+s21], $0x80, s18, s21, $0xb8;
	[tilespmem:$0x8100] =	vst v63  }
0xf2: {  	_ =	swait.ge [sflag:s25], $0x1000  }
0xf3: {  	[sflag:s25] =	ssyncset.done $0x0  }
0xf4: {  	[sflag:s25] =	ssyncadd.s32 $0xFFFFF000  }
0xf5: {  	_ =	swait.ge [sflag:s25], $0x1000  }
0xf6: {  	[sflag:s25] =	ssyncset.done $0x0  }
0xf7: {  	[sflag:s25] =	ssyncadd.s32 $0xFFFFF000  }
0xf8: {  	_ =	swait.ge [sflag:s25], $0x1000  }
0xf9: {  	[sflag:s25] =	ssyncset.done $0x0  }
0xfa: {  	[sflag:s25] =	ssyncadd.s32 $0xFFFFF000  }
0xfb: {  	_ =	swait.ge [sflag:s25], $0x1000  }
0xfc: {  	[sflag:s25] =	ssyncset.done $0x0  }
0xfd: {  	s17 =	simm.s32 $0x0;
	[sflag:s25] =	ssyncadd.s32 $0xFFFFF000  }
0xfe: {  	v16 =	vld [tilespmem:s17+$0x170]  }
0xff: {  	v19 =	vld [tilespmem:s17+$0x120]  }
0x100: {  	v18 =	vld [tilespmem:s17+$0x160]  }
0x101: {  	v17 =	vld [tilespmem:s17+$0x130]  }
0x102: {  	v20 =	vld [tilespmem:s17+$0x150]  }
0x103: {  	v22 =	vld [tilespmem:s17+$0x110]  }
0x104: {  	v21 =	vld [tilespmem:s17+$0x61B0];
	v19 =	vmul.f32 $1.131370830e+01, v19  }
0x105: {  	v23 =	vld [tilespmem:s17+$0x140];
	v18 =	vmul.f32 $1.131370830e+01, v18  }
0x106: {  	v24 =	vld [tilespmem:s17+$0x2100];
	v17 =	vmul.f32 $1.131370830e+01, v17;
	v19 =	vadd.f32 v19, v12  }
0x107: {  	v25 =	vld [tilespmem:s17+$0x2140];
	v20 =	vmul.f32 $1.131370830e+01, v20;
	v18 =	vadd.f32 v18, v13  }
0x108: {  	v27 =	vld [tilespmem:s17+$0x2110];
	v22 =	vmul.f32 $1.131370830e+01, v22;
	v17 =	vadd.f32 v17, v14;
	[tilespmem:s17+$0x120] =	vst v19  }
0x109: {  	v16 =	vmul.f32 $1.131370830e+01, v16;
	v20 =	vadd.f32 v20, v11;
	v19 =	vld [tilespmem:s17+$0x2160];
	[tilespmem:s17+$0x160] =	vst v18  }
0x10a: {  	v26 =	vmul.f32 v15, v5;
	v22 =	vadd.f32 v22, v10;
	v18 =	vld [tilespmem:s17+$0x2170];
	[tilespmem:s17+$0x130] =	vst v17;
	v17 =	vmul.f32 v14, v7  }
0x10b: {  	v16 =	vadd.f32 v16, v15;
	[tilespmem:s17+$0x150] =	vst v20;
	v20 =	vld [tilespmem:s17+$0x4140]  }
0x10c: {  	[tilespmem:s17+$0x110] =	vst v22;
	v22 =	vld [tilespmem:s17+$0x4110];
	v26 =	vadd.f32 v26, v17;
	v17 =	vmul.f32 $1.131370830e+01, v21  }
0x10d: {  	[tilespmem:s17+$0x170] =	vst v16;
	v16 =	vld [tilespmem:s17+$0x4160];
	v21 =	vmul.f32 $1.131370830e+01, v23  }
0x10e: {  	v28 =	vld [tilespmem:s17+$0x2150];
	v17 =	vadd.f32 v17, v26;
	v19 =	vmul.f32 $1.131370830e+01, v19  }
0x10f: {  	v29 =	vld [tilespmem:s17+$0x2120];
	v21 =	vadd.f32 v21, v9;
	v18 =	vmul.f32 $1.131370830e+01, v18  }
0x110: {  	v30 =	vld [tilespmem:s17+$0x2130];
	v20 =	vmul.f32 $1.131370830e+01, v20;
	[tilespmem:s17+$0x61B0] =	vst v17;
	v19 =	vadd.f32 v19, v13  }
0x111: {  	v31 =	vld [tilespmem:s17+$0x4100];
	v22 =	vmul.f32 $1.131370830e+01, v22;
	[tilespmem:s17+$0x140] =	vst v21;
	v18 =	vadd.f32 v18, v15  }
0x112: {  	v37 =	vld [tilespmem:s17+$0x21B0];
	v16 =	vmul.f32 $1.131370830e+01, v16;
	v20 =	vadd.f32 v20, v9;
	[tilespmem:s17+$0x2160] =	vst v19  }
0x113: {  	v23 =	vld [tilespmem:s17+$0x4150];
	v17 =	vmul.f32 $1.131370830e+01, v24;
	v24 =	vmul.f32 $1.131370830e+01, v25;
	v22 =	vadd.f32 v22, v10;
	[tilespmem:s17+$0x2170] =	vst v18  }
0x114: {  	v21 =	vld [tilespmem:s17+$0x4120];
	v16 =	vadd.f32 v16, v13;
	[tilespmem:s17+$0x4140] =	vst v20  }
0x115: {  	v25 =	vmul.f32 $1.131370830e+01, v27;
	v27 =	vmul.f32 $1.131370830e+01, v28;
	v24 =	vadd.f32 v24, v9;
	v19 =	vld [tilespmem:s17+$0x6150];
	[tilespmem:s17+$0x4110] =	vst v22  }
0x116: {  	v17 =	vadd.f32 v17, v8;
	v18 =	vld [tilespmem:s17+$0x6160];
	[tilespmem:s17+$0x4160] =	vst v16  }
0x117: {  	v28 =	vmul.f32 $1.131370830e+01, v29;
	v27 =	vadd.f32 v27, v11;
	[tilespmem:s17+$0x2140] =	vst v24;
	v24 =	vld [tilespmem:s17+$0x4170]  }
0x118: {  	v29 =	vmul.f32 $1.131370830e+01, v30;
	v25 =	vadd.f32 v25, v10;
	[tilespmem:s17+$0x2100] =	vst v17;
	v17 =	vld [tilespmem:s17+$0x4130]  }
0x119: {  	v30 =	vmul.f32 $1.131370830e+01, v31;
	v28 =	vadd.f32 v28, v12;
	[tilespmem:s17+$0x2150] =	vst v27;
	v27 =	vld [tilespmem:s17+$0x6140]  }
0x11a: {  	v23 =	vmul.f32 $1.131370830e+01, v23;
	v29 =	vadd.f32 v29, v14;
	v20 =	vld [tilespmem:s17+$0x6170];
	[tilespmem:s17+$0x2110] =	vst v25  }
0x11b: {  	v30 =	vadd.f32 v30, v8;
	[tilespmem:s17+$0x2120] =	vst v28;
	v28 =	vld [tilespmem:s17+$0x6110];
	v21 =	vmul.f32 $1.131370830e+01, v21  }
0x11c: {  	v23 =	vadd.f32 v23, v11;
	v22 =	vld [tilespmem:s17+$0x180];
	[tilespmem:s17+$0x2130] =	vst v29;
	v24 =	vmul.f32 $1.131370830e+01, v24  }
0x11d: {  	v34 =	vmul.f32 v9, v2;
	v29 =	vld [tilespmem:s17+$0x6120];
	[tilespmem:s17+$0x4100] =	vst v30;
	v21 =	vadd.f32 v21, v12;
	v17 =	vmul.f32 $1.131370830e+01, v17  }
0x11e: {  	v56 =	vmul.f32 v11, v1;
	v16 =	vld [tilespmem:s17+$0x1D0];
	[tilespmem:s17+$0x4150] =	vst v23;
	v27 =	vmul.f32 $1.131370830e+01, v27;
	v24 =	vadd.f32 v24, v15  }
0x11f: {  	v37 =	vmul.f32 $1.131370830e+01, v37;
	v25 =	vld [tilespmem:s17+$0x6100];
	v18 =	vmul.f32 $1.131370830e+01, v18;
	[tilespmem:s17+$0x4120] =	vst v21;
	v17 =	vadd.f32 v17, v14  }
0x120: {  	v59 =	vmul.f32 v26, v5;
	v30 =	vld [tilespmem:s17+$0x6130];
	v27 =	vadd.f32 v27, v9;
	[tilespmem:s17+$0x4170] =	vst v24;
	v24 =	vmul.f32 $1.131370830e+01, v28  }
0x121: {  	v43 =	vmul.f32 v26, v7;
	v20 =	vmul.f32 $1.131370830e+01, v20;
	v21 =	vld [tilespmem:s17+$0x190];
	v18 =	vadd.f32 v18, v13;
	[tilespmem:s17+$0x4130] =	vst v17  }
0x122: {  	v19 =	vmul.f32 $1.131370830e+01, v19;
	v17 =	vld [tilespmem:s17+$0x1A0];
	[tilespmem:s17+$0x6140] =	vst v27;
	v27 =	vmul.f32 $1.131370830e+01, v29;
	v24 =	vadd.f32 v24, v10  }
0x123: {  	v57 =	vld [tilespmem:s17+$0x21E0];
	v22 =	vmul.f32 $1.131370830e+01, v22;
	v16 =	vmul.f32 $1.131370830e+01, v16;
	v20 =	vadd.f32 v20, v15;
	[tilespmem:s17+$0x6160] =	vst v18  }
0x124: {  	v23 =	vld [tilespmem:s17+$0x1C0];
	v25 =	vmul.f32 $1.131370830e+01, v25;
	v18 =	vmul.f32 v8, v0;
	[tilespmem:s17+$0x6110] =	vst v24;
	v24 =	vadd.f32 v27, v12  }
0x125: {  	v41 =	vld [tilespmem:s17+$0x41E0];
	[tilespmem:s17+$0x6170] =	vst v20;
	v20 =	vmul.f32 v10, v1;
	v28 =	vmul.f32 v9, v0  }
0x126: {  	v19 =	vadd.f32 v19, v11;
	v27 =	vmul.f32 $1.131370830e+01, v30;
	[tilespmem:s17+$0x6120] =	vst v24;
	v24 =	vmul.f32 v8, v2  }
0x127: {  	v25 =	vadd.f32 v25, v8;
	v21 =	vmul.f32 $1.131370830e+01, v21;
	v17 =	vmul.f32 $1.131370830e+01, v17  }
0x128: {  	v40 =	vld [tilespmem:s17+$0x4190];
	v33 =	vadd.f32 v27, v14;
	v27 =	vadd.f32 v28, v24;
	v24 =	vmul.f32 v10, v4  }
0x129: {  	v28 =	vsub.f32 v34, v18;
	v18 =	vmul.f32 $1.131370830e+01, v23;
	v23 =	vmul.f32 v11, v4  }
0x12a: {  	v34 =	vmul.f32 $1.131370830e+01, v57;
	v57 =	vmul.f32 $1.131370830e+01, v41;
	v22 =	vadd.f32 v22, v27  }
0x12b: {  	v31 =	vld [tilespmem:s17+$0x1E0];
	[tilespmem:s17+$0x6130] =	vst v33;
	v33 =	vadd.f32 v56, v24;
	v24 =	vmul.f32 v12, v6;
	v45 =	vmul.f32 v28, v0  }
0x12c: {  	[tilespmem:s17+$0x6100] =	vst v25;
	v25 =	vld [tilespmem:s17+$0x1B0];
	v18 =	vadd.f32 v18, v28;
	v47 =	vmul.f32 v27, v0;
	v48 =	vmul.f32 v27, v2  }
0x12d: {  	v38 =	vsub.f32 v23, v20;
	v23 =	vld [tilespmem:s17+$0x21F0];
	v56 =	vmul.f32 $1.131370830e+01, v40;
	[tilespmem:s17+$0x180] =	vst v22;
	v22 =	vmul.f32 v13, v3  }
0x12e: {  	v32 =	vld [tilespmem:s17+$0x1F0];
	v20 =	vadd.f32 v21, v33;
	[tilespmem:s17+$0x1C0] =	vst v18;
	v18 =	vmul.f32 v13, v6;
	v21 =	vmul.f32 v12, v3  }
0x12f: {  	v16 =	vadd.f32 v16, v38;
	v44 =	vmul.f32 v33, v1;
	v60 =	vmul.f32 v33, v4  }
0x130: {  	v58 =	vld [tilespmem:s17+$0x41D0];
	v39 =	vadd.f32 v22, v24;
	[tilespmem:s17+$0x190] =	vst v20;
	v24 =	vsub.f32 v18, v21;
	v18 =	vmul.f32 $1.131370830e+01, v31  }
0x131: {  	v29 =	vld [tilespmem:s17+$0x2180];
	[tilespmem:s17+$0x1D0] =	vst v16;
	v16 =	vmul.f32 v14, v5;
	v20 =	vmul.f32 v15, v7  }
0x132: {  	v37 =	vadd.f32 v37, v26;
	[tilespmem:s17+$0x6150] =	vst v19;
	v19 =	vld [tilespmem:s17+$0x21C0];
	v21 =	vmul.f32 $1.131370830e+01, v25;
	v23 =	vmul.f32 $1.131370830e+01, v23  }
0x133: {  	v22 =	vld [tilespmem:s17+$0x4180];
	v17 =	vadd.f32 v17, v39;
	v25 =	vsub.f32 v20, v16;
	v16 =	vmul.f32 $1.131370830e+01, v32  }
0x134: {  	[tilespmem:s17+$0x21B0] =	vst v37;
	v31 =	vld [tilespmem:s17+$0x41C0];
	v18 =	vadd.f32 v18, v24;
	v20 =	vmul.f32 v38, v1;
	v61 =	vmul.f32 v39, v6  }
0x135: {  	v30 =	vld [tilespmem:s17+$0x2190];
	v34 =	vadd.f32 v34, v24;
	v62 =	vmul.f32 v39, v3;
	v32 =	vmul.f32 $1.131370830e+01, v58;
	[tilespmem:s17+$0x1A0] =	vst v17  }
0x136: {  	v35 =	vld [tilespmem:s17+$0x21D0];
	v37 =	vadd.f32 v57, v24;
	v17 =	vadd.f32 v21, v26;
	[tilespmem:s17+$0x1E0] =	vst v18;
	v18 =	vmul.f32 $1.131370830e+01, v29  }
0x137: {  	v54 =	vld [tilespmem:s17+$0x61A0];
	v16 =	vadd.f32 v16, v25;
	v21 =	vmul.f32 v24, v6;
	v20 =	vadd.f32 v20, v60  }
0x138: {  	v50 =	vld [tilespmem:s17+$0x100];
	[tilespmem:s17+$0x21E0] =	vst v34;
	v63 =	vmul.f32 v25, v5;
	v52 =	vmul.f32 v25, v7;
	v53 =	vadd.f32 v23, v25  }
0x139: {  	v36 =	vld [tilespmem:s17+$0x21A0];
	v32 =	vadd.f32 v32, v38;
	v22 =	vmul.f32 $1.131370830e+01, v22;
	v31 =	vmul.f32 $1.131370830e+01, v31;
	[tilespmem:s17+$0x1B0] =	vst v17  }
0x13a: {  	v29 =	vld [tilespmem:s17+$0x41A0];
	v17 =	vmul.f32 $1.131370830e+01, v19;
	v18 =	vadd.f32 v18, v27;
	[tilespmem:s17+$0x1F0] =	vst v16;
	v16 =	vmul.f32 $1.131370830e+01, v30  }
0x13b: {  	v46 =	vld [tilespmem:s17+$0x61C0];
	[tilespmem:s17+$0x41E0] =	vst v37;
	v19 =	vmul.f32 $1.131370830e+01, v35;
	v21 =	vsub.f32 v21, v62;
	v23 =	vadd.f32 v63, v43  }
0x13c: {  	v30 =	vld [tilespmem:s17+$0x41B0];
	v35 =	vadd.f32 v56, v33;
	[tilespmem:s17+$0x41D0] =	vst v32;
	v62 =	vmul.f32 $1.131370830e+01, v54;
	v17 =	vadd.f32 v17, v28  }
0x13d: {  	v42 =	vld [tilespmem:s17+$0x41F0];
	v63 =	vmul.f32 $1.131370830e+01, v50;
	v55 =	vadd.f32 v22, v27;
	v31 =	vadd.f32 v31, v28;
	[tilespmem:s17+$0x2180] =	vst v18  }
0x13e: {  	v22 =	vsub.f32 v52, v59;
	v16 =	vadd.f32 v16, v33;
	[tilespmem:s17+$0x21C0] =	vst v17;
	v17 =	vmul.f32 $1.131370830e+01, v36;
	v36 =	vld [tilespmem:s17+$0x6180]  }
0x13f: {  	v49 =	vld [tilespmem:s17+$0x6190];
	v18 =	vmul.f32 v24, v3;
	v19 =	vadd.f32 v19, v38;
	v29 =	vmul.f32 $1.131370830e+01, v29;
	[tilespmem:s17+$0x41C0] =	vst v31  }
0x140: {  	v34 =	vld [tilespmem:s17+$0x61D0];
	v32 =	vadd.f32 v63, v8;
	v31 =	vmul.f32 $1.131370830e+01, v46;
	[tilespmem:s17+$0x2190] =	vst v16;
	v16 =	vmul.f32 v38, v4  }
0x141: {  	v58 =	vld [tilespmem:s17+$0x61E0];
	[tilespmem:s17+$0x21D0] =	vst v19;
	v19 =	vmul.f32 v28, v2;
	v18 =	vadd.f32 v18, v61;
	v30 =	vmul.f32 $1.131370830e+01, v30  }
0x142: {  	v60 =	vld [tilespmem:s17+$0x61F0];
	[tilespmem:s17+$0x21F0] =	vst v53;
	v59 =	vadd.f32 v29, v39;
	v29 =	vmul.f32 $1.131370830e+01, v42;
	v31 =	vadd.f32 v31, v28  }
0x143: {  	[tilespmem:s17+$0x4190] =	vst v35;
	v17 =	vadd.f32 v17, v39;
	v26 =	vadd.f32 v30, v26;
	v30 =	vmul.f32 $1.131370830e+01, v36  }
0x144: {  	[tilespmem:s17+$0x4180] =	vst v55;
	v61 =	vmul.f32 $1.131370830e+01, v49;
	v19 =	vsub.f32 v19, v47;
	v29 =	vadd.f32 v29, v25  }
0x145: {  	[tilespmem:s17+$0x21A0] =	vst v17;
	v17 =	vsub.f32 v16, v44;
	v30 =	vadd.f32 v30, v27;
	v27 =	vmul.f32 $1.131370830e+01, v34  }
0x146: {  	[tilespmem:s17+$0x41A0] =	vst v59;
	v16 =	vadd.f32 v45, v48;
	v34 =	vadd.f32 v61, v33;
	v33 =	vmul.f32 $1.131370830e+01, v58  }
0x147: {  	s18 =	simm.s32 $0x400;
	v35 =	vmul.f32 $1.131370830e+01, v60;
	[tilespmem:s17+$0x41B0] =	vst v26;
	v28 =	vadd.f32 v27, v38;
	v27 =	vadd.f32 v62, v39  }
.LBB2_2:
0x148: {  	s7 =	sshra.s32 s18, $0x2;
	p0 =	sne.s32 s18, $0x3C00;
	s18 =	sadd.s32 $0x400, s18;
	[tilespmem:s17+$0x41F0] =	vst v29;
	v29 =	vadd.f32 v33, v24;
	v26 =	vmov v16  }
0x149: {  	v33 =	vld [tilespmem:s7+$0x170];
	[tilespmem:s17+$0x6180] =	vst v30;
	v24 =	vadd.f32 v35, v25  }
0x14a: {  	v25 =	vld [tilespmem:s7+$0x130];
	[tilespmem:s17+$0x61C0] =	vst v31  }
0x14b: {  	v30 =	vld [tilespmem:s7+$0x160];
	[tilespmem:s17+$0x6190] =	vst v34  }
0x14c: {  	v34 =	vld [tilespmem:s7+$0x120];
	[tilespmem:s17+$0x61F0] =	vst v24  }
0x14d: {  	v31 =	vmul.f32 v18, v3;
	v24 =	vmul.f32 v21, v6;
	v35 =	vld [tilespmem:s7+$0x150];
	[tilespmem:s17+$0x61D0] =	vst v28  }
0x14e: {  	v28 =	vld [tilespmem:s7+$0x61B0];
	[tilespmem:s17+$0x100] =	vst v32  }
0x14f: {  	v36 =	vmul.f32 v21, v3;
	v37 =	vmul.f32 v23, v5;
	v24 =	vsub.f32 v24, v31;
	v32 =	vld [tilespmem:s7+$0x110];
	[tilespmem:s17+$0x61E0] =	vst v29  }
0x150: {  	v39 =	vmul.f32 v23, v7;
	v40 =	vmul.f32 v22, v5;
	v38 =	vld [tilespmem:s7+$0x140];
	[tilespmem:s17+$0x61A0] =	vst v27;
	s17 =	smov.u32 s7  }
0x151: {  	v31 =	vmul.f32 v24, v3;
	v29 =	vmul.f32 v24, v6;
	v41 =	vld [tilespmem:s17+$0x2100]  }
0x152: {  	v27 =	vadd.f32 v40, v39;
	v34 =	vmul.f32 $1.131370830e+01, v34;
	v35 =	vmul.f32 $1.131370830e+01, v35;
	v42 =	vld [tilespmem:s17+$0x2140]  }
0x153: {  	v30 =	vmul.f32 $1.131370830e+01, v30;
	v39 =	vld [tilespmem:s17+$0x2110];
	v40 =	vmul.f32 $1.131370830e+01, v28  }
0x154: {  	v25 =	vmul.f32 $1.131370830e+01, v25;
	v34 =	vadd.f32 v34, v18;
	v28 =	vmul.f32 v27, v5;
	v43 =	vld [tilespmem:s17+$0x2150]  }
0x155: {  	v33 =	vmul.f32 $1.131370830e+01, v33;
	v44 =	vadd.f32 v30, v21;
	v30 =	vmul.f32 v27, v7;
	v45 =	vld [tilespmem:s17+$0x2120]  }
0x156: {  	v25 =	vadd.f32 v25, v23;
	v35 =	vadd.f32 v35, v17;
	[tilespmem:s17+$0x120] =	vst v34;
	v34 =	vmul.f32 $1.131370830e+01, v41;
	v41 =	vld [tilespmem:s17+$0x2160]  }
0x157: {  	v33 =	vadd.f32 v33, v22;
	v32 =	vmul.f32 $1.131370830e+01, v32;
	v42 =	vmul.f32 $1.131370830e+01, v42;
	v46 =	vld [tilespmem:s17+$0x2130]  }
0x158: {  	v38 =	vmul.f32 $1.131370830e+01, v38;
	[tilespmem:s17+$0x160] =	vst v44;
	v34 =	vadd.f32 v34, v16;
	v39 =	vmul.f32 $1.131370830e+01, v39;
	v44 =	vld [tilespmem:s17+$0x2170]  }
0x159: {  	v32 =	vadd.f32 v32, v20;
	[tilespmem:s17+$0x130] =	vst v25;
	v42 =	vadd.f32 v42, v19;
	v25 =	vmul.f32 $1.131370830e+01, v43;
	v43 =	vld [tilespmem:s17+$0x4100]  }
0x15a: {  	v40 =	vadd.f32 v40, v27;
	[tilespmem:s17+$0x150] =	vst v35;
	v35 =	vadd.f32 v39, v20;
	v39 =	vmul.f32 $1.131370830e+01, v45;
	v45 =	vld [tilespmem:s17+$0x4140]  }
0x15b: {  	v38 =	vadd.f32 v38, v19;
	[tilespmem:s17+$0x110] =	vst v32;
	v47 =	vadd.f32 v25, v17;
	v25 =	vmul.f32 $1.131370830e+01, v41;
	v32 =	vld [tilespmem:s17+$0x4110]  }
0x15c: {  	v48 =	vmul.f32 v22, v7;
	v39 =	vadd.f32 v39, v18;
	v41 =	vmul.f32 $1.131370830e+01, v46;
	v46 =	vld [tilespmem:s17+$0x4150];
	[tilespmem:s17+$0x61B0] =	vst v40  }
0x15d: {  	v49 =	vmul.f32 v16, v2;
	[tilespmem:s17+$0x140] =	vst v38;
	v38 =	vadd.f32 v25, v21;
	v40 =	vmul.f32 $1.131370830e+01, v44;
	v44 =	vld [tilespmem:s17+$0x4120]  }
0x15e: {  	v25 =	vsub.f32 v48, v37;
	[tilespmem:s17+$0x170] =	vst v33;
	v33 =	vadd.f32 v41, v23;
	v41 =	vmul.f32 $1.131370830e+01, v43;
	v43 =	vld [tilespmem:s17+$0x4160]  }
0x15f: {  	[tilespmem:s17+$0x2100] =	vst v34;
	v34 =	vadd.f32 v40, v22;
	v37 =	vmul.f32 $1.131370830e+01, v45;
	v40 =	vld [tilespmem:s17+$0x4130];
	v45 =	vmul.f32 v18, v6  }
0x160: {  	v50 =	vmul.f32 v19, v0;
	[tilespmem:s17+$0x2140] =	vst v42;
	v41 =	vadd.f32 v41, v16;
	v42 =	vmul.f32 $1.131370830e+01, v32;
	v48 =	vld [tilespmem:s17+$0x4170]  }
0x161: {  	[tilespmem:s17+$0x2110] =	vst v35;
	v35 =	vadd.f32 v37, v19;
	v37 =	vmul.f32 $1.131370830e+01, v46;
	v46 =	vld [tilespmem:s17+$0x6100];
	v32 =	vadd.f32 v36, v45  }
0x162: {  	v45 =	vmul.f32 v16, v0;
	[tilespmem:s17+$0x2150] =	vst v47;
	v36 =	vadd.f32 v42, v20;
	v42 =	vmul.f32 $1.131370830e+01, v44;
	v44 =	vld [tilespmem:s17+$0x6140]  }
0x163: {  	v47 =	vmul.f32 v19, v2;
	[tilespmem:s17+$0x2120] =	vst v39;
	v37 =	vadd.f32 v37, v17;
	v39 =	vmul.f32 $1.131370830e+01, v43;
	v43 =	vld [tilespmem:s17+$0x6110]  }
0x164: {  	v51 =	vmul.f32 v20, v4;
	[tilespmem:s17+$0x2160] =	vst v38;
	v38 =	vadd.f32 v42, v18;
	v40 =	vmul.f32 $1.131370830e+01, v40;
	v42 =	vld [tilespmem:s17+$0x6150]  }
0x165: {  	v52 =	vmul.f32 v20, v1;
	[tilespmem:s17+$0x2130] =	vst v33;
	v39 =	vadd.f32 v39, v21;
	v33 =	vmul.f32 $1.131370830e+01, v48;
	v48 =	vld [tilespmem:s17+$0x6120]  }
0x166: {  	v53 =	vmul.f32 v17, v4;
	[tilespmem:s17+$0x2170] =	vst v34;
	v40 =	vadd.f32 v40, v23;
	v34 =	vmul.f32 $1.131370830e+01, v46;
	v46 =	vld [tilespmem:s17+$0x6160]  }
0x167: {  	v55 =	vmul.f32 v17, v1;
	[tilespmem:s17+$0x4100] =	vst v41;
	v41 =	vadd.f32 v33, v22;
	v44 =	vmul.f32 $1.131370830e+01, v44;
	v54 =	vld [tilespmem:s17+$0x6130]  }
0x168: {  	v33 =	vsub.f32 v53, v52;
	[tilespmem:s17+$0x4140] =	vst v35;
	v16 =	vadd.f32 v34, v16;
	v35 =	vmul.f32 $1.131370830e+01, v43;
	v43 =	vld [tilespmem:s17+$0x6170]  }
0x169: {  	v34 =	vadd.f32 v55, v51;
	[tilespmem:s17+$0x4110] =	vst v36;
	v19 =	vadd.f32 v44, v19;
	v36 =	vmul.f32 $1.131370830e+01, v42;
	v42 =	vld [tilespmem:s17+$0x180]  }
0x16a: {  	v44 =	vmul.f32 v33, v1;
	[tilespmem:s17+$0x4150] =	vst v37;
	v20 =	vadd.f32 v35, v20;
	v35 =	vmul.f32 $1.131370830e+01, v48;
	v37 =	vld [tilespmem:s17+$0x1C0]  }
0x16b: {  	[tilespmem:s17+$0x4120] =	vst v38;
	v17 =	vadd.f32 v36, v17;
	v36 =	vmul.f32 $1.131370830e+01, v46;
	v38 =	vld [tilespmem:s17+$0x190];
	v46 =	vmul.f32 v33, v4  }
0x16c: {  	v51 =	vmul.f32 v34, v1;
	[tilespmem:s17+$0x4160] =	vst v39;
	v18 =	vadd.f32 v35, v18;
	v39 =	vmul.f32 $1.131370830e+01, v54;
	v48 =	vld [tilespmem:s17+$0x1D0]  }
0x16d: {  	v35 =	vsub.f32 v47, v45;
	[tilespmem:s17+$0x4130] =	vst v40;
	v21 =	vadd.f32 v36, v21;
	v40 =	vmul.f32 $1.131370830e+01, v43;
	v43 =	vld [tilespmem:s17+$0x1A0]  }
0x16e: {  	v36 =	vadd.f32 v50, v49;
	[tilespmem:s17+$0x4170] =	vst v41;
	v23 =	vadd.f32 v39, v23;
	v39 =	vmul.f32 $1.131370830e+01, v42;
	v41 =	vld [tilespmem:s17+$0x1E0]  }
0x16f: {  	[tilespmem:s17+$0x6100] =	vst v16;
	v16 =	vadd.f32 v40, v22;
	v22 =	vmul.f32 $1.131370830e+01, v37;
	v37 =	vld [tilespmem:s17+$0x1B0];
	v40 =	vmul.f32 v35, v2  }
0x170: {  	v42 =	vmul.f32 v35, v0;
	[tilespmem:s17+$0x6140] =	vst v19;
	v39 =	vadd.f32 v39, v36;
	v19 =	vmul.f32 $1.131370830e+01, v38;
	v38 =	vld [tilespmem:s17+$0x1F0]  }
0x171: {  	v47 =	vmul.f32 v36, v2;
	[tilespmem:s17+$0x6110] =	vst v20;
	v22 =	vadd.f32 v22, v35;
	v20 =	vmul.f32 $1.131370830e+01, v48;
	v45 =	vld [tilespmem:s17+$0x2180]  }
0x172: {  	v49 =	vmul.f32 v36, v0;
	[tilespmem:s17+$0x6150] =	vst v17;
	v48 =	vadd.f32 v19, v34;
	v19 =	vmul.f32 $1.131370830e+01, v43;
	v43 =	vld [tilespmem:s17+$0x21C0]  }
0x173: {  	v17 =	vsub.f32 v46, v51;
	[tilespmem:s17+$0x6120] =	vst v18;
	v18 =	vadd.f32 v20, v33;
	v20 =	vmul.f32 $1.131370830e+01, v41;
	v41 =	vld [tilespmem:s17+$0x2190]  }
0x174: {  	[tilespmem:s17+$0x6160] =	vst v21;
	v21 =	vadd.f32 v19, v32;
	v37 =	vmul.f32 $1.131370830e+01, v37;
	v46 =	vld [tilespmem:s17+$0x21D0];
	v19 =	vsub.f32 v40, v49  }
0x175: {  	v40 =	vmul.f32 v34, v4;
	[tilespmem:s17+$0x6130] =	vst v23;
	v23 =	vadd.f32 v20, v24;
	v20 =	vmul.f32 $1.131370830e+01, v38;
	v38 =	vld [tilespmem:s17+$0x21A0]  }
0x176: {  	[tilespmem:s17+$0x6170] =	vst v16;
	v37 =	vadd.f32 v37, v27;
	v45 =	vmul.f32 $1.131370830e+01, v45;
	v49 =	vld [tilespmem:s17+$0x21E0];
	v16 =	vadd.f32 v42, v47  }
0x177: {  	[tilespmem:s17+$0x180] =	vst v39;
	v39 =	vadd.f32 v20, v25;
	v42 =	vmul.f32 $1.131370830e+01, v43;
	v43 =	vld [tilespmem:s17+$0x21B0];
	v20 =	vadd.f32 v44, v40  }
0x178: {  	v44 =	vmul.f32 v32, v6;
	[tilespmem:s17+$0x1C0] =	vst v22;
	v22 =	vadd.f32 v45, v36;
	v40 =	vmul.f32 $1.131370830e+01, v41;
	v41 =	vld [tilespmem:s17+$0x21F0]  }
0x179: {  	v47 =	vmul.f32 v32, v3;
	[tilespmem:s17+$0x190] =	vst v48;
	v42 =	vadd.f32 v42, v35;
	v45 =	vmul.f32 $1.131370830e+01, v46;
	v46 =	vld [tilespmem:s17+$0x4180]  }
0x17a: {  	[tilespmem:s17+$0x1D0] =	vst v18;
	v40 =	vadd.f32 v40, v34;
	v38 =	vmul.f32 $1.131370830e+01, v38;
	v48 =	vld [tilespmem:s17+$0x41C0];
	v18 =	vadd.f32 v31, v44  }
0x17b: {  	[tilespmem:s17+$0x1A0] =	vst v21;
	v31 =	vadd.f32 v45, v33;
	v44 =	vmul.f32 $1.131370830e+01, v49;
	v45 =	vld [tilespmem:s17+$0x4190];
	v21 =	vsub.f32 v29, v47  }
0x17c: {  	[tilespmem:s17+$0x1E0] =	vst v23;
	v29 =	vadd.f32 v38, v32;
	v23 =	vmul.f32 $1.131370830e+01, v43;
	v38 =	vld [tilespmem:s17+$0x41D0];
	v43 =	vmul.f32 v25, v5  }
0x17d: {  	v47 =	vmul.f32 v25, v7;
	[tilespmem:s17+$0x1B0] =	vst v37;
	v37 =	vadd.f32 v44, v24;
	v41 =	vmul.f32 $1.131370830e+01, v41;
	v44 =	vld [tilespmem:s17+$0x41A0]  }
0x17e: {  	[tilespmem:s17+$0x1F0] =	vst v39;
	v39 =	vadd.f32 v23, v27;
	v46 =	vmul.f32 $1.131370830e+01, v46;
	v49 =	vld [tilespmem:s17+$0x41E0];
	v23 =	vadd.f32 v43, v30  }
0x17f: {  	[tilespmem:s17+$0x2180] =	vst v22;
	v30 =	vadd.f32 v41, v25;
	v41 =	vmul.f32 $1.131370830e+01, v48;
	v43 =	vld [tilespmem:s17+$0x41B0];
	v22 =	vsub.f32 v47, v28  }
0x180: {  	[tilespmem:s17+$0x21C0] =	vst v42;
	v28 =	vadd.f32 v46, v36;
	v42 =	vmul.f32 $1.131370830e+01, v45;
	v45 =	vld [tilespmem:s17+$0x41F0]  }
0x181: {  	[tilespmem:s17+$0x2190] =	vst v40;
	v40 =	vadd.f32 v41, v35;
	v38 =	vmul.f32 $1.131370830e+01, v38;
	v41 =	vld [tilespmem:s17+$0x6180]  }
0x182: {  	[tilespmem:s17+$0x21D0] =	vst v31;
	v31 =	vadd.f32 v42, v34;
	v42 =	vmul.f32 $1.131370830e+01, v44;
	v44 =	vld [tilespmem:s17+$0x61C0]  }
0x183: {  	[tilespmem:s17+$0x21A0] =	vst v29;
	v38 =	vadd.f32 v38, v33;
	v29 =	vmul.f32 $1.131370830e+01, v49;
	v46 =	vld [tilespmem:s17+$0x6190]  }
0x184: {  	[tilespmem:s17+$0x21E0] =	vst v37;
	v37 =	vadd.f32 v42, v32;
	v42 =	vmul.f32 $1.131370830e+01, v43;
	v43 =	vld [tilespmem:s17+$0x61D0]  }
0x185: {  	[tilespmem:s17+$0x21B0] =	vst v39;
	v39 =	vadd.f32 v29, v24;
	v29 =	vmul.f32 $1.131370830e+01, v45;
	v45 =	vld [tilespmem:s17+$0x61A0]  }
0x186: {  	v47 =	vld [tilespmem:s17+$0x100];
	[tilespmem:s17+$0x21F0] =	vst v30;
	v42 =	vadd.f32 v42, v27;
	v27 =	vmul.f32 $1.131370830e+01, v41  }
0x187: {  	[tilespmem:s17+$0x4180] =	vst v28;
	v29 =	vadd.f32 v29, v25;
	v28 =	vmul.f32 $1.131370830e+01, v44;
	v41 =	vld [tilespmem:s17+$0x61E0]  }
0x188: {  	[tilespmem:s17+$0x41C0] =	vst v40;
	v30 =	vadd.f32 v27, v36;
	v27 =	vmul.f32 $1.131370830e+01, v46;
	v36 =	vld [tilespmem:s17+$0x61F0]  }
.Ltmp0:
0x189: {  	[tilespmem:s17+$0x4190] =	vst v31;
	v31 =	vadd.f32 v28, v35;
	v28 =	vmul.f32 $1.131370830e+01, v43;
	(pc) =	sbr.rel @p0 .LBB2_2-.Ltmp0, $4  }
0x18a: {  	[tilespmem:s17+$0x41D0] =	vst v38;
	v34 =	vadd.f32 v27, v34;
	v27 =	vmul.f32 $1.131370830e+01, v45  }
0x18b: {  	v35 =	vmul.f32 $1.131370830e+01, v47;
	[tilespmem:s17+$0x41A0] =	vst v37;
	v28 =	vadd.f32 v28, v33  }
0x18c: {  	[tilespmem:s17+$0x41E0] =	vst v39;
	v27 =	vadd.f32 v27, v32;
	v33 =	vmul.f32 $1.131370830e+01, v41  }
0x18d: {  	v32 =	vadd.f32 v35, v26;
	[tilespmem:s17+$0x41B0] =	vst v42;
	v35 =	vmul.f32 $1.131370830e+01, v36  }
0x18e: {  	[tilespmem:s17+$0x41F0] =	vst v29  }
0x18f: {  	[tilespmem:s17+$0x6180] =	vst v30  }
0x190: {  	[tilespmem:s17+$0x61C0] =	vst v31  }
0x191: {  	[tilespmem:s17+$0x6190] =	vst v34  }
0x192: {  	[tilespmem:s17+$0x61D0] =	vst v28  }
0x193: {  	v24 =	vadd.f32 v33, v24;
	[tilespmem:s17+$0x61A0] =	vst v27  }
0x194: {  	v25 =	vadd.f32 v35, v25;
	[tilespmem:s17+$0x100] =	vst v32  }
0x195: {  	[tilespmem:s17+$0x61E0] =	vst v24  }
0x196: {  	s7 =	simm.s32 $0x0;
	[tilespmem:s17+$0x61F0] =	vst v25  }
0x197: {  	[hbm4b:s6+s7] =	stream.linear.scatter [tilespmem:s22], [sflag:$0x4], $0x1000, $0x38;
	[tilespmem:$0x8100] =	vst v63  }
0x198: {  	_ = 	snop  }
0x199: {  	[hbm4b:s9+s7] =	stream.linear.scatter [tilespmem:s24], [sflag:$0x4], $0x1000, $0x38;
	[tilespmem:$0x8100] =	vst v63  }
0x19a: {  	_ = 	snop  }
0x19b: {  	[hbm4b:s10+s7] =	stream.linear.scatter [tilespmem:s28], [sflag:$0x4], $0x1000, $0x38;
	[tilespmem:$0x8100] =	vst v63  }
0x19c: {  	_ = 	snop  }
0x19d: {  	[hbm4b:s11+s7] =	stream.linear.scatter [tilespmem:s31], [sflag:$0x4], $0x1000, $0x38;
	[tilespmem:$0x8100] =	vst v63  }
0x19e: {  	_ =	swait.ge [sflag:s29], $0x1000  }
0x19f: {  	[sflag:s29] =	ssyncset.done $0x0  }
0x1a0: {  	[sflag:s29] =	ssyncadd.s32 $0xFFFFF000  }
0x1a1: {  	_ =	swait.ge [sflag:s29], $0x1000  }
0x1a2: {  	[sflag:s29] =	ssyncset.done $0x0  }
0x1a3: {  	[sflag:s29] =	ssyncadd.s32 $0xFFFFF000  }
0x1a4: {  	_ =	swait.ge [sflag:s29], $0x1000  }
0x1a5: {  	[sflag:s29] =	ssyncset.done $0x0  }
0x1a6: {  	[sflag:s29] =	ssyncadd.s32 $0xFFFFF000  }
0x1a7: {  	_ =	swait.ge [sflag:s29], $0x1000  }
0x1a8: {  	[sflag:s29] =	ssyncset.done $0x0  }
0x1a9: {  	s17 =	simm.s32 $0x0;
	[sflag:s29] =	ssyncadd.s32 $0xFFFFF000  }
0x1aa: {  	v24 =	vld [tilespmem:s17+$0x1170]  }
0x1ab: {  	v25 =	vld [tilespmem:s17+$0x1130]  }
0x1ac: {  	v26 =	vld [tilespmem:s17+$0x1160]  }
0x1ad: {  	v27 =	vld [tilespmem:s17+$0x1120]  }
0x1ae: {  	v28 =	vld [tilespmem:s17+$0x1150]  }
0x1af: {  	v29 =	vld [tilespmem:s17+$0x71B0]  }
0x1b0: {  	v30 =	vld [tilespmem:s17+$0x1110]  }
0x1b1: {  	v31 =	vld [tilespmem:s17+$0x1140]  }
0x1b2: {  	v63 =	vld [tilespmem:s17+$0x3100]  }
0x1b3: {  	v42 =	vld [tilespmem:s17+$0x3140]  }
0x1b4: {  	v43 =	vld [tilespmem:s17+$0x3110]  }
0x1b5: {  	v44 =	vld [tilespmem:s17+$0x3150];
	v27 =	vmul.f32 $1.131370830e+01, v27  }
0x1b6: {  	v36 =	vld [tilespmem:s17+$0x3120];
	v26 =	vmul.f32 $1.131370830e+01, v26  }
0x1b7: {  	v37 =	vld [tilespmem:s17+$0x3160];
	v25 =	vmul.f32 $1.131370830e+01, v25;
	v27 =	vadd.f32 v27, v18  }
0x1b8: {  	v38 =	vld [tilespmem:s17+$0x3130];
	v24 =	vmul.f32 $1.131370830e+01, v24;
	v26 =	vadd.f32 v26, v21  }
0x1b9: {  	v39 =	vld [tilespmem:s17+$0x5100];
	v45 =	vmul.f32 $1.131370830e+01, v42;
	v25 =	vadd.f32 v25, v23;
	[tilespmem:s17+$0x1120] =	vst v27  }
0x1ba: {  	v48 =	vld [tilespmem:s17+$0x5170];
	v46 =	vmul.f32 $1.131370830e+01, v43;
	v24 =	vadd.f32 v24, v22;
	[tilespmem:s17+$0x1160] =	vst v26  }
0x1bb: {  	v50 =	vld [tilespmem:s17+$0x7100];
	v32 =	vadd.f32 v45, v19;
	v27 =	vmul.f32 $1.131370830e+01, v28;
	[tilespmem:s17+$0x1130] =	vst v25  }
0x1bc: {  	v52 =	vld [tilespmem:s17+$0x7140];
	v47 =	vmul.f32 $1.131370830e+01, v44;
	v33 =	vadd.f32 v46, v20;
	v28 =	vmul.f32 $1.131370830e+01, v30;
	[tilespmem:s17+$0x1170] =	vst v24  }
0x1bd: {  	v55 =	vld [tilespmem:s17+$0x7150];
	v25 =	vmul.f32 v23, v7;
	v30 =	vmul.f32 v22, v5;
	[tilespmem:s17+$0x3140] =	vst v32;
	v27 =	vadd.f32 v27, v17  }
0x1be: {  	v58 =	vld [tilespmem:s17+$0x7130];
	v49 =	vmul.f32 $1.131370830e+01, v36;
	v34 =	vadd.f32 v47, v17;
	[tilespmem:s17+$0x3110] =	vst v33  }
0x1bf: {  	v26 =	vld [tilespmem:s17+$0x3170];
	v28 =	vadd.f32 v28, v20;
	[tilespmem:s17+$0x1150] =	vst v27;
	v27 =	vadd.f32 v30, v25;
	v30 =	vmul.f32 $1.131370830e+01, v31  }
0x1c0: {  	v57 =	vld [tilespmem:s17+$0x7120];
	v51 =	vmul.f32 $1.131370830e+01, v37;
	v35 =	vadd.f32 v49, v18;
	[tilespmem:s17+$0x3150] =	vst v34  }
0x1c1: {  	v25 =	vmul.f32 $1.131370830e+01, v29;
	[tilespmem:s17+$0x1110] =	vst v28;
	v28 =	vld [tilespmem:s17+$0x5110];
	v30 =	vadd.f32 v30, v19  }
0x1c2: {  	v56 =	vmul.f32 $1.131370830e+01, v39;
	v36 =	vadd.f32 v51, v21;
	v45 =	vmul.f32 $1.131370830e+01, v55;
	[tilespmem:s17+$0x3120] =	vst v35;
	v29 =	vld [tilespmem:s17+$0x5140]  }
0x1c3: {  	v60 =	vmul.f32 $1.131370830e+01, v50;
	v50 =	vmul.f32 $1.131370830e+01, v58;
	v25 =	vadd.f32 v25, v27;
	[tilespmem:s17+$0x1140] =	vst v30;
	v30 =	vld [tilespmem:s17+$0x5120]  }
0x1c4: {  	v59 =	vld [tilespmem:s17+$0x1180];
	v53 =	vmul.f32 $1.131370830e+01, v38;
	[tilespmem:s17+$0x3160] =	vst v36;
	v35 =	vadd.f32 v45, v17;
	v26 =	vmul.f32 $1.131370830e+01, v26  }
0x1c5: {  	v38 =	vadd.f32 v56, v16;
	v56 =	vld [tilespmem:s17+$0x51B0];
	v36 =	vadd.f32 v50, v23;
	[tilespmem:s17+$0x71B0] =	vst v25;
	v25 =	vmul.f32 $1.131370830e+01, v63  }
0x1c6: {  	v40 =	vmul.f32 v19, v0;
	[tilespmem:s17+$0x7150] =	vst v35;
	v31 =	vld [tilespmem:s17+$0x5150];
	v26 =	vadd.f32 v26, v22;
	v28 =	vmul.f32 $1.131370830e+01, v28  }
0x1c7: {  	v61 =	vmul.f32 $1.131370830e+01, v52;
	v24 =	vld [tilespmem:s17+$0x5160];
	[tilespmem:s17+$0x7130] =	vst v36;
	v29 =	vmul.f32 $1.131370830e+01, v29;
	v25 =	vadd.f32 v25, v16  }
0x1c8: {  	v42 =	vmul.f32 v17, v1;
	[tilespmem:s17+$0x3170] =	vst v26;
	v26 =	vld [tilespmem:s17+$0x7160];
	v28 =	vadd.f32 v28, v20;
	v30 =	vmul.f32 $1.131370830e+01, v30  }
0x1c9: {  	v37 =	vadd.f32 v53, v23;
	v53 =	vmul.f32 v20, v4;
	v34 =	vld [tilespmem:s17+$0x51E0];
	v29 =	vadd.f32 v29, v19;
	[tilespmem:s17+$0x3100] =	vst v25  }
0x1ca: {  	v54 =	vld [tilespmem:s17+$0x7110];
	v39 =	vmul.f32 $1.131370830e+01, v59;
	v47 =	vmul.f32 $1.131370830e+01, v57;
	[tilespmem:s17+$0x5110] =	vst v28;
	v28 =	vadd.f32 v30, v18  }
0x1cb: {  	v32 =	vadd.f32 v60, v16;
	v36 =	vadd.f32 v42, v53;
	v31 =	vmul.f32 $1.131370830e+01, v31;
	v25 =	vld [tilespmem:s17+$0x5130];
	[tilespmem:s17+$0x5140] =	vst v29  }
0x1cc: {  	v33 =	vadd.f32 v61, v19;
	v35 =	vmul.f32 $1.131370830e+01, v56;
	v29 =	vld [tilespmem:s17+$0x7170];
	[tilespmem:s17+$0x5120] =	vst v28;
	v28 =	vmul.f32 $1.131370830e+01, v48  }
0x1cd: {  	[tilespmem:s17+$0x7100] =	vst v32;
	v32 =	vld [tilespmem:s17+$0x51D0];
	v50 =	vmul.f32 v36, v4;
	v31 =	vadd.f32 v31, v17;
	v26 =	vmul.f32 $1.131370830e+01, v26  }
0x1ce: {  	[tilespmem:s17+$0x7140] =	vst v33;
	v24 =	vmul.f32 $1.131370830e+01, v24;
	v34 =	vmul.f32 $1.131370830e+01, v34;
	v30 =	vld [tilespmem:s17+$0x11C0];
	v28 =	vadd.f32 v28, v22  }
0x1cf: {  	v33 =	vld [tilespmem:s17+$0x51A0];
	v58 =	vmul.f32 v27, v5;
	v19 =	vmul.f32 v19, v2;
	[tilespmem:s17+$0x5150] =	vst v31;
	v26 =	vadd.f32 v26, v21  }
0x1d0: {  	v25 =	vmul.f32 $1.131370830e+01, v25;
	[tilespmem:s17+$0x5170] =	vst v28;
	v28 =	vmul.f32 $1.131370830e+01, v54  }
0x1d1: {  	v24 =	vadd.f32 v24, v21;
	v31 =	vld [tilespmem:s17+$0x1190];
	v29 =	vmul.f32 $1.131370830e+01, v29;
	[tilespmem:s17+$0x7160] =	vst v26;
	v26 =	vmul.f32 v16, v0  }
0x1d2: {  	v44 =	vmul.f32 v27, v7;
	v25 =	vadd.f32 v25, v23;
	v28 =	vadd.f32 v28, v20  }
0x1d3: {  	[tilespmem:s17+$0x5160] =	vst v24;
	v24 =	vld [tilespmem:s17+$0x11D0];
	v52 =	vadd.f32 v29, v22;
	v29 =	vsub.f32 v19, v26;
	v19 =	vmul.f32 $1.131370830e+01, v30  }
0x1d4: {  	v32 =	vmul.f32 $1.131370830e+01, v32;
	v33 =	vmul.f32 $1.131370830e+01, v33;
	v30 =	vld [tilespmem:s17+$0x31E0];
	[tilespmem:s17+$0x7110] =	vst v28;
	v28 =	vadd.f32 v47, v18  }
0x1d5: {  	v62 =	vld [tilespmem:s17+$0x11E0];
	v17 =	vmul.f32 v17, v4;
	[tilespmem:s17+$0x5130] =	vst v25;
	v19 =	vadd.f32 v19, v29;
	v20 =	vmul.f32 v20, v1  }
0x1d6: {  	v55 =	vld [tilespmem:s17+$0x31B0];
	v31 =	vmul.f32 $1.131370830e+01, v31;
	[tilespmem:s17+$0x7120] =	vst v28;
	v28 =	vmul.f32 v16, v2  }
0x1d7: {  	v25 =	vld [tilespmem:s17+$0x11A0];
	v54 =	vmul.f32 v18, v6;
	[tilespmem:s17+$0x11C0] =	vst v19;
	v19 =	vmul.f32 v21, v6;
	v42 =	vsub.f32 v17, v20  }
0x1d8: {  	v17 =	vmul.f32 $1.131370830e+01, v24;
	v20 =	vadd.f32 v31, v36;
	v24 =	vld [tilespmem:s17+$0x31F0];
	v28 =	vadd.f32 v40, v28  }
0x1d9: {  	v18 =	vmul.f32 v18, v3;
	v31 =	vld [tilespmem:s17+$0x5190];
	v30 =	vmul.f32 $1.131370830e+01, v30  }
0x1da: {  	v47 =	vmul.f32 v29, v0;
	[tilespmem:s17+$0x1190] =	vst v20;
	v20 =	vmul.f32 v23, v5;
	v26 =	vadd.f32 v39, v28  }
0x1db: {  	v35 =	vadd.f32 v35, v27;
	v63 =	vld [tilespmem:s17+$0x11B0];
	v60 =	vmul.f32 v42, v1;
	v40 =	vmul.f32 $1.131370830e+01, v55  }
0x1dc: {  	v48 =	vld [tilespmem:s17+$0x3180];
	v32 =	vadd.f32 v32, v42;
	[tilespmem:s17+$0x1180] =	vst v26;
	v26 =	vmul.f32 v21, v3;
	v21 =	vmul.f32 $1.131370830e+01, v25  }
0x1dd: {  	[tilespmem:s17+$0x3130] =	vst v37;
	v25 =	vadd.f32 v17, v42;
	v17 =	vsub.f32 v19, v18;
	v18 =	vmul.f32 $1.131370830e+01, v62  }
0x1de: {  	v46 =	vld [tilespmem:s17+$0x11F0];
	[tilespmem:s17+$0x5100] =	vst v38;
	v24 =	vmul.f32 $1.131370830e+01, v24;
	v31 =	vmul.f32 $1.131370830e+01, v31;
	v39 =	vadd.f32 v26, v54  }
0x1df: {  	v49 =	vld [tilespmem:s17+$0x31C0];
	[tilespmem:s17+$0x51B0] =	vst v35;
	v18 =	vadd.f32 v18, v17;
	v23 =	vmul.f32 v17, v3;
	v57 =	vmul.f32 v17, v6  }
0x1e0: {  	v45 =	vld [tilespmem:s17+$0x7180];
	[tilespmem:s17+$0x11D0] =	vst v25;
	v30 =	vadd.f32 v30, v17;
	v19 =	vadd.f32 v21, v39;
	v21 =	vmul.f32 v22, v7  }
0x1e1: {  	v40 =	vadd.f32 v40, v27;
	v26 =	vld [tilespmem:s17+$0x5180];
	v22 =	vmul.f32 $1.131370830e+01, v63;
	[tilespmem:s17+$0x11E0] =	vst v18;
	v18 =	vmul.f32 $1.131370830e+01, v48  }
0x1e2: {  	v41 =	vld [tilespmem:s17+$0x31D0];
	v31 =	vadd.f32 v31, v36;
	v61 =	vmul.f32 v39, v6;
	[tilespmem:s17+$0x31E0] =	vst v30;
	v30 =	vmul.f32 v39, v3  }
0x1e3: {  	v25 =	vld [tilespmem:s17+$0x51C0];
	v33 =	vadd.f32 v33, v39;
	[tilespmem:s17+$0x11A0] =	vst v19;
	v19 =	vsub.f32 v21, v20;
	v20 =	vmul.f32 $1.131370830e+01, v46  }
0x1e4: {  	v51 =	vld [tilespmem:s17+$0x3190];
	[tilespmem:s17+$0x7170] =	vst v52;
	v21 =	vadd.f32 v22, v27;
	v18 =	vadd.f32 v18, v28;
	v22 =	vmul.f32 v36, v1  }
0x1e5: {  	v43 =	vld [tilespmem:s17+$0x31A0];
	[tilespmem:s17+$0x51D0] =	vst v32;
	v46 =	vmul.f32 v29, v2;
	v23 =	vadd.f32 v23, v61;
	v27 =	vmul.f32 $1.131370830e+01, v45  }
0x1e6: {  	v26 =	vmul.f32 $1.131370830e+01, v26;
	v20 =	vadd.f32 v20, v19;
	[tilespmem:s17+$0x11B0] =	vst v21;
	v21 =	vmul.f32 $1.131370830e+01, v49  }
0x1e7: {  	v59 =	vld [tilespmem:s17+$0x51F0];
	[tilespmem:s17+$0x3180] =	vst v18;
	v18 =	vmul.f32 $1.131370830e+01, v41;
	v62 =	vmul.f32 v19, v5;
	v52 =	vadd.f32 v24, v19  }
0x1e8: {  	v55 =	vld [tilespmem:s17+$0x1100];
	[tilespmem:s17+$0x31B0] =	vst v40;
	v24 =	vsub.f32 v57, v30;
	v30 =	vmul.f32 $1.131370830e+01, v25;
	v21 =	vadd.f32 v21, v29  }
0x1e9: {  	v53 =	vld [tilespmem:s17+$0x71A0];
	v63 =	vmul.f32 v19, v7;
	v54 =	vadd.f32 v26, v28;
	[tilespmem:s17+$0x11F0] =	vst v20;
	v20 =	vmul.f32 $1.131370830e+01, v51  }
0x1ea: {  	v18 =	vadd.f32 v18, v42;
	v51 =	vld [tilespmem:s17+$0x7190];
	v30 =	vadd.f32 v30, v29;
	[tilespmem:s17+$0x31C0] =	vst v21;
	v21 =	vmul.f32 $1.131370830e+01, v43  }
0x1eb: {  	[tilespmem:s17+$0x5190] =	vst v31;
	v48 =	vld [tilespmem:s17+$0x71C0];
	v49 =	vmul.f32 v28, v0;
	v25 =	vadd.f32 v62, v44;
	v20 =	vadd.f32 v20, v36  }
0x1ec: {  	v57 =	vmul.f32 $1.131370830e+01, v59;
	v26 =	vsub.f32 v63, v58;
	v43 =	vld [tilespmem:s17+$0x71D0];
	[tilespmem:s17+$0x51C0] =	vst v30;
	v21 =	vadd.f32 v21, v39  }
0x1ed: {  	v56 =	vld [tilespmem:s17+$0x71E0];
	v58 =	vadd.f32 v34, v17;
	v63 =	vmul.f32 $1.131370830e+01, v55;
	[tilespmem:s17+$0x3190] =	vst v20;
	v20 =	vmul.f32 v42, v4  }
0x1ee: {  	v59 =	vld [tilespmem:s17+$0x71F0];
	v62 =	vmul.f32 $1.131370830e+01, v53;
	v30 =	vadd.f32 v57, v19;
	[tilespmem:s17+$0x31A0] =	vst v21;
	v21 =	vmul.f32 v28, v2  }
0x1ef: {  	[tilespmem:s17+$0x31D0] =	vst v18;
	v32 =	vadd.f32 v63, v16;
	v61 =	vmul.f32 $1.131370830e+01, v51;
	v18 =	vsub.f32 v20, v22  }
0x1f0: {  	[tilespmem:s17+$0x51A0] =	vst v33;
	v22 =	vadd.f32 v47, v21;
	v21 =	vadd.f32 v60, v50;
	v60 =	vmul.f32 $1.131370830e+01, v48  }
0x1f1: {  	[tilespmem:s17+$0x31F0] =	vst v52;
	v20 =	vsub.f32 v46, v49;
	v28 =	vadd.f32 v27, v28;
	v27 =	vmul.f32 $1.131370830e+01, v43  }
0x1f2: {  	v33 =	vmul.f32 $1.131370830e+01, v56;
	[tilespmem:s17+$0x5180] =	vst v54;
	v34 =	vadd.f32 v61, v36;
	v31 =	vadd.f32 v60, v29  }
0x1f3: {  	s18 =	simm.s32 $0x400;
	[tilespmem:s17+$0x51E0] =	vst v58;
	v35 =	vmul.f32 $1.131370830e+01, v59;
	v29 =	vadd.f32 v27, v42;
	v27 =	vadd.f32 v62, v39  }
.LBB2_4:
0x1f4: {  	s7 =	sshra.s32 s18, $0x2;
	p0 =	sne.s32 s18, $0x3C00;
	s18 =	sadd.s32 $0x400, s18;
	[tilespmem:s17+$0x51F0] =	vst v30;
	v30 =	vadd.f32 v33, v17;
	v16 =	vmov v22  }
0x1f5: {  	v33 =	vld [tilespmem:s7+$0x1170];
	[tilespmem:s17+$0x7180] =	vst v28;
	v17 =	vadd.f32 v35, v19  }
0x1f6: {  	v19 =	vld [tilespmem:s7+$0x1130];
	[tilespmem:s17+$0x71C0] =	vst v31  }
0x1f7: {  	v28 =	vld [tilespmem:s7+$0x1160];
	[tilespmem:s17+$0x7190] =	vst v34  }
0x1f8: {  	v34 =	vld [tilespmem:s7+$0x1120];
	[tilespmem:s17+$0x71F0] =	vst v17  }
0x1f9: {  	v31 =	vmul.f32 v23, v3;
	v17 =	vmul.f32 v24, v6;
	v35 =	vld [tilespmem:s7+$0x1150];
	[tilespmem:s17+$0x71D0] =	vst v29  }
0x1fa: {  	v36 =	vld [tilespmem:s7+$0x71B0];
	[tilespmem:s17+$0x1100] =	vst v32  }
0x1fb: {  	v37 =	vmul.f32 v24, v3;
	v38 =	vmul.f32 v25, v5;
	v17 =	vsub.f32 v17, v31;
	v32 =	vld [tilespmem:s7+$0x1110];
	[tilespmem:s17+$0x71E0] =	vst v30  }
0x1fc: {  	v40 =	vmul.f32 v26, v5;
	v30 =	vmul.f32 v25, v7;
	v39 =	vld [tilespmem:s7+$0x1140];
	[tilespmem:s17+$0x71A0] =	vst v27;
	s17 =	smov.u32 s7  }
0x1fd: {  	v31 =	vmul.f32 v17, v3;
	v29 =	vmul.f32 v17, v6;
	v41 =	vld [tilespmem:s17+$0x3100]  }
0x1fe: {  	v34 =	vmul.f32 $1.131370830e+01, v34;
	v27 =	vadd.f32 v40, v30;
	v35 =	vmul.f32 $1.131370830e+01, v35;
	v42 =	vld [tilespmem:s17+$0x3140]  }
0x1ff: {  	v30 =	vmul.f32 $1.131370830e+01, v28;
	v40 =	vld [tilespmem:s17+$0x3110];
	v36 =	vmul.f32 $1.131370830e+01, v36  }
0x200: {  	v19 =	vmul.f32 $1.131370830e+01, v19;
	v34 =	vadd.f32 v34, v23;
	v28 =	vmul.f32 v27, v5;
	v43 =	vld [tilespmem:s17+$0x3150]  }
0x201: {  	v33 =	vmul.f32 $1.131370830e+01, v33;
	v44 =	vadd.f32 v30, v24;
	v30 =	vmul.f32 v27, v7;
	v45 =	vld [tilespmem:s17+$0x3120]  }
0x202: {  	v19 =	vadd.f32 v19, v25;
	v35 =	vadd.f32 v35, v18;
	[tilespmem:s17+$0x1120] =	vst v34;
	v34 =	vmul.f32 $1.131370830e+01, v41;
	v41 =	vld [tilespmem:s17+$0x3160]  }
0x203: {  	v33 =	vadd.f32 v33, v26;
	v32 =	vmul.f32 $1.131370830e+01, v32;
	v42 =	vmul.f32 $1.131370830e+01, v42;
	v46 =	vld [tilespmem:s17+$0x3130]  }
0x204: {  	v39 =	vmul.f32 $1.131370830e+01, v39;
	[tilespmem:s17+$0x1160] =	vst v44;
	v34 =	vadd.f32 v34, v22;
	v40 =	vmul.f32 $1.131370830e+01, v40;
	v44 =	vld [tilespmem:s17+$0x3170]  }
0x205: {  	v32 =	vadd.f32 v32, v21;
	[tilespmem:s17+$0x1130] =	vst v19;
	v42 =	vadd.f32 v42, v20;
	v19 =	vmul.f32 $1.131370830e+01, v43;
	v43 =	vld [tilespmem:s17+$0x5100]  }
0x206: {  	v36 =	vadd.f32 v36, v27;
	[tilespmem:s17+$0x1150] =	vst v35;
	v35 =	vadd.f32 v40, v21;
	v40 =	vmul.f32 $1.131370830e+01, v45;
	v45 =	vld [tilespmem:s17+$0x5140]  }
0x207: {  	v39 =	vadd.f32 v39, v20;
	[tilespmem:s17+$0x1110] =	vst v32;
	v47 =	vadd.f32 v19, v18;
	v19 =	vmul.f32 $1.131370830e+01, v41;
	v32 =	vld [tilespmem:s17+$0x5110]  }
0x208: {  	v48 =	vmul.f32 v26, v7;
	v40 =	vadd.f32 v40, v23;
	v41 =	vmul.f32 $1.131370830e+01, v46;
	v46 =	vld [tilespmem:s17+$0x5150];
	[tilespmem:s17+$0x71B0] =	vst v36  }
0x209: {  	v49 =	vmul.f32 v22, v2;
	[tilespmem:s17+$0x1140] =	vst v39;
	v36 =	vadd.f32 v19, v24;
	v39 =	vmul.f32 $1.131370830e+01, v44;
	v44 =	vld [tilespmem:s17+$0x5120]  }
0x20a: {  	v19 =	vsub.f32 v48, v38;
	[tilespmem:s17+$0x1170] =	vst v33;
	v33 =	vadd.f32 v41, v25;
	v41 =	vmul.f32 $1.131370830e+01, v43;
	v43 =	vld [tilespmem:s17+$0x5160]  }
0x20b: {  	[tilespmem:s17+$0x3100] =	vst v34;
	v34 =	vadd.f32 v39, v26;
	v38 =	vmul.f32 $1.131370830e+01, v45;
	v39 =	vld [tilespmem:s17+$0x5130];
	v45 =	vmul.f32 v23, v6  }
0x20c: {  	v50 =	vmul.f32 v20, v0;
	[tilespmem:s17+$0x3140] =	vst v42;
	v41 =	vadd.f32 v41, v22;
	v42 =	vmul.f32 $1.131370830e+01, v32;
	v48 =	vld [tilespmem:s17+$0x5170]  }
0x20d: {  	[tilespmem:s17+$0x3110] =	vst v35;
	v35 =	vadd.f32 v38, v20;
	v38 =	vmul.f32 $1.131370830e+01, v46;
	v46 =	vld [tilespmem:s17+$0x7100];
	v32 =	vadd.f32 v37, v45  }
0x20e: {  	v45 =	vmul.f32 v22, v0;
	[tilespmem:s17+$0x3150] =	vst v47;
	v37 =	vadd.f32 v42, v21;
	v42 =	vmul.f32 $1.131370830e+01, v44;
	v44 =	vld [tilespmem:s17+$0x7140]  }
0x20f: {  	v47 =	vmul.f32 v20, v2;
	[tilespmem:s17+$0x3120] =	vst v40;
	v38 =	vadd.f32 v38, v18;
	v40 =	vmul.f32 $1.131370830e+01, v43;
	v43 =	vld [tilespmem:s17+$0x7110]  }
0x210: {  	v51 =	vmul.f32 v21, v4;
	[tilespmem:s17+$0x3160] =	vst v36;
	v36 =	vadd.f32 v42, v23;
	v39 =	vmul.f32 $1.131370830e+01, v39;
	v42 =	vld [tilespmem:s17+$0x7150]  }
0x211: {  	v52 =	vmul.f32 v21, v1;
	[tilespmem:s17+$0x3130] =	vst v33;
	v40 =	vadd.f32 v40, v24;
	v33 =	vmul.f32 $1.131370830e+01, v48;
	v48 =	vld [tilespmem:s17+$0x7120]  }
0x212: {  	v53 =	vmul.f32 v18, v4;
	[tilespmem:s17+$0x3170] =	vst v34;
	v39 =	vadd.f32 v39, v25;
	v34 =	vmul.f32 $1.131370830e+01, v46;
	v46 =	vld [tilespmem:s17+$0x7160]  }
0x213: {  	v55 =	vmul.f32 v18, v1;
	[tilespmem:s17+$0x5100] =	vst v41;
	v41 =	vadd.f32 v33, v26;
	v44 =	vmul.f32 $1.131370830e+01, v44;
	v54 =	vld [tilespmem:s17+$0x7130]  }
0x214: {  	v33 =	vsub.f32 v53, v52;
	[tilespmem:s17+$0x5140] =	vst v35;
	v22 =	vadd.f32 v34, v22;
	v35 =	vmul.f32 $1.131370830e+01, v43;
	v43 =	vld [tilespmem:s17+$0x7170]  }
0x215: {  	v34 =	vadd.f32 v55, v51;
	[tilespmem:s17+$0x5110] =	vst v37;
	v20 =	vadd.f32 v44, v20;
	v37 =	vmul.f32 $1.131370830e+01, v42;
	v42 =	vld [tilespmem:s17+$0x1180]  }
0x216: {  	v44 =	vmul.f32 v33, v1;
	[tilespmem:s17+$0x5150] =	vst v38;
	v21 =	vadd.f32 v35, v21;
	v35 =	vmul.f32 $1.131370830e+01, v48;
	v38 =	vld [tilespmem:s17+$0x11C0]  }
0x217: {  	[tilespmem:s17+$0x5120] =	vst v36;
	v18 =	vadd.f32 v37, v18;
	v36 =	vmul.f32 $1.131370830e+01, v46;
	v37 =	vld [tilespmem:s17+$0x1190];
	v46 =	vmul.f32 v33, v4  }
0x218: {  	v51 =	vmul.f32 v34, v1;
	[tilespmem:s17+$0x5160] =	vst v40;
	v23 =	vadd.f32 v35, v23;
	v40 =	vmul.f32 $1.131370830e+01, v54;
	v48 =	vld [tilespmem:s17+$0x11D0]  }
0x219: {  	v35 =	vsub.f32 v47, v45;
	[tilespmem:s17+$0x5130] =	vst v39;
	v24 =	vadd.f32 v36, v24;
	v39 =	vmul.f32 $1.131370830e+01, v43;
	v43 =	vld [tilespmem:s17+$0x11A0]  }
0x21a: {  	v36 =	vadd.f32 v50, v49;
	[tilespmem:s17+$0x5170] =	vst v41;
	v25 =	vadd.f32 v40, v25;
	v40 =	vmul.f32 $1.131370830e+01, v42;
	v41 =	vld [tilespmem:s17+$0x11E0]  }
0x21b: {  	[tilespmem:s17+$0x7100] =	vst v22;
	v22 =	vadd.f32 v39, v26;
	v26 =	vmul.f32 $1.131370830e+01, v38;
	v38 =	vld [tilespmem:s17+$0x11B0];
	v39 =	vmul.f32 v35, v2  }
0x21c: {  	v42 =	vmul.f32 v35, v0;
	[tilespmem:s17+$0x7140] =	vst v20;
	v40 =	vadd.f32 v40, v36;
	v20 =	vmul.f32 $1.131370830e+01, v37;
	v37 =	vld [tilespmem:s17+$0x11F0]  }
0x21d: {  	v47 =	vmul.f32 v36, v2;
	[tilespmem:s17+$0x7110] =	vst v21;
	v26 =	vadd.f32 v26, v35;
	v21 =	vmul.f32 $1.131370830e+01, v48;
	v45 =	vld [tilespmem:s17+$0x3180]  }
0x21e: {  	v49 =	vmul.f32 v36, v0;
	[tilespmem:s17+$0x7150] =	vst v18;
	v48 =	vadd.f32 v20, v34;
	v20 =	vmul.f32 $1.131370830e+01, v43;
	v43 =	vld [tilespmem:s17+$0x31C0]  }
0x21f: {  	v18 =	vsub.f32 v46, v51;
	[tilespmem:s17+$0x7120] =	vst v23;
	v23 =	vadd.f32 v21, v33;
	v21 =	vmul.f32 $1.131370830e+01, v41;
	v41 =	vld [tilespmem:s17+$0x3190]  }
0x220: {  	[tilespmem:s17+$0x7160] =	vst v24;
	v24 =	vadd.f32 v20, v32;
	v38 =	vmul.f32 $1.131370830e+01, v38;
	v46 =	vld [tilespmem:s17+$0x31D0];
	v20 =	vsub.f32 v39, v49  }
0x221: {  	v39 =	vmul.f32 v34, v4;
	[tilespmem:s17+$0x7130] =	vst v25;
	v25 =	vadd.f32 v21, v17;
	v21 =	vmul.f32 $1.131370830e+01, v37;
	v37 =	vld [tilespmem:s17+$0x31A0]  }
0x222: {  	[tilespmem:s17+$0x7170] =	vst v22;
	v38 =	vadd.f32 v38, v27;
	v45 =	vmul.f32 $1.131370830e+01, v45;
	v49 =	vld [tilespmem:s17+$0x31E0];
	v22 =	vadd.f32 v42, v47  }
0x223: {  	[tilespmem:s17+$0x1180] =	vst v40;
	v40 =	vadd.f32 v21, v19;
	v42 =	vmul.f32 $1.131370830e+01, v43;
	v43 =	vld [tilespmem:s17+$0x31B0];
	v21 =	vadd.f32 v44, v39  }
0x224: {  	v44 =	vmul.f32 v32, v6;
	[tilespmem:s17+$0x11C0] =	vst v26;
	v26 =	vadd.f32 v45, v36;
	v39 =	vmul.f32 $1.131370830e+01, v41;
	v41 =	vld [tilespmem:s17+$0x31F0]  }
0x225: {  	v47 =	vmul.f32 v32, v3;
	[tilespmem:s17+$0x1190] =	vst v48;
	v42 =	vadd.f32 v42, v35;
	v45 =	vmul.f32 $1.131370830e+01, v46;
	v46 =	vld [tilespmem:s17+$0x5180]  }
0x226: {  	[tilespmem:s17+$0x11D0] =	vst v23;
	v39 =	vadd.f32 v39, v34;
	v37 =	vmul.f32 $1.131370830e+01, v37;
	v48 =	vld [tilespmem:s17+$0x51C0];
	v23 =	vadd.f32 v31, v44  }
0x227: {  	[tilespmem:s17+$0x11A0] =	vst v24;
	v31 =	vadd.f32 v45, v33;
	v44 =	vmul.f32 $1.131370830e+01, v49;
	v45 =	vld [tilespmem:s17+$0x5190];
	v24 =	vsub.f32 v29, v47  }
0x228: {  	[tilespmem:s17+$0x11E0] =	vst v25;
	v29 =	vadd.f32 v37, v32;
	v25 =	vmul.f32 $1.131370830e+01, v43;
	v37 =	vld [tilespmem:s17+$0x51D0];
	v43 =	vmul.f32 v19, v5  }
0x229: {  	v47 =	vmul.f32 v19, v7;
	[tilespmem:s17+$0x11B0] =	vst v38;
	v38 =	vadd.f32 v44, v17;
	v41 =	vmul.f32 $1.131370830e+01, v41;
	v44 =	vld [tilespmem:s17+$0x51A0]  }
0x22a: {  	[tilespmem:s17+$0x11F0] =	vst v40;
	v40 =	vadd.f32 v25, v27;
	v46 =	vmul.f32 $1.131370830e+01, v46;
	v49 =	vld [tilespmem:s17+$0x51E0];
	v25 =	vadd.f32 v43, v30  }
0x22b: {  	[tilespmem:s17+$0x3180] =	vst v26;
	v30 =	vadd.f32 v41, v19;
	v41 =	vmul.f32 $1.131370830e+01, v48;
	v43 =	vld [tilespmem:s17+$0x51B0];
	v26 =	vsub.f32 v47, v28  }
0x22c: {  	[tilespmem:s17+$0x31C0] =	vst v42;
	v28 =	vadd.f32 v46, v36;
	v42 =	vmul.f32 $1.131370830e+01, v45;
	v45 =	vld [tilespmem:s17+$0x51F0]  }
0x22d: {  	[tilespmem:s17+$0x3190] =	vst v39;
	v39 =	vadd.f32 v41, v35;
	v37 =	vmul.f32 $1.131370830e+01, v37;
	v41 =	vld [tilespmem:s17+$0x7180]  }
0x22e: {  	[tilespmem:s17+$0x31D0] =	vst v31;
	v31 =	vadd.f32 v42, v34;
	v42 =	vmul.f32 $1.131370830e+01, v44;
	v44 =	vld [tilespmem:s17+$0x71C0]  }
0x22f: {  	[tilespmem:s17+$0x31A0] =	vst v29;
	v29 =	vadd.f32 v37, v33;
	v37 =	vmul.f32 $1.131370830e+01, v49;
	v46 =	vld [tilespmem:s17+$0x7190]  }
0x230: {  	[tilespmem:s17+$0x31E0] =	vst v38;
	v38 =	vadd.f32 v42, v32;
	v42 =	vmul.f32 $1.131370830e+01, v43;
	v43 =	vld [tilespmem:s17+$0x71D0]  }
0x231: {  	[tilespmem:s17+$0x31B0] =	vst v40;
	v37 =	vadd.f32 v37, v17;
	v40 =	vmul.f32 $1.131370830e+01, v45;
	v45 =	vld [tilespmem:s17+$0x71A0]  }
0x232: {  	v47 =	vld [tilespmem:s17+$0x1100];
	[tilespmem:s17+$0x31F0] =	vst v30;
	v42 =	vadd.f32 v42, v27;
	v27 =	vmul.f32 $1.131370830e+01, v41  }
0x233: {  	[tilespmem:s17+$0x5180] =	vst v28;
	v30 =	vadd.f32 v40, v19;
	v40 =	vmul.f32 $1.131370830e+01, v44;
	v41 =	vld [tilespmem:s17+$0x71E0]  }
0x234: {  	[tilespmem:s17+$0x51C0] =	vst v39;
	v28 =	vadd.f32 v27, v36;
	v27 =	vmul.f32 $1.131370830e+01, v46;
	v36 =	vld [tilespmem:s17+$0x71F0]  }
.Ltmp1:
0x235: {  	[tilespmem:s17+$0x5190] =	vst v31;
	v31 =	vadd.f32 v40, v35;
	v35 =	vmul.f32 $1.131370830e+01, v43;
	(pc) =	sbr.rel @p0 .LBB2_4-.Ltmp1, $4  }
0x236: {  	[tilespmem:s17+$0x51D0] =	vst v29;
	v34 =	vadd.f32 v27, v34;
	v27 =	vmul.f32 $1.131370830e+01, v45  }
0x237: {  	v39 =	vmul.f32 $1.131370830e+01, v47;
	[tilespmem:s17+$0x51A0] =	vst v38;
	v29 =	vadd.f32 v35, v33  }
0x238: {  	[tilespmem:s17+$0x51E0] =	vst v37;
	v27 =	vadd.f32 v27, v32;
	v33 =	vmul.f32 $1.131370830e+01, v41  }
0x239: {  	v32 =	vadd.f32 v39, v16;
	[tilespmem:s17+$0x51B0] =	vst v42;
	v35 =	vmul.f32 $1.131370830e+01, v36  }
0x23a: {  	[tilespmem:s17+$0x51F0] =	vst v30  }
0x23b: {  	[tilespmem:s17+$0x7180] =	vst v28  }
0x23c: {  	[tilespmem:s17+$0x71C0] =	vst v31  }
0x23d: {  	[tilespmem:s17+$0x7190] =	vst v34  }
0x23e: {  	[tilespmem:s17+$0x71D0] =	vst v29;
	v16 =	vadd.f32 v35, v19  }
0x23f: {  	[tilespmem:s17+$0x71A0] =	vst v27  }
0x240: {  	[tilespmem:s17+$0x71F0] =	vst v16;
	v16 =	vadd.f32 v33, v17  }
0x241: {  	[tilespmem:s17+$0x1100] =	vst v32  }
0x242: {  	[tilespmem:s17+$0x71E0] =	vst v16  }
0x243: {  	[hbm4b:s12+s2] =	stream.linear.scatter [tilespmem:s23], [sflag:$0x4], $0x1000, $0x38;
	[tilespmem:$0x8100] =	vst v63  }
0x244: {  	_ = 	snop  }
0x245: {  	[hbm4b:s13+s2] =	stream.linear.scatter [tilespmem:s26], [sflag:$0x4], $0x1000, $0x38;
	[tilespmem:$0x8100] =	vst v63  }
0x246: {  	_ = 	snop  }
0x247: {  	[hbm4b:s14+s2] =	stream.linear.scatter [tilespmem:s30], [sflag:$0x4], $0x1000, $0x38;
	[tilespmem:$0x8100] =	vst v63  }
0x248: {  	_ = 	snop  }
0x249: {  	[hbm4b:s15+s2] =	stream.linear.scatter [tilespmem:s3], [sflag:$0x4], $0x1000, $0x38;
	[tilespmem:$0x8100] =	vst v63  }
0x24a: {  	_ =	swait.ge [sflag:s0], $0x1000  }
0x24b: {  	[sflag:s0] =	ssyncset.done $0x0  }
0x24c: {  	[sflag:s0] =	ssyncadd.s32 $0xFFFFF000  }
0x24d: {  	_ =	swait.ge [sflag:s0], $0x1000  }
0x24e: {  	[sflag:s0] =	ssyncset.done $0x0  }
0x24f: {  	[sflag:s0] =	ssyncadd.s32 $0xFFFFF000  }
0x250: {  	_ =	swait.ge [sflag:s0], $0x1000  }
0x251: {  	[sflag:s0] =	ssyncset.done $0x0  }
0x252: {  	[sflag:s0] =	ssyncadd.s32 $0xFFFFF000  }
0x253: {  	_ =	swait.ge [sflag:s0], $0x1000  }
0x254: {  	[sflag:s0] =	ssyncset.done $0x0  }
0x255: {  	[sflag:s0] =	ssyncadd.s32 $0xFFFFF000  }
0x256: {  	_ =	swait.ge [sflag:s0], $0x1000  }
0x257: {  	[sflag:s0] =	ssyncset.done $0x0  }
0x258: {  	[sflag:s0] =	ssyncadd.s32 $0xFFFFF000  }
0x259: {  	_ =	swait.ge [sflag:s0], $0x1000  }
0x25a: {  	[sflag:s0] =	ssyncset.done $0x0  }
0x25b: {  	s5 =	sadd.s32 $0x1, s5;
	[sflag:s0] =	ssyncadd.s32 $0xFFFFF000  }
0x25c: {  	p0 =	sne.s32 s5, s16;
	_ =	swait.ge [sflag:s0], $0x1000  }
.Ltmp2:
0x25d: {  	[sflag:s0] =	ssyncset.done $0x0;
	(pc) =	sbr.rel @p0 .LBB2_1-.Ltmp2, $4  }
0x25e: {  	[sflag:s0] =	ssyncadd.s32 $0xFFFFF000  }
0x25f: {  	_ =	swait.ge [sflag:s0], $0x1000  }
0x260: {  	[sflag:s0] =	ssyncset.done $0x0  }
0x261: {  	[sflag:s0] =	ssyncadd.s32 $0xFFFFF000  }
0x262: {  	_ =	sfence.sel $0x180000  }
0x263: {  	[bflag:$0x0] =	sbarrier.arrive $0xFFFF  }
0x264: {  	_ =	strace $0x90000047  }
0x265: {  	s0 =	stileid.u32;
	[bflag:$0x2] =	sbarrier.arrive $0xFFFF  }
0x266: {  	p0 =	sne.s32 s0, $0x0;
	s0 =	rddreg [dreg:$0x3]  }
0x267: {  	s0 =	sadd.s32 @!p0 $0x100000, s0  }
0x268: {  	[sflag:s0] =	ssyncadd.tile.s32 @!p0 $0x1;
	_ =	shalt  }
.Lfunc_end2:
_tile_overlayer_lowered:
.L_overlay_start_2:
0x269: {  	(tag) =	ssettag $0x2  }
0x26a: {  	s0 =	rddreg [dreg:$0x0];
	s2 =	stileid.u32  }
0x26b: {  	s1 =	rddreg [dreg:$0x1];
	p0 =	sne.s32 s2, $0x0  }
0x26c: {  	s3 =	rddreg [dreg:$0x2];
	[bflag:$0x3] =	sbarrier.arrive $0xFFFF;
	s2 =	simm.s32 @!p0 $0x1C05  }
0x26d: {  	[timem:s3], [sflag:s2] =	dma.local @!p0 [hbm:s0], s1  }
0x26e: {  	s0 =	simm.s32 @!p0 $0x5  }
0x26f: {  	_ =	swait.ge @!p0 [sflag:s0], s1  }
0x270: {  	s1 =	ssub.s32 @!p0 $0x0, s1;
	[sflag:s0] =	ssyncset.done @!p0 $0x0  }
0x271: {  	[sflag:s0] =	ssyncadd.s32 @!p0 s1  }
0x272: {  	[bflag:$0x3] =	sbarrier.arrive $0xFFFF  }
0x273: {  	_ =	shalt  }

</sc_bundles>
